<compile_context>
chip_gen: v7x
topology: tpu7x:2x2x1
jax: 0.10.2.dev20260603
libtpu: 0.0.44.dev20260713+nightly
codegen_flags: <defaults>
</compile_context>

<pallas_src>
import functools

import jax
import jax.numpy as jnp
from jax import lax
from jax.experimental import pallas as pl
from jax.experimental.pallas import tpu as pltpu
from jax.experimental.pallas import tpu_sc as plsc

NN = 10000
EE = 320000
CHK = 128
NSUB = 16
NCORE = 2
NW = NCORE * NSUB
NPAD = 10240
ABSORB = NPAD - 1
SLICE = NPAD // NSUB

NCH = ((EE + CHK - 1) // CHK + NW * 8 - 1) // (NW * 8) * (NW * 8)
EPAD = NCH * CHK

BR = 1000
GRID = NN // BR

_MESH = dict(
    mesh=plsc.VectorSubcoreMesh(core_axis_name="c", subcore_axis_name="s"),
)


def _make_deg():

    per_w = NCH // NW

    @functools.partial(
        pl.kernel,
        out_type=jax.ShapeDtypeStruct((NCORE, NPAD, 128), jnp.float32),
        scratch_types=[
            pltpu.VMEM_SHARED((NPAD, 128), jnp.float32),
            pltpu.VMEM((CHK, 128), jnp.float32),
            pltpu.VMEM((per_w, CHK), jnp.int32),
            pltpu.VMEM((CHK,), jnp.int32),
        ],
        **_MESH,
    )
    def deg_kernel(dst_hbm, out_hbm, acc, ones, didx_all, d0):
        c = lax.axis_index("c")
        s = lax.axis_index("s")
        w = c * NSUB + s

        @pl.loop(0, CHK)
        def _ones(r):
            @pl.loop(0, 8)
            def _onescol(j):
                ones[r, pl.ds(j * 16, 16)] = jnp.zeros((16,), jnp.float32)

        @pl.loop(0, SLICE // CHK)
        def _za(k):
            pltpu.sync_copy(ones, acc.at[pl.ds(s * SLICE + k * CHK, CHK)])

        @pl.loop(0, CHK)
        def _ones2(r):
            @pl.loop(0, 8)
            def _onescol2(j):
                ones[r, pl.ds(j * 16, 16)] = jnp.ones((16,), jnp.float32)

        pltpu.sync_copy(dst_hbm.at[pl.ds(w * per_w, per_w)], didx_all)
        plsc.subcore_barrier()

        @pl.loop(0, per_w)
        def _edges(k):
            @pl.loop(0, CHK // 16)
            def _cp(j):
                d0[pl.ds(j * 16, 16)] = didx_all[k, pl.ds(j * 16, 16)]

            pltpu.sync_copy(ones, acc.at[d0], add=True)

        plsc.subcore_barrier()
        pltpu.sync_copy(acc.at[pl.ds(s * SLICE, SLICE)],
                        out_hbm.at[c, pl.ds(s * SLICE, SLICE)])

    return deg_kernel


def _make_hop_pipelined(D, pair):
    per_w = NCH // NSUB if pair else NCH // NW
    IBLK = 16
    NBLK = per_w // IBLK

    @functools.partial(
        pl.kernel,
        out_type=jax.ShapeDtypeStruct((NCORE, NPAD, D), jnp.float32),
        scratch_types=[
            pltpu.VMEM_SHARED((NPAD, D), jnp.float32),
            pltpu.VMEM((IBLK, CHK), jnp.int32),
            pltpu.VMEM((IBLK, CHK), jnp.int32),
            pltpu.VMEM((CHK, D), jnp.float32),
            pltpu.VMEM((CHK, D), jnp.float32),
            pltpu.VMEM((CHK,), jnp.int32),
            pltpu.VMEM((CHK,), jnp.int32),
            pltpu.SemaphoreType.DMA,
            pltpu.SemaphoreType.DMA,
        ],
        **_MESH,
    )
    def hop_kernel(x_hbm, src_hbm, dst_hbm, out_hbm, acc,
                   sidx_all, didx_all, rows0, rows1, d0, d1, sg0, sg1):
        c = lax.axis_index("c")
        s = lax.axis_index("s")
        base = s * per_w if pair else (c * NSUB + s) * per_w

        @pl.loop(0, CHK)
        def _zr(r):
            @pl.loop(0, D // 16)
            def _zc(j):
                rows0[r, pl.ds(j * 16, 16)] = jnp.zeros((16,), jnp.float32)

        @pl.loop(0, SLICE // CHK)
        def _za(k):
            pltpu.sync_copy(rows0, acc.at[pl.ds(s * SLICE + k * CHK, CHK)])

        plsc.subcore_barrier()

        rows = (rows0, rows1)
        dd = (d0, d1)
        sg = (sg0, sg1)

        def start(b, k):
            pltpu.async_copy(x_hbm.at[sidx_all.at[k]], rows[b], sg[b])

            @pl.loop(0, CHK // 16)
            def _cp(j):
                dd[b][pl.ds(j * 16, 16)] = didx_all[k, pl.ds(j * 16, 16)]

        def fin(b):
            pltpu.make_async_copy(x_hbm.at[pl.ds(0, CHK)], rows[b], sg[b]).wait()
            pltpu.sync_copy(rows[b], acc.at[dd[b]], add=True)

        @pl.loop(0, NBLK)
        def _blk(bi):
            bbase = base + bi * IBLK
            if pair:
                pltpu.sync_copy(src_hbm.at[c, pl.ds(bbase, IBLK)], sidx_all)
            else:
                pltpu.sync_copy(src_hbm.at[pl.ds(bbase, IBLK)], sidx_all)
            pltpu.sync_copy(dst_hbm.at[pl.ds(bbase, IBLK)], didx_all)
            start(0, 0)

            @pl.loop(0, IBLK // 2)
            def _t(t):
                k1 = 2 * t + 1
                start(1, k1)
                fin(0)

                @pl.when(k1 + 1 < IBLK)
                def _n():
                    start(0, k1 + 1)

                fin(1)

        plsc.subcore_barrier()
        pltpu.sync_copy(acc.at[pl.ds(s * SLICE, SLICE)],
                        out_hbm.at[c, pl.ds(s * SLICE, SLICE)])

    return hop_kernel



def _row_spec(width):
    return pl.BlockSpec((BR, width), lambda i: (i, 0))


def _const_spec(shape):
    return pl.BlockSpec(shape, lambda i: (0, 0))


def _tc_call(body, in_specs, out_widths, args):
    out_shape = [jax.ShapeDtypeStruct((NN, w), jnp.float32) for w in out_widths]
    out_specs = [_row_spec(w) for w in out_widths]
    return pl.pallas_call(
        body,
        grid=(GRID,),
        in_specs=in_specs,
        out_specs=out_specs,
        out_shape=out_shape,
    )(*args)


def _norm_body(dega_ref, degb_ref, x_ref, s_ref, q_ref, xs_ref):
    deg = dega_ref[:, 0:1] + degb_ref[:, 0:1]
    sv = jnp.where(deg > 0.0, lax.rsqrt(deg), 1.0)
    s_ref[...] = sv
    q_ref[...] = sv * sv
    xs_ref[...] = x_ref[...] * sv


def _combine2_body(pa_ref, pb_ref, s_ref, q_ref, x1_ref, g_ref):
    r = pa_ref[...] + pb_ref[...]
    x1_ref[...] = r * s_ref[...]
    g_ref[...] = r * q_ref[...]


def _scale_body(u_ref, q_ref, g_ref):
    g_ref[...] = u_ref[...] * q_ref[...]


def _layer01_body(x_ref, x1_ref, p2a_ref, p2b_ref, s_ref,
                  w00_ref, w01_ref, w02_ref, b0_ref,
                  w10_ref, w11_ref, w12_ref, b10_ref,
                  y0_ref, t1_ref, t2_ref):
    sv = s_ref[...]
    x2 = (p2a_ref[...] + p2b_ref[...]) * sv
    h = jnp.concatenate(
        [jnp.dot(x_ref[...], w00_ref[...], preferred_element_type=jnp.float32),
         jnp.dot(x1_ref[...], w01_ref[...], preferred_element_type=jnp.float32),
         jnp.dot(x2, w02_ref[...], preferred_element_type=jnp.float32)],
        axis=1) + b0_ref[...]
    h = jnp.maximum(h, 0.0)
    y0_ref[...] = jnp.dot(h, w10_ref[...], preferred_element_type=jnp.float32) + b10_ref[...]
    t1_ref[...] = jnp.dot(h, w11_ref[...], preferred_element_type=jnp.float32) * sv
    t2_ref[...] = jnp.dot(h, w12_ref[...], preferred_element_type=jnp.float32) * sv


def _layer12_body(y0_ref, u1_ref, uba_ref, ubb_ref, s_ref,
                  b11_ref, b12_ref,
                  w20_ref, w21_ref, w22_ref, b20_ref,
                  z0_ref, tpack_ref):
    sv = s_ref[...]
    h2 = jnp.concatenate(
        [y0_ref[...],
         u1_ref[...] * sv + b11_ref[...],
         (uba_ref[...] + ubb_ref[...]) * sv + b12_ref[...]],
        axis=1)
    h2 = jnp.maximum(h2, 0.0)
    z0_ref[...] = jnp.dot(h2, w20_ref[...], preferred_element_type=jnp.float32) + b20_ref[...]
    t1 = jnp.dot(h2, w21_ref[...], preferred_element_type=jnp.float32) * sv
    t2 = jnp.dot(h2, w22_ref[...], preferred_element_type=jnp.float32) * sv
    tpack_ref[...] = jnp.concatenate(
        [t1, t2, jnp.zeros((t1.shape[0], 96), jnp.float32)], axis=1)


def _l2mid_body(pa_ref, pb_ref, s_ref, q_ref, b21_ref, y1_ref, gpack_ref):
    r = pa_ref[...] + pb_ref[...]
    sv = s_ref[...]
    y1_ref[...] = r[:, 0:16] * sv + b21_ref[...]
    g = r[:, 16:32] * q_ref[...]
    gpack_ref[...] = jnp.concatenate(
        [g, jnp.zeros((g.shape[0], 112), jnp.float32)], axis=1)


def _final_body(z0_ref, y1_ref, vba_ref, vbb_ref, s_ref, b22_ref, out_ref):
    out_ref[...] = jnp.concatenate(
        [z0_ref[...],
         y1_ref[...],
         (vba_ref[...] + vbb_ref[...])[:, 0:16] * s_ref[...] + b22_ref[...]],
        axis=1)


def kernel(features, edge_index, params):
    src = edge_index[0]
    dst = edge_index[1]
    pad = EPAD - EE
    fill = NN + (jnp.arange(pad, dtype=jnp.int32) % (NPAD - NN))
    src2 = jnp.concatenate([src, jnp.zeros((pad,), jnp.int32)]).reshape(NCH, CHK)
    dst2 = jnp.concatenate([dst, fill]).reshape(NCH, CHK)
    src_pair = jnp.stack([src2, src2 + NN])

    (W0, b0), (W1, b1), (W2, b2) = params
    b0cat = jnp.concatenate(b0).reshape(1, 3 * 128)
    b10 = b1[0].reshape(1, 128)
    b11 = b1[1].reshape(1, 128)
    b12 = b1[2].reshape(1, 128)
    b20 = b2[0].reshape(1, 16)
    b21 = b2[1].reshape(1, 16)
    b22 = b2[2].reshape(1, 16)

    hop128 = _make_hop_pipelined(128, pair=False)
    pair128 = _make_hop_pipelined(128, pair=True)

    degp = _make_deg()(dst2)
    s_arr, q_arr, xs = _tc_call(
        _norm_body,
        [_row_spec(128), _row_spec(128), _row_spec(128)],
        [1, 1, 128],
        (degp[0, :NN], degp[1, :NN], features),
    )

    p1 = hop128(xs, src2, dst2)
    x1, g = _tc_call(
        _combine2_body,
        [_row_spec(128), _row_spec(128), _row_spec(1), _row_spec(1)],
        [128, 128],
        (p1[0, :NN], p1[1, :NN], s_arr, q_arr),
    )
    p2 = hop128(g, src2, dst2)

    y0, t1s, t2s = _tc_call(
        _layer01_body,
        [_row_spec(128), _row_spec(128), _row_spec(128), _row_spec(128),
         _row_spec(1),
         _const_spec((128, 128)), _const_spec((128, 128)), _const_spec((128, 128)),
         _const_spec((1, 384)),
         _const_spec((384, 128)), _const_spec((384, 128)), _const_spec((384, 128)),
         _const_spec((1, 128))],
        [128, 128, 128],
        (features, x1, p2[0, :NN], p2[1, :NN], s_arr,
         W0[0], W0[1], W0[2], b0cat, W1[0], W1[1], W1[2], b10),
    )

    pr = pair128(jnp.concatenate([t1s, t2s], axis=0), src_pair, dst2)
    u1, u2a = pr[0], pr[1]
    (g2,) = _tc_call(
        _scale_body,
        [_row_spec(128), _row_spec(1)],
        [128],
        (u2a[:NN], q_arr),
    )
    u2b = hop128(g2, src2, dst2)

    z0, tpack = _tc_call(
        _layer12_body,
        [_row_spec(128), _row_spec(128), _row_spec(128), _row_spec(128),
         _row_spec(1),
         _const_spec((1, 128)), _const_spec((1, 128)),
         _const_spec((384, 16)), _const_spec((384, 16)), _const_spec((384, 16)),
         _const_spec((1, 16))],
        [16, 128],
        (y0, u1[:NN], u2b[0, :NN], u2b[1, :NN], s_arr,
         b11, b12, W2[0], W2[1], W2[2], b20),
    )

    w2p = hop128(tpack, src2, dst2)
    y1fin, gpack = _tc_call(
        _l2mid_body,
        [_row_spec(128), _row_spec(128), _row_spec(1), _row_spec(1),
         _const_spec((1, 16))],
        [16, 128],
        (w2p[0, :NN], w2p[1, :NN], s_arr, q_arr, b21),
    )
    w3p = hop128(gpack, src2, dst2)

    (out,) = _tc_call(
        _final_body,
        [_row_spec(16), _row_spec(16), _row_spec(128), _row_spec(128),
         _row_spec(1), _const_spec((1, 16))],
        [48],
        (z0, y1fin, w3p[0, :NN], w3p[1, :NN], s_arr, b22),
    )
    return out

# --- scband reference (transcript-rebuilt; emitter-appended) ---
"""Pipeline reference for scband-mix-hop-43078521979011 (READ-ONLY COPY).

The authoritative reference and input builder live on the scoring server;
editing this copy changes nothing except your own understanding.
"""

import jax, jax.numpy as jnp
import numpy as np

N = 10000
E = 320000
IN_DIM = 128
HID = 128
NCLS = 16
HOP = 2
NUM_LAYERS = 2


def setup_inputs(seed: int = 0) -> dict:
    key = jax.random.key(seed)
    ks = jax.random.split(key, 32)
    features = jax.random.normal(ks[0], (N, IN_DIM), dtype=jnp.float32)
    edge_index = jax.random.randint(ks[1], (2, E), 0, N, dtype=jnp.int32)
    # layer dims: layer0 (in_dim -> num_hidden), then num_layers-1 layers of
    # (num_hidden*(hop+1) -> num_hidden), final (num_hidden*(hop+1) -> num_classes).
    dims = [(IN_DIM, HID)]
    for _ in range(NUM_LAYERS - 1):
        dims.append((HID * (HOP + 1), HID))
    dims.append((HID * (HOP + 1), NCLS))
    params = []
    ki = 2
    for (din, dout) in dims:
        Ws = []
        bs = []
        for _p in range(HOP + 1):
            w = jax.random.normal(ks[ki], (din, dout), dtype=jnp.float32) * (1.0 / np.sqrt(din))
            ki += 1
            Ws.append(w)
            bs.append(jnp.zeros((dout,), dtype=jnp.float32))
        params.append((tuple(Ws), tuple(bs)))
    return {"features": features, "edge_index": edge_index, "params": tuple(params)}


def _mixhop_layer(x, Ws, bs, src, dst, norm):
    # MixHopLayer: concat over adjacency powers p=0..hops of (D^-1/2 A D^-1/2)^p X W_p + b_p
    outs = [x @ Ws[0] + bs[0]]
    h = x
    for j in range(1, len(Ws)):
        h = h * norm
        h = jax.ops.segment_sum(h[src], dst, num_segments=N)
        h = h * norm
        outs.append(h @ Ws[j] + bs[j])
    return jnp.concatenate(outs, axis=-1)


def reference(features, edge_index, params):
    src = edge_index[0]
    dst = edge_index[1]
    deg = jax.ops.segment_sum(jnp.ones((src.shape[0],), jnp.float32), dst, num_segments=N)
    norm = jnp.where(deg > 0.0, deg, 1.0) ** -0.5
    norm = norm[:, None]
    h = features
    n_layers = len(params)
    for i, (Ws, bs) in enumerate(params):
        # dropout p=0.0 -> identity (eval mode)
        h = _mixhop_layer(h, Ws, bs, src, dst, norm)
        if i != n_layers - 1:
            h = jax.nn.relu(h)
    return h

if __name__ == "__main__":
    import jax
    _d = setup_inputs()
    print(jax.jit(kernel)(*tuple(_d.values())))

</pallas_src>

<mosaic_0001>
#map = affine_map<(d0, d1) -> (0, 0)>
#map1 = affine_map<(d0, d1) -> (0, 0, 0)>
module attributes {stable_mosaic.version = 14 : i64} {
  func.func @deg_kernel(%arg0: i32, %arg1: i32, %arg2: memref<2560x128xi32, #tpu.memory_space<hbm>>, %arg3: memref<2x10240x128xf32, #tpu.memory_space<hbm>>, %arg4: memref<10240x128xf32, #tpu.memory_space<vmem_shared>>, %arg5: memref<128x128xf32, #tpu.memory_space<vmem>>, %arg6: memref<80x128xi32, #tpu.memory_space<vmem>>, %arg7: memref<128xi32, #tpu.memory_space<vmem>>) attributes {dimension_semantics = [#tpu.dimension_semantics<core_parallel>, #tpu.dimension_semantics<subcore_parallel>], iteration_bounds = array<i64: 2, 16>, scalar_prefetch = 0 : i64, scratch_operands = 4 : i64, tpu.core_type = #tpu.core_type<sc_vector_subcore>, window_params = [{transform_indices = #map}, {transform_indices = #map1}]} {
    %mul3A = arith.constant 16 : i32
    %mul3A_0 = arith.muli %arg0, %mul3A : i32
    %add3A = arith.addi %mul3A_0, %arg1 : i32
    %scan3A = arith.constant 0 : i32
    %scan3A_1 = arith.constant 128 : i32
    %scan3A_2 = arith.addi %scan3A, %scan3A_1 : i32
    %scan3A_3 = arith.constant 1 : i32
    scf.for %scan3A_27 = %scan3A to %scan3A_2 step %scan3A_3  : i32 {
      %mul3A_28 = arith.constant 1 : i32
      %mul3A_29 = arith.muli %scan3A_27, %mul3A_28 : i32
      %add3A_30 = arith.constant 0 : i32
      %add3A_31 = arith.addi %add3A_30, %mul3A_29 : i32
      %scan3A_32 = arith.constant 0 : i32
      %scan3A_33 = arith.constant 8 : i32
      %scan3A_34 = arith.addi %scan3A_32, %scan3A_33 : i32
      %scan3A_35 = arith.constant 1 : i32
      scf.for %scan3A_37 = %scan3A_32 to %scan3A_34 step %scan3A_35  : i32 {
        %mul3A_38 = arith.constant 1 : i32
        %mul3A_39 = arith.muli %scan3A_37, %mul3A_38 : i32
        %add3A_40 = arith.constant 0 : i32
        %add3A_41 = arith.addi %add3A_40, %mul3A_39 : i32
        %broadcast_in_dim3A = arith.constant 0.000000e+00 : f32
        %broadcast_in_dim3A_42 = vector.broadcast %broadcast_in_dim3A : f32 to vector<16xf32>
        %mul3A_43 = arith.constant 16 : i32
        %mul3A_44 = arith.muli %add3A_41, %mul3A_43 : i32
        %swap3A = arith.index_cast %add3A_31 : i32 to index
        %swap3A_45 = arith.index_cast %mul3A_44 : i32 to index
        %swap3A_46 = tpu.vector_load %arg5[%swap3A, %swap3A_45] {strides = array<i32>} : memref<128x128xf32, #tpu.memory_space<vmem>>, vector<1x16xf32>,
        %swap3A_47 = vector.shape_cast %swap3A_46 : vector<1x16xf32> to vector<16xf32>
        %swap3A_48 = vector.shape_cast %broadcast_in_dim3A_42 : vector<16xf32> to vector<1x16xf32>
        tpu.vector_store %arg5[%swap3A, %swap3A_45], %swap3A_48 {strides = array<i32>} : memref<128x128xf32, #tpu.memory_space<vmem>>, vector<1x16xf32>,
      }
      %scan3A_36 = arith.constant 8 : i32
    }
    %scan3A_4 = arith.constant 128 : i32
    %scan3A_5 = arith.constant 0 : i32
    %scan3A_6 = arith.constant 5 : i32
    %scan3A_7 = arith.addi %scan3A_5, %scan3A_6 : i32
    %scan3A_8 = arith.constant 1 : i32
    scf.for %scan3A_27 = %scan3A_5 to %scan3A_7 step %scan3A_8  : i32 {
      %mul3A_28 = arith.constant 1 : i32
      %mul3A_29 = arith.muli %scan3A_27, %mul3A_28 : i32
      %add3A_30 = arith.constant 0 : i32
      %add3A_31 = arith.addi %add3A_30, %mul3A_29 : i32
      %mul3A_32 = arith.constant 640 : i32
      %mul3A_33 = arith.muli %arg1, %mul3A_32 : i32
      %mul3A_34 = arith.constant 128 : i32
      %mul3A_35 = arith.muli %add3A_31, %mul3A_34 : i32
      %add3A_36 = arith.addi %mul3A_33, %mul3A_35 : i32
      "tpu.region"() ({
        %run_scoped3A = tpu.sem_alloc : memref<!tpu.dma_semaphore, #tpu.memory_space<semaphore_mem>>
        %dma_start3A = arith.constant 0 : i32
        %dma_start3A_37 = tpu.memref_slice %arg4[%add3A_36, %dma_start3A] : memref<10240x128xf32, #tpu.memory_space<vmem_shared>> -> memref<128x128xf32, #tpu.memory_space<vmem_shared>>
        %dma_start3A_38 = arith.constant 0 : i32
        %dma_start3A_39 = tpu.memref_slice %arg4[%add3A_36, %dma_start3A_38] : memref<10240x128xf32, #tpu.memory_space<vmem_shared>> -> memref<128x128xf32, #tpu.memory_space<vmem_shared>>
        tpu.enqueue_dma source(%arg5 : memref<128x128xf32, #tpu.memory_space<vmem>>) target(%dma_start3A_39 : memref<128x128xf32, #tpu.memory_space<vmem_shared>>) target_semaphore(%run_scoped3A : memref<!tpu.dma_semaphore, #tpu.memory_space<semaphore_mem>>)
        %dma_wait3A = arith.constant 0 : i32
        %dma_wait3A_40 = tpu.memref_slice %arg4[%add3A_36, %dma_wait3A] : memref<10240x128xf32, #tpu.memory_space<vmem_shared>> -> memref<128x128xf32, #tpu.memory_space<vmem_shared>>
        %dma_wait3A_41 = arith.constant 0 : i32
        %dma_wait3A_42 = tpu.memref_slice %arg4[%add3A_36, %dma_wait3A_41] : memref<10240x128xf32, #tpu.memory_space<vmem_shared>> -> memref<128x128xf32, #tpu.memory_space<vmem_shared>>
        tpu.wait_dma2 semaphore(%run_scoped3A : memref<!tpu.dma_semaphore, #tpu.memory_space<semaphore_mem>>) src(%arg5 : memref<128x128xf32, #tpu.memory_space<vmem>>) dst(%dma_wait3A_42 : memref<128x128xf32, #tpu.memory_space<vmem_shared>>)
        tpu.yield
      }) : () -> ()
    }
    %scan3A_9 = arith.constant 5 : i32
    %scan3A_10 = arith.constant 0 : i32
    %scan3A_11 = arith.constant 128 : i32
    %scan3A_12 = arith.addi %scan3A_10, %scan3A_11 : i32
    %scan3A_13 = arith.constant 1 : i32
    scf.for %scan3A_27 = %scan3A_10 to %scan3A_12 step %scan3A_13  : i32 {
      %mul3A_28 = arith.constant 1 : i32
      %mul3A_29 = arith.muli %scan3A_27, %mul3A_28 : i32
      %add3A_30 = arith.constant 0 : i32
      %add3A_31 = arith.addi %add3A_30, %mul3A_29 : i32
      %scan3A_32 = arith.constant 0 : i32
      %scan3A_33 = arith.constant 8 : i32
      %scan3A_34 = arith.addi %scan3A_32, %scan3A_33 : i32
      %scan3A_35 = arith.constant 1 : i32
      scf.for %scan3A_37 = %scan3A_32 to %scan3A_34 step %scan3A_35  : i32 {
        %mul3A_38 = arith.constant 1 : i32
        %mul3A_39 = arith.muli %scan3A_37, %mul3A_38 : i32
        %add3A_40 = arith.constant 0 : i32
        %add3A_41 = arith.addi %add3A_40, %mul3A_39 : i32
        %broadcast_in_dim3A = arith.constant 1.000000e+00 : f32
        %broadcast_in_dim3A_42 = vector.broadcast %broadcast_in_dim3A : f32 to vector<16xf32>
        %mul3A_43 = arith.constant 16 : i32
        %mul3A_44 = arith.muli %add3A_41, %mul3A_43 : i32
        %swap3A = arith.index_cast %add3A_31 : i32 to index
        %swap3A_45 = arith.index_cast %mul3A_44 : i32 to index
        %swap3A_46 = tpu.vector_load %arg5[%swap3A, %swap3A_45] {strides = array<i32>} : memref<128x128xf32, #tpu.memory_space<vmem>>, vector<1x16xf32>,
        %swap3A_47 = vector.shape_cast %swap3A_46 : vector<1x16xf32> to vector<16xf32>
        %swap3A_48 = vector.shape_cast %broadcast_in_dim3A_42 : vector<16xf32> to vector<1x16xf32>
        tpu.vector_store %arg5[%swap3A, %swap3A_45], %swap3A_48 {strides = array<i32>} : memref<128x128xf32, #tpu.memory_space<vmem>>, vector<1x16xf32>,
      }
      %scan3A_36 = arith.constant 8 : i32
    }
    %scan3A_14 = arith.constant 128 : i32
    %mul3A_15 = arith.constant 80 : i32
    %mul3A_16 = arith.muli %add3A, %mul3A_15 : i32
    "tpu.region"() ({
      %run_scoped3A = tpu.sem_alloc : memref<!tpu.dma_semaphore, #tpu.memory_space<semaphore_mem>>
      %dma_start3A = arith.constant 0 : i32
      %dma_start3A_27 = tpu.memref_slice %arg2[%mul3A_16, %dma_start3A] : memref<2560x128xi32, #tpu.memory_space<hbm>> -> memref<80x128xi32, #tpu.memory_space<hbm>>
      %dma_start3A_28 = arith.constant 0 : i32
      %dma_start3A_29 = tpu.memref_slice %arg2[%mul3A_16, %dma_start3A_28] : memref<2560x128xi32, #tpu.memory_space<hbm>> -> memref<80x128xi32, #tpu.memory_space<hbm>>
      tpu.enqueue_dma source(%dma_start3A_29 : memref<80x128xi32, #tpu.memory_space<hbm>>) target(%arg6 : memref<80x128xi32, #tpu.memory_space<vmem>>) target_semaphore(%run_scoped3A : memref<!tpu.dma_semaphore, #tpu.memory_space<semaphore_mem>>)
      %dma_wait3A = arith.constant 0 : i32
      %dma_wait3A_30 = tpu.memref_slice %arg2[%mul3A_16, %dma_wait3A] : memref<2560x128xi32, #tpu.memory_space<hbm>> -> memref<80x128xi32, #tpu.memory_space<hbm>>
      %dma_wait3A_31 = arith.constant 0 : i32
      %dma_wait3A_32 = tpu.memref_slice %arg2[%mul3A_16, %dma_wait3A_31] : memref<2560x128xi32, #tpu.memory_space<hbm>> -> memref<80x128xi32, #tpu.memory_space<hbm>>
      tpu.wait_dma2 semaphore(%run_scoped3A : memref<!tpu.dma_semaphore, #tpu.memory_space<semaphore_mem>>) src(%dma_wait3A_32 : memref<80x128xi32, #tpu.memory_space<hbm>>) dst(%arg6 : memref<80x128xi32, #tpu.memory_space<vmem>>)
      tpu.yield
    }) : () -> ()
    %barrier3A = arith.constant 0 : index
    tpu.barrier barrier_id(%barrier3A)
    %scan3A_17 = arith.constant 0 : i32
    %scan3A_18 = arith.constant 80 : i32
    %scan3A_19 = arith.addi %scan3A_17, %scan3A_18 : i32
    %scan3A_20 = arith.constant 1 : i32
    scf.for %scan3A_27 = %scan3A_17 to %scan3A_19 step %scan3A_20  : i32 {
      %mul3A_28 = arith.constant 1 : i32
      %mul3A_29 = arith.muli %scan3A_27, %mul3A_28 : i32
      %add3A_30 = arith.constant 0 : i32
      %add3A_31 = arith.addi %add3A_30, %mul3A_29 : i32
      %scan3A_32 = arith.constant 0 : i32
      %scan3A_33 = arith.constant 8 : i32
      %scan3A_34 = arith.addi %scan3A_32, %scan3A_33 : i32
      %scan3A_35 = arith.constant 1 : i32
      scf.for %scan3A_37 = %scan3A_32 to %scan3A_34 step %scan3A_35  : i32 {
        %mul3A_38 = arith.constant 1 : i32
        %mul3A_39 = arith.muli %scan3A_37, %mul3A_38 : i32
        %add3A_40 = arith.constant 0 : i32
        %add3A_41 = arith.addi %add3A_40, %mul3A_39 : i32
        %mul3A_42 = arith.constant 16 : i32
        %mul3A_43 = arith.muli %add3A_41, %mul3A_42 : i32
        %get3A = arith.index_cast %add3A_31 : i32 to index
        %get3A_44 = arith.index_cast %mul3A_43 : i32 to index
        %get3A_45 = tpu.vector_load %arg6[%get3A, %get3A_44] {strides = array<i32>} : memref<80x128xi32, #tpu.memory_space<vmem>>, vector<1x16xi32>,
        %get3A_46 = vector.shape_cast %get3A_45 : vector<1x16xi32> to vector<16xi32>
        %mul3A_47 = arith.constant 16 : i32
        %mul3A_48 = arith.muli %add3A_41, %mul3A_47 : i32
        %swap3A = arith.index_cast %mul3A_48 : i32 to index
        %swap3A_49 = tpu.vector_load %arg7[%swap3A] {strides = array<i32>} : memref<128xi32, #tpu.memory_space<vmem>>, vector<16xi32>,
        %swap3A_50 = vector.shape_cast %swap3A_49 : vector<16xi32> to vector<16xi32>
        %swap3A_51 = vector.shape_cast %get3A_46 : vector<16xi32> to vector<16xi32>
        tpu.vector_store %arg7[%swap3A], %swap3A_51 {strides = array<i32>} : memref<128xi32, #tpu.memory_space<vmem>>, vector<16xi32>,
      }
      %scan3A_36 = arith.constant 8 : i32
      "tpu.region"() ({
        %run_scoped3A = tpu.sem_alloc : memref<!tpu.dma_semaphore, #tpu.memory_space<semaphore_mem>>
        %dma_start3A = arith.constant 0 : i32
        %dma_start3A_37 = arith.constant 0 : i32
        %dma_start3A_38 = tpu.memref_slice %arg4[%dma_start3A, %dma_start3A_37] : memref<10240x128xf32, #tpu.memory_space<vmem_shared>> -> memref<10240x128xf32, #tpu.memory_space<vmem_shared>>
        tpu.enqueue_indirect_dma source(%arg5 : memref<128x128xf32, #tpu.memory_space<vmem>>) target(%dma_start3A_38 : memref<10240x128xf32, #tpu.memory_space<vmem_shared>>) offsets(%arg7 : memref<128xi32, #tpu.memory_space<vmem>>) semaphore(%run_scoped3A : memref<!tpu.dma_semaphore, #tpu.memory_space<semaphore_mem>>) {add = true}
        %dma_wait3A = arith.constant 0 : i32
        %dma_wait3A_39 = arith.constant 0 : i32
        %dma_wait3A_40 = tpu.memref_slice %arg4[%dma_wait3A, %dma_wait3A_39] : memref<10240x128xf32, #tpu.memory_space<vmem_shared>> -> memref<10240x128xf32, #tpu.memory_space<vmem_shared>>
        tpu.wait_indirect_dma semaphore(%run_scoped3A : memref<!tpu.dma_semaphore, #tpu.memory_space<semaphore_mem>>) src(%arg5 : memref<128x128xf32, #tpu.memory_space<vmem>>) dst(%dma_wait3A_40 : memref<10240x128xf32, #tpu.memory_space<vmem_shared>>)
        tpu.yield
      }) : () -> ()
    }
    %scan3A_21 = arith.constant 80 : i32
    %barrier3A_22 = arith.constant 0 : index
    tpu.barrier barrier_id(%barrier3A_22)
    %mul3A_23 = arith.constant 640 : i32
    %mul3A_24 = arith.muli %arg1, %mul3A_23 : i32
    %mul3A_25 = arith.constant 640 : i32
    %mul3A_26 = arith.muli %arg1, %mul3A_25 : i32
    "tpu.region"() ({
      %run_scoped3A = tpu.sem_alloc : memref<!tpu.dma_semaphore, #tpu.memory_space<semaphore_mem>>
      %dma_start3A = arith.constant 0 : i32
      %dma_start3A_27 = tpu.memref_slice %arg3[%arg0, %mul3A_26, %dma_start3A] : memref<2x10240x128xf32, #tpu.memory_space<hbm>> -> memref<1x640x128xf32, #tpu.memory_space<hbm>>
      %dma_start3A_28 = tpu.memref_squeeze %dma_start3A_27 : memref<1x640x128xf32, #tpu.memory_space<hbm>> -> memref<640x128xf32, #tpu.memory_space<hbm>>
      %dma_start3A_29 = arith.constant 0 : i32
      %dma_start3A_30 = tpu.memref_slice %arg4[%mul3A_24, %dma_start3A_29] : memref<10240x128xf32, #tpu.memory_space<vmem_shared>> -> memref<640x128xf32, #tpu.memory_space<vmem_shared>>
      tpu.enqueue_dma source(%dma_start3A_30 : memref<640x128xf32, #tpu.memory_space<vmem_shared>>) target(%dma_start3A_28 : memref<640x128xf32, #tpu.memory_space<hbm>>) target_semaphore(%run_scoped3A : memref<!tpu.dma_semaphore, #tpu.memory_space<semaphore_mem>>)
      %dma_wait3A = arith.constant 0 : i32
      %dma_wait3A_31 = tpu.memref_slice %arg3[%arg0, %mul3A_26, %dma_wait3A] : memref<2x10240x128xf32, #tpu.memory_space<hbm>> -> memref<1x640x128xf32, #tpu.memory_space<hbm>>
      %dma_wait3A_32 = tpu.memref_squeeze %dma_wait3A_31 : memref<1x640x128xf32, #tpu.memory_space<hbm>> -> memref<640x128xf32, #tpu.memory_space<hbm>>
      %dma_wait3A_33 = arith.constant 0 : i32
      %dma_wait3A_34 = tpu.memref_slice %arg4[%mul3A_24, %dma_wait3A_33] : memref<10240x128xf32, #tpu.memory_space<vmem_shared>> -> memref<640x128xf32, #tpu.memory_space<vmem_shared>>
      tpu.wait_dma2 semaphore(%run_scoped3A : memref<!tpu.dma_semaphore, #tpu.memory_space<semaphore_mem>>) src(%dma_wait3A_34 : memref<640x128xf32, #tpu.memory_space<vmem_shared>>) dst(%dma_wait3A_32 : memref<640x128xf32, #tpu.memory_space<hbm>>)
      tpu.yield
    }) : () -> ()
    return
  }
}

#map = affine_map<(d0, d1) -> (0, 0)>
#map1 = affine_map<(d0, d1) -> (0, 0, 0)>
module attributes {stable_mosaic.version = 14 : i64} {
  func.func @hop_kernel(%arg0: i32, %arg1: i32, %arg2: memref<10000x128xf32, #tpu.memory_space<hbm>>, %arg3: memref<2560x128xi32, #tpu.memory_space<hbm>>, %arg4: memref<2560x128xi32, #tpu.memory_space<hbm>>, %arg5: memref<2x10240x128xf32, #tpu.memory_space<hbm>>, %arg6: memref<10240x128xf32, #tpu.memory_space<vmem_shared>>, %arg7: memref<16x128xi32, #tpu.memory_space<vmem>>, %arg8: memref<16x128xi32, #tpu.memory_space<vmem>>, %arg9: memref<128x128xf32, #tpu.memory_space<vmem>>, %arg10: memref<128x128xf32, #tpu.memory_space<vmem>>, %arg11: memref<128xi32, #tpu.memory_space<vmem>>, %arg12: memref<128xi32, #tpu.memory_space<vmem>>, %arg13: memref<!tpu.dma_semaphore, #tpu.memory_space<semaphore_mem>>, %arg14: memref<!tpu.dma_semaphore, #tpu.memory_space<semaphore_mem>>) attributes {dimension_semantics = [#tpu.dimension_semantics<core_parallel>, #tpu.dimension_semantics<subcore_parallel>], iteration_bounds = array<i64: 2, 16>, scalar_prefetch = 0 : i64, scratch_operands = 9 : i64, tpu.core_type = #tpu.core_type<sc_vector_subcore>, window_params = [{transform_indices = #map}, {transform_indices = #map}, {transform_indices = #map}, {transform_indices = #map1}]} {
    %mul3A = arith.constant 16 : i32
    %mul3A_0 = arith.muli %arg0, %mul3A : i32
    %add3A = arith.addi %mul3A_0, %arg1 : i32
    %mul3A_1 = arith.constant 80 : i32
    %mul3A_2 = arith.muli %add3A, %mul3A_1 : i32
    %scan3A = arith.constant 0 : i32
    %scan3A_3 = arith.constant 128 : i32
    %scan3A_4 = arith.addi %scan3A, %scan3A_3 : i32
    %scan3A_5 = arith.constant 1 : i32
    scf.for %scan3A_22 = %scan3A to %scan3A_4 step %scan3A_5  : i32 {
      %mul3A_23 = arith.constant 1 : i32
      %mul3A_24 = arith.muli %scan3A_22, %mul3A_23 : i32
      %add3A_25 = arith.constant 0 : i32
      %add3A_26 = arith.addi %add3A_25, %mul3A_24 : i32
      %scan3A_27 = arith.constant 0 : i32
      %scan3A_28 = arith.constant 8 : i32
      %scan3A_29 = arith.addi %scan3A_27, %scan3A_28 : i32
      %scan3A_30 = arith.constant 1 : i32
      scf.for %scan3A_32 = %scan3A_27 to %scan3A_29 step %scan3A_30  : i32 {
        %mul3A_33 = arith.constant 1 : i32
        %mul3A_34 = arith.muli %scan3A_32, %mul3A_33 : i32
        %add3A_35 = arith.constant 0 : i32
        %add3A_36 = arith.addi %add3A_35, %mul3A_34 : i32
        %broadcast_in_dim3A = arith.constant 0.000000e+00 : f32
        %broadcast_in_dim3A_37 = vector.broadcast %broadcast_in_dim3A : f32 to vector<16xf32>
        %mul3A_38 = arith.constant 16 : i32
        %mul3A_39 = arith.muli %add3A_36, %mul3A_38 : i32
        %swap3A = arith.index_cast %add3A_26 : i32 to index
        %swap3A_40 = arith.index_cast %mul3A_39 : i32 to index
        %swap3A_41 = tpu.vector_load %arg9[%swap3A, %swap3A_40] {strides = array<i32>} : memref<128x128xf32, #tpu.memory_space<vmem>>, vector<1x16xf32>,
        %swap3A_42 = vector.shape_cast %swap3A_41 : vector<1x16xf32> to vector<16xf32>
        %swap3A_43 = vector.shape_cast %broadcast_in_dim3A_37 : vector<16xf32> to vector<1x16xf32>
        tpu.vector_store %arg9[%swap3A, %swap3A_40], %swap3A_43 {strides = array<i32>} : memref<128x128xf32, #tpu.memory_space<vmem>>, vector<1x16xf32>,
      }
      %scan3A_31 = arith.constant 8 : i32
    }
    %scan3A_6 = arith.constant 128 : i32
    %scan3A_7 = arith.constant 0 : i32
    %scan3A_8 = arith.constant 5 : i32
    %scan3A_9 = arith.addi %scan3A_7, %scan3A_8 : i32
    %scan3A_10 = arith.constant 1 : i32
    scf.for %scan3A_22 = %scan3A_7 to %scan3A_9 step %scan3A_10  : i32 {
      %mul3A_23 = arith.constant 1 : i32
      %mul3A_24 = arith.muli %scan3A_22, %mul3A_23 : i32
      %add3A_25 = arith.constant 0 : i32
      %add3A_26 = arith.addi %add3A_25, %mul3A_24 : i32
      %mul3A_27 = arith.constant 640 : i32
      %mul3A_28 = arith.muli %arg1, %mul3A_27 : i32
      %mul3A_29 = arith.constant 128 : i32
      %mul3A_30 = arith.muli %add3A_26, %mul3A_29 : i32
      %add3A_31 = arith.addi %mul3A_28, %mul3A_30 : i32
      "tpu.region"() ({
        %run_scoped3A = tpu.sem_alloc : memref<!tpu.dma_semaphore, #tpu.memory_space<semaphore_mem>>
        %dma_start3A = arith.constant 0 : i32
        %dma_start3A_32 = tpu.memref_slice %arg6[%add3A_31, %dma_start3A] : memref<10240x128xf32, #tpu.memory_space<vmem_shared>> -> memref<128x128xf32, #tpu.memory_space<vmem_shared>>
        %dma_start3A_33 = arith.constant 0 : i32
        %dma_start3A_34 = tpu.memref_slice %arg6[%add3A_31, %dma_start3A_33] : memref<10240x128xf32, #tpu.memory_space<vmem_shared>> -> memref<128x128xf32, #tpu.memory_space<vmem_shared>>
        tpu.enqueue_dma source(%arg9 : memref<128x128xf32, #tpu.memory_space<vmem>>) target(%dma_start3A_34 : memref<128x128xf32, #tpu.memory_space<vmem_shared>>) target_semaphore(%run_scoped3A : memref<!tpu.dma_semaphore, #tpu.memory_space<semaphore_mem>>)
        %dma_wait3A = arith.constant 0 : i32
        %dma_wait3A_35 = tpu.memref_slice %arg6[%add3A_31, %dma_wait3A] : memref<10240x128xf32, #tpu.memory_space<vmem_shared>> -> memref<128x128xf32, #tpu.memory_space<vmem_shared>>
        %dma_wait3A_36 = arith.constant 0 : i32
        %dma_wait3A_37 = tpu.memref_slice %arg6[%add3A_31, %dma_wait3A_36] : memref<10240x128xf32, #tpu.memory_space<vmem_shared>> -> memref<128x128xf32, #tpu.memory_space<vmem_shared>>
        tpu.wait_dma2 semaphore(%run_scoped3A : memref<!tpu.dma_semaphore, #tpu.memory_space<semaphore_mem>>) src(%arg9 : memref<128x128xf32, #tpu.memory_space<vmem>>) dst(%dma_wait3A_37 : memref<128x128xf32, #tpu.memory_space<vmem_shared>>)
        tpu.yield
      }) : () -> ()
    }
    %scan3A_11 = arith.constant 5 : i32
    %barrier3A = arith.constant 0 : index
    tpu.barrier barrier_id(%barrier3A)
    %scan3A_12 = arith.constant 0 : i32
    %scan3A_13 = arith.constant 5 : i32
    %scan3A_14 = arith.addi %scan3A_12, %scan3A_13 : i32
    %scan3A_15 = arith.constant 1 : i32
    scf.for %scan3A_22 = %scan3A_12 to %scan3A_14 step %scan3A_15  : i32 {
      %mul3A_23 = arith.constant 1 : i32
      %mul3A_24 = arith.muli %scan3A_22, %mul3A_23 : i32
      %add3A_25 = arith.constant 0 : i32
      %add3A_26 = arith.addi %add3A_25, %mul3A_24 : i32
      %mul3A_27 = arith.constant 16 : i32
      %mul3A_28 = arith.muli %add3A_26, %mul3A_27 : i32
      %add3A_29 = arith.addi %mul3A_2, %mul3A_28 : i32
      "tpu.region"() ({
        %run_scoped3A = tpu.sem_alloc : memref<!tpu.dma_semaphore, #tpu.memory_space<semaphore_mem>>
        %dma_start3A_46 = arith.constant 0 : i32
        %dma_start3A_47 = tpu.memref_slice %arg3[%add3A_29, %dma_start3A_46] : memref<2560x128xi32, #tpu.memory_space<hbm>> -> memref<16x128xi32, #tpu.memory_space<hbm>>
        %dma_start3A_48 = arith.constant 0 : i32
        %dma_start3A_49 = tpu.memref_slice %arg3[%add3A_29, %dma_start3A_48] : memref<2560x128xi32, #tpu.memory_space<hbm>> -> memref<16x128xi32, #tpu.memory_space<hbm>>
        tpu.enqueue_dma source(%dma_start3A_49 : memref<16x128xi32, #tpu.memory_space<hbm>>) target(%arg7 : memref<16x128xi32, #tpu.memory_space<vmem>>) target_semaphore(%run_scoped3A : memref<!tpu.dma_semaphore, #tpu.memory_space<semaphore_mem>>)
        %dma_wait3A = arith.constant 0 : i32
        %dma_wait3A_50 = tpu.memref_slice %arg3[%add3A_29, %dma_wait3A] : memref<2560x128xi32, #tpu.memory_space<hbm>> -> memref<16x128xi32, #tpu.memory_space<hbm>>
        %dma_wait3A_51 = arith.constant 0 : i32
        %dma_wait3A_52 = tpu.memref_slice %arg3[%add3A_29, %dma_wait3A_51] : memref<2560x128xi32, #tpu.memory_space<hbm>> -> memref<16x128xi32, #tpu.memory_space<hbm>>
        tpu.wait_dma2 semaphore(%run_scoped3A : memref<!tpu.dma_semaphore, #tpu.memory_space<semaphore_mem>>) src(%dma_wait3A_52 : memref<16x128xi32, #tpu.memory_space<hbm>>) dst(%arg7 : memref<16x128xi32, #tpu.memory_space<vmem>>)
        tpu.yield
      }) : () -> ()
      "tpu.region"() ({
        %run_scoped3A = tpu.sem_alloc : memref<!tpu.dma_semaphore, #tpu.memory_space<semaphore_mem>>
        %dma_start3A_46 = arith.constant 0 : i32
        %dma_start3A_47 = tpu.memref_slice %arg4[%add3A_29, %dma_start3A_46] : memref<2560x128xi32, #tpu.memory_space<hbm>> -> memref<16x128xi32, #tpu.memory_space<hbm>>
        %dma_start3A_48 = arith.constant 0 : i32
        %dma_start3A_49 = tpu.memref_slice %arg4[%add3A_29, %dma_start3A_48] : memref<2560x128xi32, #tpu.memory_space<hbm>> -> memref<16x128xi32, #tpu.memory_space<hbm>>
        tpu.enqueue_dma source(%dma_start3A_49 : memref<16x128xi32, #tpu.memory_space<hbm>>) target(%arg8 : memref<16x128xi32, #tpu.memory_space<vmem>>) target_semaphore(%run_scoped3A : memref<!tpu.dma_semaphore, #tpu.memory_space<semaphore_mem>>)
        %dma_wait3A = arith.constant 0 : i32
        %dma_wait3A_50 = tpu.memref_slice %arg4[%add3A_29, %dma_wait3A] : memref<2560x128xi32, #tpu.memory_space<hbm>> -> memref<16x128xi32, #tpu.memory_space<hbm>>
        %dma_wait3A_51 = arith.constant 0 : i32
        %dma_wait3A_52 = tpu.memref_slice %arg4[%add3A_29, %dma_wait3A_51] : memref<2560x128xi32, #tpu.memory_space<hbm>> -> memref<16x128xi32, #tpu.memory_space<hbm>>
        tpu.wait_dma2 semaphore(%run_scoped3A : memref<!tpu.dma_semaphore, #tpu.memory_space<semaphore_mem>>) src(%dma_wait3A_52 : memref<16x128xi32, #tpu.memory_space<hbm>>) dst(%arg8 : memref<16x128xi32, #tpu.memory_space<vmem>>)
        tpu.yield
      }) : () -> ()
      %dma_start3A = arith.constant 0 : i32
      %dma_start3A_30 = arith.constant 0 : i32
      %dma_start3A_31 = tpu.memref_slice %arg7[%dma_start3A, %dma_start3A_30] : memref<16x128xi32, #tpu.memory_space<vmem>> -> memref<1x128xi32, #tpu.memory_space<vmem>>
      %dma_start3A_32 = tpu.memref_squeeze %dma_start3A_31 : memref<1x128xi32, #tpu.memory_space<vmem>> -> memref<128xi32, #tpu.memory_space<vmem>>
      %dma_start3A_33 = arith.constant 0 : i32
      %dma_start3A_34 = arith.constant 0 : i32
      %dma_start3A_35 = tpu.memref_slice %arg2[%dma_start3A_33, %dma_start3A_34] : memref<10000x128xf32, #tpu.memory_space<hbm>> -> memref<10000x128xf32, #tpu.memory_space<hbm>>
      tpu.enqueue_indirect_dma source(%dma_start3A_35 : memref<10000x128xf32, #tpu.memory_space<hbm>>) target(%arg9 : memref<128x128xf32, #tpu.memory_space<vmem>>) offsets(%dma_start3A_32 : memref<128xi32, #tpu.memory_space<vmem>>) semaphore(%arg13 : memref<!tpu.dma_semaphore, #tpu.memory_space<semaphore_mem>>)
      %scan3A_36 = arith.constant 0 : i32
      %scan3A_37 = arith.constant 8 : i32
      %scan3A_38 = arith.addi %scan3A_36, %scan3A_37 : i32
      %scan3A_39 = arith.constant 1 : i32
      scf.for %scan3A_46 = %scan3A_36 to %scan3A_38 step %scan3A_39  : i32 {
        %mul3A_47 = arith.constant 1 : i32
        %mul3A_48 = arith.muli %scan3A_46, %mul3A_47 : i32
        %add3A_49 = arith.constant 0 : i32
        %add3A_50 = arith.addi %add3A_49, %mul3A_48 : i32
        %mul3A_51 = arith.constant 16 : i32
        %mul3A_52 = arith.muli %add3A_50, %mul3A_51 : i32
        %get3A = arith.constant 0 : i32
        %get3A_53 = arith.index_cast %get3A : i32 to index
        %get3A_54 = arith.index_cast %mul3A_52 : i32 to index
        %get3A_55 = tpu.vector_load %arg8[%get3A_53, %get3A_54] {strides = array<i32>} : memref<16x128xi32, #tpu.memory_space<vmem>>, vector<1x16xi32>,
        %get3A_56 = vector.shape_cast %get3A_55 : vector<1x16xi32> to vector<16xi32>
        %mul3A_57 = arith.constant 16 : i32
        %mul3A_58 = arith.muli %add3A_50, %mul3A_57 : i32
        %swap3A = arith.index_cast %mul3A_58 : i32 to index
        %swap3A_59 = tpu.vector_load %arg11[%swap3A] {strides = array<i32>} : memref<128xi32, #tpu.memory_space<vmem>>, vector<16xi32>,
        %swap3A_60 = vector.shape_cast %swap3A_59 : vector<16xi32> to vector<16xi32>
        %swap3A_61 = vector.shape_cast %get3A_56 : vector<16xi32> to vector<16xi32>
        tpu.vector_store %arg11[%swap3A], %swap3A_61 {strides = array<i32>} : memref<128xi32, #tpu.memory_space<vmem>>, vector<16xi32>,
      }
      %scan3A_40 = arith.constant 8 : i32
      %scan3A_41 = arith.constant 0 : i32
      %scan3A_42 = arith.constant 8 : i32
      %scan3A_43 = arith.addi %scan3A_41, %scan3A_42 : i32
      %scan3A_44 = arith.constant 1 : i32
      scf.for %scan3A_46 = %scan3A_41 to %scan3A_43 step %scan3A_44  : i32 {
        %mul3A_47 = arith.constant 1 : i32
        %mul3A_48 = arith.muli %scan3A_46, %mul3A_47 : i32
        %add3A_49 = arith.constant 0 : i32
        %add3A_50 = arith.addi %add3A_49, %mul3A_48 : i32
        %mul3A_51 = arith.constant 2 : i32
        %mul3A_52 = arith.muli %mul3A_51, %add3A_50 : i32
        %add3A_53 = arith.constant 1 : i32
        %add3A_54 = arith.addi %mul3A_52, %add3A_53 : i32
        %dma_start3A_55 = arith.constant 0 : i32
        %dma_start3A_56 = tpu.memref_slice %arg7[%add3A_54, %dma_start3A_55] : memref<16x128xi32, #tpu.memory_space<vmem>> -> memref<1x128xi32, #tpu.memory_space<vmem>>
        %dma_start3A_57 = tpu.memref_squeeze %dma_start3A_56 : memref<1x128xi32, #tpu.memory_space<vmem>> -> memref<128xi32, #tpu.memory_space<vmem>>
        %dma_start3A_58 = arith.constant 0 : i32
        %dma_start3A_59 = arith.constant 0 : i32
        %dma_start3A_60 = tpu.memref_slice %arg2[%dma_start3A_58, %dma_start3A_59] : memref<10000x128xf32, #tpu.memory_space<hbm>> -> memref<10000x128xf32, #tpu.memory_space<hbm>>
        tpu.enqueue_indirect_dma source(%dma_start3A_60 : memref<10000x128xf32, #tpu.memory_space<hbm>>) target(%arg10 : memref<128x128xf32, #tpu.memory_space<vmem>>) offsets(%dma_start3A_57 : memref<128xi32, #tpu.memory_space<vmem>>) semaphore(%arg14 : memref<!tpu.dma_semaphore, #tpu.memory_space<semaphore_mem>>)
        %scan3A_61 = arith.constant 0 : i32
        %scan3A_62 = arith.constant 8 : i32
        %scan3A_63 = arith.addi %scan3A_61, %scan3A_62 : i32
        %scan3A_64 = arith.constant 1 : i32
        scf.for %scan3A_81 = %scan3A_61 to %scan3A_63 step %scan3A_64  : i32 {
          %mul3A_82 = arith.constant 1 : i32
          %mul3A_83 = arith.muli %scan3A_81, %mul3A_82 : i32
          %add3A_84 = arith.constant 0 : i32
          %add3A_85 = arith.addi %add3A_84, %mul3A_83 : i32
          %mul3A_86 = arith.constant 16 : i32
          %mul3A_87 = arith.muli %add3A_85, %mul3A_86 : i32
          %get3A = arith.index_cast %add3A_54 : i32 to index
          %get3A_88 = arith.index_cast %mul3A_87 : i32 to index
          %get3A_89 = tpu.vector_load %arg8[%get3A, %get3A_88] {strides = array<i32>} : memref<16x128xi32, #tpu.memory_space<vmem>>, vector<1x16xi32>,
          %get3A_90 = vector.shape_cast %get3A_89 : vector<1x16xi32> to vector<16xi32>
          %mul3A_91 = arith.constant 16 : i32
          %mul3A_92 = arith.muli %add3A_85, %mul3A_91 : i32
          %swap3A = arith.index_cast %mul3A_92 : i32 to index
          %swap3A_93 = tpu.vector_load %arg12[%swap3A] {strides = array<i32>} : memref<128xi32, #tpu.memory_space<vmem>>, vector<16xi32>,
          %swap3A_94 = vector.shape_cast %swap3A_93 : vector<16xi32> to vector<16xi32>
          %swap3A_95 = vector.shape_cast %get3A_90 : vector<16xi32> to vector<16xi32>
          tpu.vector_store %arg12[%swap3A], %swap3A_95 {strides = array<i32>} : memref<128xi32, #tpu.memory_space<vmem>>, vector<16xi32>,
        }
        %scan3A_65 = arith.constant 8 : i32
        %dma_wait3A = arith.constant 0 : i32
        %dma_wait3A_66 = arith.constant 0 : i32
        %dma_wait3A_67 = tpu.memref_slice %arg2[%dma_wait3A, %dma_wait3A_66] : memref<10000x128xf32, #tpu.memory_space<hbm>> -> memref<128x128xf32, #tpu.memory_space<hbm>>
        %dma_wait3A_68 = arith.constant 0 : i32
        %dma_wait3A_69 = arith.constant 0 : i32
        %dma_wait3A_70 = tpu.memref_slice %arg2[%dma_wait3A_68, %dma_wait3A_69] : memref<10000x128xf32, #tpu.memory_space<hbm>> -> memref<128x128xf32, #tpu.memory_space<hbm>>
        tpu.wait_dma2 semaphore(%arg13 : memref<!tpu.dma_semaphore, #tpu.memory_space<semaphore_mem>>) src(%dma_wait3A_70 : memref<128x128xf32, #tpu.memory_space<hbm>>) dst(%arg9 : memref<128x128xf32, #tpu.memory_space<vmem>>)
        "tpu.region"() ({
          %run_scoped3A = tpu.sem_alloc : memref<!tpu.dma_semaphore, #tpu.memory_space<semaphore_mem>>
          %dma_start3A_81 = arith.constant 0 : i32
          %dma_start3A_82 = arith.constant 0 : i32
          %dma_start3A_83 = tpu.memref_slice %arg6[%dma_start3A_81, %dma_start3A_82] : memref<10240x128xf32, #tpu.memory_space<vmem_shared>> -> memref<10240x128xf32, #tpu.memory_space<vmem_shared>>
          tpu.enqueue_indirect_dma source(%arg9 : memref<128x128xf32, #tpu.memory_space<vmem>>) target(%dma_start3A_83 : memref<10240x128xf32, #tpu.memory_space<vmem_shared>>) offsets(%arg11 : memref<128xi32, #tpu.memory_space<vmem>>) semaphore(%run_scoped3A : memref<!tpu.dma_semaphore, #tpu.memory_space<semaphore_mem>>) {add = true}
          %dma_wait3A_84 = arith.constant 0 : i32
          %dma_wait3A_85 = arith.constant 0 : i32
          %dma_wait3A_86 = tpu.memref_slice %arg6[%dma_wait3A_84, %dma_wait3A_85] : memref<10240x128xf32, #tpu.memory_space<vmem_shared>> -> memref<10240x128xf32, #tpu.memory_space<vmem_shared>>
          tpu.wait_indirect_dma semaphore(%run_scoped3A : memref<!tpu.dma_semaphore, #tpu.memory_space<semaphore_mem>>) src(%arg9 : memref<128x128xf32, #tpu.memory_space<vmem>>) dst(%dma_wait3A_86 : memref<10240x128xf32, #tpu.memory_space<vmem_shared>>)
          tpu.yield
        }) : () -> ()
        %add3A_71 = arith.constant 1 : i32
        %add3A_72 = arith.addi %add3A_54, %add3A_71 : i32
        %lt3A = arith.constant 16 : i32
        %lt3A_73 = arith.cmpi slt, %add3A_72, %lt3A : i32
        %convert_element_type3A = arith.extui %lt3A_73 : i1 to i32
        %cond3A = arith.constant 0 : i32
        %cond3A_74 = arith.cmpi ne, %convert_element_type3A, %cond3A : i32
        scf.if %cond3A_74 {
          %add3A_81 = arith.constant 1 : i32
          %add3A_82 = arith.addi %add3A_54, %add3A_81 : i32
          %dma_start3A_83 = arith.constant 0 : i32
          %dma_start3A_84 = tpu.memref_slice %arg7[%add3A_82, %dma_start3A_83] : memref<16x128xi32, #tpu.memory_space<vmem>> -> memref<1x128xi32, #tpu.memory_space<vmem>>
          %dma_start3A_85 = tpu.memref_squeeze %dma_start3A_84 : memref<1x128xi32, #tpu.memory_space<vmem>> -> memref<128xi32, #tpu.memory_space<vmem>>
          %dma_start3A_86 = arith.constant 0 : i32
          %dma_start3A_87 = arith.constant 0 : i32
          %dma_start3A_88 = tpu.memref_slice %arg2[%dma_start3A_86, %dma_start3A_87] : memref<10000x128xf32, #tpu.memory_space<hbm>> -> memref<10000x128xf32, #tpu.memory_space<hbm>>
          tpu.enqueue_indirect_dma source(%dma_start3A_88 : memref<10000x128xf32, #tpu.memory_space<hbm>>) target(%arg9 : memref<128x128xf32, #tpu.memory_space<vmem>>) offsets(%dma_start3A_85 : memref<128xi32, #tpu.memory_space<vmem>>) semaphore(%arg13 : memref<!tpu.dma_semaphore, #tpu.memory_space<semaphore_mem>>)
          %scan3A_89 = arith.constant 0 : i32
          %scan3A_90 = arith.constant 8 : i32
          %scan3A_91 = arith.addi %scan3A_89, %scan3A_90 : i32
          %scan3A_92 = arith.constant 1 : i32
          scf.for %scan3A_94 = %scan3A_89 to %scan3A_91 step %scan3A_92  : i32 {
            %mul3A_95 = arith.constant 1 : i32
            %mul3A_96 = arith.muli %scan3A_94, %mul3A_95 : i32
            %add3A_97 = arith.constant 0 : i32
            %add3A_98 = arith.addi %add3A_97, %mul3A_96 : i32
            %mul3A_99 = arith.constant 16 : i32
            %mul3A_100 = arith.muli %add3A_98, %mul3A_99 : i32
            %get3A = arith.index_cast %add3A_82 : i32 to index
            %get3A_101 = arith.index_cast %mul3A_100 : i32 to index
            %get3A_102 = tpu.vector_load %arg8[%get3A, %get3A_101] {strides = array<i32>} : memref<16x128xi32, #tpu.memory_space<vmem>>, vector<1x16xi32>,
            %get3A_103 = vector.shape_cast %get3A_102 : vector<1x16xi32> to vector<16xi32>
            %mul3A_104 = arith.constant 16 : i32
            %mul3A_105 = arith.muli %add3A_98, %mul3A_104 : i32
            %swap3A = arith.index_cast %mul3A_105 : i32 to index
            %swap3A_106 = tpu.vector_load %arg11[%swap3A] {strides = array<i32>} : memref<128xi32, #tpu.memory_space<vmem>>, vector<16xi32>,
            %swap3A_107 = vector.shape_cast %swap3A_106 : vector<16xi32> to vector<16xi32>
            %swap3A_108 = vector.shape_cast %get3A_103 : vector<16xi32> to vector<16xi32>
            tpu.vector_store %arg11[%swap3A], %swap3A_108 {strides = array<i32>} : memref<128xi32, #tpu.memory_space<vmem>>, vector<16xi32>,
          }
          %scan3A_93 = arith.constant 8 : i32
        } else {
        }
        %dma_wait3A_75 = arith.constant 0 : i32
        %dma_wait3A_76 = arith.constant 0 : i32
        %dma_wait3A_77 = tpu.memref_slice %arg2[%dma_wait3A_75, %dma_wait3A_76] : memref<10000x128xf32, #tpu.memory_space<hbm>> -> memref<128x128xf32, #tpu.memory_space<hbm>>
        %dma_wait3A_78 = arith.constant 0 : i32
        %dma_wait3A_79 = arith.constant 0 : i32
        %dma_wait3A_80 = tpu.memref_slice %arg2[%dma_wait3A_78, %dma_wait3A_79] : memref<10000x128xf32, #tpu.memory_space<hbm>> -> memref<128x128xf32, #tpu.memory_space<hbm>>
        tpu.wait_dma2 semaphore(%arg14 : memref<!tpu.dma_semaphore, #tpu.memory_space<semaphore_mem>>) src(%dma_wait3A_80 : memref<128x128xf32, #tpu.memory_space<hbm>>) dst(%arg10 : memref<128x128xf32, #tpu.memory_space<vmem>>)
        "tpu.region"() ({
          %run_scoped3A = tpu.sem_alloc : memref<!tpu.dma_semaphore, #tpu.memory_space<semaphore_mem>>
          %dma_start3A_81 = arith.constant 0 : i32
          %dma_start3A_82 = arith.constant 0 : i32
          %dma_start3A_83 = tpu.memref_slice %arg6[%dma_start3A_81, %dma_start3A_82] : memref<10240x128xf32, #tpu.memory_space<vmem_shared>> -> memref<10240x128xf32, #tpu.memory_space<vmem_shared>>
          tpu.enqueue_indirect_dma source(%arg10 : memref<128x128xf32, #tpu.memory_space<vmem>>) target(%dma_start3A_83 : memref<10240x128xf32, #tpu.memory_space<vmem_shared>>) offsets(%arg12 : memref<128xi32, #tpu.memory_space<vmem>>) semaphore(%run_scoped3A : memref<!tpu.dma_semaphore, #tpu.memory_space<semaphore_mem>>) {add = true}
          %dma_wait3A_84 = arith.constant 0 : i32
          %dma_wait3A_85 = arith.constant 0 : i32
          %dma_wait3A_86 = tpu.memref_slice %arg6[%dma_wait3A_84, %dma_wait3A_85] : memref<10240x128xf32, #tpu.memory_space<vmem_shared>> -> memref<10240x128xf32, #tpu.memory_space<vmem_shared>>
          tpu.wait_indirect_dma semaphore(%run_scoped3A : memref<!tpu.dma_semaphore, #tpu.memory_space<semaphore_mem>>) src(%arg10 : memref<128x128xf32, #tpu.memory_space<vmem>>) dst(%dma_wait3A_86 : memref<10240x128xf32, #tpu.memory_space<vmem_shared>>)
          tpu.yield
        }) : () -> ()
      }
      %scan3A_45 = arith.constant 8 : i32
    }
    %scan3A_16 = arith.constant 5 : i32
    %barrier3A_17 = arith.constant 0 : index
    tpu.barrier barrier_id(%barrier3A_17)
    %mul3A_18 = arith.constant 640 : i32
    %mul3A_19 = arith.muli %arg1, %mul3A_18 : i32
    %mul3A_20 = arith.constant 640 : i32
    %mul3A_21 = arith.muli %arg1, %mul3A_20 : i32
    "tpu.region"() ({
      %run_scoped3A = tpu.sem_alloc : memref<!tpu.dma_semaphore, #tpu.memory_space<semaphore_mem>>
      %dma_start3A = arith.constant 0 : i32
      %dma_start3A_22 = tpu.memref_slice %arg5[%arg0, %mul3A_21, %dma_start3A] : memref<2x10240x128xf32, #tpu.memory_space<hbm>> -> memref<1x640x128xf32, #tpu.memory_space<hbm>>
      %dma_start3A_23 = tpu.memref_squeeze %dma_start3A_22 : memref<1x640x128xf32, #tpu.memory_space<hbm>> -> memref<640x128xf32, #tpu.memory_space<hbm>>
      %dma_start3A_24 = arith.constant 0 : i32
      %dma_start3A_25 = tpu.memref_slice %arg6[%mul3A_19, %dma_start3A_24] : memref<10240x128xf32, #tpu.memory_space<vmem_shared>> -> memref<640x128xf32, #tpu.memory_space<vmem_shared>>
      tpu.enqueue_dma source(%dma_start3A_25 : memref<640x128xf32, #tpu.memory_space<vmem_shared>>) target(%dma_start3A_23 : memref<640x128xf32, #tpu.memory_space<hbm>>) target_semaphore(%run_scoped3A : memref<!tpu.dma_semaphore, #tpu.memory_space<semaphore_mem>>)
      %dma_wait3A = arith.constant 0 : i32
      %dma_wait3A_26 = tpu.memref_slice %arg5[%arg0, %mul3A_21, %dma_wait3A] : memref<2x10240x128xf32, #tpu.memory_space<hbm>> -> memref<1x640x128xf32, #tpu.memory_space<hbm>>
      %dma_wait3A_27 = tpu.memref_squeeze %dma_wait3A_26 : memref<1x640x128xf32, #tpu.memory_space<hbm>> -> memref<640x128xf32, #tpu.memory_space<hbm>>
      %dma_wait3A_28 = arith.constant 0 : i32
      %dma_wait3A_29 = tpu.memref_slice %arg6[%mul3A_19, %dma_wait3A_28] : memref<10240x128xf32, #tpu.memory_space<vmem_shared>> -> memref<640x128xf32, #tpu.memory_space<vmem_shared>>
      tpu.wait_dma2 semaphore(%run_scoped3A : memref<!tpu.dma_semaphore, #tpu.memory_space<semaphore_mem>>) src(%dma_wait3A_29 : memref<640x128xf32, #tpu.memory_space<vmem_shared>>) dst(%dma_wait3A_27 : memref<640x128xf32, #tpu.memory_space<hbm>>)
      tpu.yield
    }) : () -> ()
    return
  }
}

#map = affine_map<(d0, d1) -> (0, 0)>
#map1 = affine_map<(d0, d1) -> (0, 0, 0)>
module attributes {stable_mosaic.version = 14 : i64} {
  func.func @hop_kernel(%arg0: i32, %arg1: i32, %arg2: memref<20000x128xf32, #tpu.memory_space<hbm>>, %arg3: memref<2x2560x128xi32, #tpu.memory_space<hbm>>, %arg4: memref<2560x128xi32, #tpu.memory_space<hbm>>, %arg5: memref<2x10240x128xf32, #tpu.memory_space<hbm>>, %arg6: memref<10240x128xf32, #tpu.memory_space<vmem_shared>>, %arg7: memref<16x128xi32, #tpu.memory_space<vmem>>, %arg8: memref<16x128xi32, #tpu.memory_space<vmem>>, %arg9: memref<128x128xf32, #tpu.memory_space<vmem>>, %arg10: memref<128x128xf32, #tpu.memory_space<vmem>>, %arg11: memref<128xi32, #tpu.memory_space<vmem>>, %arg12: memref<128xi32, #tpu.memory_space<vmem>>, %arg13: memref<!tpu.dma_semaphore, #tpu.memory_space<semaphore_mem>>, %arg14: memref<!tpu.dma_semaphore, #tpu.memory_space<semaphore_mem>>) attributes {dimension_semantics = [#tpu.dimension_semantics<core_parallel>, #tpu.dimension_semantics<subcore_parallel>], iteration_bounds = array<i64: 2, 16>, scalar_prefetch = 0 : i64, scratch_operands = 9 : i64, tpu.core_type = #tpu.core_type<sc_vector_subcore>, window_params = [{transform_indices = #map}, {transform_indices = #map1}, {transform_indices = #map}, {transform_indices = #map1}]} {
    %mul3A = arith.constant 160 : i32
    %mul3A_0 = arith.muli %arg1, %mul3A : i32
    %scan3A = arith.constant 0 : i32
    %scan3A_1 = arith.constant 128 : i32
    %scan3A_2 = arith.addi %scan3A, %scan3A_1 : i32
    %scan3A_3 = arith.constant 1 : i32
    scf.for %scan3A_20 = %scan3A to %scan3A_2 step %scan3A_3  : i32 {
      %mul3A_21 = arith.constant 1 : i32
      %mul3A_22 = arith.muli %scan3A_20, %mul3A_21 : i32
      %add3A = arith.constant 0 : i32
      %add3A_23 = arith.addi %add3A, %mul3A_22 : i32
      %scan3A_24 = arith.constant 0 : i32
      %scan3A_25 = arith.constant 8 : i32
      %scan3A_26 = arith.addi %scan3A_24, %scan3A_25 : i32
      %scan3A_27 = arith.constant 1 : i32
      scf.for %scan3A_29 = %scan3A_24 to %scan3A_26 step %scan3A_27  : i32 {
        %mul3A_30 = arith.constant 1 : i32
        %mul3A_31 = arith.muli %scan3A_29, %mul3A_30 : i32
        %add3A_32 = arith.constant 0 : i32
        %add3A_33 = arith.addi %add3A_32, %mul3A_31 : i32
        %broadcast_in_dim3A = arith.constant 0.000000e+00 : f32
        %broadcast_in_dim3A_34 = vector.broadcast %broadcast_in_dim3A : f32 to vector<16xf32>
        %mul3A_35 = arith.constant 16 : i32
        %mul3A_36 = arith.muli %add3A_33, %mul3A_35 : i32
        %swap3A = arith.index_cast %add3A_23 : i32 to index
        %swap3A_37 = arith.index_cast %mul3A_36 : i32 to index
        %swap3A_38 = tpu.vector_load %arg9[%swap3A, %swap3A_37] {strides = array<i32>} : memref<128x128xf32, #tpu.memory_space<vmem>>, vector<1x16xf32>,
        %swap3A_39 = vector.shape_cast %swap3A_38 : vector<1x16xf32> to vector<16xf32>
        %swap3A_40 = vector.shape_cast %broadcast_in_dim3A_34 : vector<16xf32> to vector<1x16xf32>
        tpu.vector_store %arg9[%swap3A, %swap3A_37], %swap3A_40 {strides = array<i32>} : memref<128x128xf32, #tpu.memory_space<vmem>>, vector<1x16xf32>,
      }
      %scan3A_28 = arith.constant 8 : i32
    }
    %scan3A_4 = arith.constant 128 : i32
    %scan3A_5 = arith.constant 0 : i32
    %scan3A_6 = arith.constant 5 : i32
    %scan3A_7 = arith.addi %scan3A_5, %scan3A_6 : i32
    %scan3A_8 = arith.constant 1 : i32
    scf.for %scan3A_20 = %scan3A_5 to %scan3A_7 step %scan3A_8  : i32 {
      %mul3A_21 = arith.constant 1 : i32
      %mul3A_22 = arith.muli %scan3A_20, %mul3A_21 : i32
      %add3A = arith.constant 0 : i32
      %add3A_23 = arith.addi %add3A, %mul3A_22 : i32
      %mul3A_24 = arith.constant 640 : i32
      %mul3A_25 = arith.muli %arg1, %mul3A_24 : i32
      %mul3A_26 = arith.constant 128 : i32
      %mul3A_27 = arith.muli %add3A_23, %mul3A_26 : i32
      %add3A_28 = arith.addi %mul3A_25, %mul3A_27 : i32
      "tpu.region"() ({
        %run_scoped3A = tpu.sem_alloc : memref<!tpu.dma_semaphore, #tpu.memory_space<semaphore_mem>>
        %dma_start3A = arith.constant 0 : i32
        %dma_start3A_29 = tpu.memref_slice %arg6[%add3A_28, %dma_start3A] : memref<10240x128xf32, #tpu.memory_space<vmem_shared>> -> memref<128x128xf32, #tpu.memory_space<vmem_shared>>
        %dma_start3A_30 = arith.constant 0 : i32
        %dma_start3A_31 = tpu.memref_slice %arg6[%add3A_28, %dma_start3A_30] : memref<10240x128xf32, #tpu.memory_space<vmem_shared>> -> memref<128x128xf32, #tpu.memory_space<vmem_shared>>
        tpu.enqueue_dma source(%arg9 : memref<128x128xf32, #tpu.memory_space<vmem>>) target(%dma_start3A_31 : memref<128x128xf32, #tpu.memory_space<vmem_shared>>) target_semaphore(%run_scoped3A : memref<!tpu.dma_semaphore, #tpu.memory_space<semaphore_mem>>)
        %dma_wait3A = arith.constant 0 : i32
        %dma_wait3A_32 = tpu.memref_slice %arg6[%add3A_28, %dma_wait3A] : memref<10240x128xf32, #tpu.memory_space<vmem_shared>> -> memref<128x128xf32, #tpu.memory_space<vmem_shared>>
        %dma_wait3A_33 = arith.constant 0 : i32
        %dma_wait3A_34 = tpu.memref_slice %arg6[%add3A_28, %dma_wait3A_33] : memref<10240x128xf32, #tpu.memory_space<vmem_shared>> -> memref<128x128xf32, #tpu.memory_space<vmem_shared>>
        tpu.wait_dma2 semaphore(%run_scoped3A : memref<!tpu.dma_semaphore, #tpu.memory_space<semaphore_mem>>) src(%arg9 : memref<128x128xf32, #tpu.memory_space<vmem>>) dst(%dma_wait3A_34 : memref<128x128xf32, #tpu.memory_space<vmem_shared>>)
        tpu.yield
      }) : () -> ()
    }
    %scan3A_9 = arith.constant 5 : i32
    %barrier3A = arith.constant 0 : index
    tpu.barrier barrier_id(%barrier3A)
    %scan3A_10 = arith.constant 0 : i32
    %scan3A_11 = arith.constant 10 : i32
    %scan3A_12 = arith.addi %scan3A_10, %scan3A_11 : i32
    %scan3A_13 = arith.constant 1 : i32
    scf.for %scan3A_20 = %scan3A_10 to %scan3A_12 step %scan3A_13  : i32 {
      %mul3A_21 = arith.constant 1 : i32
      %mul3A_22 = arith.muli %scan3A_20, %mul3A_21 : i32
      %add3A = arith.constant 0 : i32
      %add3A_23 = arith.addi %add3A, %mul3A_22 : i32
      %mul3A_24 = arith.constant 16 : i32
      %mul3A_25 = arith.muli %add3A_23, %mul3A_24 : i32
      %add3A_26 = arith.addi %mul3A_0, %mul3A_25 : i32
      "tpu.region"() ({
        %run_scoped3A = tpu.sem_alloc : memref<!tpu.dma_semaphore, #tpu.memory_space<semaphore_mem>>
        %dma_start3A_43 = arith.constant 0 : i32
        %dma_start3A_44 = tpu.memref_slice %arg3[%arg0, %add3A_26, %dma_start3A_43] : memref<2x2560x128xi32, #tpu.memory_space<hbm>> -> memref<1x16x128xi32, #tpu.memory_space<hbm>>
        %dma_start3A_45 = tpu.memref_squeeze %dma_start3A_44 : memref<1x16x128xi32, #tpu.memory_space<hbm>> -> memref<16x128xi32, #tpu.memory_space<hbm>>
        %dma_start3A_46 = arith.constant 0 : i32
        %dma_start3A_47 = tpu.memref_slice %arg3[%arg0, %add3A_26, %dma_start3A_46] : memref<2x2560x128xi32, #tpu.memory_space<hbm>> -> memref<1x16x128xi32, #tpu.memory_space<hbm>>
        %dma_start3A_48 = tpu.memref_squeeze %dma_start3A_47 : memref<1x16x128xi32, #tpu.memory_space<hbm>> -> memref<16x128xi32, #tpu.memory_space<hbm>>
        tpu.enqueue_dma source(%dma_start3A_48 : memref<16x128xi32, #tpu.memory_space<hbm>>) target(%arg7 : memref<16x128xi32, #tpu.memory_space<vmem>>) target_semaphore(%run_scoped3A : memref<!tpu.dma_semaphore, #tpu.memory_space<semaphore_mem>>)
        %dma_wait3A = arith.constant 0 : i32
        %dma_wait3A_49 = tpu.memref_slice %arg3[%arg0, %add3A_26, %dma_wait3A] : memref<2x2560x128xi32, #tpu.memory_space<hbm>> -> memref<1x16x128xi32, #tpu.memory_space<hbm>>
        %dma_wait3A_50 = tpu.memref_squeeze %dma_wait3A_49 : memref<1x16x128xi32, #tpu.memory_space<hbm>> -> memref<16x128xi32, #tpu.memory_space<hbm>>
        %dma_wait3A_51 = arith.constant 0 : i32
        %dma_wait3A_52 = tpu.memref_slice %arg3[%arg0, %add3A_26, %dma_wait3A_51] : memref<2x2560x128xi32, #tpu.memory_space<hbm>> -> memref<1x16x128xi32, #tpu.memory_space<hbm>>
        %dma_wait3A_53 = tpu.memref_squeeze %dma_wait3A_52 : memref<1x16x128xi32, #tpu.memory_space<hbm>> -> memref<16x128xi32, #tpu.memory_space<hbm>>
        tpu.wait_dma2 semaphore(%run_scoped3A : memref<!tpu.dma_semaphore, #tpu.memory_space<semaphore_mem>>) src(%dma_wait3A_53 : memref<16x128xi32, #tpu.memory_space<hbm>>) dst(%arg7 : memref<16x128xi32, #tpu.memory_space<vmem>>)
        tpu.yield
      }) : () -> ()
      "tpu.region"() ({
        %run_scoped3A = tpu.sem_alloc : memref<!tpu.dma_semaphore, #tpu.memory_space<semaphore_mem>>
        %dma_start3A_43 = arith.constant 0 : i32
        %dma_start3A_44 = tpu.memref_slice %arg4[%add3A_26, %dma_start3A_43] : memref<2560x128xi32, #tpu.memory_space<hbm>> -> memref<16x128xi32, #tpu.memory_space<hbm>>
        %dma_start3A_45 = arith.constant 0 : i32
        %dma_start3A_46 = tpu.memref_slice %arg4[%add3A_26, %dma_start3A_45] : memref<2560x128xi32, #tpu.memory_space<hbm>> -> memref<16x128xi32, #tpu.memory_space<hbm>>
        tpu.enqueue_dma source(%dma_start3A_46 : memref<16x128xi32, #tpu.memory_space<hbm>>) target(%arg8 : memref<16x128xi32, #tpu.memory_space<vmem>>) target_semaphore(%run_scoped3A : memref<!tpu.dma_semaphore, #tpu.memory_space<semaphore_mem>>)
        %dma_wait3A = arith.constant 0 : i32
        %dma_wait3A_47 = tpu.memref_slice %arg4[%add3A_26, %dma_wait3A] : memref<2560x128xi32, #tpu.memory_space<hbm>> -> memref<16x128xi32, #tpu.memory_space<hbm>>
        %dma_wait3A_48 = arith.constant 0 : i32
        %dma_wait3A_49 = tpu.memref_slice %arg4[%add3A_26, %dma_wait3A_48] : memref<2560x128xi32, #tpu.memory_space<hbm>> -> memref<16x128xi32, #tpu.memory_space<hbm>>
        tpu.wait_dma2 semaphore(%run_scoped3A : memref<!tpu.dma_semaphore, #tpu.memory_space<semaphore_mem>>) src(%dma_wait3A_49 : memref<16x128xi32, #tpu.memory_space<hbm>>) dst(%arg8 : memref<16x128xi32, #tpu.memory_space<vmem>>)
        tpu.yield
      }) : () -> ()
      %dma_start3A = arith.constant 0 : i32
      %dma_start3A_27 = arith.constant 0 : i32
      %dma_start3A_28 = tpu.memref_slice %arg7[%dma_start3A, %dma_start3A_27] : memref<16x128xi32, #tpu.memory_space<vmem>> -> memref<1x128xi32, #tpu.memory_space<vmem>>
      %dma_start3A_29 = tpu.memref_squeeze %dma_start3A_28 : memref<1x128xi32, #tpu.memory_space<vmem>> -> memref<128xi32, #tpu.memory_space<vmem>>
      %dma_start3A_30 = arith.constant 0 : i32
      %dma_start3A_31 = arith.constant 0 : i32
      %dma_start3A_32 = tpu.memref_slice %arg2[%dma_start3A_30, %dma_start3A_31] : memref<20000x128xf32, #tpu.memory_space<hbm>> -> memref<20000x128xf32, #tpu.memory_space<hbm>>
      tpu.enqueue_indirect_dma source(%dma_start3A_32 : memref<20000x128xf32, #tpu.memory_space<hbm>>) target(%arg9 : memref<128x128xf32, #tpu.memory_space<vmem>>) offsets(%dma_start3A_29 : memref<128xi32, #tpu.memory_space<vmem>>) semaphore(%arg13 : memref<!tpu.dma_semaphore, #tpu.memory_space<semaphore_mem>>)
      %scan3A_33 = arith.constant 0 : i32
      %scan3A_34 = arith.constant 8 : i32
      %scan3A_35 = arith.addi %scan3A_33, %scan3A_34 : i32
      %scan3A_36 = arith.constant 1 : i32
      scf.for %scan3A_43 = %scan3A_33 to %scan3A_35 step %scan3A_36  : i32 {
        %mul3A_44 = arith.constant 1 : i32
        %mul3A_45 = arith.muli %scan3A_43, %mul3A_44 : i32
        %add3A_46 = arith.constant 0 : i32
        %add3A_47 = arith.addi %add3A_46, %mul3A_45 : i32
        %mul3A_48 = arith.constant 16 : i32
        %mul3A_49 = arith.muli %add3A_47, %mul3A_48 : i32
        %get3A = arith.constant 0 : i32
        %get3A_50 = arith.index_cast %get3A : i32 to index
        %get3A_51 = arith.index_cast %mul3A_49 : i32 to index
        %get3A_52 = tpu.vector_load %arg8[%get3A_50, %get3A_51] {strides = array<i32>} : memref<16x128xi32, #tpu.memory_space<vmem>>, vector<1x16xi32>,
        %get3A_53 = vector.shape_cast %get3A_52 : vector<1x16xi32> to vector<16xi32>
        %mul3A_54 = arith.constant 16 : i32
        %mul3A_55 = arith.muli %add3A_47, %mul3A_54 : i32
        %swap3A = arith.index_cast %mul3A_55 : i32 to index
        %swap3A_56 = tpu.vector_load %arg11[%swap3A] {strides = array<i32>} : memref<128xi32, #tpu.memory_space<vmem>>, vector<16xi32>,
        %swap3A_57 = vector.shape_cast %swap3A_56 : vector<16xi32> to vector<16xi32>
        %swap3A_58 = vector.shape_cast %get3A_53 : vector<16xi32> to vector<16xi32>
        tpu.vector_store %arg11[%swap3A], %swap3A_58 {strides = array<i32>} : memref<128xi32, #tpu.memory_space<vmem>>, vector<16xi32>,
      }
      %scan3A_37 = arith.constant 8 : i32
      %scan3A_38 = arith.constant 0 : i32
      %scan3A_39 = arith.constant 8 : i32
      %scan3A_40 = arith.addi %scan3A_38, %scan3A_39 : i32
      %scan3A_41 = arith.constant 1 : i32
      scf.for %scan3A_43 = %scan3A_38 to %scan3A_40 step %scan3A_41  : i32 {
        %mul3A_44 = arith.constant 1 : i32
        %mul3A_45 = arith.muli %scan3A_43, %mul3A_44 : i32
        %add3A_46 = arith.constant 0 : i32
        %add3A_47 = arith.addi %add3A_46, %mul3A_45 : i32
        %mul3A_48 = arith.constant 2 : i32
        %mul3A_49 = arith.muli %mul3A_48, %add3A_47 : i32
        %add3A_50 = arith.constant 1 : i32
        %add3A_51 = arith.addi %mul3A_49, %add3A_50 : i32
        %dma_start3A_52 = arith.constant 0 : i32
        %dma_start3A_53 = tpu.memref_slice %arg7[%add3A_51, %dma_start3A_52] : memref<16x128xi32, #tpu.memory_space<vmem>> -> memref<1x128xi32, #tpu.memory_space<vmem>>
        %dma_start3A_54 = tpu.memref_squeeze %dma_start3A_53 : memref<1x128xi32, #tpu.memory_space<vmem>> -> memref<128xi32, #tpu.memory_space<vmem>>
        %dma_start3A_55 = arith.constant 0 : i32
        %dma_start3A_56 = arith.constant 0 : i32
        %dma_start3A_57 = tpu.memref_slice %arg2[%dma_start3A_55, %dma_start3A_56] : memref<20000x128xf32, #tpu.memory_space<hbm>> -> memref<20000x128xf32, #tpu.memory_space<hbm>>
        tpu.enqueue_indirect_dma source(%dma_start3A_57 : memref<20000x128xf32, #tpu.memory_space<hbm>>) target(%arg10 : memref<128x128xf32, #tpu.memory_space<vmem>>) offsets(%dma_start3A_54 : memref<128xi32, #tpu.memory_space<vmem>>) semaphore(%arg14 : memref<!tpu.dma_semaphore, #tpu.memory_space<semaphore_mem>>)
        %scan3A_58 = arith.constant 0 : i32
        %scan3A_59 = arith.constant 8 : i32
        %scan3A_60 = arith.addi %scan3A_58, %scan3A_59 : i32
        %scan3A_61 = arith.constant 1 : i32
        scf.for %scan3A_78 = %scan3A_58 to %scan3A_60 step %scan3A_61  : i32 {
          %mul3A_79 = arith.constant 1 : i32
          %mul3A_80 = arith.muli %scan3A_78, %mul3A_79 : i32
          %add3A_81 = arith.constant 0 : i32
          %add3A_82 = arith.addi %add3A_81, %mul3A_80 : i32
          %mul3A_83 = arith.constant 16 : i32
          %mul3A_84 = arith.muli %add3A_82, %mul3A_83 : i32
          %get3A = arith.index_cast %add3A_51 : i32 to index
          %get3A_85 = arith.index_cast %mul3A_84 : i32 to index
          %get3A_86 = tpu.vector_load %arg8[%get3A, %get3A_85] {strides = array<i32>} : memref<16x128xi32, #tpu.memory_space<vmem>>, vector<1x16xi32>,
          %get3A_87 = vector.shape_cast %get3A_86 : vector<1x16xi32> to vector<16xi32>
          %mul3A_88 = arith.constant 16 : i32
          %mul3A_89 = arith.muli %add3A_82, %mul3A_88 : i32
          %swap3A = arith.index_cast %mul3A_89 : i32 to index
          %swap3A_90 = tpu.vector_load %arg12[%swap3A] {strides = array<i32>} : memref<128xi32, #tpu.memory_space<vmem>>, vector<16xi32>,
          %swap3A_91 = vector.shape_cast %swap3A_90 : vector<16xi32> to vector<16xi32>
          %swap3A_92 = vector.shape_cast %get3A_87 : vector<16xi32> to vector<16xi32>
          tpu.vector_store %arg12[%swap3A], %swap3A_92 {strides = array<i32>} : memref<128xi32, #tpu.memory_space<vmem>>, vector<16xi32>,
        }
        %scan3A_62 = arith.constant 8 : i32
        %dma_wait3A = arith.constant 0 : i32
        %dma_wait3A_63 = arith.constant 0 : i32
        %dma_wait3A_64 = tpu.memref_slice %arg2[%dma_wait3A, %dma_wait3A_63] : memref<20000x128xf32, #tpu.memory_space<hbm>> -> memref<128x128xf32, #tpu.memory_space<hbm>>
        %dma_wait3A_65 = arith.constant 0 : i32
        %dma_wait3A_66 = arith.constant 0 : i32
        %dma_wait3A_67 = tpu.memref_slice %arg2[%dma_wait3A_65, %dma_wait3A_66] : memref<20000x128xf32, #tpu.memory_space<hbm>> -> memref<128x128xf32, #tpu.memory_space<hbm>>
        tpu.wait_dma2 semaphore(%arg13 : memref<!tpu.dma_semaphore, #tpu.memory_space<semaphore_mem>>) src(%dma_wait3A_67 : memref<128x128xf32, #tpu.memory_space<hbm>>) dst(%arg9 : memref<128x128xf32, #tpu.memory_space<vmem>>)
        "tpu.region"() ({
          %run_scoped3A = tpu.sem_alloc : memref<!tpu.dma_semaphore, #tpu.memory_space<semaphore_mem>>
          %dma_start3A_78 = arith.constant 0 : i32
          %dma_start3A_79 = arith.constant 0 : i32
          %dma_start3A_80 = tpu.memref_slice %arg6[%dma_start3A_78, %dma_start3A_79] : memref<10240x128xf32, #tpu.memory_space<vmem_shared>> -> memref<10240x128xf32, #tpu.memory_space<vmem_shared>>
          tpu.enqueue_indirect_dma source(%arg9 : memref<128x128xf32, #tpu.memory_space<vmem>>) target(%dma_start3A_80 : memref<10240x128xf32, #tpu.memory_space<vmem_shared>>) offsets(%arg11 : memref<128xi32, #tpu.memory_space<vmem>>) semaphore(%run_scoped3A : memref<!tpu.dma_semaphore, #tpu.memory_space<semaphore_mem>>) {add = true}
          %dma_wait3A_81 = arith.constant 0 : i32
          %dma_wait3A_82 = arith.constant 0 : i32
          %dma_wait3A_83 = tpu.memref_slice %arg6[%dma_wait3A_81, %dma_wait3A_82] : memref<10240x128xf32, #tpu.memory_space<vmem_shared>> -> memref<10240x128xf32, #tpu.memory_space<vmem_shared>>
          tpu.wait_indirect_dma semaphore(%run_scoped3A : memref<!tpu.dma_semaphore, #tpu.memory_space<semaphore_mem>>) src(%arg9 : memref<128x128xf32, #tpu.memory_space<vmem>>) dst(%dma_wait3A_83 : memref<10240x128xf32, #tpu.memory_space<vmem_shared>>)
          tpu.yield
        }) : () -> ()
        %add3A_68 = arith.constant 1 : i32
        %add3A_69 = arith.addi %add3A_51, %add3A_68 : i32
        %lt3A = arith.constant 16 : i32
        %lt3A_70 = arith.cmpi slt, %add3A_69, %lt3A : i32
        %convert_element_type3A = arith.extui %lt3A_70 : i1 to i32
        %cond3A = arith.constant 0 : i32
        %cond3A_71 = arith.cmpi ne, %convert_element_type3A, %cond3A : i32
        scf.if %cond3A_71 {
          %add3A_78 = arith.constant 1 : i32
          %add3A_79 = arith.addi %add3A_51, %add3A_78 : i32
          %dma_start3A_80 = arith.constant 0 : i32
          %dma_start3A_81 = tpu.memref_slice %arg7[%add3A_79, %dma_start3A_80] : memref<16x128xi32, #tpu.memory_space<vmem>> -> memref<1x128xi32, #tpu.memory_space<vmem>>
          %dma_start3A_82 = tpu.memref_squeeze %dma_start3A_81 : memref<1x128xi32, #tpu.memory_space<vmem>> -> memref<128xi32, #tpu.memory_space<vmem>>
          %dma_start3A_83 = arith.constant 0 : i32
          %dma_start3A_84 = arith.constant 0 : i32
          %dma_start3A_85 = tpu.memref_slice %arg2[%dma_start3A_83, %dma_start3A_84] : memref<20000x128xf32, #tpu.memory_space<hbm>> -> memref<20000x128xf32, #tpu.memory_space<hbm>>
          tpu.enqueue_indirect_dma source(%dma_start3A_85 : memref<20000x128xf32, #tpu.memory_space<hbm>>) target(%arg9 : memref<128x128xf32, #tpu.memory_space<vmem>>) offsets(%dma_start3A_82 : memref<128xi32, #tpu.memory_space<vmem>>) semaphore(%arg13 : memref<!tpu.dma_semaphore, #tpu.memory_space<semaphore_mem>>)
          %scan3A_86 = arith.constant 0 : i32
          %scan3A_87 = arith.constant 8 : i32
          %scan3A_88 = arith.addi %scan3A_86, %scan3A_87 : i32
          %scan3A_89 = arith.constant 1 : i32
          scf.for %scan3A_91 = %scan3A_86 to %scan3A_88 step %scan3A_89  : i32 {
            %mul3A_92 = arith.constant 1 : i32
            %mul3A_93 = arith.muli %scan3A_91, %mul3A_92 : i32
            %add3A_94 = arith.constant 0 : i32
            %add3A_95 = arith.addi %add3A_94, %mul3A_93 : i32
            %mul3A_96 = arith.constant 16 : i32
            %mul3A_97 = arith.muli %add3A_95, %mul3A_96 : i32
            %get3A = arith.index_cast %add3A_79 : i32 to index
            %get3A_98 = arith.index_cast %mul3A_97 : i32 to index
            %get3A_99 = tpu.vector_load %arg8[%get3A, %get3A_98] {strides = array<i32>} : memref<16x128xi32, #tpu.memory_space<vmem>>, vector<1x16xi32>,
            %get3A_100 = vector.shape_cast %get3A_99 : vector<1x16xi32> to vector<16xi32>
            %mul3A_101 = arith.constant 16 : i32
            %mul3A_102 = arith.muli %add3A_95, %mul3A_101 : i32
            %swap3A = arith.index_cast %mul3A_102 : i32 to index
            %swap3A_103 = tpu.vector_load %arg11[%swap3A] {strides = array<i32>} : memref<128xi32, #tpu.memory_space<vmem>>, vector<16xi32>,
            %swap3A_104 = vector.shape_cast %swap3A_103 : vector<16xi32> to vector<16xi32>
            %swap3A_105 = vector.shape_cast %get3A_100 : vector<16xi32> to vector<16xi32>
            tpu.vector_store %arg11[%swap3A], %swap3A_105 {strides = array<i32>} : memref<128xi32, #tpu.memory_space<vmem>>, vector<16xi32>,
          }
          %scan3A_90 = arith.constant 8 : i32
        } else {
        }
        %dma_wait3A_72 = arith.constant 0 : i32
        %dma_wait3A_73 = arith.constant 0 : i32
        %dma_wait3A_74 = tpu.memref_slice %arg2[%dma_wait3A_72, %dma_wait3A_73] : memref<20000x128xf32, #tpu.memory_space<hbm>> -> memref<128x128xf32, #tpu.memory_space<hbm>>
        %dma_wait3A_75 = arith.constant 0 : i32
        %dma_wait3A_76 = arith.constant 0 : i32
        %dma_wait3A_77 = tpu.memref_slice %arg2[%dma_wait3A_75, %dma_wait3A_76] : memref<20000x128xf32, #tpu.memory_space<hbm>> -> memref<128x128xf32, #tpu.memory_space<hbm>>
        tpu.wait_dma2 semaphore(%arg14 : memref<!tpu.dma_semaphore, #tpu.memory_space<semaphore_mem>>) src(%dma_wait3A_77 : memref<128x128xf32, #tpu.memory_space<hbm>>) dst(%arg10 : memref<128x128xf32, #tpu.memory_space<vmem>>)
        "tpu.region"() ({
          %run_scoped3A = tpu.sem_alloc : memref<!tpu.dma_semaphore, #tpu.memory_space<semaphore_mem>>
          %dma_start3A_78 = arith.constant 0 : i32
          %dma_start3A_79 = arith.constant 0 : i32
          %dma_start3A_80 = tpu.memref_slice %arg6[%dma_start3A_78, %dma_start3A_79] : memref<10240x128xf32, #tpu.memory_space<vmem_shared>> -> memref<10240x128xf32, #tpu.memory_space<vmem_shared>>
          tpu.enqueue_indirect_dma source(%arg10 : memref<128x128xf32, #tpu.memory_space<vmem>>) target(%dma_start3A_80 : memref<10240x128xf32, #tpu.memory_space<vmem_shared>>) offsets(%arg12 : memref<128xi32, #tpu.memory_space<vmem>>) semaphore(%run_scoped3A : memref<!tpu.dma_semaphore, #tpu.memory_space<semaphore_mem>>) {add = true}
          %dma_wait3A_81 = arith.constant 0 : i32
          %dma_wait3A_82 = arith.constant 0 : i32
          %dma_wait3A_83 = tpu.memref_slice %arg6[%dma_wait3A_81, %dma_wait3A_82] : memref<10240x128xf32, #tpu.memory_space<vmem_shared>> -> memref<10240x128xf32, #tpu.memory_space<vmem_shared>>
          tpu.wait_indirect_dma semaphore(%run_scoped3A : memref<!tpu.dma_semaphore, #tpu.memory_space<semaphore_mem>>) src(%arg10 : memref<128x128xf32, #tpu.memory_space<vmem>>) dst(%dma_wait3A_83 : memref<10240x128xf32, #tpu.memory_space<vmem_shared>>)
          tpu.yield
        }) : () -> ()
      }
      %scan3A_42 = arith.constant 8 : i32
    }
    %scan3A_14 = arith.constant 10 : i32
    %barrier3A_15 = arith.constant 0 : index
    tpu.barrier barrier_id(%barrier3A_15)
    %mul3A_16 = arith.constant 640 : i32
    %mul3A_17 = arith.muli %arg1, %mul3A_16 : i32
    %mul3A_18 = arith.constant 640 : i32
    %mul3A_19 = arith.muli %arg1, %mul3A_18 : i32
    "tpu.region"() ({
      %run_scoped3A = tpu.sem_alloc : memref<!tpu.dma_semaphore, #tpu.memory_space<semaphore_mem>>
      %dma_start3A = arith.constant 0 : i32
      %dma_start3A_20 = tpu.memref_slice %arg5[%arg0, %mul3A_19, %dma_start3A] : memref<2x10240x128xf32, #tpu.memory_space<hbm>> -> memref<1x640x128xf32, #tpu.memory_space<hbm>>
      %dma_start3A_21 = tpu.memref_squeeze %dma_start3A_20 : memref<1x640x128xf32, #tpu.memory_space<hbm>> -> memref<640x128xf32, #tpu.memory_space<hbm>>
      %dma_start3A_22 = arith.constant 0 : i32
      %dma_start3A_23 = tpu.memref_slice %arg6[%mul3A_17, %dma_start3A_22] : memref<10240x128xf32, #tpu.memory_space<vmem_shared>> -> memref<640x128xf32, #tpu.memory_space<vmem_shared>>
      tpu.enqueue_dma source(%dma_start3A_23 : memref<640x128xf32, #tpu.memory_space<vmem_shared>>) target(%dma_start3A_21 : memref<640x128xf32, #tpu.memory_space<hbm>>) target_semaphore(%run_scoped3A : memref<!tpu.dma_semaphore, #tpu.memory_space<semaphore_mem>>)
      %dma_wait3A = arith.constant 0 : i32
      %dma_wait3A_24 = tpu.memref_slice %arg5[%arg0, %mul3A_19, %dma_wait3A] : memref<2x10240x128xf32, #tpu.memory_space<hbm>> -> memref<1x640x128xf32, #tpu.memory_space<hbm>>
      %dma_wait3A_25 = tpu.memref_squeeze %dma_wait3A_24 : memref<1x640x128xf32, #tpu.memory_space<hbm>> -> memref<640x128xf32, #tpu.memory_space<hbm>>
      %dma_wait3A_26 = arith.constant 0 : i32
      %dma_wait3A_27 = tpu.memref_slice %arg6[%mul3A_17, %dma_wait3A_26] : memref<10240x128xf32, #tpu.memory_space<vmem_shared>> -> memref<640x128xf32, #tpu.memory_space<vmem_shared>>
      tpu.wait_dma2 semaphore(%run_scoped3A : memref<!tpu.dma_semaphore, #tpu.memory_space<semaphore_mem>>) src(%dma_wait3A_27 : memref<640x128xf32, #tpu.memory_space<vmem_shared>>) dst(%dma_wait3A_25 : memref<640x128xf32, #tpu.memory_space<hbm>>)
      tpu.yield
    }) : () -> ()
    return
  }
}

#map = affine_map<(d0, d1) -> (0, 0)>
#map1 = affine_map<(d0, d1) -> (0, 0, 0)>
module attributes {stable_mosaic.version = 14 : i64} {
  func.func @hop_kernel(%arg0: i32, %arg1: i32, %arg2: memref<10000x128xf32, #tpu.memory_space<hbm>>, %arg3: memref<2560x128xi32, #tpu.memory_space<hbm>>, %arg4: memref<2560x128xi32, #tpu.memory_space<hbm>>, %arg5: memref<2x10240x128xf32, #tpu.memory_space<hbm>>, %arg6: memref<10240x128xf32, #tpu.memory_space<vmem_shared>>, %arg7: memref<16x128xi32, #tpu.memory_space<vmem>>, %arg8: memref<16x128xi32, #tpu.memory_space<vmem>>, %arg9: memref<128x128xf32, #tpu.memory_space<vmem>>, %arg10: memref<128x128xf32, #tpu.memory_space<vmem>>, %arg11: memref<128xi32, #tpu.memory_space<vmem>>, %arg12: memref<128xi32, #tpu.memory_space<vmem>>, %arg13: memref<!tpu.dma_semaphore, #tpu.memory_space<semaphore_mem>>, %arg14: memref<!tpu.dma_semaphore, #tpu.memory_space<semaphore_mem>>) attributes {dimension_semantics = [#tpu.dimension_semantics<core_parallel>, #tpu.dimension_semantics<subcore_parallel>], iteration_bounds = array<i64: 2, 16>, scalar_prefetch = 0 : i64, scratch_operands = 9 : i64, tpu.core_type = #tpu.core_type<sc_vector_subcore>, window_params = [{transform_indices = #map}, {transform_indices = #map}, {transform_indices = #map}, {transform_indices = #map1}]} {
    %mul3A = arith.constant 16 : i32
    %mul3A_0 = arith.muli %arg0, %mul3A : i32
    %add3A = arith.addi %mul3A_0, %arg1 : i32
    %mul3A_1 = arith.constant 80 : i32
    %mul3A_2 = arith.muli %add3A, %mul3A_1 : i32
    %scan3A = arith.constant 0 : i32
    %scan3A_3 = arith.constant 128 : i32
    %scan3A_4 = arith.addi %scan3A, %scan3A_3 : i32
    %scan3A_5 = arith.constant 1 : i32
    scf.for %scan3A_22 = %scan3A to %scan3A_4 step %scan3A_5  : i32 {
      %mul3A_23 = arith.constant 1 : i32
      %mul3A_24 = arith.muli %scan3A_22, %mul3A_23 : i32
      %add3A_25 = arith.constant 0 : i32
      %add3A_26 = arith.addi %add3A_25, %mul3A_24 : i32
      %scan3A_27 = arith.constant 0 : i32
      %scan3A_28 = arith.constant 8 : i32
      %scan3A_29 = arith.addi %scan3A_27, %scan3A_28 : i32
      %scan3A_30 = arith.constant 1 : i32
      scf.for %scan3A_32 = %scan3A_27 to %scan3A_29 step %scan3A_30  : i32 {
        %mul3A_33 = arith.constant 1 : i32
        %mul3A_34 = arith.muli %scan3A_32, %mul3A_33 : i32
        %add3A_35 = arith.constant 0 : i32
        %add3A_36 = arith.addi %add3A_35, %mul3A_34 : i32
        %broadcast_in_dim3A = arith.constant 0.000000e+00 : f32
        %broadcast_in_dim3A_37 = vector.broadcast %broadcast_in_dim3A : f32 to vector<16xf32>
        %mul3A_38 = arith.constant 16 : i32
        %mul3A_39 = arith.muli %add3A_36, %mul3A_38 : i32
        %swap3A = arith.index_cast %add3A_26 : i32 to index
        %swap3A_40 = arith.index_cast %mul3A_39 : i32 to index
        %swap3A_41 = tpu.vector_load %arg9[%swap3A, %swap3A_40] {strides = array<i32>} : memref<128x128xf32, #tpu.memory_space<vmem>>, vector<1x16xf32>,
        %swap3A_42 = vector.shape_cast %swap3A_41 : vector<1x16xf32> to vector<16xf32>
        %swap3A_43 = vector.shape_cast %broadcast_in_dim3A_37 : vector<16xf32> to vector<1x16xf32>
        tpu.vector_store %arg9[%swap3A, %swap3A_40], %swap3A_43 {strides = array<i32>} : memref<128x128xf32, #tpu.memory_space<vmem>>, vector<1x16xf32>,
      }
      %scan3A_31 = arith.constant 8 : i32
    }
    %scan3A_6 = arith.constant 128 : i32
    %scan3A_7 = arith.constant 0 : i32
    %scan3A_8 = arith.constant 5 : i32
    %scan3A_9 = arith.addi %scan3A_7, %scan3A_8 : i32
    %scan3A_10 = arith.constant 1 : i32
    scf.for %scan3A_22 = %scan3A_7 to %scan3A_9 step %scan3A_10  : i32 {
      %mul3A_23 = arith.constant 1 : i32
      %mul3A_24 = arith.muli %scan3A_22, %mul3A_23 : i32
      %add3A_25 = arith.constant 0 : i32
      %add3A_26 = arith.addi %add3A_25, %mul3A_24 : i32
      %mul3A_27 = arith.constant 640 : i32
      %mul3A_28 = arith.muli %arg1, %mul3A_27 : i32
      %mul3A_29 = arith.constant 128 : i32
      %mul3A_30 = arith.muli %add3A_26, %mul3A_29 : i32
      %add3A_31 = arith.addi %mul3A_28, %mul3A_30 : i32
      "tpu.region"() ({
        %run_scoped3A = tpu.sem_alloc : memref<!tpu.dma_semaphore, #tpu.memory_space<semaphore_mem>>
        %dma_start3A = arith.constant 0 : i32
        %dma_start3A_32 = tpu.memref_slice %arg6[%add3A_31, %dma_start3A] : memref<10240x128xf32, #tpu.memory_space<vmem_shared>> -> memref<128x128xf32, #tpu.memory_space<vmem_shared>>
        %dma_start3A_33 = arith.constant 0 : i32
        %dma_start3A_34 = tpu.memref_slice %arg6[%add3A_31, %dma_start3A_33] : memref<10240x128xf32, #tpu.memory_space<vmem_shared>> -> memref<128x128xf32, #tpu.memory_space<vmem_shared>>
        tpu.enqueue_dma source(%arg9 : memref<128x128xf32, #tpu.memory_space<vmem>>) target(%dma_start3A_34 : memref<128x128xf32, #tpu.memory_space<vmem_shared>>) target_semaphore(%run_scoped3A : memref<!tpu.dma_semaphore, #tpu.memory_space<semaphore_mem>>)
        %dma_wait3A = arith.constant 0 : i32
        %dma_wait3A_35 = tpu.memref_slice %arg6[%add3A_31, %dma_wait3A] : memref<10240x128xf32, #tpu.memory_space<vmem_shared>> -> memref<128x128xf32, #tpu.memory_space<vmem_shared>>
        %dma_wait3A_36 = arith.constant 0 : i32
        %dma_wait3A_37 = tpu.memref_slice %arg6[%add3A_31, %dma_wait3A_36] : memref<10240x128xf32, #tpu.memory_space<vmem_shared>> -> memref<128x128xf32, #tpu.memory_space<vmem_shared>>
        tpu.wait_dma2 semaphore(%run_scoped3A : memref<!tpu.dma_semaphore, #tpu.memory_space<semaphore_mem>>) src(%arg9 : memref<128x128xf32, #tpu.memory_space<vmem>>) dst(%dma_wait3A_37 : memref<128x128xf32, #tpu.memory_space<vmem_shared>>)
        tpu.yield
      }) : () -> ()
    }
    %scan3A_11 = arith.constant 5 : i32
    %barrier3A = arith.constant 0 : index
    tpu.barrier barrier_id(%barrier3A)
    %scan3A_12 = arith.constant 0 : i32
    %scan3A_13 = arith.constant 5 : i32
    %scan3A_14 = arith.addi %scan3A_12, %scan3A_13 : i32
    %scan3A_15 = arith.constant 1 : i32
    scf.for %scan3A_22 = %scan3A_12 to %scan3A_14 step %scan3A_15  : i32 {
      %mul3A_23 = arith.constant 1 : i32
      %mul3A_24 = arith.muli %scan3A_22, %mul3A_23 : i32
      %add3A_25 = arith.constant 0 : i32
      %add3A_26 = arith.addi %add3A_25, %mul3A_24 : i32
      %mul3A_27 = arith.constant 16 : i32
      %mul3A_28 = arith.muli %add3A_26, %mul3A_27 : i32
      %add3A_29 = arith.addi %mul3A_2, %mul3A_28 : i32
      "tpu.region"() ({
        %run_scoped3A = tpu.sem_alloc : memref<!tpu.dma_semaphore, #tpu.memory_space<semaphore_mem>>
        %dma_start3A_46 = arith.constant 0 : i32
        %dma_start3A_47 = tpu.memref_slice %arg3[%add3A_29, %dma_start3A_46] : memref<2560x128xi32, #tpu.memory_space<hbm>> -> memref<16x128xi32, #tpu.memory_space<hbm>>
        %dma_start3A_48 = arith.constant 0 : i32
        %dma_start3A_49 = tpu.memref_slice %arg3[%add3A_29, %dma_start3A_48] : memref<2560x128xi32, #tpu.memory_space<hbm>> -> memref<16x128xi32, #tpu.memory_space<hbm>>
        tpu.enqueue_dma source(%dma_start3A_49 : memref<16x128xi32, #tpu.memory_space<hbm>>) target(%arg7 : memref<16x128xi32, #tpu.memory_space<vmem>>) target_semaphore(%run_scoped3A : memref<!tpu.dma_semaphore, #tpu.memory_space<semaphore_mem>>)
        %dma_wait3A = arith.constant 0 : i32
        %dma_wait3A_50 = tpu.memref_slice %arg3[%add3A_29, %dma_wait3A] : memref<2560x128xi32, #tpu.memory_space<hbm>> -> memref<16x128xi32, #tpu.memory_space<hbm>>
        %dma_wait3A_51 = arith.constant 0 : i32
        %dma_wait3A_52 = tpu.memref_slice %arg3[%add3A_29, %dma_wait3A_51] : memref<2560x128xi32, #tpu.memory_space<hbm>> -> memref<16x128xi32, #tpu.memory_space<hbm>>
        tpu.wait_dma2 semaphore(%run_scoped3A : memref<!tpu.dma_semaphore, #tpu.memory_space<semaphore_mem>>) src(%dma_wait3A_52 : memref<16x128xi32, #tpu.memory_space<hbm>>) dst(%arg7 : memref<16x128xi32, #tpu.memory_space<vmem>>)
        tpu.yield
      }) : () -> ()
      "tpu.region"() ({
        %run_scoped3A = tpu.sem_alloc : memref<!tpu.dma_semaphore, #tpu.memory_space<semaphore_mem>>
        %dma_start3A_46 = arith.constant 0 : i32
        %dma_start3A_47 = tpu.memref_slice %arg4[%add3A_29, %dma_start3A_46] : memref<2560x128xi32, #tpu.memory_space<hbm>> -> memref<16x128xi32, #tpu.memory_space<hbm>>
        %dma_start3A_48 = arith.constant 0 : i32
        %dma_start3A_49 = tpu.memref_slice %arg4[%add3A_29, %dma_start3A_48] : memref<2560x128xi32, #tpu.memory_space<hbm>> -> memref<16x128xi32, #tpu.memory_space<hbm>>
        tpu.enqueue_dma source(%dma_start3A_49 : memref<16x128xi32, #tpu.memory_space<hbm>>) target(%arg8 : memref<16x128xi32, #tpu.memory_space<vmem>>) target_semaphore(%run_scoped3A : memref<!tpu.dma_semaphore, #tpu.memory_space<semaphore_mem>>)
        %dma_wait3A = arith.constant 0 : i32
        %dma_wait3A_50 = tpu.memref_slice %arg4[%add3A_29, %dma_wait3A] : memref<2560x128xi32, #tpu.memory_space<hbm>> -> memref<16x128xi32, #tpu.memory_space<hbm>>
        %dma_wait3A_51 = arith.constant 0 : i32
        %dma_wait3A_52 = tpu.memref_slice %arg4[%add3A_29, %dma_wait3A_51] : memref<2560x128xi32, #tpu.memory_space<hbm>> -> memref<16x128xi32, #tpu.memory_space<hbm>>
        tpu.wait_dma2 semaphore(%run_scoped3A : memref<!tpu.dma_semaphore, #tpu.memory_space<semaphore_mem>>) src(%dma_wait3A_52 : memref<16x128xi32, #tpu.memory_space<hbm>>) dst(%arg8 : memref<16x128xi32, #tpu.memory_space<vmem>>)
        tpu.yield
      }) : () -> ()
      %dma_start3A = arith.constant 0 : i32
      %dma_start3A_30 = arith.constant 0 : i32
      %dma_start3A_31 = tpu.memref_slice %arg7[%dma_start3A, %dma_start3A_30] : memref<16x128xi32, #tpu.memory_space<vmem>> -> memref<1x128xi32, #tpu.memory_space<vmem>>
      %dma_start3A_32 = tpu.memref_squeeze %dma_start3A_31 : memref<1x128xi32, #tpu.memory_space<vmem>> -> memref<128xi32, #tpu.memory_space<vmem>>
      %dma_start3A_33 = arith.constant 0 : i32
      %dma_start3A_34 = arith.constant 0 : i32
      %dma_start3A_35 = tpu.memref_slice %arg2[%dma_start3A_33, %dma_start3A_34] : memref<10000x128xf32, #tpu.memory_space<hbm>> -> memref<10000x128xf32, #tpu.memory_space<hbm>>
      tpu.enqueue_indirect_dma source(%dma_start3A_35 : memref<10000x128xf32, #tpu.memory_space<hbm>>) target(%arg9 : memref<128x128xf32, #tpu.memory_space<vmem>>) offsets(%dma_start3A_32 : memref<128xi32, #tpu.memory_space<vmem>>) semaphore(%arg13 : memref<!tpu.dma_semaphore, #tpu.memory_space<semaphore_mem>>)
      %scan3A_36 = arith.constant 0 : i32
      %scan3A_37 = arith.constant 8 : i32
      %scan3A_38 = arith.addi %scan3A_36, %scan3A_37 : i32
      %scan3A_39 = arith.constant 1 : i32
      scf.for %scan3A_46 = %scan3A_36 to %scan3A_38 step %scan3A_39  : i32 {
        %mul3A_47 = arith.constant 1 : i32
        %mul3A_48 = arith.muli %scan3A_46, %mul3A_47 : i32
        %add3A_49 = arith.constant 0 : i32
        %add3A_50 = arith.addi %add3A_49, %mul3A_48 : i32
        %mul3A_51 = arith.constant 16 : i32
        %mul3A_52 = arith.muli %add3A_50, %mul3A_51 : i32
        %get3A = arith.constant 0 : i32
        %get3A_53 = arith.index_cast %get3A : i32 to index
        %get3A_54 = arith.index_cast %mul3A_52 : i32 to index
        %get3A_55 = tpu.vector_load %arg8[%get3A_53, %get3A_54] {strides = array<i32>} : memref<16x128xi32, #tpu.memory_space<vmem>>, vector<1x16xi32>,
        %get3A_56 = vector.shape_cast %get3A_55 : vector<1x16xi32> to vector<16xi32>
        %mul3A_57 = arith.constant 16 : i32
        %mul3A_58 = arith.muli %add3A_50, %mul3A_57 : i32
        %swap3A = arith.index_cast %mul3A_58 : i32 to index
        %swap3A_59 = tpu.vector_load %arg11[%swap3A] {strides = array<i32>} : memref<128xi32, #tpu.memory_space<vmem>>, vector<16xi32>,
        %swap3A_60 = vector.shape_cast %swap3A_59 : vector<16xi32> to vector<16xi32>
        %swap3A_61 = vector.shape_cast %get3A_56 : vector<16xi32> to vector<16xi32>
        tpu.vector_store %arg11[%swap3A], %swap3A_61 {strides = array<i32>} : memref<128xi32, #tpu.memory_space<vmem>>, vector<16xi32>,
      }
      %scan3A_40 = arith.constant 8 : i32
      %scan3A_41 = arith.constant 0 : i32
      %scan3A_42 = arith.constant 8 : i32
      %scan3A_43 = arith.addi %scan3A_41, %scan3A_42 : i32
      %scan3A_44 = arith.constant 1 : i32
      scf.for %scan3A_46 = %scan3A_41 to %scan3A_43 step %scan3A_44  : i32 {
        %mul3A_47 = arith.constant 1 : i32
        %mul3A_48 = arith.muli %scan3A_46, %mul3A_47 : i32
        %add3A_49 = arith.constant 0 : i32
        %add3A_50 = arith.addi %add3A_49, %mul3A_48 : i32
        %mul3A_51 = arith.constant 2 : i32
        %mul3A_52 = arith.muli %mul3A_51, %add3A_50 : i32
        %add3A_53 = arith.constant 1 : i32
        %add3A_54 = arith.addi %mul3A_52, %add3A_53 : i32
        %dma_start3A_55 = arith.constant 0 : i32
        %dma_start3A_56 = tpu.memref_slice %arg7[%add3A_54, %dma_start3A_55] : memref<16x128xi32, #tpu.memory_space<vmem>> -> memref<1x128xi32, #tpu.memory_space<vmem>>
        %dma_start3A_57 = tpu.memref_squeeze %dma_start3A_56 : memref<1x128xi32, #tpu.memory_space<vmem>> -> memref<128xi32, #tpu.memory_space<vmem>>
        %dma_start3A_58 = arith.constant 0 : i32
        %dma_start3A_59 = arith.constant 0 : i32
        %dma_start3A_60 = tpu.memref_slice %arg2[%dma_start3A_58, %dma_start3A_59] : memref<10000x128xf32, #tpu.memory_space<hbm>> -> memref<10000x128xf32, #tpu.memory_space<hbm>>
        tpu.enqueue_indirect_dma source(%dma_start3A_60 : memref<10000x128xf32, #tpu.memory_space<hbm>>) target(%arg10 : memref<128x128xf32, #tpu.memory_space<vmem>>) offsets(%dma_start3A_57 : memref<128xi32, #tpu.memory_space<vmem>>) semaphore(%arg14 : memref<!tpu.dma_semaphore, #tpu.memory_space<semaphore_mem>>)
        %scan3A_61 = arith.constant 0 : i32
        %scan3A_62 = arith.constant 8 : i32
        %scan3A_63 = arith.addi %scan3A_61, %scan3A_62 : i32
        %scan3A_64 = arith.constant 1 : i32
        scf.for %scan3A_81 = %scan3A_61 to %scan3A_63 step %scan3A_64  : i32 {
          %mul3A_82 = arith.constant 1 : i32
          %mul3A_83 = arith.muli %scan3A_81, %mul3A_82 : i32
          %add3A_84 = arith.constant 0 : i32
          %add3A_85 = arith.addi %add3A_84, %mul3A_83 : i32
          %mul3A_86 = arith.constant 16 : i32
          %mul3A_87 = arith.muli %add3A_85, %mul3A_86 : i32
          %get3A = arith.index_cast %add3A_54 : i32 to index
          %get3A_88 = arith.index_cast %mul3A_87 : i32 to index
          %get3A_89 = tpu.vector_load %arg8[%get3A, %get3A_88] {strides = array<i32>} : memref<16x128xi32, #tpu.memory_space<vmem>>, vector<1x16xi32>,
          %get3A_90 = vector.shape_cast %get3A_89 : vector<1x16xi32> to vector<16xi32>
          %mul3A_91 = arith.constant 16 : i32
          %mul3A_92 = arith.muli %add3A_85, %mul3A_91 : i32
          %swap3A = arith.index_cast %mul3A_92 : i32 to index
          %swap3A_93 = tpu.vector_load %arg12[%swap3A] {strides = array<i32>} : memref<128xi32, #tpu.memory_space<vmem>>, vector<16xi32>,
          %swap3A_94 = vector.shape_cast %swap3A_93 : vector<16xi32> to vector<16xi32>
          %swap3A_95 = vector.shape_cast %get3A_90 : vector<16xi32> to vector<16xi32>
          tpu.vector_store %arg12[%swap3A], %swap3A_95 {strides = array<i32>} : memref<128xi32, #tpu.memory_space<vmem>>, vector<16xi32>,
        }
        %scan3A_65 = arith.constant 8 : i32
        %dma_wait3A = arith.constant 0 : i32
        %dma_wait3A_66 = arith.constant 0 : i32
        %dma_wait3A_67 = tpu.memref_slice %arg2[%dma_wait3A, %dma_wait3A_66] : memref<10000x128xf32, #tpu.memory_space<hbm>> -> memref<128x128xf32, #tpu.memory_space<hbm>>
        %dma_wait3A_68 = arith.constant 0 : i32
        %dma_wait3A_69 = arith.constant 0 : i32
        %dma_wait3A_70 = tpu.memref_slice %arg2[%dma_wait3A_68, %dma_wait3A_69] : memref<10000x128xf32, #tpu.memory_space<hbm>> -> memref<128x128xf32, #tpu.memory_space<hbm>>
        tpu.wait_dma2 semaphore(%arg13 : memref<!tpu.dma_semaphore, #tpu.memory_space<semaphore_mem>>) src(%dma_wait3A_70 : memref<128x128xf32, #tpu.memory_space<hbm>>) dst(%arg9 : memref<128x128xf32, #tpu.memory_space<vmem>>)
        "tpu.region"() ({
          %run_scoped3A = tpu.sem_alloc : memref<!tpu.dma_semaphore, #tpu.memory_space<semaphore_mem>>
          %dma_start3A_81 = arith.constant 0 : i32
          %dma_start3A_82 = arith.constant 0 : i32
          %dma_start3A_83 = tpu.memref_slice %arg6[%dma_start3A_81, %dma_start3A_82] : memref<10240x128xf32, #tpu.memory_space<vmem_shared>> -> memref<10240x128xf32, #tpu.memory_space<vmem_shared>>
          tpu.enqueue_indirect_dma source(%arg9 : memref<128x128xf32, #tpu.memory_space<vmem>>) target(%dma_start3A_83 : memref<10240x128xf32, #tpu.memory_space<vmem_shared>>) offsets(%arg11 : memref<128xi32, #tpu.memory_space<vmem>>) semaphore(%run_scoped3A : memref<!tpu.dma_semaphore, #tpu.memory_space<semaphore_mem>>) {add = true}
          %dma_wait3A_84 = arith.constant 0 : i32
          %dma_wait3A_85 = arith.constant 0 : i32
          %dma_wait3A_86 = tpu.memref_slice %arg6[%dma_wait3A_84, %dma_wait3A_85] : memref<10240x128xf32, #tpu.memory_space<vmem_shared>> -> memref<10240x128xf32, #tpu.memory_space<vmem_shared>>
          tpu.wait_indirect_dma semaphore(%run_scoped3A : memref<!tpu.dma_semaphore, #tpu.memory_space<semaphore_mem>>) src(%arg9 : memref<128x128xf32, #tpu.memory_space<vmem>>) dst(%dma_wait3A_86 : memref<10240x128xf32, #tpu.memory_space<vmem_shared>>)
          tpu.yield
        }) : () -> ()
        %add3A_71 = arith.constant 1 : i32
        %add3A_72 = arith.addi %add3A_54, %add3A_71 : i32
        %lt3A = arith.constant 16 : i32
        %lt3A_73 = arith.cmpi slt, %add3A_72, %lt3A : i32
        %convert_element_type3A = arith.extui %lt3A_73 : i1 to i32
        %cond3A = arith.constant 0 : i32
        %cond3A_74 = arith.cmpi ne, %convert_element_type3A, %cond3A : i32
        scf.if %cond3A_74 {
          %add3A_81 = arith.constant 1 : i32
          %add3A_82 = arith.addi %add3A_54, %add3A_81 : i32
          %dma_start3A_83 = arith.constant 0 : i32
          %dma_start3A_84 = tpu.memref_slice %arg7[%add3A_82, %dma_start3A_83] : memref<16x128xi32, #tpu.memory_space<vmem>> -> memref<1x128xi32, #tpu.memory_space<vmem>>
          %dma_start3A_85 = tpu.memref_squeeze %dma_start3A_84 : memref<1x128xi32, #tpu.memory_space<vmem>> -> memref<128xi32, #tpu.memory_space<vmem>>
          %dma_start3A_86 = arith.constant 0 : i32
          %dma_start3A_87 = arith.constant 0 : i32
          %dma_start3A_88 = tpu.memref_slice %arg2[%dma_start3A_86, %dma_start3A_87] : memref<10000x128xf32, #tpu.memory_space<hbm>> -> memref<10000x128xf32, #tpu.memory_space<hbm>>
          tpu.enqueue_indirect_dma source(%dma_start3A_88 : memref<10000x128xf32, #tpu.memory_space<hbm>>) target(%arg9 : memref<128x128xf32, #tpu.memory_space<vmem>>) offsets(%dma_start3A_85 : memref<128xi32, #tpu.memory_space<vmem>>) semaphore(%arg13 : memref<!tpu.dma_semaphore, #tpu.memory_space<semaphore_mem>>)
          %scan3A_89 = arith.constant 0 : i32
          %scan3A_90 = arith.constant 8 : i32
          %scan3A_91 = arith.addi %scan3A_89, %scan3A_90 : i32
          %scan3A_92 = arith.constant 1 : i32
          scf.for %scan3A_94 = %scan3A_89 to %scan3A_91 step %scan3A_92  : i32 {
            %mul3A_95 = arith.constant 1 : i32
            %mul3A_96 = arith.muli %scan3A_94, %mul3A_95 : i32
            %add3A_97 = arith.constant 0 : i32
            %add3A_98 = arith.addi %add3A_97, %mul3A_96 : i32
            %mul3A_99 = arith.constant 16 : i32
            %mul3A_100 = arith.muli %add3A_98, %mul3A_99 : i32
            %get3A = arith.index_cast %add3A_82 : i32 to index
            %get3A_101 = arith.index_cast %mul3A_100 : i32 to index
            %get3A_102 = tpu.vector_load %arg8[%get3A, %get3A_101] {strides = array<i32>} : memref<16x128xi32, #tpu.memory_space<vmem>>, vector<1x16xi32>,
            %get3A_103 = vector.shape_cast %get3A_102 : vector<1x16xi32> to vector<16xi32>
            %mul3A_104 = arith.constant 16 : i32
            %mul3A_105 = arith.muli %add3A_98, %mul3A_104 : i32
            %swap3A = arith.index_cast %mul3A_105 : i32 to index
            %swap3A_106 = tpu.vector_load %arg11[%swap3A] {strides = array<i32>} : memref<128xi32, #tpu.memory_space<vmem>>, vector<16xi32>,
            %swap3A_107 = vector.shape_cast %swap3A_106 : vector<16xi32> to vector<16xi32>
            %swap3A_108 = vector.shape_cast %get3A_103 : vector<16xi32> to vector<16xi32>
            tpu.vector_store %arg11[%swap3A], %swap3A_108 {strides = array<i32>} : memref<128xi32, #tpu.memory_space<vmem>>, vector<16xi32>,
          }
          %scan3A_93 = arith.constant 8 : i32
        } else {
        }
        %dma_wait3A_75 = arith.constant 0 : i32
        %dma_wait3A_76 = arith.constant 0 : i32
        %dma_wait3A_77 = tpu.memref_slice %arg2[%dma_wait3A_75, %dma_wait3A_76] : memref<10000x128xf32, #tpu.memory_space<hbm>> -> memref<128x128xf32, #tpu.memory_space<hbm>>
        %dma_wait3A_78 = arith.constant 0 : i32
        %dma_wait3A_79 = arith.constant 0 : i32
        %dma_wait3A_80 = tpu.memref_slice %arg2[%dma_wait3A_78, %dma_wait3A_79] : memref<10000x128xf32, #tpu.memory_space<hbm>> -> memref<128x128xf32, #tpu.memory_space<hbm>>
        tpu.wait_dma2 semaphore(%arg14 : memref<!tpu.dma_semaphore, #tpu.memory_space<semaphore_mem>>) src(%dma_wait3A_80 : memref<128x128xf32, #tpu.memory_space<hbm>>) dst(%arg10 : memref<128x128xf32, #tpu.memory_space<vmem>>)
        "tpu.region"() ({
          %run_scoped3A = tpu.sem_alloc : memref<!tpu.dma_semaphore, #tpu.memory_space<semaphore_mem>>
          %dma_start3A_81 = arith.constant 0 : i32
          %dma_start3A_82 = arith.constant 0 : i32
          %dma_start3A_83 = tpu.memref_slice %arg6[%dma_start3A_81, %dma_start3A_82] : memref<10240x128xf32, #tpu.memory_space<vmem_shared>> -> memref<10240x128xf32, #tpu.memory_space<vmem_shared>>
          tpu.enqueue_indirect_dma source(%arg10 : memref<128x128xf32, #tpu.memory_space<vmem>>) target(%dma_start3A_83 : memref<10240x128xf32, #tpu.memory_space<vmem_shared>>) offsets(%arg12 : memref<128xi32, #tpu.memory_space<vmem>>) semaphore(%run_scoped3A : memref<!tpu.dma_semaphore, #tpu.memory_space<semaphore_mem>>) {add = true}
          %dma_wait3A_84 = arith.constant 0 : i32
          %dma_wait3A_85 = arith.constant 0 : i32
          %dma_wait3A_86 = tpu.memref_slice %arg6[%dma_wait3A_84, %dma_wait3A_85] : memref<10240x128xf32, #tpu.memory_space<vmem_shared>> -> memref<10240x128xf32, #tpu.memory_space<vmem_shared>>
          tpu.wait_indirect_dma semaphore(%run_scoped3A : memref<!tpu.dma_semaphore, #tpu.memory_space<semaphore_mem>>) src(%arg10 : memref<128x128xf32, #tpu.memory_space<vmem>>) dst(%dma_wait3A_86 : memref<10240x128xf32, #tpu.memory_space<vmem_shared>>)
          tpu.yield
        }) : () -> ()
      }
      %scan3A_45 = arith.constant 8 : i32
    }
    %scan3A_16 = arith.constant 5 : i32
    %barrier3A_17 = arith.constant 0 : index
    tpu.barrier barrier_id(%barrier3A_17)
    %mul3A_18 = arith.constant 640 : i32
    %mul3A_19 = arith.muli %arg1, %mul3A_18 : i32
    %mul3A_20 = arith.constant 640 : i32
    %mul3A_21 = arith.muli %arg1, %mul3A_20 : i32
    "tpu.region"() ({
      %run_scoped3A = tpu.sem_alloc : memref<!tpu.dma_semaphore, #tpu.memory_space<semaphore_mem>>
      %dma_start3A = arith.constant 0 : i32
      %dma_start3A_22 = tpu.memref_slice %arg5[%arg0, %mul3A_21, %dma_start3A] : memref<2x10240x128xf32, #tpu.memory_space<hbm>> -> memref<1x640x128xf32, #tpu.memory_space<hbm>>
      %dma_start3A_23 = tpu.memref_squeeze %dma_start3A_22 : memref<1x640x128xf32, #tpu.memory_space<hbm>> -> memref<640x128xf32, #tpu.memory_space<hbm>>
      %dma_start3A_24 = arith.constant 0 : i32
      %dma_start3A_25 = tpu.memref_slice %arg6[%mul3A_19, %dma_start3A_24] : memref<10240x128xf32, #tpu.memory_space<vmem_shared>> -> memref<640x128xf32, #tpu.memory_space<vmem_shared>>
      tpu.enqueue_dma source(%dma_start3A_25 : memref<640x128xf32, #tpu.memory_space<vmem_shared>>) target(%dma_start3A_23 : memref<640x128xf32, #tpu.memory_space<hbm>>) target_semaphore(%run_scoped3A : memref<!tpu.dma_semaphore, #tpu.memory_space<semaphore_mem>>)
      %dma_wait3A = arith.constant 0 : i32
      %dma_wait3A_26 = tpu.memref_slice %arg5[%arg0, %mul3A_21, %dma_wait3A] : memref<2x10240x128xf32, #tpu.memory_space<hbm>> -> memref<1x640x128xf32, #tpu.memory_space<hbm>>
      %dma_wait3A_27 = tpu.memref_squeeze %dma_wait3A_26 : memref<1x640x128xf32, #tpu.memory_space<hbm>> -> memref<640x128xf32, #tpu.memory_space<hbm>>
      %dma_wait3A_28 = arith.constant 0 : i32
      %dma_wait3A_29 = tpu.memref_slice %arg6[%mul3A_19, %dma_wait3A_28] : memref<10240x128xf32, #tpu.memory_space<vmem_shared>> -> memref<640x128xf32, #tpu.memory_space<vmem_shared>>
      tpu.wait_dma2 semaphore(%run_scoped3A : memref<!tpu.dma_semaphore, #tpu.memory_space<semaphore_mem>>) src(%dma_wait3A_29 : memref<640x128xf32, #tpu.memory_space<vmem_shared>>) dst(%dma_wait3A_27 : memref<640x128xf32, #tpu.memory_space<hbm>>)
      tpu.yield
    }) : () -> ()
    return
  }
}

#map = affine_map<(d0, d1) -> (0, 0)>
#map1 = affine_map<(d0, d1) -> (0, 0, 0)>
module attributes {stable_mosaic.version = 14 : i64} {
  func.func @hop_kernel(%arg0: i32, %arg1: i32, %arg2: memref<10000x128xf32, #tpu.memory_space<hbm>>, %arg3: memref<2560x128xi32, #tpu.memory_space<hbm>>, %arg4: memref<2560x128xi32, #tpu.memory_space<hbm>>, %arg5: memref<2x10240x128xf32, #tpu.memory_space<hbm>>, %arg6: memref<10240x128xf32, #tpu.memory_space<vmem_shared>>, %arg7: memref<16x128xi32, #tpu.memory_space<vmem>>, %arg8: memref<16x128xi32, #tpu.memory_space<vmem>>, %arg9: memref<128x128xf32, #tpu.memory_space<vmem>>, %arg10: memref<128x128xf32, #tpu.memory_space<vmem>>, %arg11: memref<128xi32, #tpu.memory_space<vmem>>, %arg12: memref<128xi32, #tpu.memory_space<vmem>>, %arg13: memref<!tpu.dma_semaphore, #tpu.memory_space<semaphore_mem>>, %arg14: memref<!tpu.dma_semaphore, #tpu.memory_space<semaphore_mem>>) attributes {dimension_semantics = [#tpu.dimension_semantics<core_parallel>, #tpu.dimension_semantics<subcore_parallel>], iteration_bounds = array<i64: 2, 16>, scalar_prefetch = 0 : i64, scratch_operands = 9 : i64, tpu.core_type = #tpu.core_type<sc_vector_subcore>, window_params = [{transform_indices = #map}, {transform_indices = #map}, {transform_indices = #map}, {transform_indices = #map1}]} {
    %mul3A = arith.constant 16 : i32
    %mul3A_0 = arith.muli %arg0, %mul3A : i32
    %add3A = arith.addi %mul3A_0, %arg1 : i32
    %mul3A_1 = arith.constant 80 : i32
    %mul3A_2 = arith.muli %add3A, %mul3A_1 : i32
    %scan3A = arith.constant 0 : i32
    %scan3A_3 = arith.constant 128 : i32
    %scan3A_4 = arith.addi %scan3A, %scan3A_3 : i32
    %scan3A_5 = arith.constant 1 : i32
    scf.for %scan3A_22 = %scan3A to %scan3A_4 step %scan3A_5  : i32 {
      %mul3A_23 = arith.constant 1 : i32
      %mul3A_24 = arith.muli %scan3A_22, %mul3A_23 : i32
      %add3A_25 = arith.constant 0 : i32
      %add3A_26 = arith.addi %add3A_25, %mul3A_24 : i32
      %scan3A_27 = arith.constant 0 : i32
      %scan3A_28 = arith.constant 8 : i32
      %scan3A_29 = arith.addi %scan3A_27, %scan3A_28 : i32
      %scan3A_30 = arith.constant 1 : i32
      scf.for %scan3A_32 = %scan3A_27 to %scan3A_29 step %scan3A_30  : i32 {
        %mul3A_33 = arith.constant 1 : i32
        %mul3A_34 = arith.muli %scan3A_32, %mul3A_33 : i32
        %add3A_35 = arith.constant 0 : i32
        %add3A_36 = arith.addi %add3A_35, %mul3A_34 : i32
        %broadcast_in_dim3A = arith.constant 0.000000e+00 : f32
        %broadcast_in_dim3A_37 = vector.broadcast %broadcast_in_dim3A : f32 to vector<16xf32>
        %mul3A_38 = arith.constant 16 : i32
        %mul3A_39 = arith.muli %add3A_36, %mul3A_38 : i32
        %swap3A = arith.index_cast %add3A_26 : i32 to index
        %swap3A_40 = arith.index_cast %mul3A_39 : i32 to index
        %swap3A_41 = tpu.vector_load %arg9[%swap3A, %swap3A_40] {strides = array<i32>} : memref<128x128xf32, #tpu.memory_space<vmem>>, vector<1x16xf32>,
        %swap3A_42 = vector.shape_cast %swap3A_41 : vector<1x16xf32> to vector<16xf32>
        %swap3A_43 = vector.shape_cast %broadcast_in_dim3A_37 : vector<16xf32> to vector<1x16xf32>
        tpu.vector_store %arg9[%swap3A, %swap3A_40], %swap3A_43 {strides = array<i32>} : memref<128x128xf32, #tpu.memory_space<vmem>>, vector<1x16xf32>,
      }
      %scan3A_31 = arith.constant 8 : i32
    }
    %scan3A_6 = arith.constant 128 : i32
    %scan3A_7 = arith.constant 0 : i32
    %scan3A_8 = arith.constant 5 : i32
    %scan3A_9 = arith.addi %scan3A_7, %scan3A_8 : i32
    %scan3A_10 = arith.constant 1 : i32
    scf.for %scan3A_22 = %scan3A_7 to %scan3A_9 step %scan3A_10  : i32 {
      %mul3A_23 = arith.constant 1 : i32
      %mul3A_24 = arith.muli %scan3A_22, %mul3A_23 : i32
      %add3A_25 = arith.constant 0 : i32
      %add3A_26 = arith.addi %add3A_25, %mul3A_24 : i32
      %mul3A_27 = arith.constant 640 : i32
      %mul3A_28 = arith.muli %arg1, %mul3A_27 : i32
      %mul3A_29 = arith.constant 128 : i32
      %mul3A_30 = arith.muli %add3A_26, %mul3A_29 : i32
      %add3A_31 = arith.addi %mul3A_28, %mul3A_30 : i32
      "tpu.region"() ({
        %run_scoped3A = tpu.sem_alloc : memref<!tpu.dma_semaphore, #tpu.memory_space<semaphore_mem>>
        %dma_start3A = arith.constant 0 : i32
        %dma_start3A_32 = tpu.memref_slice %arg6[%add3A_31, %dma_start3A] : memref<10240x128xf32, #tpu.memory_space<vmem_shared>> -> memref<128x128xf32, #tpu.memory_space<vmem_shared>>
        %dma_start3A_33 = arith.constant 0 : i32
        %dma_start3A_34 = tpu.memref_slice %arg6[%add3A_31, %dma_start3A_33] : memref<10240x128xf32, #tpu.memory_space<vmem_shared>> -> memref<128x128xf32, #tpu.memory_space<vmem_shared>>
        tpu.enqueue_dma source(%arg9 : memref<128x128xf32, #tpu.memory_space<vmem>>) target(%dma_start3A_34 : memref<128x128xf32, #tpu.memory_space<vmem_shared>>) target_semaphore(%run_scoped3A : memref<!tpu.dma_semaphore, #tpu.memory_space<semaphore_mem>>)
        %dma_wait3A = arith.constant 0 : i32
        %dma_wait3A_35 = tpu.memref_slice %arg6[%add3A_31, %dma_wait3A] : memref<10240x128xf32, #tpu.memory_space<vmem_shared>> -> memref<128x128xf32, #tpu.memory_space<vmem_shared>>
        %dma_wait3A_36 = arith.constant 0 : i32
        %dma_wait3A_37 = tpu.memref_slice %arg6[%add3A_31, %dma_wait3A_36] : memref<10240x128xf32, #tpu.memory_space<vmem_shared>> -> memref<128x128xf32, #tpu.memory_space<vmem_shared>>
        tpu.wait_dma2 semaphore(%run_scoped3A : memref<!tpu.dma_semaphore, #tpu.memory_space<semaphore_mem>>) src(%arg9 : memref<128x128xf32, #tpu.memory_space<vmem>>) dst(%dma_wait3A_37 : memref<128x128xf32, #tpu.memory_space<vmem_shared>>)
        tpu.yield
      }) : () -> ()
    }
    %scan3A_11 = arith.constant 5 : i32
    %barrier3A = arith.constant 0 : index
    tpu.barrier barrier_id(%barrier3A)
    %scan3A_12 = arith.constant 0 : i32
    %scan3A_13 = arith.constant 5 : i32
    %scan3A_14 = arith.addi %scan3A_12, %scan3A_13 : i32
    %scan3A_15 = arith.constant 1 : i32
    scf.for %scan3A_22 = %scan3A_12 to %scan3A_14 step %scan3A_15  : i32 {
      %mul3A_23 = arith.constant 1 : i32
      %mul3A_24 = arith.muli %scan3A_22, %mul3A_23 : i32
      %add3A_25 = arith.constant 0 : i32
      %add3A_26 = arith.addi %add3A_25, %mul3A_24 : i32
      %mul3A_27 = arith.constant 16 : i32
      %mul3A_28 = arith.muli %add3A_26, %mul3A_27 : i32
      %add3A_29 = arith.addi %mul3A_2, %mul3A_28 : i32
      "tpu.region"() ({
        %run_scoped3A = tpu.sem_alloc : memref<!tpu.dma_semaphore, #tpu.memory_space<semaphore_mem>>
        %dma_start3A_46 = arith.constant 0 : i32
        %dma_start3A_47 = tpu.memref_slice %arg3[%add3A_29, %dma_start3A_46] : memref<2560x128xi32, #tpu.memory_space<hbm>> -> memref<16x128xi32, #tpu.memory_space<hbm>>
        %dma_start3A_48 = arith.constant 0 : i32
        %dma_start3A_49 = tpu.memref_slice %arg3[%add3A_29, %dma_start3A_48] : memref<2560x128xi32, #tpu.memory_space<hbm>> -> memref<16x128xi32, #tpu.memory_space<hbm>>
        tpu.enqueue_dma source(%dma_start3A_49 : memref<16x128xi32, #tpu.memory_space<hbm>>) target(%arg7 : memref<16x128xi32, #tpu.memory_space<vmem>>) target_semaphore(%run_scoped3A : memref<!tpu.dma_semaphore, #tpu.memory_space<semaphore_mem>>)
        %dma_wait3A = arith.constant 0 : i32
        %dma_wait3A_50 = tpu.memref_slice %arg3[%add3A_29, %dma_wait3A] : memref<2560x128xi32, #tpu.memory_space<hbm>> -> memref<16x128xi32, #tpu.memory_space<hbm>>
        %dma_wait3A_51 = arith.constant 0 : i32
        %dma_wait3A_52 = tpu.memref_slice %arg3[%add3A_29, %dma_wait3A_51] : memref<2560x128xi32, #tpu.memory_space<hbm>> -> memref<16x128xi32, #tpu.memory_space<hbm>>
        tpu.wait_dma2 semaphore(%run_scoped3A : memref<!tpu.dma_semaphore, #tpu.memory_space<semaphore_mem>>) src(%dma_wait3A_52 : memref<16x128xi32, #tpu.memory_space<hbm>>) dst(%arg7 : memref<16x128xi32, #tpu.memory_space<vmem>>)
        tpu.yield
      }) : () -> ()
      "tpu.region"() ({
        %run_scoped3A = tpu.sem_alloc : memref<!tpu.dma_semaphore, #tpu.memory_space<semaphore_mem>>
        %dma_start3A_46 = arith.constant 0 : i32
        %dma_start3A_47 = tpu.memref_slice %arg4[%add3A_29, %dma_start3A_46] : memref<2560x128xi32, #tpu.memory_space<hbm>> -> memref<16x128xi32, #tpu.memory_space<hbm>>
        %dma_start3A_48 = arith.constant 0 : i32
        %dma_start3A_49 = tpu.memref_slice %arg4[%add3A_29, %dma_start3A_48] : memref<2560x128xi32, #tpu.memory_space<hbm>> -> memref<16x128xi32, #tpu.memory_space<hbm>>
        tpu.enqueue_dma source(%dma_start3A_49 : memref<16x128xi32, #tpu.memory_space<hbm>>) target(%arg8 : memref<16x128xi32, #tpu.memory_space<vmem>>) target_semaphore(%run_scoped3A : memref<!tpu.dma_semaphore, #tpu.memory_space<semaphore_mem>>)
        %dma_wait3A = arith.constant 0 : i32
        %dma_wait3A_50 = tpu.memref_slice %arg4[%add3A_29, %dma_wait3A] : memref<2560x128xi32, #tpu.memory_space<hbm>> -> memref<16x128xi32, #tpu.memory_space<hbm>>
        %dma_wait3A_51 = arith.constant 0 : i32
        %dma_wait3A_52 = tpu.memref_slice %arg4[%add3A_29, %dma_wait3A_51] : memref<2560x128xi32, #tpu.memory_space<hbm>> -> memref<16x128xi32, #tpu.memory_space<hbm>>
        tpu.wait_dma2 semaphore(%run_scoped3A : memref<!tpu.dma_semaphore, #tpu.memory_space<semaphore_mem>>) src(%dma_wait3A_52 : memref<16x128xi32, #tpu.memory_space<hbm>>) dst(%arg8 : memref<16x128xi32, #tpu.memory_space<vmem>>)
        tpu.yield
      }) : () -> ()
      %dma_start3A = arith.constant 0 : i32
      %dma_start3A_30 = arith.constant 0 : i32
      %dma_start3A_31 = tpu.memref_slice %arg7[%dma_start3A, %dma_start3A_30] : memref<16x128xi32, #tpu.memory_space<vmem>> -> memref<1x128xi32, #tpu.memory_space<vmem>>
      %dma_start3A_32 = tpu.memref_squeeze %dma_start3A_31 : memref<1x128xi32, #tpu.memory_space<vmem>> -> memref<128xi32, #tpu.memory_space<vmem>>
      %dma_start3A_33 = arith.constant 0 : i32
      %dma_start3A_34 = arith.constant 0 : i32
      %dma_start3A_35 = tpu.memref_slice %arg2[%dma_start3A_33, %dma_start3A_34] : memref<10000x128xf32, #tpu.memory_space<hbm>> -> memref<10000x128xf32, #tpu.memory_space<hbm>>
      tpu.enqueue_indirect_dma source(%dma_start3A_35 : memref<10000x128xf32, #tpu.memory_space<hbm>>) target(%arg9 : memref<128x128xf32, #tpu.memory_space<vmem>>) offsets(%dma_start3A_32 : memref<128xi32, #tpu.memory_space<vmem>>) semaphore(%arg13 : memref<!tpu.dma_semaphore, #tpu.memory_space<semaphore_mem>>)
      %scan3A_36 = arith.constant 0 : i32
      %scan3A_37 = arith.constant 8 : i32
      %scan3A_38 = arith.addi %scan3A_36, %scan3A_37 : i32
      %scan3A_39 = arith.constant 1 : i32
      scf.for %scan3A_46 = %scan3A_36 to %scan3A_38 step %scan3A_39  : i32 {
        %mul3A_47 = arith.constant 1 : i32
        %mul3A_48 = arith.muli %scan3A_46, %mul3A_47 : i32
        %add3A_49 = arith.constant 0 : i32
        %add3A_50 = arith.addi %add3A_49, %mul3A_48 : i32
        %mul3A_51 = arith.constant 16 : i32
        %mul3A_52 = arith.muli %add3A_50, %mul3A_51 : i32
        %get3A = arith.constant 0 : i32
        %get3A_53 = arith.index_cast %get3A : i32 to index
        %get3A_54 = arith.index_cast %mul3A_52 : i32 to index
        %get3A_55 = tpu.vector_load %arg8[%get3A_53, %get3A_54] {strides = array<i32>} : memref<16x128xi32, #tpu.memory_space<vmem>>, vector<1x16xi32>,
        %get3A_56 = vector.shape_cast %get3A_55 : vector<1x16xi32> to vector<16xi32>
        %mul3A_57 = arith.constant 16 : i32
        %mul3A_58 = arith.muli %add3A_50, %mul3A_57 : i32
        %swap3A = arith.index_cast %mul3A_58 : i32 to index
        %swap3A_59 = tpu.vector_load %arg11[%swap3A] {strides = array<i32>} : memref<128xi32, #tpu.memory_space<vmem>>, vector<16xi32>,
        %swap3A_60 = vector.shape_cast %swap3A_59 : vector<16xi32> to vector<16xi32>
        %swap3A_61 = vector.shape_cast %get3A_56 : vector<16xi32> to vector<16xi32>
        tpu.vector_store %arg11[%swap3A], %swap3A_61 {strides = array<i32>} : memref<128xi32, #tpu.memory_space<vmem>>, vector<16xi32>,
      }
      %scan3A_40 = arith.constant 8 : i32
      %scan3A_41 = arith.constant 0 : i32
      %scan3A_42 = arith.constant 8 : i32
      %scan3A_43 = arith.addi %scan3A_41, %scan3A_42 : i32
      %scan3A_44 = arith.constant 1 : i32
      scf.for %scan3A_46 = %scan3A_41 to %scan3A_43 step %scan3A_44  : i32 {
        %mul3A_47 = arith.constant 1 : i32
        %mul3A_48 = arith.muli %scan3A_46, %mul3A_47 : i32
        %add3A_49 = arith.constant 0 : i32
        %add3A_50 = arith.addi %add3A_49, %mul3A_48 : i32
        %mul3A_51 = arith.constant 2 : i32
        %mul3A_52 = arith.muli %mul3A_51, %add3A_50 : i32
        %add3A_53 = arith.constant 1 : i32
        %add3A_54 = arith.addi %mul3A_52, %add3A_53 : i32
        %dma_start3A_55 = arith.constant 0 : i32
        %dma_start3A_56 = tpu.memref_slice %arg7[%add3A_54, %dma_start3A_55] : memref<16x128xi32, #tpu.memory_space<vmem>> -> memref<1x128xi32, #tpu.memory_space<vmem>>
        %dma_start3A_57 = tpu.memref_squeeze %dma_start3A_56 : memref<1x128xi32, #tpu.memory_space<vmem>> -> memref<128xi32, #tpu.memory_space<vmem>>
        %dma_start3A_58 = arith.constant 0 : i32
        %dma_start3A_59 = arith.constant 0 : i32
        %dma_start3A_60 = tpu.memref_slice %arg2[%dma_start3A_58, %dma_start3A_59] : memref<10000x128xf32, #tpu.memory_space<hbm>> -> memref<10000x128xf32, #tpu.memory_space<hbm>>
        tpu.enqueue_indirect_dma source(%dma_start3A_60 : memref<10000x128xf32, #tpu.memory_space<hbm>>) target(%arg10 : memref<128x128xf32, #tpu.memory_space<vmem>>) offsets(%dma_start3A_57 : memref<128xi32, #tpu.memory_space<vmem>>) semaphore(%arg14 : memref<!tpu.dma_semaphore, #tpu.memory_space<semaphore_mem>>)
        %scan3A_61 = arith.constant 0 : i32
        %scan3A_62 = arith.constant 8 : i32
        %scan3A_63 = arith.addi %scan3A_61, %scan3A_62 : i32
        %scan3A_64 = arith.constant 1 : i32
        scf.for %scan3A_81 = %scan3A_61 to %scan3A_63 step %scan3A_64  : i32 {
          %mul3A_82 = arith.constant 1 : i32
          %mul3A_83 = arith.muli %scan3A_81, %mul3A_82 : i32
          %add3A_84 = arith.constant 0 : i32
          %add3A_85 = arith.addi %add3A_84, %mul3A_83 : i32
          %mul3A_86 = arith.constant 16 : i32
          %mul3A_87 = arith.muli %add3A_85, %mul3A_86 : i32
          %get3A = arith.index_cast %add3A_54 : i32 to index
          %get3A_88 = arith.index_cast %mul3A_87 : i32 to index
          %get3A_89 = tpu.vector_load %arg8[%get3A, %get3A_88] {strides = array<i32>} : memref<16x128xi32, #tpu.memory_space<vmem>>, vector<1x16xi32>,
          %get3A_90 = vector.shape_cast %get3A_89 : vector<1x16xi32> to vector<16xi32>
          %mul3A_91 = arith.constant 16 : i32
          %mul3A_92 = arith.muli %add3A_85, %mul3A_91 : i32
          %swap3A = arith.index_cast %mul3A_92 : i32 to index
          %swap3A_93 = tpu.vector_load %arg12[%swap3A] {strides = array<i32>} : memref<128xi32, #tpu.memory_space<vmem>>, vector<16xi32>,
          %swap3A_94 = vector.shape_cast %swap3A_93 : vector<16xi32> to vector<16xi32>
          %swap3A_95 = vector.shape_cast %get3A_90 : vector<16xi32> to vector<16xi32>
          tpu.vector_store %arg12[%swap3A], %swap3A_95 {strides = array<i32>} : memref<128xi32, #tpu.memory_space<vmem>>, vector<16xi32>,
        }
        %scan3A_65 = arith.constant 8 : i32
        %dma_wait3A = arith.constant 0 : i32
        %dma_wait3A_66 = arith.constant 0 : i32
        %dma_wait3A_67 = tpu.memref_slice %arg2[%dma_wait3A, %dma_wait3A_66] : memref<10000x128xf32, #tpu.memory_space<hbm>> -> memref<128x128xf32, #tpu.memory_space<hbm>>
        %dma_wait3A_68 = arith.constant 0 : i32
        %dma_wait3A_69 = arith.constant 0 : i32
        %dma_wait3A_70 = tpu.memref_slice %arg2[%dma_wait3A_68, %dma_wait3A_69] : memref<10000x128xf32, #tpu.memory_space<hbm>> -> memref<128x128xf32, #tpu.memory_space<hbm>>
        tpu.wait_dma2 semaphore(%arg13 : memref<!tpu.dma_semaphore, #tpu.memory_space<semaphore_mem>>) src(%dma_wait3A_70 : memref<128x128xf32, #tpu.memory_space<hbm>>) dst(%arg9 : memref<128x128xf32, #tpu.memory_space<vmem>>)
        "tpu.region"() ({
          %run_scoped3A = tpu.sem_alloc : memref<!tpu.dma_semaphore, #tpu.memory_space<semaphore_mem>>
          %dma_start3A_81 = arith.constant 0 : i32
          %dma_start3A_82 = arith.constant 0 : i32
          %dma_start3A_83 = tpu.memref_slice %arg6[%dma_start3A_81, %dma_start3A_82] : memref<10240x128xf32, #tpu.memory_space<vmem_shared>> -> memref<10240x128xf32, #tpu.memory_space<vmem_shared>>
          tpu.enqueue_indirect_dma source(%arg9 : memref<128x128xf32, #tpu.memory_space<vmem>>) target(%dma_start3A_83 : memref<10240x128xf32, #tpu.memory_space<vmem_shared>>) offsets(%arg11 : memref<128xi32, #tpu.memory_space<vmem>>) semaphore(%run_scoped3A : memref<!tpu.dma_semaphore, #tpu.memory_space<semaphore_mem>>) {add = true}
          %dma_wait3A_84 = arith.constant 0 : i32
          %dma_wait3A_85 = arith.constant 0 : i32
          %dma_wait3A_86 = tpu.memref_slice %arg6[%dma_wait3A_84, %dma_wait3A_85] : memref<10240x128xf32, #tpu.memory_space<vmem_shared>> -> memref<10240x128xf32, #tpu.memory_space<vmem_shared>>
          tpu.wait_indirect_dma semaphore(%run_scoped3A : memref<!tpu.dma_semaphore, #tpu.memory_space<semaphore_mem>>) src(%arg9 : memref<128x128xf32, #tpu.memory_space<vmem>>) dst(%dma_wait3A_86 : memref<10240x128xf32, #tpu.memory_space<vmem_shared>>)
          tpu.yield
        }) : () -> ()
        %add3A_71 = arith.constant 1 : i32
        %add3A_72 = arith.addi %add3A_54, %add3A_71 : i32
        %lt3A = arith.constant 16 : i32
        %lt3A_73 = arith.cmpi slt, %add3A_72, %lt3A : i32
        %convert_element_type3A = arith.extui %lt3A_73 : i1 to i32
        %cond3A = arith.constant 0 : i32
        %cond3A_74 = arith.cmpi ne, %convert_element_type3A, %cond3A : i32
        scf.if %cond3A_74 {
          %add3A_81 = arith.constant 1 : i32
          %add3A_82 = arith.addi %add3A_54, %add3A_81 : i32
          %dma_start3A_83 = arith.constant 0 : i32
          %dma_start3A_84 = tpu.memref_slice %arg7[%add3A_82, %dma_start3A_83] : memref<16x128xi32, #tpu.memory_space<vmem>> -> memref<1x128xi32, #tpu.memory_space<vmem>>
          %dma_start3A_85 = tpu.memref_squeeze %dma_start3A_84 : memref<1x128xi32, #tpu.memory_space<vmem>> -> memref<128xi32, #tpu.memory_space<vmem>>
          %dma_start3A_86 = arith.constant 0 : i32
          %dma_start3A_87 = arith.constant 0 : i32
          %dma_start3A_88 = tpu.memref_slice %arg2[%dma_start3A_86, %dma_start3A_87] : memref<10000x128xf32, #tpu.memory_space<hbm>> -> memref<10000x128xf32, #tpu.memory_space<hbm>>
          tpu.enqueue_indirect_dma source(%dma_start3A_88 : memref<10000x128xf32, #tpu.memory_space<hbm>>) target(%arg9 : memref<128x128xf32, #tpu.memory_space<vmem>>) offsets(%dma_start3A_85 : memref<128xi32, #tpu.memory_space<vmem>>) semaphore(%arg13 : memref<!tpu.dma_semaphore, #tpu.memory_space<semaphore_mem>>)
          %scan3A_89 = arith.constant 0 : i32
          %scan3A_90 = arith.constant 8 : i32
          %scan3A_91 = arith.addi %scan3A_89, %scan3A_90 : i32
          %scan3A_92 = arith.constant 1 : i32
          scf.for %scan3A_94 = %scan3A_89 to %scan3A_91 step %scan3A_92  : i32 {
            %mul3A_95 = arith.constant 1 : i32
            %mul3A_96 = arith.muli %scan3A_94, %mul3A_95 : i32
            %add3A_97 = arith.constant 0 : i32
            %add3A_98 = arith.addi %add3A_97, %mul3A_96 : i32
            %mul3A_99 = arith.constant 16 : i32
            %mul3A_100 = arith.muli %add3A_98, %mul3A_99 : i32
            %get3A = arith.index_cast %add3A_82 : i32 to index
            %get3A_101 = arith.index_cast %mul3A_100 : i32 to index
            %get3A_102 = tpu.vector_load %arg8[%get3A, %get3A_101] {strides = array<i32>} : memref<16x128xi32, #tpu.memory_space<vmem>>, vector<1x16xi32>,
            %get3A_103 = vector.shape_cast %get3A_102 : vector<1x16xi32> to vector<16xi32>
            %mul3A_104 = arith.constant 16 : i32
            %mul3A_105 = arith.muli %add3A_98, %mul3A_104 : i32
            %swap3A = arith.index_cast %mul3A_105 : i32 to index
            %swap3A_106 = tpu.vector_load %arg11[%swap3A] {strides = array<i32>} : memref<128xi32, #tpu.memory_space<vmem>>, vector<16xi32>,
            %swap3A_107 = vector.shape_cast %swap3A_106 : vector<16xi32> to vector<16xi32>
            %swap3A_108 = vector.shape_cast %get3A_103 : vector<16xi32> to vector<16xi32>
            tpu.vector_store %arg11[%swap3A], %swap3A_108 {strides = array<i32>} : memref<128xi32, #tpu.memory_space<vmem>>, vector<16xi32>,
          }
          %scan3A_93 = arith.constant 8 : i32
        } else {
        }
        %dma_wait3A_75 = arith.constant 0 : i32
        %dma_wait3A_76 = arith.constant 0 : i32
        %dma_wait3A_77 = tpu.memref_slice %arg2[%dma_wait3A_75, %dma_wait3A_76] : memref<10000x128xf32, #tpu.memory_space<hbm>> -> memref<128x128xf32, #tpu.memory_space<hbm>>
        %dma_wait3A_78 = arith.constant 0 : i32
        %dma_wait3A_79 = arith.constant 0 : i32
        %dma_wait3A_80 = tpu.memref_slice %arg2[%dma_wait3A_78, %dma_wait3A_79] : memref<10000x128xf32, #tpu.memory_space<hbm>> -> memref<128x128xf32, #tpu.memory_space<hbm>>
        tpu.wait_dma2 semaphore(%arg14 : memref<!tpu.dma_semaphore, #tpu.memory_space<semaphore_mem>>) src(%dma_wait3A_80 : memref<128x128xf32, #tpu.memory_space<hbm>>) dst(%arg10 : memref<128x128xf32, #tpu.memory_space<vmem>>)
        "tpu.region"() ({
          %run_scoped3A = tpu.sem_alloc : memref<!tpu.dma_semaphore, #tpu.memory_space<semaphore_mem>>
          %dma_start3A_81 = arith.constant 0 : i32
          %dma_start3A_82 = arith.constant 0 : i32
          %dma_start3A_83 = tpu.memref_slice %arg6[%dma_start3A_81, %dma_start3A_82] : memref<10240x128xf32, #tpu.memory_space<vmem_shared>> -> memref<10240x128xf32, #tpu.memory_space<vmem_shared>>
          tpu.enqueue_indirect_dma source(%arg10 : memref<128x128xf32, #tpu.memory_space<vmem>>) target(%dma_start3A_83 : memref<10240x128xf32, #tpu.memory_space<vmem_shared>>) offsets(%arg12 : memref<128xi32, #tpu.memory_space<vmem>>) semaphore(%run_scoped3A : memref<!tpu.dma_semaphore, #tpu.memory_space<semaphore_mem>>) {add = true}
          %dma_wait3A_84 = arith.constant 0 : i32
          %dma_wait3A_85 = arith.constant 0 : i32
          %dma_wait3A_86 = tpu.memref_slice %arg6[%dma_wait3A_84, %dma_wait3A_85] : memref<10240x128xf32, #tpu.memory_space<vmem_shared>> -> memref<10240x128xf32, #tpu.memory_space<vmem_shared>>
          tpu.wait_indirect_dma semaphore(%run_scoped3A : memref<!tpu.dma_semaphore, #tpu.memory_space<semaphore_mem>>) src(%arg10 : memref<128x128xf32, #tpu.memory_space<vmem>>) dst(%dma_wait3A_86 : memref<10240x128xf32, #tpu.memory_space<vmem_shared>>)
          tpu.yield
        }) : () -> ()
      }
      %scan3A_45 = arith.constant 8 : i32
    }
    %scan3A_16 = arith.constant 5 : i32
    %barrier3A_17 = arith.constant 0 : index
    tpu.barrier barrier_id(%barrier3A_17)
    %mul3A_18 = arith.constant 640 : i32
    %mul3A_19 = arith.muli %arg1, %mul3A_18 : i32
    %mul3A_20 = arith.constant 640 : i32
    %mul3A_21 = arith.muli %arg1, %mul3A_20 : i32
    "tpu.region"() ({
      %run_scoped3A = tpu.sem_alloc : memref<!tpu.dma_semaphore, #tpu.memory_space<semaphore_mem>>
      %dma_start3A = arith.constant 0 : i32
      %dma_start3A_22 = tpu.memref_slice %arg5[%arg0, %mul3A_21, %dma_start3A] : memref<2x10240x128xf32, #tpu.memory_space<hbm>> -> memref<1x640x128xf32, #tpu.memory_space<hbm>>
      %dma_start3A_23 = tpu.memref_squeeze %dma_start3A_22 : memref<1x640x128xf32, #tpu.memory_space<hbm>> -> memref<640x128xf32, #tpu.memory_space<hbm>>
      %dma_start3A_24 = arith.constant 0 : i32
      %dma_start3A_25 = tpu.memref_slice %arg6[%mul3A_19, %dma_start3A_24] : memref<10240x128xf32, #tpu.memory_space<vmem_shared>> -> memref<640x128xf32, #tpu.memory_space<vmem_shared>>
      tpu.enqueue_dma source(%dma_start3A_25 : memref<640x128xf32, #tpu.memory_space<vmem_shared>>) target(%dma_start3A_23 : memref<640x128xf32, #tpu.memory_space<hbm>>) target_semaphore(%run_scoped3A : memref<!tpu.dma_semaphore, #tpu.memory_space<semaphore_mem>>)
      %dma_wait3A = arith.constant 0 : i32
      %dma_wait3A_26 = tpu.memref_slice %arg5[%arg0, %mul3A_21, %dma_wait3A] : memref<2x10240x128xf32, #tpu.memory_space<hbm>> -> memref<1x640x128xf32, #tpu.memory_space<hbm>>
      %dma_wait3A_27 = tpu.memref_squeeze %dma_wait3A_26 : memref<1x640x128xf32, #tpu.memory_space<hbm>> -> memref<640x128xf32, #tpu.memory_space<hbm>>
      %dma_wait3A_28 = arith.constant 0 : i32
      %dma_wait3A_29 = tpu.memref_slice %arg6[%mul3A_19, %dma_wait3A_28] : memref<10240x128xf32, #tpu.memory_space<vmem_shared>> -> memref<640x128xf32, #tpu.memory_space<vmem_shared>>
      tpu.wait_dma2 semaphore(%run_scoped3A : memref<!tpu.dma_semaphore, #tpu.memory_space<semaphore_mem>>) src(%dma_wait3A_29 : memref<640x128xf32, #tpu.memory_space<vmem_shared>>) dst(%dma_wait3A_27 : memref<640x128xf32, #tpu.memory_space<hbm>>)
      tpu.yield
    }) : () -> ()
    return
  }
}

#map = affine_map<(d0, d1) -> (0, 0)>
#map1 = affine_map<(d0, d1) -> (0, 0, 0)>
module attributes {stable_mosaic.version = 14 : i64} {
  func.func @hop_kernel(%arg0: i32, %arg1: i32, %arg2: memref<10000x128xf32, #tpu.memory_space<hbm>>, %arg3: memref<2560x128xi32, #tpu.memory_space<hbm>>, %arg4: memref<2560x128xi32, #tpu.memory_space<hbm>>, %arg5: memref<2x10240x128xf32, #tpu.memory_space<hbm>>, %arg6: memref<10240x128xf32, #tpu.memory_space<vmem_shared>>, %arg7: memref<16x128xi32, #tpu.memory_space<vmem>>, %arg8: memref<16x128xi32, #tpu.memory_space<vmem>>, %arg9: memref<128x128xf32, #tpu.memory_space<vmem>>, %arg10: memref<128x128xf32, #tpu.memory_space<vmem>>, %arg11: memref<128xi32, #tpu.memory_space<vmem>>, %arg12: memref<128xi32, #tpu.memory_space<vmem>>, %arg13: memref<!tpu.dma_semaphore, #tpu.memory_space<semaphore_mem>>, %arg14: memref<!tpu.dma_semaphore, #tpu.memory_space<semaphore_mem>>) attributes {dimension_semantics = [#tpu.dimension_semantics<core_parallel>, #tpu.dimension_semantics<subcore_parallel>], iteration_bounds = array<i64: 2, 16>, scalar_prefetch = 0 : i64, scratch_operands = 9 : i64, tpu.core_type = #tpu.core_type<sc_vector_subcore>, window_params = [{transform_indices = #map}, {transform_indices = #map}, {transform_indices = #map}, {transform_indices = #map1}]} {
    %mul3A = arith.constant 16 : i32
    %mul3A_0 = arith.muli %arg0, %mul3A : i32
    %add3A = arith.addi %mul3A_0, %arg1 : i32
    %mul3A_1 = arith.constant 80 : i32
    %mul3A_2 = arith.muli %add3A, %mul3A_1 : i32
    %scan3A = arith.constant 0 : i32
    %scan3A_3 = arith.constant 128 : i32
    %scan3A_4 = arith.addi %scan3A, %scan3A_3 : i32
    %scan3A_5 = arith.constant 1 : i32
    scf.for %scan3A_22 = %scan3A to %scan3A_4 step %scan3A_5  : i32 {
      %mul3A_23 = arith.constant 1 : i32
      %mul3A_24 = arith.muli %scan3A_22, %mul3A_23 : i32
      %add3A_25 = arith.constant 0 : i32
      %add3A_26 = arith.addi %add3A_25, %mul3A_24 : i32
      %scan3A_27 = arith.constant 0 : i32
      %scan3A_28 = arith.constant 8 : i32
      %scan3A_29 = arith.addi %scan3A_27, %scan3A_28 : i32
      %scan3A_30 = arith.constant 1 : i32
      scf.for %scan3A_32 = %scan3A_27 to %scan3A_29 step %scan3A_30  : i32 {
        %mul3A_33 = arith.constant 1 : i32
        %mul3A_34 = arith.muli %scan3A_32, %mul3A_33 : i32
        %add3A_35 = arith.constant 0 : i32
        %add3A_36 = arith.addi %add3A_35, %mul3A_34 : i32
        %broadcast_in_dim3A = arith.constant 0.000000e+00 : f32
        %broadcast_in_dim3A_37 = vector.broadcast %broadcast_in_dim3A : f32 to vector<16xf32>
        %mul3A_38 = arith.constant 16 : i32
        %mul3A_39 = arith.muli %add3A_36, %mul3A_38 : i32
        %swap3A = arith.index_cast %add3A_26 : i32 to index
        %swap3A_40 = arith.index_cast %mul3A_39 : i32 to index
        %swap3A_41 = tpu.vector_load %arg9[%swap3A, %swap3A_40] {strides = array<i32>} : memref<128x128xf32, #tpu.memory_space<vmem>>, vector<1x16xf32>,
        %swap3A_42 = vector.shape_cast %swap3A_41 : vector<1x16xf32> to vector<16xf32>
        %swap3A_43 = vector.shape_cast %broadcast_in_dim3A_37 : vector<16xf32> to vector<1x16xf32>
        tpu.vector_store %arg9[%swap3A, %swap3A_40], %swap3A_43 {strides = array<i32>} : memref<128x128xf32, #tpu.memory_space<vmem>>, vector<1x16xf32>,
      }
      %scan3A_31 = arith.constant 8 : i32
    }
    %scan3A_6 = arith.constant 128 : i32
    %scan3A_7 = arith.constant 0 : i32
    %scan3A_8 = arith.constant 5 : i32
    %scan3A_9 = arith.addi %scan3A_7, %scan3A_8 : i32
    %scan3A_10 = arith.constant 1 : i32
    scf.for %scan3A_22 = %scan3A_7 to %scan3A_9 step %scan3A_10  : i32 {
      %mul3A_23 = arith.constant 1 : i32
      %mul3A_24 = arith.muli %scan3A_22, %mul3A_23 : i32
      %add3A_25 = arith.constant 0 : i32
      %add3A_26 = arith.addi %add3A_25, %mul3A_24 : i32
      %mul3A_27 = arith.constant 640 : i32
      %mul3A_28 = arith.muli %arg1, %mul3A_27 : i32
      %mul3A_29 = arith.constant 128 : i32
      %mul3A_30 = arith.muli %add3A_26, %mul3A_29 : i32
      %add3A_31 = arith.addi %mul3A_28, %mul3A_30 : i32
      "tpu.region"() ({
        %run_scoped3A = tpu.sem_alloc : memref<!tpu.dma_semaphore, #tpu.memory_space<semaphore_mem>>
        %dma_start3A = arith.constant 0 : i32
        %dma_start3A_32 = tpu.memref_slice %arg6[%add3A_31, %dma_start3A] : memref<10240x128xf32, #tpu.memory_space<vmem_shared>> -> memref<128x128xf32, #tpu.memory_space<vmem_shared>>
        %dma_start3A_33 = arith.constant 0 : i32
        %dma_start3A_34 = tpu.memref_slice %arg6[%add3A_31, %dma_start3A_33] : memref<10240x128xf32, #tpu.memory_space<vmem_shared>> -> memref<128x128xf32, #tpu.memory_space<vmem_shared>>
        tpu.enqueue_dma source(%arg9 : memref<128x128xf32, #tpu.memory_space<vmem>>) target(%dma_start3A_34 : memref<128x128xf32, #tpu.memory_space<vmem_shared>>) target_semaphore(%run_scoped3A : memref<!tpu.dma_semaphore, #tpu.memory_space<semaphore_mem>>)
        %dma_wait3A = arith.constant 0 : i32
        %dma_wait3A_35 = tpu.memref_slice %arg6[%add3A_31, %dma_wait3A] : memref<10240x128xf32, #tpu.memory_space<vmem_shared>> -> memref<128x128xf32, #tpu.memory_space<vmem_shared>>
        %dma_wait3A_36 = arith.constant 0 : i32
        %dma_wait3A_37 = tpu.memref_slice %arg6[%add3A_31, %dma_wait3A_36] : memref<10240x128xf32, #tpu.memory_space<vmem_shared>> -> memref<128x128xf32, #tpu.memory_space<vmem_shared>>
        tpu.wait_dma2 semaphore(%run_scoped3A : memref<!tpu.dma_semaphore, #tpu.memory_space<semaphore_mem>>) src(%arg9 : memref<128x128xf32, #tpu.memory_space<vmem>>) dst(%dma_wait3A_37 : memref<128x128xf32, #tpu.memory_space<vmem_shared>>)
        tpu.yield
      }) : () -> ()
    }
    %scan3A_11 = arith.constant 5 : i32
    %barrier3A = arith.constant 0 : index
    tpu.barrier barrier_id(%barrier3A)
    %scan3A_12 = arith.constant 0 : i32
    %scan3A_13 = arith.constant 5 : i32
    %scan3A_14 = arith.addi %scan3A_12, %scan3A_13 : i32
    %scan3A_15 = arith.constant 1 : i32
    scf.for %scan3A_22 = %scan3A_12 to %scan3A_14 step %scan3A_15  : i32 {
      %mul3A_23 = arith.constant 1 : i32
      %mul3A_24 = arith.muli %scan3A_22, %mul3A_23 : i32
      %add3A_25 = arith.constant 0 : i32
      %add3A_26 = arith.addi %add3A_25, %mul3A_24 : i32
      %mul3A_27 = arith.constant 16 : i32
      %mul3A_28 = arith.muli %add3A_26, %mul3A_27 : i32
      %add3A_29 = arith.addi %mul3A_2, %mul3A_28 : i32
      "tpu.region"() ({
        %run_scoped3A = tpu.sem_alloc : memref<!tpu.dma_semaphore, #tpu.memory_space<semaphore_mem>>
        %dma_start3A_46 = arith.constant 0 : i32
        %dma_start3A_47 = tpu.memref_slice %arg3[%add3A_29, %dma_start3A_46] : memref<2560x128xi32, #tpu.memory_space<hbm>> -> memref<16x128xi32, #tpu.memory_space<hbm>>
        %dma_start3A_48 = arith.constant 0 : i32
        %dma_start3A_49 = tpu.memref_slice %arg3[%add3A_29, %dma_start3A_48] : memref<2560x128xi32, #tpu.memory_space<hbm>> -> memref<16x128xi32, #tpu.memory_space<hbm>>
        tpu.enqueue_dma source(%dma_start3A_49 : memref<16x128xi32, #tpu.memory_space<hbm>>) target(%arg7 : memref<16x128xi32, #tpu.memory_space<vmem>>) target_semaphore(%run_scoped3A : memref<!tpu.dma_semaphore, #tpu.memory_space<semaphore_mem>>)
        %dma_wait3A = arith.constant 0 : i32
        %dma_wait3A_50 = tpu.memref_slice %arg3[%add3A_29, %dma_wait3A] : memref<2560x128xi32, #tpu.memory_space<hbm>> -> memref<16x128xi32, #tpu.memory_space<hbm>>
        %dma_wait3A_51 = arith.constant 0 : i32
        %dma_wait3A_52 = tpu.memref_slice %arg3[%add3A_29, %dma_wait3A_51] : memref<2560x128xi32, #tpu.memory_space<hbm>> -> memref<16x128xi32, #tpu.memory_space<hbm>>
        tpu.wait_dma2 semaphore(%run_scoped3A : memref<!tpu.dma_semaphore, #tpu.memory_space<semaphore_mem>>) src(%dma_wait3A_52 : memref<16x128xi32, #tpu.memory_space<hbm>>) dst(%arg7 : memref<16x128xi32, #tpu.memory_space<vmem>>)
        tpu.yield
      }) : () -> ()
      "tpu.region"() ({
        %run_scoped3A = tpu.sem_alloc : memref<!tpu.dma_semaphore, #tpu.memory_space<semaphore_mem>>
        %dma_start3A_46 = arith.constant 0 : i32
        %dma_start3A_47 = tpu.memref_slice %arg4[%add3A_29, %dma_start3A_46] : memref<2560x128xi32, #tpu.memory_space<hbm>> -> memref<16x128xi32, #tpu.memory_space<hbm>>
        %dma_start3A_48 = arith.constant 0 : i32
        %dma_start3A_49 = tpu.memref_slice %arg4[%add3A_29, %dma_start3A_48] : memref<2560x128xi32, #tpu.memory_space<hbm>> -> memref<16x128xi32, #tpu.memory_space<hbm>>
        tpu.enqueue_dma source(%dma_start3A_49 : memref<16x128xi32, #tpu.memory_space<hbm>>) target(%arg8 : memref<16x128xi32, #tpu.memory_space<vmem>>) target_semaphore(%run_scoped3A : memref<!tpu.dma_semaphore, #tpu.memory_space<semaphore_mem>>)
        %dma_wait3A = arith.constant 0 : i32
        %dma_wait3A_50 = tpu.memref_slice %arg4[%add3A_29, %dma_wait3A] : memref<2560x128xi32, #tpu.memory_space<hbm>> -> memref<16x128xi32, #tpu.memory_space<hbm>>
        %dma_wait3A_51 = arith.constant 0 : i32
        %dma_wait3A_52 = tpu.memref_slice %arg4[%add3A_29, %dma_wait3A_51] : memref<2560x128xi32, #tpu.memory_space<hbm>> -> memref<16x128xi32, #tpu.memory_space<hbm>>
        tpu.wait_dma2 semaphore(%run_scoped3A : memref<!tpu.dma_semaphore, #tpu.memory_space<semaphore_mem>>) src(%dma_wait3A_52 : memref<16x128xi32, #tpu.memory_space<hbm>>) dst(%arg8 : memref<16x128xi32, #tpu.memory_space<vmem>>)
        tpu.yield
      }) : () -> ()
      %dma_start3A = arith.constant 0 : i32
      %dma_start3A_30 = arith.constant 0 : i32
      %dma_start3A_31 = tpu.memref_slice %arg7[%dma_start3A, %dma_start3A_30] : memref<16x128xi32, #tpu.memory_space<vmem>> -> memref<1x128xi32, #tpu.memory_space<vmem>>
      %dma_start3A_32 = tpu.memref_squeeze %dma_start3A_31 : memref<1x128xi32, #tpu.memory_space<vmem>> -> memref<128xi32, #tpu.memory_space<vmem>>
      %dma_start3A_33 = arith.constant 0 : i32
      %dma_start3A_34 = arith.constant 0 : i32
      %dma_start3A_35 = tpu.memref_slice %arg2[%dma_start3A_33, %dma_start3A_34] : memref<10000x128xf32, #tpu.memory_space<hbm>> -> memref<10000x128xf32, #tpu.memory_space<hbm>>
      tpu.enqueue_indirect_dma source(%dma_start3A_35 : memref<10000x128xf32, #tpu.memory_space<hbm>>) target(%arg9 : memref<128x128xf32, #tpu.memory_space<vmem>>) offsets(%dma_start3A_32 : memref<128xi32, #tpu.memory_space<vmem>>) semaphore(%arg13 : memref<!tpu.dma_semaphore, #tpu.memory_space<semaphore_mem>>)
      %scan3A_36 = arith.constant 0 : i32
      %scan3A_37 = arith.constant 8 : i32
      %scan3A_38 = arith.addi %scan3A_36, %scan3A_37 : i32
      %scan3A_39 = arith.constant 1 : i32
      scf.for %scan3A_46 = %scan3A_36 to %scan3A_38 step %scan3A_39  : i32 {
        %mul3A_47 = arith.constant 1 : i32
        %mul3A_48 = arith.muli %scan3A_46, %mul3A_47 : i32
        %add3A_49 = arith.constant 0 : i32
        %add3A_50 = arith.addi %add3A_49, %mul3A_48 : i32
        %mul3A_51 = arith.constant 16 : i32
        %mul3A_52 = arith.muli %add3A_50, %mul3A_51 : i32
        %get3A = arith.constant 0 : i32
        %get3A_53 = arith.index_cast %get3A : i32 to index
        %get3A_54 = arith.index_cast %mul3A_52 : i32 to index
        %get3A_55 = tpu.vector_load %arg8[%get3A_53, %get3A_54] {strides = array<i32>} : memref<16x128xi32, #tpu.memory_space<vmem>>, vector<1x16xi32>,
        %get3A_56 = vector.shape_cast %get3A_55 : vector<1x16xi32> to vector<16xi32>
        %mul3A_57 = arith.constant 16 : i32
        %mul3A_58 = arith.muli %add3A_50, %mul3A_57 : i32
        %swap3A = arith.index_cast %mul3A_58 : i32 to index
        %swap3A_59 = tpu.vector_load %arg11[%swap3A] {strides = array<i32>} : memref<128xi32, #tpu.memory_space<vmem>>, vector<16xi32>,
        %swap3A_60 = vector.shape_cast %swap3A_59 : vector<16xi32> to vector<16xi32>
        %swap3A_61 = vector.shape_cast %get3A_56 : vector<16xi32> to vector<16xi32>
        tpu.vector_store %arg11[%swap3A], %swap3A_61 {strides = array<i32>} : memref<128xi32, #tpu.memory_space<vmem>>, vector<16xi32>,
      }
      %scan3A_40 = arith.constant 8 : i32
      %scan3A_41 = arith.constant 0 : i32
      %scan3A_42 = arith.constant 8 : i32
      %scan3A_43 = arith.addi %scan3A_41, %scan3A_42 : i32
      %scan3A_44 = arith.constant 1 : i32
      scf.for %scan3A_46 = %scan3A_41 to %scan3A_43 step %scan3A_44  : i32 {
        %mul3A_47 = arith.constant 1 : i32
        %mul3A_48 = arith.muli %scan3A_46, %mul3A_47 : i32
        %add3A_49 = arith.constant 0 : i32
        %add3A_50 = arith.addi %add3A_49, %mul3A_48 : i32
        %mul3A_51 = arith.constant 2 : i32
        %mul3A_52 = arith.muli %mul3A_51, %add3A_50 : i32
        %add3A_53 = arith.constant 1 : i32
        %add3A_54 = arith.addi %mul3A_52, %add3A_53 : i32
        %dma_start3A_55 = arith.constant 0 : i32
        %dma_start3A_56 = tpu.memref_slice %arg7[%add3A_54, %dma_start3A_55] : memref<16x128xi32, #tpu.memory_space<vmem>> -> memref<1x128xi32, #tpu.memory_space<vmem>>
        %dma_start3A_57 = tpu.memref_squeeze %dma_start3A_56 : memref<1x128xi32, #tpu.memory_space<vmem>> -> memref<128xi32, #tpu.memory_space<vmem>>
        %dma_start3A_58 = arith.constant 0 : i32
        %dma_start3A_59 = arith.constant 0 : i32
        %dma_start3A_60 = tpu.memref_slice %arg2[%dma_start3A_58, %dma_start3A_59] : memref<10000x128xf32, #tpu.memory_space<hbm>> -> memref<10000x128xf32, #tpu.memory_space<hbm>>
        tpu.enqueue_indirect_dma source(%dma_start3A_60 : memref<10000x128xf32, #tpu.memory_space<hbm>>) target(%arg10 : memref<128x128xf32, #tpu.memory_space<vmem>>) offsets(%dma_start3A_57 : memref<128xi32, #tpu.memory_space<vmem>>) semaphore(%arg14 : memref<!tpu.dma_semaphore, #tpu.memory_space<semaphore_mem>>)
        %scan3A_61 = arith.constant 0 : i32
        %scan3A_62 = arith.constant 8 : i32
        %scan3A_63 = arith.addi %scan3A_61, %scan3A_62 : i32
        %scan3A_64 = arith.constant 1 : i32
        scf.for %scan3A_81 = %scan3A_61 to %scan3A_63 step %scan3A_64  : i32 {
          %mul3A_82 = arith.constant 1 : i32
          %mul3A_83 = arith.muli %scan3A_81, %mul3A_82 : i32
          %add3A_84 = arith.constant 0 : i32
          %add3A_85 = arith.addi %add3A_84, %mul3A_83 : i32
          %mul3A_86 = arith.constant 16 : i32
          %mul3A_87 = arith.muli %add3A_85, %mul3A_86 : i32
          %get3A = arith.index_cast %add3A_54 : i32 to index
          %get3A_88 = arith.index_cast %mul3A_87 : i32 to index
          %get3A_89 = tpu.vector_load %arg8[%get3A, %get3A_88] {strides = array<i32>} : memref<16x128xi32, #tpu.memory_space<vmem>>, vector<1x16xi32>,
          %get3A_90 = vector.shape_cast %get3A_89 : vector<1x16xi32> to vector<16xi32>
          %mul3A_91 = arith.constant 16 : i32
          %mul3A_92 = arith.muli %add3A_85, %mul3A_91 : i32
          %swap3A = arith.index_cast %mul3A_92 : i32 to index
          %swap3A_93 = tpu.vector_load %arg12[%swap3A] {strides = array<i32>} : memref<128xi32, #tpu.memory_space<vmem>>, vector<16xi32>,
          %swap3A_94 = vector.shape_cast %swap3A_93 : vector<16xi32> to vector<16xi32>
          %swap3A_95 = vector.shape_cast %get3A_90 : vector<16xi32> to vector<16xi32>
          tpu.vector_store %arg12[%swap3A], %swap3A_95 {strides = array<i32>} : memref<128xi32, #tpu.memory_space<vmem>>, vector<16xi32>,
        }
        %scan3A_65 = arith.constant 8 : i32
        %dma_wait3A = arith.constant 0 : i32
        %dma_wait3A_66 = arith.constant 0 : i32
        %dma_wait3A_67 = tpu.memref_slice %arg2[%dma_wait3A, %dma_wait3A_66] : memref<10000x128xf32, #tpu.memory_space<hbm>> -> memref<128x128xf32, #tpu.memory_space<hbm>>
        %dma_wait3A_68 = arith.constant 0 : i32
        %dma_wait3A_69 = arith.constant 0 : i32
        %dma_wait3A_70 = tpu.memref_slice %arg2[%dma_wait3A_68, %dma_wait3A_69] : memref<10000x128xf32, #tpu.memory_space<hbm>> -> memref<128x128xf32, #tpu.memory_space<hbm>>
        tpu.wait_dma2 semaphore(%arg13 : memref<!tpu.dma_semaphore, #tpu.memory_space<semaphore_mem>>) src(%dma_wait3A_70 : memref<128x128xf32, #tpu.memory_space<hbm>>) dst(%arg9 : memref<128x128xf32, #tpu.memory_space<vmem>>)
        "tpu.region"() ({
          %run_scoped3A = tpu.sem_alloc : memref<!tpu.dma_semaphore, #tpu.memory_space<semaphore_mem>>
          %dma_start3A_81 = arith.constant 0 : i32
          %dma_start3A_82 = arith.constant 0 : i32
          %dma_start3A_83 = tpu.memref_slice %arg6[%dma_start3A_81, %dma_start3A_82] : memref<10240x128xf32, #tpu.memory_space<vmem_shared>> -> memref<10240x128xf32, #tpu.memory_space<vmem_shared>>
          tpu.enqueue_indirect_dma source(%arg9 : memref<128x128xf32, #tpu.memory_space<vmem>>) target(%dma_start3A_83 : memref<10240x128xf32, #tpu.memory_space<vmem_shared>>) offsets(%arg11 : memref<128xi32, #tpu.memory_space<vmem>>) semaphore(%run_scoped3A : memref<!tpu.dma_semaphore, #tpu.memory_space<semaphore_mem>>) {add = true}
          %dma_wait3A_84 = arith.constant 0 : i32
          %dma_wait3A_85 = arith.constant 0 : i32
          %dma_wait3A_86 = tpu.memref_slice %arg6[%dma_wait3A_84, %dma_wait3A_85] : memref<10240x128xf32, #tpu.memory_space<vmem_shared>> -> memref<10240x128xf32, #tpu.memory_space<vmem_shared>>
          tpu.wait_indirect_dma semaphore(%run_scoped3A : memref<!tpu.dma_semaphore, #tpu.memory_space<semaphore_mem>>) src(%arg9 : memref<128x128xf32, #tpu.memory_space<vmem>>) dst(%dma_wait3A_86 : memref<10240x128xf32, #tpu.memory_space<vmem_shared>>)
          tpu.yield
        }) : () -> ()
        %add3A_71 = arith.constant 1 : i32
        %add3A_72 = arith.addi %add3A_54, %add3A_71 : i32
        %lt3A = arith.constant 16 : i32
        %lt3A_73 = arith.cmpi slt, %add3A_72, %lt3A : i32
        %convert_element_type3A = arith.extui %lt3A_73 : i1 to i32
        %cond3A = arith.constant 0 : i32
        %cond3A_74 = arith.cmpi ne, %convert_element_type3A, %cond3A : i32
        scf.if %cond3A_74 {
          %add3A_81 = arith.constant 1 : i32
          %add3A_82 = arith.addi %add3A_54, %add3A_81 : i32
          %dma_start3A_83 = arith.constant 0 : i32
          %dma_start3A_84 = tpu.memref_slice %arg7[%add3A_82, %dma_start3A_83] : memref<16x128xi32, #tpu.memory_space<vmem>> -> memref<1x128xi32, #tpu.memory_space<vmem>>
          %dma_start3A_85 = tpu.memref_squeeze %dma_start3A_84 : memref<1x128xi32, #tpu.memory_space<vmem>> -> memref<128xi32, #tpu.memory_space<vmem>>
          %dma_start3A_86 = arith.constant 0 : i32
          %dma_start3A_87 = arith.constant 0 : i32
          %dma_start3A_88 = tpu.memref_slice %arg2[%dma_start3A_86, %dma_start3A_87] : memref<10000x128xf32, #tpu.memory_space<hbm>> -> memref<10000x128xf32, #tpu.memory_space<hbm>>
          tpu.enqueue_indirect_dma source(%dma_start3A_88 : memref<10000x128xf32, #tpu.memory_space<hbm>>) target(%arg9 : memref<128x128xf32, #tpu.memory_space<vmem>>) offsets(%dma_start3A_85 : memref<128xi32, #tpu.memory_space<vmem>>) semaphore(%arg13 : memref<!tpu.dma_semaphore, #tpu.memory_space<semaphore_mem>>)
          %scan3A_89 = arith.constant 0 : i32
          %scan3A_90 = arith.constant 8 : i32
          %scan3A_91 = arith.addi %scan3A_89, %scan3A_90 : i32
          %scan3A_92 = arith.constant 1 : i32
          scf.for %scan3A_94 = %scan3A_89 to %scan3A_91 step %scan3A_92  : i32 {
            %mul3A_95 = arith.constant 1 : i32
            %mul3A_96 = arith.muli %scan3A_94, %mul3A_95 : i32
            %add3A_97 = arith.constant 0 : i32
            %add3A_98 = arith.addi %add3A_97, %mul3A_96 : i32
            %mul3A_99 = arith.constant 16 : i32
            %mul3A_100 = arith.muli %add3A_98, %mul3A_99 : i32
            %get3A = arith.index_cast %add3A_82 : i32 to index
            %get3A_101 = arith.index_cast %mul3A_100 : i32 to index
            %get3A_102 = tpu.vector_load %arg8[%get3A, %get3A_101] {strides = array<i32>} : memref<16x128xi32, #tpu.memory_space<vmem>>, vector<1x16xi32>,
            %get3A_103 = vector.shape_cast %get3A_102 : vector<1x16xi32> to vector<16xi32>
            %mul3A_104 = arith.constant 16 : i32
            %mul3A_105 = arith.muli %add3A_98, %mul3A_104 : i32
            %swap3A = arith.index_cast %mul3A_105 : i32 to index
            %swap3A_106 = tpu.vector_load %arg11[%swap3A] {strides = array<i32>} : memref<128xi32, #tpu.memory_space<vmem>>, vector<16xi32>,
            %swap3A_107 = vector.shape_cast %swap3A_106 : vector<16xi32> to vector<16xi32>
            %swap3A_108 = vector.shape_cast %get3A_103 : vector<16xi32> to vector<16xi32>
            tpu.vector_store %arg11[%swap3A], %swap3A_108 {strides = array<i32>} : memref<128xi32, #tpu.memory_space<vmem>>, vector<16xi32>,
          }
          %scan3A_93 = arith.constant 8 : i32
        } else {
        }
        %dma_wait3A_75 = arith.constant 0 : i32
        %dma_wait3A_76 = arith.constant 0 : i32
        %dma_wait3A_77 = tpu.memref_slice %arg2[%dma_wait3A_75, %dma_wait3A_76] : memref<10000x128xf32, #tpu.memory_space<hbm>> -> memref<128x128xf32, #tpu.memory_space<hbm>>
        %dma_wait3A_78 = arith.constant 0 : i32
        %dma_wait3A_79 = arith.constant 0 : i32
        %dma_wait3A_80 = tpu.memref_slice %arg2[%dma_wait3A_78, %dma_wait3A_79] : memref<10000x128xf32, #tpu.memory_space<hbm>> -> memref<128x128xf32, #tpu.memory_space<hbm>>
        tpu.wait_dma2 semaphore(%arg14 : memref<!tpu.dma_semaphore, #tpu.memory_space<semaphore_mem>>) src(%dma_wait3A_80 : memref<128x128xf32, #tpu.memory_space<hbm>>) dst(%arg10 : memref<128x128xf32, #tpu.memory_space<vmem>>)
        "tpu.region"() ({
          %run_scoped3A = tpu.sem_alloc : memref<!tpu.dma_semaphore, #tpu.memory_space<semaphore_mem>>
          %dma_start3A_81 = arith.constant 0 : i32
          %dma_start3A_82 = arith.constant 0 : i32
          %dma_start3A_83 = tpu.memref_slice %arg6[%dma_start3A_81, %dma_start3A_82] : memref<10240x128xf32, #tpu.memory_space<vmem_shared>> -> memref<10240x128xf32, #tpu.memory_space<vmem_shared>>
          tpu.enqueue_indirect_dma source(%arg10 : memref<128x128xf32, #tpu.memory_space<vmem>>) target(%dma_start3A_83 : memref<10240x128xf32, #tpu.memory_space<vmem_shared>>) offsets(%arg12 : memref<128xi32, #tpu.memory_space<vmem>>) semaphore(%run_scoped3A : memref<!tpu.dma_semaphore, #tpu.memory_space<semaphore_mem>>) {add = true}
          %dma_wait3A_84 = arith.constant 0 : i32
          %dma_wait3A_85 = arith.constant 0 : i32
          %dma_wait3A_86 = tpu.memref_slice %arg6[%dma_wait3A_84, %dma_wait3A_85] : memref<10240x128xf32, #tpu.memory_space<vmem_shared>> -> memref<10240x128xf32, #tpu.memory_space<vmem_shared>>
          tpu.wait_indirect_dma semaphore(%run_scoped3A : memref<!tpu.dma_semaphore, #tpu.memory_space<semaphore_mem>>) src(%arg10 : memref<128x128xf32, #tpu.memory_space<vmem>>) dst(%dma_wait3A_86 : memref<10240x128xf32, #tpu.memory_space<vmem_shared>>)
          tpu.yield
        }) : () -> ()
      }
      %scan3A_45 = arith.constant 8 : i32
    }
    %scan3A_16 = arith.constant 5 : i32
    %barrier3A_17 = arith.constant 0 : index
    tpu.barrier barrier_id(%barrier3A_17)
    %mul3A_18 = arith.constant 640 : i32
    %mul3A_19 = arith.muli %arg1, %mul3A_18 : i32
    %mul3A_20 = arith.constant 640 : i32
    %mul3A_21 = arith.muli %arg1, %mul3A_20 : i32
    "tpu.region"() ({
      %run_scoped3A = tpu.sem_alloc : memref<!tpu.dma_semaphore, #tpu.memory_space<semaphore_mem>>
      %dma_start3A = arith.constant 0 : i32
      %dma_start3A_22 = tpu.memref_slice %arg5[%arg0, %mul3A_21, %dma_start3A] : memref<2x10240x128xf32, #tpu.memory_space<hbm>> -> memref<1x640x128xf32, #tpu.memory_space<hbm>>
      %dma_start3A_23 = tpu.memref_squeeze %dma_start3A_22 : memref<1x640x128xf32, #tpu.memory_space<hbm>> -> memref<640x128xf32, #tpu.memory_space<hbm>>
      %dma_start3A_24 = arith.constant 0 : i32
      %dma_start3A_25 = tpu.memref_slice %arg6[%mul3A_19, %dma_start3A_24] : memref<10240x128xf32, #tpu.memory_space<vmem_shared>> -> memref<640x128xf32, #tpu.memory_space<vmem_shared>>
      tpu.enqueue_dma source(%dma_start3A_25 : memref<640x128xf32, #tpu.memory_space<vmem_shared>>) target(%dma_start3A_23 : memref<640x128xf32, #tpu.memory_space<hbm>>) target_semaphore(%run_scoped3A : memref<!tpu.dma_semaphore, #tpu.memory_space<semaphore_mem>>)
      %dma_wait3A = arith.constant 0 : i32
      %dma_wait3A_26 = tpu.memref_slice %arg5[%arg0, %mul3A_21, %dma_wait3A] : memref<2x10240x128xf32, #tpu.memory_space<hbm>> -> memref<1x640x128xf32, #tpu.memory_space<hbm>>
      %dma_wait3A_27 = tpu.memref_squeeze %dma_wait3A_26 : memref<1x640x128xf32, #tpu.memory_space<hbm>> -> memref<640x128xf32, #tpu.memory_space<hbm>>
      %dma_wait3A_28 = arith.constant 0 : i32
      %dma_wait3A_29 = tpu.memref_slice %arg6[%mul3A_19, %dma_wait3A_28] : memref<10240x128xf32, #tpu.memory_space<vmem_shared>> -> memref<640x128xf32, #tpu.memory_space<vmem_shared>>
      tpu.wait_dma2 semaphore(%run_scoped3A : memref<!tpu.dma_semaphore, #tpu.memory_space<semaphore_mem>>) src(%dma_wait3A_29 : memref<640x128xf32, #tpu.memory_space<vmem_shared>>) dst(%dma_wait3A_27 : memref<640x128xf32, #tpu.memory_space<hbm>>)
      tpu.yield
    }) : () -> ()
    return
  }
}

#map = affine_map<(d0, d1) -> (0, 0)>
#map1 = affine_map<(d0, d1) -> (0, 0, 0)>
module attributes {stable_mosaic.version = 14 : i64} {
  func.func @hop_kernel(%arg0: i32, %arg1: i32, %arg2: memref<10000x128xf32, #tpu.memory_space<hbm>>, %arg3: memref<2560x128xi32, #tpu.memory_space<hbm>>, %arg4: memref<2560x128xi32, #tpu.memory_space<hbm>>, %arg5: memref<2x10240x128xf32, #tpu.memory_space<hbm>>, %arg6: memref<10240x128xf32, #tpu.memory_space<vmem_shared>>, %arg7: memref<16x128xi32, #tpu.memory_space<vmem>>, %arg8: memref<16x128xi32, #tpu.memory_space<vmem>>, %arg9: memref<128x128xf32, #tpu.memory_space<vmem>>, %arg10: memref<128x128xf32, #tpu.memory_space<vmem>>, %arg11: memref<128xi32, #tpu.memory_space<vmem>>, %arg12: memref<128xi32, #tpu.memory_space<vmem>>, %arg13: memref<!tpu.dma_semaphore, #tpu.memory_space<semaphore_mem>>, %arg14: memref<!tpu.dma_semaphore, #tpu.memory_space<semaphore_mem>>) attributes {dimension_semantics = [#tpu.dimension_semantics<core_parallel>, #tpu.dimension_semantics<subcore_parallel>], iteration_bounds = array<i64: 2, 16>, scalar_prefetch = 0 : i64, scratch_operands = 9 : i64, tpu.core_type = #tpu.core_type<sc_vector_subcore>, window_params = [{transform_indices = #map}, {transform_indices = #map}, {transform_indices = #map}, {transform_indices = #map1}]} {
    %mul3A = arith.constant 16 : i32
    %mul3A_0 = arith.muli %arg0, %mul3A : i32
    %add3A = arith.addi %mul3A_0, %arg1 : i32
    %mul3A_1 = arith.constant 80 : i32
    %mul3A_2 = arith.muli %add3A, %mul3A_1 : i32
    %scan3A = arith.constant 0 : i32
    %scan3A_3 = arith.constant 128 : i32
    %scan3A_4 = arith.addi %scan3A, %scan3A_3 : i32
    %scan3A_5 = arith.constant 1 : i32
    scf.for %scan3A_22 = %scan3A to %scan3A_4 step %scan3A_5  : i32 {
      %mul3A_23 = arith.constant 1 : i32
      %mul3A_24 = arith.muli %scan3A_22, %mul3A_23 : i32
      %add3A_25 = arith.constant 0 : i32
      %add3A_26 = arith.addi %add3A_25, %mul3A_24 : i32
      %scan3A_27 = arith.constant 0 : i32
      %scan3A_28 = arith.constant 8 : i32
      %scan3A_29 = arith.addi %scan3A_27, %scan3A_28 : i32
      %scan3A_30 = arith.constant 1 : i32
      scf.for %scan3A_32 = %scan3A_27 to %scan3A_29 step %scan3A_30  : i32 {
        %mul3A_33 = arith.constant 1 : i32
        %mul3A_34 = arith.muli %scan3A_32, %mul3A_33 : i32
        %add3A_35 = arith.constant 0 : i32
        %add3A_36 = arith.addi %add3A_35, %mul3A_34 : i32
        %broadcast_in_dim3A = arith.constant 0.000000e+00 : f32
        %broadcast_in_dim3A_37 = vector.broadcast %broadcast_in_dim3A : f32 to vector<16xf32>
        %mul3A_38 = arith.constant 16 : i32
        %mul3A_39 = arith.muli %add3A_36, %mul3A_38 : i32
        %swap3A = arith.index_cast %add3A_26 : i32 to index
        %swap3A_40 = arith.index_cast %mul3A_39 : i32 to index
        %swap3A_41 = tpu.vector_load %arg9[%swap3A, %swap3A_40] {strides = array<i32>} : memref<128x128xf32, #tpu.memory_space<vmem>>, vector<1x16xf32>,
        %swap3A_42 = vector.shape_cast %swap3A_41 : vector<1x16xf32> to vector<16xf32>
        %swap3A_43 = vector.shape_cast %broadcast_in_dim3A_37 : vector<16xf32> to vector<1x16xf32>
        tpu.vector_store %arg9[%swap3A, %swap3A_40], %swap3A_43 {strides = array<i32>} : memref<128x128xf32, #tpu.memory_space<vmem>>, vector<1x16xf32>,
      }
      %scan3A_31 = arith.constant 8 : i32
    }
    %scan3A_6 = arith.constant 128 : i32
    %scan3A_7 = arith.constant 0 : i32
    %scan3A_8 = arith.constant 5 : i32
    %scan3A_9 = arith.addi %scan3A_7, %scan3A_8 : i32
    %scan3A_10 = arith.constant 1 : i32
    scf.for %scan3A_22 = %scan3A_7 to %scan3A_9 step %scan3A_10  : i32 {
      %mul3A_23 = arith.constant 1 : i32
      %mul3A_24 = arith.muli %scan3A_22, %mul3A_23 : i32
      %add3A_25 = arith.constant 0 : i32
      %add3A_26 = arith.addi %add3A_25, %mul3A_24 : i32
      %mul3A_27 = arith.constant 640 : i32
      %mul3A_28 = arith.muli %arg1, %mul3A_27 : i32
      %mul3A_29 = arith.constant 128 : i32
      %mul3A_30 = arith.muli %add3A_26, %mul3A_29 : i32
      %add3A_31 = arith.addi %mul3A_28, %mul3A_30 : i32
      "tpu.region"() ({
        %run_scoped3A = tpu.sem_alloc : memref<!tpu.dma_semaphore, #tpu.memory_space<semaphore_mem>>
        %dma_start3A = arith.constant 0 : i32
        %dma_start3A_32 = tpu.memref_slice %arg6[%add3A_31, %dma_start3A] : memref<10240x128xf32, #tpu.memory_space<vmem_shared>> -> memref<128x128xf32, #tpu.memory_space<vmem_shared>>
        %dma_start3A_33 = arith.constant 0 : i32
        %dma_start3A_34 = tpu.memref_slice %arg6[%add3A_31, %dma_start3A_33] : memref<10240x128xf32, #tpu.memory_space<vmem_shared>> -> memref<128x128xf32, #tpu.memory_space<vmem_shared>>
        tpu.enqueue_dma source(%arg9 : memref<128x128xf32, #tpu.memory_space<vmem>>) target(%dma_start3A_34 : memref<128x128xf32, #tpu.memory_space<vmem_shared>>) target_semaphore(%run_scoped3A : memref<!tpu.dma_semaphore, #tpu.memory_space<semaphore_mem>>)
        %dma_wait3A = arith.constant 0 : i32
        %dma_wait3A_35 = tpu.memref_slice %arg6[%add3A_31, %dma_wait3A] : memref<10240x128xf32, #tpu.memory_space<vmem_shared>> -> memref<128x128xf32, #tpu.memory_space<vmem_shared>>
        %dma_wait3A_36 = arith.constant 0 : i32
        %dma_wait3A_37 = tpu.memref_slice %arg6[%add3A_31, %dma_wait3A_36] : memref<10240x128xf32, #tpu.memory_space<vmem_shared>> -> memref<128x128xf32, #tpu.memory_space<vmem_shared>>
        tpu.wait_dma2 semaphore(%run_scoped3A : memref<!tpu.dma_semaphore, #tpu.memory_space<semaphore_mem>>) src(%arg9 : memref<128x128xf32, #tpu.memory_space<vmem>>) dst(%dma_wait3A_37 : memref<128x128xf32, #tpu.memory_space<vmem_shared>>)
        tpu.yield
      }) : () -> ()
    }
    %scan3A_11 = arith.constant 5 : i32
    %barrier3A = arith.constant 0 : index
    tpu.barrier barrier_id(%barrier3A)
    %scan3A_12 = arith.constant 0 : i32
    %scan3A_13 = arith.constant 5 : i32
    %scan3A_14 = arith.addi %scan3A_12, %scan3A_13 : i32
    %scan3A_15 = arith.constant 1 : i32
    scf.for %scan3A_22 = %scan3A_12 to %scan3A_14 step %scan3A_15  : i32 {
      %mul3A_23 = arith.constant 1 : i32
      %mul3A_24 = arith.muli %scan3A_22, %mul3A_23 : i32
      %add3A_25 = arith.constant 0 : i32
      %add3A_26 = arith.addi %add3A_25, %mul3A_24 : i32
      %mul3A_27 = arith.constant 16 : i32
      %mul3A_28 = arith.muli %add3A_26, %mul3A_27 : i32
      %add3A_29 = arith.addi %mul3A_2, %mul3A_28 : i32
      "tpu.region"() ({
        %run_scoped3A = tpu.sem_alloc : memref<!tpu.dma_semaphore, #tpu.memory_space<semaphore_mem>>
        %dma_start3A_46 = arith.constant 0 : i32
        %dma_start3A_47 = tpu.memref_slice %arg3[%add3A_29, %dma_start3A_46] : memref<2560x128xi32, #tpu.memory_space<hbm>> -> memref<16x128xi32, #tpu.memory_space<hbm>>
        %dma_start3A_48 = arith.constant 0 : i32
        %dma_start3A_49 = tpu.memref_slice %arg3[%add3A_29, %dma_start3A_48] : memref<2560x128xi32, #tpu.memory_space<hbm>> -> memref<16x128xi32, #tpu.memory_space<hbm>>
        tpu.enqueue_dma source(%dma_start3A_49 : memref<16x128xi32, #tpu.memory_space<hbm>>) target(%arg7 : memref<16x128xi32, #tpu.memory_space<vmem>>) target_semaphore(%run_scoped3A : memref<!tpu.dma_semaphore, #tpu.memory_space<semaphore_mem>>)
        %dma_wait3A = arith.constant 0 : i32
        %dma_wait3A_50 = tpu.memref_slice %arg3[%add3A_29, %dma_wait3A] : memref<2560x128xi32, #tpu.memory_space<hbm>> -> memref<16x128xi32, #tpu.memory_space<hbm>>
        %dma_wait3A_51 = arith.constant 0 : i32
        %dma_wait3A_52 = tpu.memref_slice %arg3[%add3A_29, %dma_wait3A_51] : memref<2560x128xi32, #tpu.memory_space<hbm>> -> memref<16x128xi32, #tpu.memory_space<hbm>>
        tpu.wait_dma2 semaphore(%run_scoped3A : memref<!tpu.dma_semaphore, #tpu.memory_space<semaphore_mem>>) src(%dma_wait3A_52 : memref<16x128xi32, #tpu.memory_space<hbm>>) dst(%arg7 : memref<16x128xi32, #tpu.memory_space<vmem>>)
        tpu.yield
      }) : () -> ()
      "tpu.region"() ({
        %run_scoped3A = tpu.sem_alloc : memref<!tpu.dma_semaphore, #tpu.memory_space<semaphore_mem>>
        %dma_start3A_46 = arith.constant 0 : i32
        %dma_start3A_47 = tpu.memref_slice %arg4[%add3A_29, %dma_start3A_46] : memref<2560x128xi32, #tpu.memory_space<hbm>> -> memref<16x128xi32, #tpu.memory_space<hbm>>
        %dma_start3A_48 = arith.constant 0 : i32
        %dma_start3A_49 = tpu.memref_slice %arg4[%add3A_29, %dma_start3A_48] : memref<2560x128xi32, #tpu.memory_space<hbm>> -> memref<16x128xi32, #tpu.memory_space<hbm>>
        tpu.enqueue_dma source(%dma_start3A_49 : memref<16x128xi32, #tpu.memory_space<hbm>>) target(%arg8 : memref<16x128xi32, #tpu.memory_space<vmem>>) target_semaphore(%run_scoped3A : memref<!tpu.dma_semaphore, #tpu.memory_space<semaphore_mem>>)
        %dma_wait3A = arith.constant 0 : i32
        %dma_wait3A_50 = tpu.memref_slice %arg4[%add3A_29, %dma_wait3A] : memref<2560x128xi32, #tpu.memory_space<hbm>> -> memref<16x128xi32, #tpu.memory_space<hbm>>
        %dma_wait3A_51 = arith.constant 0 : i32
        %dma_wait3A_52 = tpu.memref_slice %arg4[%add3A_29, %dma_wait3A_51] : memref<2560x128xi32, #tpu.memory_space<hbm>> -> memref<16x128xi32, #tpu.memory_space<hbm>>
        tpu.wait_dma2 semaphore(%run_scoped3A : memref<!tpu.dma_semaphore, #tpu.memory_space<semaphore_mem>>) src(%dma_wait3A_52 : memref<16x128xi32, #tpu.memory_space<hbm>>) dst(%arg8 : memref<16x128xi32, #tpu.memory_space<vmem>>)
        tpu.yield
      }) : () -> ()
      %dma_start3A = arith.constant 0 : i32
      %dma_start3A_30 = arith.constant 0 : i32
      %dma_start3A_31 = tpu.memref_slice %arg7[%dma_start3A, %dma_start3A_30] : memref<16x128xi32, #tpu.memory_space<vmem>> -> memref<1x128xi32, #tpu.memory_space<vmem>>
      %dma_start3A_32 = tpu.memref_squeeze %dma_start3A_31 : memref<1x128xi32, #tpu.memory_space<vmem>> -> memref<128xi32, #tpu.memory_space<vmem>>
      %dma_start3A_33 = arith.constant 0 : i32
      %dma_start3A_34 = arith.constant 0 : i32
      %dma_start3A_35 = tpu.memref_slice %arg2[%dma_start3A_33, %dma_start3A_34] : memref<10000x128xf32, #tpu.memory_space<hbm>> -> memref<10000x128xf32, #tpu.memory_space<hbm>>
      tpu.enqueue_indirect_dma source(%dma_start3A_35 : memref<10000x128xf32, #tpu.memory_space<hbm>>) target(%arg9 : memref<128x128xf32, #tpu.memory_space<vmem>>) offsets(%dma_start3A_32 : memref<128xi32, #tpu.memory_space<vmem>>) semaphore(%arg13 : memref<!tpu.dma_semaphore, #tpu.memory_space<semaphore_mem>>)
      %scan3A_36 = arith.constant 0 : i32
      %scan3A_37 = arith.constant 8 : i32
      %scan3A_38 = arith.addi %scan3A_36, %scan3A_37 : i32
      %scan3A_39 = arith.constant 1 : i32
      scf.for %scan3A_46 = %scan3A_36 to %scan3A_38 step %scan3A_39  : i32 {
        %mul3A_47 = arith.constant 1 : i32
        %mul3A_48 = arith.muli %scan3A_46, %mul3A_47 : i32
        %add3A_49 = arith.constant 0 : i32
        %add3A_50 = arith.addi %add3A_49, %mul3A_48 : i32
        %mul3A_51 = arith.constant 16 : i32
        %mul3A_52 = arith.muli %add3A_50, %mul3A_51 : i32
        %get3A = arith.constant 0 : i32
        %get3A_53 = arith.index_cast %get3A : i32 to index
        %get3A_54 = arith.index_cast %mul3A_52 : i32 to index
        %get3A_55 = tpu.vector_load %arg8[%get3A_53, %get3A_54] {strides = array<i32>} : memref<16x128xi32, #tpu.memory_space<vmem>>, vector<1x16xi32>,
        %get3A_56 = vector.shape_cast %get3A_55 : vector<1x16xi32> to vector<16xi32>
        %mul3A_57 = arith.constant 16 : i32
        %mul3A_58 = arith.muli %add3A_50, %mul3A_57 : i32
        %swap3A = arith.index_cast %mul3A_58 : i32 to index
        %swap3A_59 = tpu.vector_load %arg11[%swap3A] {strides = array<i32>} : memref<128xi32, #tpu.memory_space<vmem>>, vector<16xi32>,
        %swap3A_60 = vector.shape_cast %swap3A_59 : vector<16xi32> to vector<16xi32>
        %swap3A_61 = vector.shape_cast %get3A_56 : vector<16xi32> to vector<16xi32>
        tpu.vector_store %arg11[%swap3A], %swap3A_61 {strides = array<i32>} : memref<128xi32, #tpu.memory_space<vmem>>, vector<16xi32>,
      }
      %scan3A_40 = arith.constant 8 : i32
      %scan3A_41 = arith.constant 0 : i32
      %scan3A_42 = arith.constant 8 : i32
      %scan3A_43 = arith.addi %scan3A_41, %scan3A_42 : i32
      %scan3A_44 = arith.constant 1 : i32
      scf.for %scan3A_46 = %scan3A_41 to %scan3A_43 step %scan3A_44  : i32 {
        %mul3A_47 = arith.constant 1 : i32
        %mul3A_48 = arith.muli %scan3A_46, %mul3A_47 : i32
        %add3A_49 = arith.constant 0 : i32
        %add3A_50 = arith.addi %add3A_49, %mul3A_48 : i32
        %mul3A_51 = arith.constant 2 : i32
        %mul3A_52 = arith.muli %mul3A_51, %add3A_50 : i32
        %add3A_53 = arith.constant 1 : i32
        %add3A_54 = arith.addi %mul3A_52, %add3A_53 : i32
        %dma_start3A_55 = arith.constant 0 : i32
        %dma_start3A_56 = tpu.memref_slice %arg7[%add3A_54, %dma_start3A_55] : memref<16x128xi32, #tpu.memory_space<vmem>> -> memref<1x128xi32, #tpu.memory_space<vmem>>
        %dma_start3A_57 = tpu.memref_squeeze %dma_start3A_56 : memref<1x128xi32, #tpu.memory_space<vmem>> -> memref<128xi32, #tpu.memory_space<vmem>>
        %dma_start3A_58 = arith.constant 0 : i32
        %dma_start3A_59 = arith.constant 0 : i32
        %dma_start3A_60 = tpu.memref_slice %arg2[%dma_start3A_58, %dma_start3A_59] : memref<10000x128xf32, #tpu.memory_space<hbm>> -> memref<10000x128xf32, #tpu.memory_space<hbm>>
        tpu.enqueue_indirect_dma source(%dma_start3A_60 : memref<10000x128xf32, #tpu.memory_space<hbm>>) target(%arg10 : memref<128x128xf32, #tpu.memory_space<vmem>>) offsets(%dma_start3A_57 : memref<128xi32, #tpu.memory_space<vmem>>) semaphore(%arg14 : memref<!tpu.dma_semaphore, #tpu.memory_space<semaphore_mem>>)
        %scan3A_61 = arith.constant 0 : i32
        %scan3A_62 = arith.constant 8 : i32
        %scan3A_63 = arith.addi %scan3A_61, %scan3A_62 : i32
        %scan3A_64 = arith.constant 1 : i32
        scf.for %scan3A_81 = %scan3A_61 to %scan3A_63 step %scan3A_64  : i32 {
          %mul3A_82 = arith.constant 1 : i32
          %mul3A_83 = arith.muli %scan3A_81, %mul3A_82 : i32
          %add3A_84 = arith.constant 0 : i32
          %add3A_85 = arith.addi %add3A_84, %mul3A_83 : i32
          %mul3A_86 = arith.constant 16 : i32
          %mul3A_87 = arith.muli %add3A_85, %mul3A_86 : i32
          %get3A = arith.index_cast %add3A_54 : i32 to index
          %get3A_88 = arith.index_cast %mul3A_87 : i32 to index
          %get3A_89 = tpu.vector_load %arg8[%get3A, %get3A_88] {strides = array<i32>} : memref<16x128xi32, #tpu.memory_space<vmem>>, vector<1x16xi32>,
          %get3A_90 = vector.shape_cast %get3A_89 : vector<1x16xi32> to vector<16xi32>
          %mul3A_91 = arith.constant 16 : i32
          %mul3A_92 = arith.muli %add3A_85, %mul3A_91 : i32
          %swap3A = arith.index_cast %mul3A_92 : i32 to index
          %swap3A_93 = tpu.vector_load %arg12[%swap3A] {strides = array<i32>} : memref<128xi32, #tpu.memory_space<vmem>>, vector<16xi32>,
          %swap3A_94 = vector.shape_cast %swap3A_93 : vector<16xi32> to vector<16xi32>
          %swap3A_95 = vector.shape_cast %get3A_90 : vector<16xi32> to vector<16xi32>
          tpu.vector_store %arg12[%swap3A], %swap3A_95 {strides = array<i32>} : memref<128xi32, #tpu.memory_space<vmem>>, vector<16xi32>,
        }
        %scan3A_65 = arith.constant 8 : i32
        %dma_wait3A = arith.constant 0 : i32
        %dma_wait3A_66 = arith.constant 0 : i32
        %dma_wait3A_67 = tpu.memref_slice %arg2[%dma_wait3A, %dma_wait3A_66] : memref<10000x128xf32, #tpu.memory_space<hbm>> -> memref<128x128xf32, #tpu.memory_space<hbm>>
        %dma_wait3A_68 = arith.constant 0 : i32
        %dma_wait3A_69 = arith.constant 0 : i32
        %dma_wait3A_70 = tpu.memref_slice %arg2[%dma_wait3A_68, %dma_wait3A_69] : memref<10000x128xf32, #tpu.memory_space<hbm>> -> memref<128x128xf32, #tpu.memory_space<hbm>>
        tpu.wait_dma2 semaphore(%arg13 : memref<!tpu.dma_semaphore, #tpu.memory_space<semaphore_mem>>) src(%dma_wait3A_70 : memref<128x128xf32, #tpu.memory_space<hbm>>) dst(%arg9 : memref<128x128xf32, #tpu.memory_space<vmem>>)
        "tpu.region"() ({
          %run_scoped3A = tpu.sem_alloc : memref<!tpu.dma_semaphore, #tpu.memory_space<semaphore_mem>>
          %dma_start3A_81 = arith.constant 0 : i32
          %dma_start3A_82 = arith.constant 0 : i32
          %dma_start3A_83 = tpu.memref_slice %arg6[%dma_start3A_81, %dma_start3A_82] : memref<10240x128xf32, #tpu.memory_space<vmem_shared>> -> memref<10240x128xf32, #tpu.memory_space<vmem_shared>>
          tpu.enqueue_indirect_dma source(%arg9 : memref<128x128xf32, #tpu.memory_space<vmem>>) target(%dma_start3A_83 : memref<10240x128xf32, #tpu.memory_space<vmem_shared>>) offsets(%arg11 : memref<128xi32, #tpu.memory_space<vmem>>) semaphore(%run_scoped3A : memref<!tpu.dma_semaphore, #tpu.memory_space<semaphore_mem>>) {add = true}
          %dma_wait3A_84 = arith.constant 0 : i32
          %dma_wait3A_85 = arith.constant 0 : i32
          %dma_wait3A_86 = tpu.memref_slice %arg6[%dma_wait3A_84, %dma_wait3A_85] : memref<10240x128xf32, #tpu.memory_space<vmem_shared>> -> memref<10240x128xf32, #tpu.memory_space<vmem_shared>>
          tpu.wait_indirect_dma semaphore(%run_scoped3A : memref<!tpu.dma_semaphore, #tpu.memory_space<semaphore_mem>>) src(%arg9 : memref<128x128xf32, #tpu.memory_space<vmem>>) dst(%dma_wait3A_86 : memref<10240x128xf32, #tpu.memory_space<vmem_shared>>)
          tpu.yield
        }) : () -> ()
        %add3A_71 = arith.constant 1 : i32
        %add3A_72 = arith.addi %add3A_54, %add3A_71 : i32
        %lt3A = arith.constant 16 : i32
        %lt3A_73 = arith.cmpi slt, %add3A_72, %lt3A : i32
        %convert_element_type3A = arith.extui %lt3A_73 : i1 to i32
        %cond3A = arith.constant 0 : i32
        %cond3A_74 = arith.cmpi ne, %convert_element_type3A, %cond3A : i32
        scf.if %cond3A_74 {
          %add3A_81 = arith.constant 1 : i32
          %add3A_82 = arith.addi %add3A_54, %add3A_81 : i32
          %dma_start3A_83 = arith.constant 0 : i32
          %dma_start3A_84 = tpu.memref_slice %arg7[%add3A_82, %dma_start3A_83] : memref<16x128xi32, #tpu.memory_space<vmem>> -> memref<1x128xi32, #tpu.memory_space<vmem>>
          %dma_start3A_85 = tpu.memref_squeeze %dma_start3A_84 : memref<1x128xi32, #tpu.memory_space<vmem>> -> memref<128xi32, #tpu.memory_space<vmem>>
          %dma_start3A_86 = arith.constant 0 : i32
          %dma_start3A_87 = arith.constant 0 : i32
          %dma_start3A_88 = tpu.memref_slice %arg2[%dma_start3A_86, %dma_start3A_87] : memref<10000x128xf32, #tpu.memory_space<hbm>> -> memref<10000x128xf32, #tpu.memory_space<hbm>>
          tpu.enqueue_indirect_dma source(%dma_start3A_88 : memref<10000x128xf32, #tpu.memory_space<hbm>>) target(%arg9 : memref<128x128xf32, #tpu.memory_space<vmem>>) offsets(%dma_start3A_85 : memref<128xi32, #tpu.memory_space<vmem>>) semaphore(%arg13 : memref<!tpu.dma_semaphore, #tpu.memory_space<semaphore_mem>>)
          %scan3A_89 = arith.constant 0 : i32
          %scan3A_90 = arith.constant 8 : i32
          %scan3A_91 = arith.addi %scan3A_89, %scan3A_90 : i32
          %scan3A_92 = arith.constant 1 : i32
          scf.for %scan3A_94 = %scan3A_89 to %scan3A_91 step %scan3A_92  : i32 {
            %mul3A_95 = arith.constant 1 : i32
            %mul3A_96 = arith.muli %scan3A_94, %mul3A_95 : i32
            %add3A_97 = arith.constant 0 : i32
            %add3A_98 = arith.addi %add3A_97, %mul3A_96 : i32
            %mul3A_99 = arith.constant 16 : i32
            %mul3A_100 = arith.muli %add3A_98, %mul3A_99 : i32
            %get3A = arith.index_cast %add3A_82 : i32 to index
            %get3A_101 = arith.index_cast %mul3A_100 : i32 to index
            %get3A_102 = tpu.vector_load %arg8[%get3A, %get3A_101] {strides = array<i32>} : memref<16x128xi32, #tpu.memory_space<vmem>>, vector<1x16xi32>,
            %get3A_103 = vector.shape_cast %get3A_102 : vector<1x16xi32> to vector<16xi32>
            %mul3A_104 = arith.constant 16 : i32
            %mul3A_105 = arith.muli %add3A_98, %mul3A_104 : i32
            %swap3A = arith.index_cast %mul3A_105 : i32 to index
            %swap3A_106 = tpu.vector_load %arg11[%swap3A] {strides = array<i32>} : memref<128xi32, #tpu.memory_space<vmem>>, vector<16xi32>,
            %swap3A_107 = vector.shape_cast %swap3A_106 : vector<16xi32> to vector<16xi32>
            %swap3A_108 = vector.shape_cast %get3A_103 : vector<16xi32> to vector<16xi32>
            tpu.vector_store %arg11[%swap3A], %swap3A_108 {strides = array<i32>} : memref<128xi32, #tpu.memory_space<vmem>>, vector<16xi32>,
          }
          %scan3A_93 = arith.constant 8 : i32
        } else {
        }
        %dma_wait3A_75 = arith.constant 0 : i32
        %dma_wait3A_76 = arith.constant 0 : i32
        %dma_wait3A_77 = tpu.memref_slice %arg2[%dma_wait3A_75, %dma_wait3A_76] : memref<10000x128xf32, #tpu.memory_space<hbm>> -> memref<128x128xf32, #tpu.memory_space<hbm>>
        %dma_wait3A_78 = arith.constant 0 : i32
        %dma_wait3A_79 = arith.constant 0 : i32
        %dma_wait3A_80 = tpu.memref_slice %arg2[%dma_wait3A_78, %dma_wait3A_79] : memref<10000x128xf32, #tpu.memory_space<hbm>> -> memref<128x128xf32, #tpu.memory_space<hbm>>
        tpu.wait_dma2 semaphore(%arg14 : memref<!tpu.dma_semaphore, #tpu.memory_space<semaphore_mem>>) src(%dma_wait3A_80 : memref<128x128xf32, #tpu.memory_space<hbm>>) dst(%arg10 : memref<128x128xf32, #tpu.memory_space<vmem>>)
        "tpu.region"() ({
          %run_scoped3A = tpu.sem_alloc : memref<!tpu.dma_semaphore, #tpu.memory_space<semaphore_mem>>
          %dma_start3A_81 = arith.constant 0 : i32
          %dma_start3A_82 = arith.constant 0 : i32
          %dma_start3A_83 = tpu.memref_slice %arg6[%dma_start3A_81, %dma_start3A_82] : memref<10240x128xf32, #tpu.memory_space<vmem_shared>> -> memref<10240x128xf32, #tpu.memory_space<vmem_shared>>
          tpu.enqueue_indirect_dma source(%arg10 : memref<128x128xf32, #tpu.memory_space<vmem>>) target(%dma_start3A_83 : memref<10240x128xf32, #tpu.memory_space<vmem_shared>>) offsets(%arg12 : memref<128xi32, #tpu.memory_space<vmem>>) semaphore(%run_scoped3A : memref<!tpu.dma_semaphore, #tpu.memory_space<semaphore_mem>>) {add = true}
          %dma_wait3A_84 = arith.constant 0 : i32
          %dma_wait3A_85 = arith.constant 0 : i32
          %dma_wait3A_86 = tpu.memref_slice %arg6[%dma_wait3A_84, %dma_wait3A_85] : memref<10240x128xf32, #tpu.memory_space<vmem_shared>> -> memref<10240x128xf32, #tpu.memory_space<vmem_shared>>
          tpu.wait_indirect_dma semaphore(%run_scoped3A : memref<!tpu.dma_semaphore, #tpu.memory_space<semaphore_mem>>) src(%arg10 : memref<128x128xf32, #tpu.memory_space<vmem>>) dst(%dma_wait3A_86 : memref<10240x128xf32, #tpu.memory_space<vmem_shared>>)
          tpu.yield
        }) : () -> ()
      }
      %scan3A_45 = arith.constant 8 : i32
    }
    %scan3A_16 = arith.constant 5 : i32
    %barrier3A_17 = arith.constant 0 : index
    tpu.barrier barrier_id(%barrier3A_17)
    %mul3A_18 = arith.constant 640 : i32
    %mul3A_19 = arith.muli %arg1, %mul3A_18 : i32
    %mul3A_20 = arith.constant 640 : i32
    %mul3A_21 = arith.muli %arg1, %mul3A_20 : i32
    "tpu.region"() ({
      %run_scoped3A = tpu.sem_alloc : memref<!tpu.dma_semaphore, #tpu.memory_space<semaphore_mem>>
      %dma_start3A = arith.constant 0 : i32
      %dma_start3A_22 = tpu.memref_slice %arg5[%arg0, %mul3A_21, %dma_start3A] : memref<2x10240x128xf32, #tpu.memory_space<hbm>> -> memref<1x640x128xf32, #tpu.memory_space<hbm>>
      %dma_start3A_23 = tpu.memref_squeeze %dma_start3A_22 : memref<1x640x128xf32, #tpu.memory_space<hbm>> -> memref<640x128xf32, #tpu.memory_space<hbm>>
      %dma_start3A_24 = arith.constant 0 : i32
      %dma_start3A_25 = tpu.memref_slice %arg6[%mul3A_19, %dma_start3A_24] : memref<10240x128xf32, #tpu.memory_space<vmem_shared>> -> memref<640x128xf32, #tpu.memory_space<vmem_shared>>
      tpu.enqueue_dma source(%dma_start3A_25 : memref<640x128xf32, #tpu.memory_space<vmem_shared>>) target(%dma_start3A_23 : memref<640x128xf32, #tpu.memory_space<hbm>>) target_semaphore(%run_scoped3A : memref<!tpu.dma_semaphore, #tpu.memory_space<semaphore_mem>>)
      %dma_wait3A = arith.constant 0 : i32
      %dma_wait3A_26 = tpu.memref_slice %arg5[%arg0, %mul3A_21, %dma_wait3A] : memref<2x10240x128xf32, #tpu.memory_space<hbm>> -> memref<1x640x128xf32, #tpu.memory_space<hbm>>
      %dma_wait3A_27 = tpu.memref_squeeze %dma_wait3A_26 : memref<1x640x128xf32, #tpu.memory_space<hbm>> -> memref<640x128xf32, #tpu.memory_space<hbm>>
      %dma_wait3A_28 = arith.constant 0 : i32
      %dma_wait3A_29 = tpu.memref_slice %arg6[%mul3A_19, %dma_wait3A_28] : memref<10240x128xf32, #tpu.memory_space<vmem_shared>> -> memref<640x128xf32, #tpu.memory_space<vmem_shared>>
      tpu.wait_dma2 semaphore(%run_scoped3A : memref<!tpu.dma_semaphore, #tpu.memory_space<semaphore_mem>>) src(%dma_wait3A_29 : memref<640x128xf32, #tpu.memory_space<vmem_shared>>) dst(%dma_wait3A_27 : memref<640x128xf32, #tpu.memory_space<hbm>>)
      tpu.yield
    }) : () -> ()
    return
  }
}

module attributes {stable_mosaic.version = 14 : i64} {
  func.func @_norm_body(%arg0: i32, %arg1: memref<1000x128xf32, #tpu.memory_space<vmem>>, %arg2: memref<1000x128xf32, #tpu.memory_space<vmem>>, %arg3: memref<1000x128xf32, #tpu.memory_space<vmem>>, %arg4: memref<1000x1xf32, #tpu.memory_space<vmem>>, %arg5: memref<1000x1xf32, #tpu.memory_space<vmem>>, %arg6: memref<1000x128xf32, #tpu.memory_space<vmem>>) attributes {dimension_semantics = [#tpu.dimension_semantics<arbitrary>], iteration_bounds = array<i64: 10>, scalar_prefetch = 0 : i64, scratch_operands = 0 : i64, tpu.core_type = #tpu.core_type<tc>, window_params = [{transform_indices = @transform_0, window_bounds = array<i64: 1000, 128>}, {transform_indices = @transform_1, window_bounds = array<i64: 1000, 128>}, {transform_indices = @transform_2, window_bounds = array<i64: 1000, 128>}, {transform_indices = @transform_3, window_bounds = array<i64: 1000, 1>}, {transform_indices = @transform_4, window_bounds = array<i64: 1000, 1>}, {transform_indices = @transform_5, window_bounds = array<i64: 1000, 128>}]} {
    %get3A = arith.constant 0 : index
    %get3A_0 = arith.constant 0 : index
    %get3A_1 = vector.load %arg1[%get3A, %get3A_0] : memref<1000x128xf32, #tpu.memory_space<vmem>>, vector<1000x1xf32>
    %get3A_2 = arith.constant 0 : index
    %get3A_3 = arith.constant 0 : index
    %get3A_4 = vector.load %arg2[%get3A_2, %get3A_3] : memref<1000x128xf32, #tpu.memory_space<vmem>>, vector<1000x1xf32>
    %add3A = arith.addf %get3A_1, %get3A_4 : vector<1000x1xf32>
    %gt3A = arith.constant 0.000000e+00 : f32
    %gt3A_5 = vector.broadcast %gt3A : f32 to vector<1000x1xf32>
    %gt3A_6 = arith.cmpf ogt, %add3A, %gt3A_5 : vector<1000x1xf32>
    %rsqrt3A = math.rsqrt %add3A : vector<1000x1xf32>
    %jit3A = arith.constant 1.000000e+00 : f32
    %broadcast_in_dim3A = vector.broadcast %jit3A : f32 to vector<1000x1xf32>
    %select_n3A = arith.select %gt3A_6, %rsqrt3A, %broadcast_in_dim3A : vector<1000x1xi1>, vector<1000x1xf32>
    %swap3A = arith.constant 0 : index
    %swap3A_7 = arith.constant 0 : index
    %swap3A_8 = vector.load %arg4[%swap3A, %swap3A_7] : memref<1000x1xf32, #tpu.memory_space<vmem>>, vector<1000x1xf32>
    tpu.vector_store %arg4[%swap3A, %swap3A_7], %select_n3A {strides = array<i32>} : memref<1000x1xf32, #tpu.memory_space<vmem>>, vector<1000x1xf32>,
    %mul3A = arith.mulf %select_n3A, %select_n3A : vector<1000x1xf32>
    %swap3A_9 = arith.constant 0 : index
    %swap3A_10 = arith.constant 0 : index
    %swap3A_11 = vector.load %arg5[%swap3A_9, %swap3A_10] : memref<1000x1xf32, #tpu.memory_space<vmem>>, vector<1000x1xf32>
    tpu.vector_store %arg5[%swap3A_9, %swap3A_10], %mul3A {strides = array<i32>} : memref<1000x1xf32, #tpu.memory_space<vmem>>, vector<1000x1xf32>,
    %get3A_12 = arith.constant 0 : index
    %get3A_13 = arith.constant 0 : index
    %get3A_14 = vector.load %arg3[%get3A_12, %get3A_13] : memref<1000x128xf32, #tpu.memory_space<vmem>>, vector<1000x128xf32>
    %mul3A_15 = vector.broadcast %select_n3A : vector<1000x1xf32> to vector<1000x128xf32>
    %mul3A_16 = arith.mulf %get3A_14, %mul3A_15 : vector<1000x128xf32>
    %swap3A_17 = arith.constant 0 : index
    %swap3A_18 = arith.constant 0 : index
    %swap3A_19 = vector.load %arg6[%swap3A_17, %swap3A_18] : memref<1000x128xf32, #tpu.memory_space<vmem>>, vector<1000x128xf32>
    tpu.vector_store %arg6[%swap3A_17, %swap3A_18], %mul3A_16 {strides = array<i32>} : memref<1000x128xf32, #tpu.memory_space<vmem>>, vector<1000x128xf32>,
    return
  }
  func.func @transform_0(%arg0: i32) -> (i32, i32) {
    %c0_i32 = arith.constant 0 : i32
    %c0_i32_0 = arith.constant 0 : i32
    return %arg0, %c0_i32 : i32, i32
  }
  func.func @transform_1(%arg0: i32) -> (i32, i32) {
    %c0_i32 = arith.constant 0 : i32
    %c0_i32_0 = arith.constant 0 : i32
    return %arg0, %c0_i32 : i32, i32
  }
  func.func @transform_2(%arg0: i32) -> (i32, i32) {
    %c0_i32 = arith.constant 0 : i32
    %c0_i32_0 = arith.constant 0 : i32
    return %arg0, %c0_i32 : i32, i32
  }
  func.func @transform_3(%arg0: i32) -> (i32, i32) {
    %c0_i32 = arith.constant 0 : i32
    %c0_i32_0 = arith.constant 0 : i32
    return %arg0, %c0_i32 : i32, i32
  }
  func.func @transform_4(%arg0: i32) -> (i32, i32) {
    %c0_i32 = arith.constant 0 : i32
    %c0_i32_0 = arith.constant 0 : i32
    return %arg0, %c0_i32 : i32, i32
  }
  func.func @transform_5(%arg0: i32) -> (i32, i32) {
    %c0_i32 = arith.constant 0 : i32
    %c0_i32_0 = arith.constant 0 : i32
    return %arg0, %c0_i32 : i32, i32
  }
}

module attributes {stable_mosaic.version = 14 : i64} {
  func.func @_combine2_body(%arg0: i32, %arg1: memref<1000x128xf32, #tpu.memory_space<vmem>>, %arg2: memref<1000x128xf32, #tpu.memory_space<vmem>>, %arg3: memref<1000x1xf32, #tpu.memory_space<vmem>>, %arg4: memref<1000x1xf32, #tpu.memory_space<vmem>>, %arg5: memref<1000x128xf32, #tpu.memory_space<vmem>>, %arg6: memref<1000x128xf32, #tpu.memory_space<vmem>>) attributes {dimension_semantics = [#tpu.dimension_semantics<arbitrary>], iteration_bounds = array<i64: 10>, scalar_prefetch = 0 : i64, scratch_operands = 0 : i64, tpu.core_type = #tpu.core_type<tc>, window_params = [{transform_indices = @transform_0, window_bounds = array<i64: 1000, 128>}, {transform_indices = @transform_1, window_bounds = array<i64: 1000, 128>}, {transform_indices = @transform_2, window_bounds = array<i64: 1000, 1>}, {transform_indices = @transform_3, window_bounds = array<i64: 1000, 1>}, {transform_indices = @transform_4, window_bounds = array<i64: 1000, 128>}, {transform_indices = @transform_5, window_bounds = array<i64: 1000, 128>}]} {
    %get3A = arith.constant 0 : index
    %get3A_0 = arith.constant 0 : index
    %get3A_1 = vector.load %arg1[%get3A, %get3A_0] : memref<1000x128xf32, #tpu.memory_space<vmem>>, vector<1000x128xf32>
    %get3A_2 = arith.constant 0 : index
    %get3A_3 = arith.constant 0 : index
    %get3A_4 = vector.load %arg2[%get3A_2, %get3A_3] : memref<1000x128xf32, #tpu.memory_space<vmem>>, vector<1000x128xf32>
    %add3A = arith.addf %get3A_1, %get3A_4 : vector<1000x128xf32>
    %get3A_5 = arith.constant 0 : index
    %get3A_6 = arith.constant 0 : index
    %get3A_7 = vector.load %arg3[%get3A_5, %get3A_6] : memref<1000x1xf32, #tpu.memory_space<vmem>>, vector<1000x1xf32>
    %mul3A = vector.broadcast %get3A_7 : vector<1000x1xf32> to vector<1000x128xf32>
    %mul3A_8 = arith.mulf %add3A, %mul3A : vector<1000x128xf32>
    %swap3A = arith.constant 0 : index
    %swap3A_9 = arith.constant 0 : index
    %swap3A_10 = vector.load %arg5[%swap3A, %swap3A_9] : memref<1000x128xf32, #tpu.memory_space<vmem>>, vector<1000x128xf32>
    tpu.vector_store %arg5[%swap3A, %swap3A_9], %mul3A_8 {strides = array<i32>} : memref<1000x128xf32, #tpu.memory_space<vmem>>, vector<1000x128xf32>,
    %get3A_11 = arith.constant 0 : index
    %get3A_12 = arith.constant 0 : index
    %get3A_13 = vector.load %arg4[%get3A_11, %get3A_12] : memref<1000x1xf32, #tpu.memory_space<vmem>>, vector<1000x1xf32>
    %mul3A_14 = vector.broadcast %get3A_13 : vector<1000x1xf32> to vector<1000x128xf32>
    %mul3A_15 = arith.mulf %add3A, %mul3A_14 : vector<1000x128xf32>
    %swap3A_16 = arith.constant 0 : index
    %swap3A_17 = arith.constant 0 : index
    %swap3A_18 = vector.load %arg6[%swap3A_16, %swap3A_17] : memref<1000x128xf32, #tpu.memory_space<vmem>>, vector<1000x128xf32>
    tpu.vector_store %arg6[%swap3A_16, %swap3A_17], %mul3A_15 {strides = array<i32>} : memref<1000x128xf32, #tpu.memory_space<vmem>>, vector<1000x128xf32>,
    return
  }
  func.func @transform_0(%arg0: i32) -> (i32, i32) {
    %c0_i32 = arith.constant 0 : i32
    %c0_i32_0 = arith.constant 0 : i32
    return %arg0, %c0_i32 : i32, i32
  }
  func.func @transform_1(%arg0: i32) -> (i32, i32) {
    %c0_i32 = arith.constant 0 : i32
    %c0_i32_0 = arith.constant 0 : i32
    return %arg0, %c0_i32 : i32, i32
  }
  func.func @transform_2(%arg0: i32) -> (i32, i32) {
    %c0_i32 = arith.constant 0 : i32
    %c0_i32_0 = arith.constant 0 : i32
    return %arg0, %c0_i32 : i32, i32
  }
  func.func @transform_3(%arg0: i32) -> (i32, i32) {
    %c0_i32 = arith.constant 0 : i32
    %c0_i32_0 = arith.constant 0 : i32
    return %arg0, %c0_i32 : i32, i32
  }
  func.func @transform_4(%arg0: i32) -> (i32, i32) {
    %c0_i32 = arith.constant 0 : i32
    %c0_i32_0 = arith.constant 0 : i32
    return %arg0, %c0_i32 : i32, i32
  }
  func.func @transform_5(%arg0: i32) -> (i32, i32) {
    %c0_i32 = arith.constant 0 : i32
    %c0_i32_0 = arith.constant 0 : i32
    return %arg0, %c0_i32 : i32, i32
  }
}

module attributes {stable_mosaic.version = 14 : i64} {
  func.func @_layer01_body(%arg0: i32, %arg1: memref<1000x128xf32, #tpu.memory_space<vmem>>, %arg2: memref<1000x128xf32, #tpu.memory_space<vmem>>, %arg3: memref<1000x128xf32, #tpu.memory_space<vmem>>, %arg4: memref<1000x128xf32, #tpu.memory_space<vmem>>, %arg5: memref<1000x1xf32, #tpu.memory_space<vmem>>, %arg6: memref<128x128xf32, #tpu.memory_space<vmem>>, %arg7: memref<128x128xf32, #tpu.memory_space<vmem>>, %arg8: memref<128x128xf32, #tpu.memory_space<vmem>>, %arg9: memref<1x384xf32, #tpu.memory_space<vmem>>, %arg10: memref<384x128xf32, #tpu.memory_space<vmem>>, %arg11: memref<384x128xf32, #tpu.memory_space<vmem>>, %arg12: memref<384x128xf32, #tpu.memory_space<vmem>>, %arg13: memref<1x128xf32, #tpu.memory_space<vmem>>, %arg14: memref<1000x128xf32, #tpu.memory_space<vmem>>, %arg15: memref<1000x128xf32, #tpu.memory_space<vmem>>, %arg16: memref<1000x128xf32, #tpu.memory_space<vmem>>) attributes {dimension_semantics = [#tpu.dimension_semantics<arbitrary>], iteration_bounds = array<i64: 10>, scalar_prefetch = 0 : i64, scratch_operands = 0 : i64, tpu.core_type = #tpu.core_type<tc>, window_params = [{transform_indices = @transform_0, window_bounds = array<i64: 1000, 128>}, {transform_indices = @transform_1, window_bounds = array<i64: 1000, 128>}, {transform_indices = @transform_2, window_bounds = array<i64: 1000, 128>}, {transform_indices = @transform_3, window_bounds = array<i64: 1000, 128>}, {transform_indices = @transform_4, window_bounds = array<i64: 1000, 1>}, {pipeline_mode = #tpu.pipeline_mode<synchronous>, transform_indices = @transform_5, window_bounds = array<i64: 128, 128>}, {pipeline_mode = #tpu.pipeline_mode<synchronous>, transform_indices = @transform_6, window_bounds = array<i64: 128, 128>}, {pipeline_mode = #tpu.pipeline_mode<synchronous>, transform_indices = @transform_7, window_bounds = array<i64: 128, 128>}, {pipeline_mode = #tpu.pipeline_mode<synchronous>, transform_indices = @transform_8, window_bounds = array<i64: 1, 384>}, {pipeline_mode = #tpu.pipeline_mode<synchronous>, transform_indices = @transform_9, window_bounds = array<i64: 384, 128>}, {pipeline_mode = #tpu.pipeline_mode<synchronous>, transform_indices = @transform_10, window_bounds = array<i64: 384, 128>}, {pipeline_mode = #tpu.pipeline_mode<synchronous>, transform_indices = @transform_11, window_bounds = array<i64: 384, 128>}, {pipeline_mode = #tpu.pipeline_mode<synchronous>, transform_indices = @transform_12, window_bounds = array<i64: 1, 128>}, {transform_indices = @transform_13, window_bounds = array<i64: 1000, 128>}, {transform_indices = @transform_14, window_bounds = array<i64: 1000, 128>}, {transform_indices = @transform_15, window_bounds = array<i64: 1000, 128>}]} {
    %get3A = arith.constant 0 : index
    %get3A_0 = arith.constant 0 : index
    %get3A_1 = vector.load %arg5[%get3A, %get3A_0] : memref<1000x1xf32, #tpu.memory_space<vmem>>, vector<1000x1xf32>
    %get3A_2 = arith.constant 0 : index
    %get3A_3 = arith.constant 0 : index
    %get3A_4 = vector.load %arg3[%get3A_2, %get3A_3] : memref<1000x128xf32, #tpu.memory_space<vmem>>, vector<1000x128xf32>
    %get3A_5 = arith.constant 0 : index
    %get3A_6 = arith.constant 0 : index
    %get3A_7 = vector.load %arg4[%get3A_5, %get3A_6] : memref<1000x128xf32, #tpu.memory_space<vmem>>, vector<1000x128xf32>
    %add3A = arith.addf %get3A_4, %get3A_7 : vector<1000x128xf32>
    %mul3A = vector.broadcast %get3A_1 : vector<1000x1xf32> to vector<1000x128xf32>
    %mul3A_8 = arith.mulf %add3A, %mul3A : vector<1000x128xf32>
    %get3A_9 = arith.constant 0 : index
    %get3A_10 = arith.constant 0 : index
    %get3A_11 = vector.load %arg1[%get3A_9, %get3A_10] : memref<1000x128xf32, #tpu.memory_space<vmem>>, vector<1000x128xf32>
    %get3A_12 = arith.constant 0 : index
    %get3A_13 = arith.constant 0 : index
    %get3A_14 = vector.load %arg6[%get3A_12, %get3A_13] : memref<128x128xf32, #tpu.memory_space<vmem>>, vector<128x128xf32>
    %dot_general3A = arith.constant dense<0.000000e+00> : vector<1000x128xf32>
    %dot_general3A_15 = tpu.matmul %get3A_11, %get3A_14, %dot_general3A {dimension_numbers = #tpu.dot_dimension_numbers<[1], [0], [0], [1], [0, 0, 1, 1], [], []>, transpose_lhs_hint = false} : vector<1000x128xf32>, vector<128x128xf32>, vector<1000x128xf32> -> vector<1000x128xf32>
    %get3A_16 = arith.constant 0 : index
    %get3A_17 = arith.constant 0 : index
    %get3A_18 = vector.load %arg2[%get3A_16, %get3A_17] : memref<1000x128xf32, #tpu.memory_space<vmem>>, vector<1000x128xf32>
    %get3A_19 = arith.constant 0 : index
    %get3A_20 = arith.constant 0 : index
    %get3A_21 = vector.load %arg7[%get3A_19, %get3A_20] : memref<128x128xf32, #tpu.memory_space<vmem>>, vector<128x128xf32>
    %dot_general3A_22 = arith.constant dense<0.000000e+00> : vector<1000x128xf32>
    %dot_general3A_23 = tpu.matmul %get3A_18, %get3A_21, %dot_general3A_22 {dimension_numbers = #tpu.dot_dimension_numbers<[1], [0], [0], [1], [0, 0, 1, 1], [], []>, transpose_lhs_hint = false} : vector<1000x128xf32>, vector<128x128xf32>, vector<1000x128xf32> -> vector<1000x128xf32>
    %get3A_24 = arith.constant 0 : index
    %get3A_25 = arith.constant 0 : index
    %get3A_26 = vector.load %arg8[%get3A_24, %get3A_25] : memref<128x128xf32, #tpu.memory_space<vmem>>, vector<128x128xf32>
    %dot_general3A_27 = arith.constant dense<0.000000e+00> : vector<1000x128xf32>
    %dot_general3A_28 = tpu.matmul %mul3A_8, %get3A_26, %dot_general3A_27 {dimension_numbers = #tpu.dot_dimension_numbers<[1], [0], [0], [1], [0, 0, 1, 1], [], []>, transpose_lhs_hint = false} : vector<1000x128xf32>, vector<128x128xf32>, vector<1000x128xf32> -> vector<1000x128xf32>
    %concatenate3A = tpu.concatenate %dot_general3A_15, %dot_general3A_23, %dot_general3A_28 in 1 : vector<1000x128xf32>, vector<1000x128xf32>, vector<1000x128xf32> -> vector<1000x384xf32>
    %get3A_29 = arith.constant 0 : index
    %get3A_30 = arith.constant 0 : index
    %get3A_31 = vector.load %arg9[%get3A_29, %get3A_30] : memref<1x384xf32, #tpu.memory_space<vmem>>, vector<1x384xf32>
    %add3A_32 = vector.broadcast %get3A_31 : vector<1x384xf32> to vector<1000x384xf32>
    %add3A_33 = arith.addf %concatenate3A, %add3A_32 : vector<1000x384xf32>
    %max3A = arith.constant 0.000000e+00 : f32
    %max3A_34 = vector.broadcast %max3A : f32 to vector<1000x384xf32>
    %max3A_35 = arith.maximumf %add3A_33, %max3A_34 : vector<1000x384xf32>
    %get3A_36 = arith.constant 0 : index
    %get3A_37 = arith.constant 0 : index
    %get3A_38 = vector.load %arg10[%get3A_36, %get3A_37] : memref<384x128xf32, #tpu.memory_space<vmem>>, vector<384x128xf32>
    %dot_general3A_39 = arith.constant dense<0.000000e+00> : vector<1000x128xf32>
    %dot_general3A_40 = tpu.matmul %max3A_35, %get3A_38, %dot_general3A_39 {dimension_numbers = #tpu.dot_dimension_numbers<[1], [0], [0], [1], [0, 0, 1, 1], [], []>, transpose_lhs_hint = false} : vector<1000x384xf32>, vector<384x128xf32>, vector<1000x128xf32> -> vector<1000x128xf32>
    %get3A_41 = arith.constant 0 : index
    %get3A_42 = arith.constant 0 : index
    %get3A_43 = vector.load %arg13[%get3A_41, %get3A_42] : memref<1x128xf32, #tpu.memory_space<vmem>>, vector<1x128xf32>
    %add3A_44 = vector.broadcast %get3A_43 : vector<1x128xf32> to vector<1000x128xf32>
    %add3A_45 = arith.addf %dot_general3A_40, %add3A_44 : vector<1000x128xf32>
    %swap3A = arith.constant 0 : index
    %swap3A_46 = arith.constant 0 : index
    %swap3A_47 = vector.load %arg14[%swap3A, %swap3A_46] : memref<1000x128xf32, #tpu.memory_space<vmem>>, vector<1000x128xf32>
    tpu.vector_store %arg14[%swap3A, %swap3A_46], %add3A_45 {strides = array<i32>} : memref<1000x128xf32, #tpu.memory_space<vmem>>, vector<1000x128xf32>,
    %get3A_48 = arith.constant 0 : index
    %get3A_49 = arith.constant 0 : index
    %get3A_50 = vector.load %arg11[%get3A_48, %get3A_49] : memref<384x128xf32, #tpu.memory_space<vmem>>, vector<384x128xf32>
    %dot_general3A_51 = arith.constant dense<0.000000e+00> : vector<1000x128xf32>
    %dot_general3A_52 = tpu.matmul %max3A_35, %get3A_50, %dot_general3A_51 {dimension_numbers = #tpu.dot_dimension_numbers<[1], [0], [0], [1], [0, 0, 1, 1], [], []>, transpose_lhs_hint = false} : vector<1000x384xf32>, vector<384x128xf32>, vector<1000x128xf32> -> vector<1000x128xf32>
    %mul3A_53 = vector.broadcast %get3A_1 : vector<1000x1xf32> to vector<1000x128xf32>
    %mul3A_54 = arith.mulf %dot_general3A_52, %mul3A_53 : vector<1000x128xf32>
    %swap3A_55 = arith.constant 0 : index
    %swap3A_56 = arith.constant 0 : index
    %swap3A_57 = vector.load %arg15[%swap3A_55, %swap3A_56] : memref<1000x128xf32, #tpu.memory_space<vmem>>, vector<1000x128xf32>
    tpu.vector_store %arg15[%swap3A_55, %swap3A_56], %mul3A_54 {strides = array<i32>} : memref<1000x128xf32, #tpu.memory_space<vmem>>, vector<1000x128xf32>,
    %get3A_58 = arith.constant 0 : index
    %get3A_59 = arith.constant 0 : index
    %get3A_60 = vector.load %arg12[%get3A_58, %get3A_59] : memref<384x128xf32, #tpu.memory_space<vmem>>, vector<384x128xf32>
    %dot_general3A_61 = arith.constant dense<0.000000e+00> : vector<1000x128xf32>
    %dot_general3A_62 = tpu.matmul %max3A_35, %get3A_60, %dot_general3A_61 {dimension_numbers = #tpu.dot_dimension_numbers<[1], [0], [0], [1], [0, 0, 1, 1], [], []>, transpose_lhs_hint = false} : vector<1000x384xf32>, vector<384x128xf32>, vector<1000x128xf32> -> vector<1000x128xf32>
    %mul3A_63 = vector.broadcast %get3A_1 : vector<1000x1xf32> to vector<1000x128xf32>
    %mul3A_64 = arith.mulf %dot_general3A_62, %mul3A_63 : vector<1000x128xf32>
    %swap3A_65 = arith.constant 0 : index
    %swap3A_66 = arith.constant 0 : index
    %swap3A_67 = vector.load %arg16[%swap3A_65, %swap3A_66] : memref<1000x128xf32, #tpu.memory_space<vmem>>, vector<1000x128xf32>
    tpu.vector_store %arg16[%swap3A_65, %swap3A_66], %mul3A_64 {strides = array<i32>} : memref<1000x128xf32, #tpu.memory_space<vmem>>, vector<1000x128xf32>,
    return
  }
  func.func @transform_0(%arg0: i32) -> (i32, i32) {
    %c0_i32 = arith.constant 0 : i32
    %c0_i32_0 = arith.constant 0 : i32
    return %arg0, %c0_i32 : i32, i32
  }
  func.func @transform_1(%arg0: i32) -> (i32, i32) {
    %c0_i32 = arith.constant 0 : i32
    %c0_i32_0 = arith.constant 0 : i32
    return %arg0, %c0_i32 : i32, i32
  }
  func.func @transform_2(%arg0: i32) -> (i32, i32) {
    %c0_i32 = arith.constant 0 : i32
    %c0_i32_0 = arith.constant 0 : i32
    return %arg0, %c0_i32 : i32, i32
  }
  func.func @transform_3(%arg0: i32) -> (i32, i32) {
    %c0_i32 = arith.constant 0 : i32
    %c0_i32_0 = arith.constant 0 : i32
    return %arg0, %c0_i32 : i32, i32
  }
  func.func @transform_4(%arg0: i32) -> (i32, i32) {
    %c0_i32 = arith.constant 0 : i32
    %c0_i32_0 = arith.constant 0 : i32
    return %arg0, %c0_i32 : i32, i32
  }
  func.func @transform_5(%arg0: i32) -> (i32, i32) {
    %c0_i32 = arith.constant 0 : i32
    %c0_i32_0 = arith.constant 0 : i32
    %c0_i32_1 = arith.constant 0 : i32
    return %c0_i32, %c0_i32_0 : i32, i32
  }
  func.func @transform_6(%arg0: i32) -> (i32, i32) {
    %c0_i32 = arith.constant 0 : i32
    %c0_i32_0 = arith.constant 0 : i32
    %c0_i32_1 = arith.constant 0 : i32
    return %c0_i32, %c0_i32_0 : i32, i32
  }
  func.func @transform_7(%arg0: i32) -> (i32, i32) {
    %c0_i32 = arith.constant 0 : i32
    %c0_i32_0 = arith.constant 0 : i32
    %c0_i32_1 = arith.constant 0 : i32
    return %c0_i32, %c0_i32_0 : i32, i32
  }
  func.func @transform_8(%arg0: i32) -> (i32, i32) {
    %c0_i32 = arith.constant 0 : i32
    %c0_i32_0 = arith.constant 0 : i32
    %c0_i32_1 = arith.constant 0 : i32
    return %c0_i32, %c0_i32_0 : i32, i32
  }
  func.func @transform_9(%arg0: i32) -> (i32, i32) {
    %c0_i32 = arith.constant 0 : i32
    %c0_i32_0 = arith.constant 0 : i32
    %c0_i32_1 = arith.constant 0 : i32
    return %c0_i32, %c0_i32_0 : i32, i32
  }
  func.func @transform_10(%arg0: i32) -> (i32, i32) {
    %c0_i32 = arith.constant 0 : i32
    %c0_i32_0 = arith.constant 0 : i32
    %c0_i32_1 = arith.constant 0 : i32
    return %c0_i32, %c0_i32_0 : i32, i32
  }
  func.func @transform_11(%arg0: i32) -> (i32, i32) {
    %c0_i32 = arith.constant 0 : i32
    %c0_i32_0 = arith.constant 0 : i32
    %c0_i32_1 = arith.constant 0 : i32
    return %c0_i32, %c0_i32_0 : i32, i32
  }
  func.func @transform_12(%arg0: i32) -> (i32, i32) {
    %c0_i32 = arith.constant 0 : i32
    %c0_i32_0 = arith.constant 0 : i32
    %c0_i32_1 = arith.constant 0 : i32
    return %c0_i32, %c0_i32_0 : i32, i32
  }
  func.func @transform_13(%arg0: i32) -> (i32, i32) {
    %c0_i32 = arith.constant 0 : i32
    %c0_i32_0 = arith.constant 0 : i32
    return %arg0, %c0_i32 : i32, i32
  }
  func.func @transform_14(%arg0: i32) -> (i32, i32) {
    %c0_i32 = arith.constant 0 : i32
    %c0_i32_0 = arith.constant 0 : i32
    return %arg0, %c0_i32 : i32, i32
  }
  func.func @transform_15(%arg0: i32) -> (i32, i32) {
    %c0_i32 = arith.constant 0 : i32
    %c0_i32_0 = arith.constant 0 : i32
    return %arg0, %c0_i32 : i32, i32
  }
}

module attributes {stable_mosaic.version = 14 : i64} {
  func.func @_scale_body(%arg0: i32, %arg1: memref<1000x128xf32, #tpu.memory_space<vmem>>, %arg2: memref<1000x1xf32, #tpu.memory_space<vmem>>, %arg3: memref<1000x128xf32, #tpu.memory_space<vmem>>) attributes {dimension_semantics = [#tpu.dimension_semantics<arbitrary>], iteration_bounds = array<i64: 10>, scalar_prefetch = 0 : i64, scratch_operands = 0 : i64, tpu.core_type = #tpu.core_type<tc>, window_params = [{transform_indices = @transform_0, window_bounds = array<i64: 1000, 128>}, {transform_indices = @transform_1, window_bounds = array<i64: 1000, 1>}, {transform_indices = @transform_2, window_bounds = array<i64: 1000, 128>}]} {
    %get3A = arith.constant 0 : index
    %get3A_0 = arith.constant 0 : index
    %get3A_1 = vector.load %arg1[%get3A, %get3A_0] : memref<1000x128xf32, #tpu.memory_space<vmem>>, vector<1000x128xf32>
    %get3A_2 = arith.constant 0 : index
    %get3A_3 = arith.constant 0 : index
    %get3A_4 = vector.load %arg2[%get3A_2, %get3A_3] : memref<1000x1xf32, #tpu.memory_space<vmem>>, vector<1000x1xf32>
    %mul3A = vector.broadcast %get3A_4 : vector<1000x1xf32> to vector<1000x128xf32>
    %mul3A_5 = arith.mulf %get3A_1, %mul3A : vector<1000x128xf32>
    %swap3A = arith.constant 0 : index
    %swap3A_6 = arith.constant 0 : index
    %swap3A_7 = vector.load %arg3[%swap3A, %swap3A_6] : memref<1000x128xf32, #tpu.memory_space<vmem>>, vector<1000x128xf32>
    tpu.vector_store %arg3[%swap3A, %swap3A_6], %mul3A_5 {strides = array<i32>} : memref<1000x128xf32, #tpu.memory_space<vmem>>, vector<1000x128xf32>,
    return
  }
  func.func @transform_0(%arg0: i32) -> (i32, i32) {
    %c0_i32 = arith.constant 0 : i32
    %c0_i32_0 = arith.constant 0 : i32
    return %arg0, %c0_i32 : i32, i32
  }
  func.func @transform_1(%arg0: i32) -> (i32, i32) {
    %c0_i32 = arith.constant 0 : i32
    %c0_i32_0 = arith.constant 0 : i32
    return %arg0, %c0_i32 : i32, i32
  }
  func.func @transform_2(%arg0: i32) -> (i32, i32) {
    %c0_i32 = arith.constant 0 : i32
    %c0_i32_0 = arith.constant 0 : i32
    return %arg0, %c0_i32 : i32, i32
  }
}

module attributes {stable_mosaic.version = 14 : i64} {
  func.func @_layer12_body(%arg0: i32, %arg1: memref<1000x128xf32, #tpu.memory_space<vmem>>, %arg2: memref<1000x128xf32, #tpu.memory_space<vmem>>, %arg3: memref<1000x128xf32, #tpu.memory_space<vmem>>, %arg4: memref<1000x128xf32, #tpu.memory_space<vmem>>, %arg5: memref<1000x1xf32, #tpu.memory_space<vmem>>, %arg6: memref<1x128xf32, #tpu.memory_space<vmem>>, %arg7: memref<1x128xf32, #tpu.memory_space<vmem>>, %arg8: memref<384x16xf32, #tpu.memory_space<vmem>>, %arg9: memref<384x16xf32, #tpu.memory_space<vmem>>, %arg10: memref<384x16xf32, #tpu.memory_space<vmem>>, %arg11: memref<1x16xf32, #tpu.memory_space<vmem>>, %arg12: memref<1000x16xf32, #tpu.memory_space<vmem>>, %arg13: memref<1000x128xf32, #tpu.memory_space<vmem>>) attributes {dimension_semantics = [#tpu.dimension_semantics<arbitrary>], iteration_bounds = array<i64: 10>, scalar_prefetch = 0 : i64, scratch_operands = 0 : i64, tpu.core_type = #tpu.core_type<tc>, window_params = [{transform_indices = @transform_0, window_bounds = array<i64: 1000, 128>}, {transform_indices = @transform_1, window_bounds = array<i64: 1000, 128>}, {transform_indices = @transform_2, window_bounds = array<i64: 1000, 128>}, {transform_indices = @transform_3, window_bounds = array<i64: 1000, 128>}, {transform_indices = @transform_4, window_bounds = array<i64: 1000, 1>}, {pipeline_mode = #tpu.pipeline_mode<synchronous>, transform_indices = @transform_5, window_bounds = array<i64: 1, 128>}, {pipeline_mode = #tpu.pipeline_mode<synchronous>, transform_indices = @transform_6, window_bounds = array<i64: 1, 128>}, {pipeline_mode = #tpu.pipeline_mode<synchronous>, transform_indices = @transform_7, window_bounds = array<i64: 384, 16>}, {pipeline_mode = #tpu.pipeline_mode<synchronous>, transform_indices = @transform_8, window_bounds = array<i64: 384, 16>}, {pipeline_mode = #tpu.pipeline_mode<synchronous>, transform_indices = @transform_9, window_bounds = array<i64: 384, 16>}, {pipeline_mode = #tpu.pipeline_mode<synchronous>, transform_indices = @transform_10, window_bounds = array<i64: 1, 16>}, {transform_indices = @transform_11, window_bounds = array<i64: 1000, 16>}, {transform_indices = @transform_12, window_bounds = array<i64: 1000, 128>}]} {
    %get3A = arith.constant 0 : index
    %get3A_0 = arith.constant 0 : index
    %get3A_1 = vector.load %arg5[%get3A, %get3A_0] : memref<1000x1xf32, #tpu.memory_space<vmem>>, vector<1000x1xf32>
    %get3A_2 = arith.constant 0 : index
    %get3A_3 = arith.constant 0 : index
    %get3A_4 = vector.load %arg1[%get3A_2, %get3A_3] : memref<1000x128xf32, #tpu.memory_space<vmem>>, vector<1000x128xf32>
    %get3A_5 = arith.constant 0 : index
    %get3A_6 = arith.constant 0 : index
    %get3A_7 = vector.load %arg2[%get3A_5, %get3A_6] : memref<1000x128xf32, #tpu.memory_space<vmem>>, vector<1000x128xf32>
    %mul3A = vector.broadcast %get3A_1 : vector<1000x1xf32> to vector<1000x128xf32>
    %mul3A_8 = arith.mulf %get3A_7, %mul3A : vector<1000x128xf32>
    %get3A_9 = arith.constant 0 : index
    %get3A_10 = arith.constant 0 : index
    %get3A_11 = vector.load %arg6[%get3A_9, %get3A_10] : memref<1x128xf32, #tpu.memory_space<vmem>>, vector<1x128xf32>
    %add3A = vector.broadcast %get3A_11 : vector<1x128xf32> to vector<1000x128xf32>
    %add3A_12 = arith.addf %mul3A_8, %add3A : vector<1000x128xf32>
    %get3A_13 = arith.constant 0 : index
    %get3A_14 = arith.constant 0 : index
    %get3A_15 = vector.load %arg3[%get3A_13, %get3A_14] : memref<1000x128xf32, #tpu.memory_space<vmem>>, vector<1000x128xf32>
    %get3A_16 = arith.constant 0 : index
    %get3A_17 = arith.constant 0 : index
    %get3A_18 = vector.load %arg4[%get3A_16, %get3A_17] : memref<1000x128xf32, #tpu.memory_space<vmem>>, vector<1000x128xf32>
    %add3A_19 = arith.addf %get3A_15, %get3A_18 : vector<1000x128xf32>
    %mul3A_20 = vector.broadcast %get3A_1 : vector<1000x1xf32> to vector<1000x128xf32>
    %mul3A_21 = arith.mulf %add3A_19, %mul3A_20 : vector<1000x128xf32>
    %get3A_22 = arith.constant 0 : index
    %get3A_23 = arith.constant 0 : index
    %get3A_24 = vector.load %arg7[%get3A_22, %get3A_23] : memref<1x128xf32, #tpu.memory_space<vmem>>, vector<1x128xf32>
    %add3A_25 = vector.broadcast %get3A_24 : vector<1x128xf32> to vector<1000x128xf32>
    %add3A_26 = arith.addf %mul3A_21, %add3A_25 : vector<1000x128xf32>
    %concatenate3A = tpu.concatenate %get3A_4, %add3A_12, %add3A_26 in 1 : vector<1000x128xf32>, vector<1000x128xf32>, vector<1000x128xf32> -> vector<1000x384xf32>
    %max3A = arith.constant 0.000000e+00 : f32
    %max3A_27 = vector.broadcast %max3A : f32 to vector<1000x384xf32>
    %max3A_28 = arith.maximumf %concatenate3A, %max3A_27 : vector<1000x384xf32>
    %get3A_29 = arith.constant 0 : index
    %get3A_30 = arith.constant 0 : index
    %get3A_31 = vector.load %arg8[%get3A_29, %get3A_30] : memref<384x16xf32, #tpu.memory_space<vmem>>, vector<384x16xf32>
    %dot_general3A = arith.constant dense<0.000000e+00> : vector<1000x16xf32>
    %dot_general3A_32 = tpu.matmul %max3A_28, %get3A_31, %dot_general3A {dimension_numbers = #tpu.dot_dimension_numbers<[1], [0], [0], [1], [0, 0, 1, 1], [], []>, transpose_lhs_hint = false} : vector<1000x384xf32>, vector<384x16xf32>, vector<1000x16xf32> -> vector<1000x16xf32>
    %get3A_33 = arith.constant 0 : index
    %get3A_34 = arith.constant 0 : index
    %get3A_35 = vector.load %arg11[%get3A_33, %get3A_34] : memref<1x16xf32, #tpu.memory_space<vmem>>, vector<1x16xf32>
    %add3A_36 = vector.broadcast %get3A_35 : vector<1x16xf32> to vector<1000x16xf32>
    %add3A_37 = arith.addf %dot_general3A_32, %add3A_36 : vector<1000x16xf32>
    %swap3A = arith.constant 0 : index
    %swap3A_38 = arith.constant 0 : index
    %swap3A_39 = vector.load %arg12[%swap3A, %swap3A_38] : memref<1000x16xf32, #tpu.memory_space<vmem>>, vector<1000x16xf32>
    tpu.vector_store %arg12[%swap3A, %swap3A_38], %add3A_37 {strides = array<i32>} : memref<1000x16xf32, #tpu.memory_space<vmem>>, vector<1000x16xf32>,
    %get3A_40 = arith.constant 0 : index
    %get3A_41 = arith.constant 0 : index
    %get3A_42 = vector.load %arg9[%get3A_40, %get3A_41] : memref<384x16xf32, #tpu.memory_space<vmem>>, vector<384x16xf32>
    %dot_general3A_43 = arith.constant dense<0.000000e+00> : vector<1000x16xf32>
    %dot_general3A_44 = tpu.matmul %max3A_28, %get3A_42, %dot_general3A_43 {dimension_numbers = #tpu.dot_dimension_numbers<[1], [0], [0], [1], [0, 0, 1, 1], [], []>, transpose_lhs_hint = false} : vector<1000x384xf32>, vector<384x16xf32>, vector<1000x16xf32> -> vector<1000x16xf32>
    %mul3A_45 = vector.broadcast %get3A_1 : vector<1000x1xf32> to vector<1000x16xf32>
    %mul3A_46 = arith.mulf %dot_general3A_44, %mul3A_45 : vector<1000x16xf32>
    %get3A_47 = arith.constant 0 : index
    %get3A_48 = arith.constant 0 : index
    %get3A_49 = vector.load %arg10[%get3A_47, %get3A_48] : memref<384x16xf32, #tpu.memory_space<vmem>>, vector<384x16xf32>
    %dot_general3A_50 = arith.constant dense<0.000000e+00> : vector<1000x16xf32>
    %dot_general3A_51 = tpu.matmul %max3A_28, %get3A_49, %dot_general3A_50 {dimension_numbers = #tpu.dot_dimension_numbers<[1], [0], [0], [1], [0, 0, 1, 1], [], []>, transpose_lhs_hint = false} : vector<1000x384xf32>, vector<384x16xf32>, vector<1000x16xf32> -> vector<1000x16xf32>
    %mul3A_52 = vector.broadcast %get3A_1 : vector<1000x1xf32> to vector<1000x16xf32>
    %mul3A_53 = arith.mulf %dot_general3A_51, %mul3A_52 : vector<1000x16xf32>
    %broadcast_in_dim3A = arith.constant 0.000000e+00 : f32
    %broadcast_in_dim3A_54 = vector.broadcast %broadcast_in_dim3A : f32 to vector<1000x96xf32>
    %concatenate3A_55 = tpu.concatenate %mul3A_46, %mul3A_53, %broadcast_in_dim3A_54 in 1 : vector<1000x16xf32>, vector<1000x16xf32>, vector<1000x96xf32> -> vector<1000x128xf32>
    %swap3A_56 = arith.constant 0 : index
    %swap3A_57 = arith.constant 0 : index
    %swap3A_58 = vector.load %arg13[%swap3A_56, %swap3A_57] : memref<1000x128xf32, #tpu.memory_space<vmem>>, vector<1000x128xf32>
    tpu.vector_store %arg13[%swap3A_56, %swap3A_57], %concatenate3A_55 {strides = array<i32>} : memref<1000x128xf32, #tpu.memory_space<vmem>>, vector<1000x128xf32>,
    return
  }
  func.func @transform_0(%arg0: i32) -> (i32, i32) {
    %c0_i32 = arith.constant 0 : i32
    %c0_i32_0 = arith.constant 0 : i32
    return %arg0, %c0_i32 : i32, i32
  }
  func.func @transform_1(%arg0: i32) -> (i32, i32) {
    %c0_i32 = arith.constant 0 : i32
    %c0_i32_0 = arith.constant 0 : i32
    return %arg0, %c0_i32 : i32, i32
  }
  func.func @transform_2(%arg0: i32) -> (i32, i32) {
    %c0_i32 = arith.constant 0 : i32
    %c0_i32_0 = arith.constant 0 : i32
    return %arg0, %c0_i32 : i32, i32
  }
  func.func @transform_3(%arg0: i32) -> (i32, i32) {
    %c0_i32 = arith.constant 0 : i32
    %c0_i32_0 = arith.constant 0 : i32
    return %arg0, %c0_i32 : i32, i32
  }
  func.func @transform_4(%arg0: i32) -> (i32, i32) {
    %c0_i32 = arith.constant 0 : i32
    %c0_i32_0 = arith.constant 0 : i32
    return %arg0, %c0_i32 : i32, i32
  }
  func.func @transform_5(%arg0: i32) -> (i32, i32) {
    %c0_i32 = arith.constant 0 : i32
    %c0_i32_0 = arith.constant 0 : i32
    %c0_i32_1 = arith.constant 0 : i32
    return %c0_i32, %c0_i32_0 : i32, i32
  }
  func.func @transform_6(%arg0: i32) -> (i32, i32) {
    %c0_i32 = arith.constant 0 : i32
    %c0_i32_0 = arith.constant 0 : i32
    %c0_i32_1 = arith.constant 0 : i32
    return %c0_i32, %c0_i32_0 : i32, i32
  }
  func.func @transform_7(%arg0: i32) -> (i32, i32) {
    %c0_i32 = arith.constant 0 : i32
    %c0_i32_0 = arith.constant 0 : i32
    %c0_i32_1 = arith.constant 0 : i32
    return %c0_i32, %c0_i32_0 : i32, i32
  }
  func.func @transform_8(%arg0: i32) -> (i32, i32) {
    %c0_i32 = arith.constant 0 : i32
    %c0_i32_0 = arith.constant 0 : i32
    %c0_i32_1 = arith.constant 0 : i32
    return %c0_i32, %c0_i32_0 : i32, i32
  }
  func.func @transform_9(%arg0: i32) -> (i32, i32) {
    %c0_i32 = arith.constant 0 : i32
    %c0_i32_0 = arith.constant 0 : i32
    %c0_i32_1 = arith.constant 0 : i32
    return %c0_i32, %c0_i32_0 : i32, i32
  }
  func.func @transform_10(%arg0: i32) -> (i32, i32) {
    %c0_i32 = arith.constant 0 : i32
    %c0_i32_0 = arith.constant 0 : i32
    %c0_i32_1 = arith.constant 0 : i32
    return %c0_i32, %c0_i32_0 : i32, i32
  }
  func.func @transform_11(%arg0: i32) -> (i32, i32) {
    %c0_i32 = arith.constant 0 : i32
    %c0_i32_0 = arith.constant 0 : i32
    return %arg0, %c0_i32 : i32, i32
  }
  func.func @transform_12(%arg0: i32) -> (i32, i32) {
    %c0_i32 = arith.constant 0 : i32
    %c0_i32_0 = arith.constant 0 : i32
    return %arg0, %c0_i32 : i32, i32
  }
}

module attributes {stable_mosaic.version = 14 : i64} {
  func.func @_l2mid_body(%arg0: i32, %arg1: memref<1000x128xf32, #tpu.memory_space<vmem>>, %arg2: memref<1000x128xf32, #tpu.memory_space<vmem>>, %arg3: memref<1000x1xf32, #tpu.memory_space<vmem>>, %arg4: memref<1000x1xf32, #tpu.memory_space<vmem>>, %arg5: memref<1x16xf32, #tpu.memory_space<vmem>>, %arg6: memref<1000x16xf32, #tpu.memory_space<vmem>>, %arg7: memref<1000x128xf32, #tpu.memory_space<vmem>>) attributes {dimension_semantics = [#tpu.dimension_semantics<arbitrary>], iteration_bounds = array<i64: 10>, scalar_prefetch = 0 : i64, scratch_operands = 0 : i64, tpu.core_type = #tpu.core_type<tc>, window_params = [{transform_indices = @transform_0, window_bounds = array<i64: 1000, 128>}, {transform_indices = @transform_1, window_bounds = array<i64: 1000, 128>}, {transform_indices = @transform_2, window_bounds = array<i64: 1000, 1>}, {transform_indices = @transform_3, window_bounds = array<i64: 1000, 1>}, {pipeline_mode = #tpu.pipeline_mode<synchronous>, transform_indices = @transform_4, window_bounds = array<i64: 1, 16>}, {transform_indices = @transform_5, window_bounds = array<i64: 1000, 16>}, {transform_indices = @transform_6, window_bounds = array<i64: 1000, 128>}]} {
    %get3A = arith.constant 0 : index
    %get3A_0 = arith.constant 0 : index
    %get3A_1 = vector.load %arg1[%get3A, %get3A_0] : memref<1000x128xf32, #tpu.memory_space<vmem>>, vector<1000x128xf32>
    %get3A_2 = arith.constant 0 : index
    %get3A_3 = arith.constant 0 : index
    %get3A_4 = vector.load %arg2[%get3A_2, %get3A_3] : memref<1000x128xf32, #tpu.memory_space<vmem>>, vector<1000x128xf32>
    %add3A = arith.addf %get3A_1, %get3A_4 : vector<1000x128xf32>
    %get3A_5 = arith.constant 0 : index
    %get3A_6 = arith.constant 0 : index
    %get3A_7 = vector.load %arg3[%get3A_5, %get3A_6] : memref<1000x1xf32, #tpu.memory_space<vmem>>, vector<1000x1xf32>
    %slice3A = vector.extract_strided_slice %add3A {offsets = [0, 0], sizes = [1000, 16], strides = [1, 1]} : vector<1000x128xf32> to vector<1000x16xf32>
    %mul3A = vector.broadcast %get3A_7 : vector<1000x1xf32> to vector<1000x16xf32>
    %mul3A_8 = arith.mulf %slice3A, %mul3A : vector<1000x16xf32>
    %get3A_9 = arith.constant 0 : index
    %get3A_10 = arith.constant 0 : index
    %get3A_11 = vector.load %arg5[%get3A_9, %get3A_10] : memref<1x16xf32, #tpu.memory_space<vmem>>, vector<1x16xf32>
    %add3A_12 = vector.broadcast %get3A_11 : vector<1x16xf32> to vector<1000x16xf32>
    %add3A_13 = arith.addf %mul3A_8, %add3A_12 : vector<1000x16xf32>
    %swap3A = arith.constant 0 : index
    %swap3A_14 = arith.constant 0 : index
    %swap3A_15 = vector.load %arg6[%swap3A, %swap3A_14] : memref<1000x16xf32, #tpu.memory_space<vmem>>, vector<1000x16xf32>
    tpu.vector_store %arg6[%swap3A, %swap3A_14], %add3A_13 {strides = array<i32>} : memref<1000x16xf32, #tpu.memory_space<vmem>>, vector<1000x16xf32>,
    %slice3A_16 = vector.extract_strided_slice %add3A {offsets = [0, 16], sizes = [1000, 16], strides = [1, 1]} : vector<1000x128xf32> to vector<1000x16xf32>
    %get3A_17 = arith.constant 0 : index
    %get3A_18 = arith.constant 0 : index
    %get3A_19 = vector.load %arg4[%get3A_17, %get3A_18] : memref<1000x1xf32, #tpu.memory_space<vmem>>, vector<1000x1xf32>
    %mul3A_20 = vector.broadcast %get3A_19 : vector<1000x1xf32> to vector<1000x16xf32>
    %mul3A_21 = arith.mulf %slice3A_16, %mul3A_20 : vector<1000x16xf32>
    %broadcast_in_dim3A = arith.constant 0.000000e+00 : f32
    %broadcast_in_dim3A_22 = vector.broadcast %broadcast_in_dim3A : f32 to vector<1000x112xf32>
    %concatenate3A = tpu.concatenate %mul3A_21, %broadcast_in_dim3A_22 in 1 : vector<1000x16xf32>, vector<1000x112xf32> -> vector<1000x128xf32>
    %swap3A_23 = arith.constant 0 : index
    %swap3A_24 = arith.constant 0 : index
    %swap3A_25 = vector.load %arg7[%swap3A_23, %swap3A_24] : memref<1000x128xf32, #tpu.memory_space<vmem>>, vector<1000x128xf32>
    tpu.vector_store %arg7[%swap3A_23, %swap3A_24], %concatenate3A {strides = array<i32>} : memref<1000x128xf32, #tpu.memory_space<vmem>>, vector<1000x128xf32>,
    return
  }
  func.func @transform_0(%arg0: i32) -> (i32, i32) {
    %c0_i32 = arith.constant 0 : i32
    %c0_i32_0 = arith.constant 0 : i32
    return %arg0, %c0_i32 : i32, i32
  }
  func.func @transform_1(%arg0: i32) -> (i32, i32) {
    %c0_i32 = arith.constant 0 : i32
    %c0_i32_0 = arith.constant 0 : i32
    return %arg0, %c0_i32 : i32, i32
  }
  func.func @transform_2(%arg0: i32) -> (i32, i32) {
    %c0_i32 = arith.constant 0 : i32
    %c0_i32_0 = arith.constant 0 : i32
    return %arg0, %c0_i32 : i32, i32
  }
  func.func @transform_3(%arg0: i32) -> (i32, i32) {
    %c0_i32 = arith.constant 0 : i32
    %c0_i32_0 = arith.constant 0 : i32
    return %arg0, %c0_i32 : i32, i32
  }
  func.func @transform_4(%arg0: i32) -> (i32, i32) {
    %c0_i32 = arith.constant 0 : i32
    %c0_i32_0 = arith.constant 0 : i32
    %c0_i32_1 = arith.constant 0 : i32
    return %c0_i32, %c0_i32_0 : i32, i32
  }
  func.func @transform_5(%arg0: i32) -> (i32, i32) {
    %c0_i32 = arith.constant 0 : i32
    %c0_i32_0 = arith.constant 0 : i32
    return %arg0, %c0_i32 : i32, i32
  }
  func.func @transform_6(%arg0: i32) -> (i32, i32) {
    %c0_i32 = arith.constant 0 : i32
    %c0_i32_0 = arith.constant 0 : i32
    return %arg0, %c0_i32 : i32, i32
  }
}

module attributes {stable_mosaic.version = 14 : i64} {
  func.func @_final_body(%arg0: i32, %arg1: memref<1000x16xf32, #tpu.memory_space<vmem>>, %arg2: memref<1000x16xf32, #tpu.memory_space<vmem>>, %arg3: memref<1000x128xf32, #tpu.memory_space<vmem>>, %arg4: memref<1000x128xf32, #tpu.memory_space<vmem>>, %arg5: memref<1000x1xf32, #tpu.memory_space<vmem>>, %arg6: memref<1x16xf32, #tpu.memory_space<vmem>>, %arg7: memref<1000x48xf32, #tpu.memory_space<vmem>>) attributes {dimension_semantics = [#tpu.dimension_semantics<arbitrary>], iteration_bounds = array<i64: 10>, scalar_prefetch = 0 : i64, scratch_operands = 0 : i64, tpu.core_type = #tpu.core_type<tc>, window_params = [{transform_indices = @transform_0, window_bounds = array<i64: 1000, 16>}, {transform_indices = @transform_1, window_bounds = array<i64: 1000, 16>}, {transform_indices = @transform_2, window_bounds = array<i64: 1000, 128>}, {transform_indices = @transform_3, window_bounds = array<i64: 1000, 128>}, {transform_indices = @transform_4, window_bounds = array<i64: 1000, 1>}, {pipeline_mode = #tpu.pipeline_mode<synchronous>, transform_indices = @transform_5, window_bounds = array<i64: 1, 16>}, {transform_indices = @transform_6, window_bounds = array<i64: 1000, 48>}]} {
    %get3A = arith.constant 0 : index
    %get3A_0 = arith.constant 0 : index
    %get3A_1 = vector.load %arg1[%get3A, %get3A_0] : memref<1000x16xf32, #tpu.memory_space<vmem>>, vector<1000x16xf32>
    %get3A_2 = arith.constant 0 : index
    %get3A_3 = arith.constant 0 : index
    %get3A_4 = vector.load %arg2[%get3A_2, %get3A_3] : memref<1000x16xf32, #tpu.memory_space<vmem>>, vector<1000x16xf32>
    %get3A_5 = arith.constant 0 : index
    %get3A_6 = arith.constant 0 : index
    %get3A_7 = vector.load %arg3[%get3A_5, %get3A_6] : memref<1000x128xf32, #tpu.memory_space<vmem>>, vector<1000x128xf32>
    %get3A_8 = arith.constant 0 : index
    %get3A_9 = arith.constant 0 : index
    %get3A_10 = vector.load %arg4[%get3A_8, %get3A_9] : memref<1000x128xf32, #tpu.memory_space<vmem>>, vector<1000x128xf32>
    %add3A = arith.addf %get3A_7, %get3A_10 : vector<1000x128xf32>
    %slice3A = vector.extract_strided_slice %add3A {offsets = [0, 0], sizes = [1000, 16], strides = [1, 1]} : vector<1000x128xf32> to vector<1000x16xf32>
    %get3A_11 = arith.constant 0 : index
    %get3A_12 = arith.constant 0 : index
    %get3A_13 = vector.load %arg5[%get3A_11, %get3A_12] : memref<1000x1xf32, #tpu.memory_space<vmem>>, vector<1000x1xf32>
    %mul3A = vector.broadcast %get3A_13 : vector<1000x1xf32> to vector<1000x16xf32>
    %mul3A_14 = arith.mulf %slice3A, %mul3A : vector<1000x16xf32>
    %get3A_15 = arith.constant 0 : index
    %get3A_16 = arith.constant 0 : index
    %get3A_17 = vector.load %arg6[%get3A_15, %get3A_16] : memref<1x16xf32, #tpu.memory_space<vmem>>, vector<1x16xf32>
    %add3A_18 = vector.broadcast %get3A_17 : vector<1x16xf32> to vector<1000x16xf32>
    %add3A_19 = arith.addf %mul3A_14, %add3A_18 : vector<1000x16xf32>
    %concatenate3A = tpu.concatenate %get3A_1, %get3A_4, %add3A_19 in 1 : vector<1000x16xf32>, vector<1000x16xf32>, vector<1000x16xf32> -> vector<1000x48xf32>
    %swap3A = arith.constant 0 : index
    %swap3A_20 = arith.constant 0 : index
    %swap3A_21 = vector.load %arg7[%swap3A, %swap3A_20] : memref<1000x48xf32, #tpu.memory_space<vmem>>, vector<1000x48xf32>
    tpu.vector_store %arg7[%swap3A, %swap3A_20], %concatenate3A {strides = array<i32>} : memref<1000x48xf32, #tpu.memory_space<vmem>>, vector<1000x48xf32>,
    return
  }
  func.func @transform_0(%arg0: i32) -> (i32, i32) {
    %c0_i32 = arith.constant 0 : i32
    %c0_i32_0 = arith.constant 0 : i32
    return %arg0, %c0_i32 : i32, i32
  }
  func.func @transform_1(%arg0: i32) -> (i32, i32) {
    %c0_i32 = arith.constant 0 : i32
    %c0_i32_0 = arith.constant 0 : i32
    return %arg0, %c0_i32 : i32, i32
  }
  func.func @transform_2(%arg0: i32) -> (i32, i32) {
    %c0_i32 = arith.constant 0 : i32
    %c0_i32_0 = arith.constant 0 : i32
    return %arg0, %c0_i32 : i32, i32
  }
  func.func @transform_3(%arg0: i32) -> (i32, i32) {
    %c0_i32 = arith.constant 0 : i32
    %c0_i32_0 = arith.constant 0 : i32
    return %arg0, %c0_i32 : i32, i32
  }
  func.func @transform_4(%arg0: i32) -> (i32, i32) {
    %c0_i32 = arith.constant 0 : i32
    %c0_i32_0 = arith.constant 0 : i32
    return %arg0, %c0_i32 : i32, i32
  }
  func.func @transform_5(%arg0: i32) -> (i32, i32) {
    %c0_i32 = arith.constant 0 : i32
    %c0_i32_0 = arith.constant 0 : i32
    %c0_i32_1 = arith.constant 0 : i32
    return %c0_i32, %c0_i32_0 : i32, i32
  }
  func.func @transform_6(%arg0: i32) -> (i32, i32) {
    %c0_i32 = arith.constant 0 : i32
    %c0_i32_0 = arith.constant 0 : i32
    return %arg0, %c0_i32 : i32, i32
  }
}

</mosaic_0001>

<sc_bundles>
// kernel: kernel.16.cloned.1.call-start
scs
__scs_entry_jumppad:
0x0: {  	(pc) =	sbr.rel $0x88, $3  }
0x1: {  	(tag) =	ssettag $0x0;
	lr =	simm.s32 $0x1  }
0x2: {  	[smem:$0x3F8D] =	sst lr;
	_ =	strace $0xD0000000  }
0x3: {  	_ = 	snop  }
0x4: {  	_ = 	snop  }
0x5: {  	_ = 	snop  }
0x6: {  	_ = 	snop  }
0x7: {  	_ = 	snop  }
__scs_overlays_trampoline_lowered:
0x8: {  	[smem:$0x3F9C] =	sst s0  }
0x9: {  	[smem:$0x3F9D] =	sst s1  }
0xa: {  	[smem:$0x3F9E] =	sst s2  }
0xb: {  	[smem:$0x3F9F] =	sst s3  }
0xc: {  	[smem:$0x3FA0] =	sst s4  }
0xd: {  	[smem:$0x3FA1] =	sst s5  }
0xe: {  	[smem:$0x3FA2] =	sst s6  }
0xf: {  	[smem:$0x3FA3] =	sst s7  }
0x10: {  	[smem:$0x3FA4] =	sst s8  }
0x11: {  	[smem:$0x3FA5] =	sst s9;
	s0 =	simm.s32 @!p0 $0x0  }
0x12: {  	s1 =	sld [smem:$0x3F8B];
	s0 =	simm.s32 @p0 $0x1  }
0x13: {  	[smem:$0x3FA6] =	sst s0;
	s0 =	simm.s32 @!p1 $0x0  }
0x14: {  	s2 =	sld [smem:$0x3F8A];
	s0 =	simm.s32 @p1 $0x1  }
0x15: {  	[smem:$0x3FA7] =	sst s0;
	s0 =	simm.s32 @!p2 $0x0  }
0x16: {  	s3 =	sld [smem:$0x3FDB];
	s0 =	simm.s32 @p2 $0x1  }
0x17: {  	s4 =	simm.s32 $0x1BF5;
	[smem:$0x3FA9] =	sst s0  }
0x18: {  	s0 =	sld [smem:$0x3F8C];
	_ =	swait.ge [sflag:s4], $0x0  }
0x19: {  	s7 =	sld [smem:$0x3F8D]  }
0x1a: {  	s8 =	sadd.s32 $0xFFFFE003, lr  }
0x1b: {  	s9 =	sadd.s32 $0xFFFFFEF7, lr;
	s5 =	simm.s32 $0xFFFFFFFF;
	p2 =	slt.u32 s8, $0xFFFFF086  }
0x1c: {  	p1 =	slt.u32 s9, $0xF7A;
	s5 =	simm.s32 @!p2 $0x0  }
0x1d: {  	s5 =	simm.s32 @p1 $0x1;
	p0 =	seq.s32 s7, s2  }
0x1e: {  	s7 =	smul.u32 @!p0 $0xF7A, s2;
	p2 =	seq.s32 @!p0 s5, $0x0  }
0x1f: {  	s9 =	smul.u32 $0xF7A, s1;
	s8 =	simm.s32 @!p0 $0x1BF5;
	p2 =	por !p2, p0  }
0x20: {  	[sflag:s8] =	ssyncset.s32 @!p0 $0xFFFFF086;
	s6 =	sadd.s32 @!p0 s3, s7;
	s7 =	simm.s32 @!p0 $0x108  }
0x21: {  	s3 =	sadd.s32 s3, s9;
	s6 =	sadd.s32 @!p0 $0x88, s6;
	s7 =	simm.s32 @p2 $0x1082  }
0x22: {  	[simem:s7], [sflag:s8] =	dma.local @!p0 [hbm:s6], $0xF7A  }
0x23: {  	s9 =	sor.u32 $0xD0000000, s2;
	s6 =	simm.s32 $0x108;
	_ =	swait.ge @!p0 [sflag:s8], $0x0  }
0x24: {  	s3 =	sadd.s32 $0x88, s3;
	s6 =	simm.s32 @!p1 $0x1082;
	[sflag:s4] =	ssyncset.s32 $0xFFFFF086  }
0x25: {  	[simem:s6], [sflag:s4] =	dma.local [hbm:s3], $0xF7A  }
0x26: {  	[smem:$0x3F8D] =	sst s1;
	(tag) =	ssettag s2;
	_ =	strace s9  }
0x27: {  	s1 =	sld [smem:$0x3F9D]  }
0x28: {  	s2 =	sld [smem:$0x3F9E]  }
0x29: {  	s4 =	sld [smem:$0x3FA0]  }
0x2a: {  	p0 =	seq.s32 s5, $0x0;
	s5 =	sld [smem:$0x3FA1]  }
0x2b: {  	s6 =	sld [smem:$0x3FA2]  }
0x2c: {  	s7 =	sld [smem:$0x3FA3]  }
0x2d: {  	s3 =	simm.s32 $0x108;
	s8 =	sld [smem:$0x3FA4]  }
0x2e: {  	s3 =	simm.s32 @!p0 $0x1082;
	s9 =	sld [smem:$0x3FA5]  }
0x2f: {  	lr =	sadd.s32 s0, s3;
	s0 =	sld [smem:$0x3F9C]  }
0x30: {  	s3 =	sld [smem:$0x3F9F]  }
0x31: {  	[smem:$0x3FA8] =	sst s10  }
0x32: {  	s10 =	sld [smem:$0x3FA6];
	_ =	sdelay $0x3  }
0x33: {  	p0 =	seq.s32 s10, $0x1;
	s10 =	sld [smem:$0x3FA8];
	_ =	sdelay $0x3  }
0x34: {  	[smem:$0x3FA8] =	sst s10  }
0x35: {  	s10 =	sld [smem:$0x3FA7];
	_ =	sdelay $0x3  }
0x36: {  	p1 =	seq.s32 s10, $0x1;
	s10 =	sld [smem:$0x3FA8];
	_ =	sdelay $0x3  }
0x37: {  	[smem:$0x3FA8] =	sst s10  }
0x38: {  	s10 =	sld [smem:$0x3FA9]  }
0x39: {  	_ = 	snop;
	(pc) =	sbr.ind lr, $3  }
0x3a: {  	_ = 	snop  }
0x3b: {  	_ = 	snop  }
0x3c: {  	p2 =	seq.s32 s10, $0x1;
	s10 =	sld [smem:$0x3FA8]  }
0x3d: {  	_ =	shalt  }
0x3e: {  	_ =	shalt  }
0x3f: {  	_ =	shalt  }
0x40: {  	_ =	shalt  }
0x41: {  	_ =	shalt  }
0x42: {  	_ =	shalt  }
0x43: {  	_ =	shalt  }
0x44: {  	_ =	shalt  }
0x45: {  	_ =	shalt  }
0x46: {  	_ =	shalt  }
0x47: {  	_ =	shalt  }
0x48: {  	_ =	shalt  }
0x49: {  	_ =	shalt  }
0x4a: {  	_ =	shalt  }
0x4b: {  	_ =	shalt  }
0x4c: {  	_ =	shalt  }
0x4d: {  	_ =	shalt  }
0x4e: {  	_ =	shalt  }
0x4f: {  	_ =	shalt  }
0x50: {  	_ =	shalt  }
0x51: {  	_ =	shalt  }
0x52: {  	_ =	shalt  }
0x53: {  	_ =	shalt  }
0x54: {  	_ =	shalt  }
0x55: {  	_ =	shalt  }
0x56: {  	_ =	shalt  }
0x57: {  	_ =	shalt  }
0x58: {  	_ =	shalt  }
0x59: {  	_ =	shalt  }
0x5a: {  	_ =	shalt  }
0x5b: {  	_ =	shalt  }
0x5c: {  	_ =	shalt  }
0x5d: {  	_ =	shalt  }
0x5e: {  	_ =	shalt  }
0x5f: {  	_ =	shalt  }
0x60: {  	_ =	shalt  }
0x61: {  	_ =	shalt  }
0x62: {  	_ =	shalt  }
0x63: {  	_ =	shalt  }
0x64: {  	_ =	shalt  }
0x65: {  	_ =	shalt  }
0x66: {  	_ =	shalt  }
0x67: {  	_ =	shalt  }
0x68: {  	_ =	shalt  }
0x69: {  	_ =	shalt  }
0x6a: {  	_ =	shalt  }
0x6b: {  	_ =	shalt  }
0x6c: {  	_ =	shalt  }
0x6d: {  	_ =	shalt  }
0x6e: {  	_ =	shalt  }
0x6f: {  	_ =	shalt  }
0x70: {  	_ =	shalt  }
0x71: {  	_ =	shalt  }
0x72: {  	_ =	shalt  }
0x73: {  	_ =	shalt  }
0x74: {  	_ =	shalt  }
0x75: {  	_ =	shalt  }
0x76: {  	_ =	shalt  }
0x77: {  	_ =	shalt  }
0x78: {  	_ =	shalt  }
0x79: {  	_ =	shalt  }
0x7a: {  	_ =	shalt  }
0x7b: {  	_ =	shalt  }
0x7c: {  	_ =	shalt  }
0x7d: {  	_ =	shalt  }
0x7e: {  	_ =	shalt  }
0x7f: {  	_ =	shalt  }
0x80: {  	_ =	shalt  }
0x81: {  	_ =	shalt  }
0x82: {  	_ =	shalt  }
0x83: {  	_ =	shalt  }
0x84: {  	_ =	shalt  }
0x85: {  	_ =	shalt  }
0x86: {  	_ =	shalt  }
0x87: {  	_ =	shalt  }
.Lfunc_end0:
.L_simem_size_0:
called_computation_lowered:
.L_overlay_start_0:
0x88: {  	s2 =	sld [smem:$0x3FD9]  }
0x89: {  	s3 =	sld [smem:$0x3FFE];
	_ =	sdelay $0x1  }
0x8a: {  	s1 =	srdreg.scid  }
0x8b: {  	s0 =	sand.u32 $0x1, s1  }
0x8c: {  	s17 =	sshll.u32 s0, $0xA;
	s2 =	sadd.s32 s3, s2  }
0x8d: {  	s2 =	sadd.s32 s2, s17  }
0x8e: {  	[smem:$0x3FB4] =	sst s2  }
0x8f: {  	_ = 	snop  }
0x90: {  	s2 =	sld [smem:$0x3FD0];
	(tm) =	ssettm $0x1  }
0x91: {  	s18 =	sld [smem:$0x3FFB];
	_ =	sdelay $0x3  }
0x92: {  	_ =	strace s18  }
0x93: {  	s3 =	sld [smem:$0x3FFC];
	_ =	sdelay $0x3  }
0x94: {  	_ =	strace s3  }
0x95: {  	s3 =	sld [smem:$0x3FFD];
	_ =	sdelay $0x3  }
0x96: {  	_ =	strace s3  }
0x97: {  	_ =	strace $0x8FFFFFFF  }
0x98: {  	s19 =	sld [smem:$0x3FDB];
	_ =	sdelay $0x1  }
0x99: {  	s4 =	simm.s32 $_scs_section_size  }
0x9a: {  	s5 =	simm.s32 $_size__tile_overlayer_lowered;
	s6 =	simm.s32 $_tile_overlayer_lowered  }
0x9b: {  	s22 =	simm.s32 $0x1BFF;
	s21 =	sshll.u32 s6, $0x1;
	s3 =	sadd.s32 s4, s19  }
0x9c: {  	s7 =	simm.s32 $0x0;
	s20 =	sshll.u32 s5, $0x1;
	s5 =	sadd.s32 s21, s3  }
0x9d: {  	[timem:s7], [sflag:s22] =	dma.local [hbm:s5], s20  }
0x9e: {  	_ =	swait.ge [sflag:s22], s20  }
0x9f: {  	s4 =	ssub.s32 $0x0, s20;
	[sflag:s22] =	ssyncset.done $0x0  }
0xa0: {  	[sflag:s22] =	ssyncadd.s32 s4;
	_ =	sdelay $0x1  }
0xa1: {  	s23 =	simm.s32 $0x1B8B  }
0xa2: {  	_ =	swait.ge [sflag:s23], $0x1  }
0xa3: {  	[sflag:s23] =	ssyncset.done $0x0  }
0xa4: {  	s25 =	simm.s32 $0x1B8E;
	s24 =	sld [smem:$0x3FFE];
	[sflag:s23] =	ssyncadd.s32 $0xFFFFFFFF  }
0xa5: {  	s26 =	simm.s32 $execute0_lowered;
	[smem:$0x3FD2] =	sst s25  }
0xa6: {  	s5 =	sshll.u32 s26, $0x1;
	_ =	strace $0x80000046;
	[dreg:$0x1] =	wrdreg $0xFFFFFFFF  }
0xa7: {  	s28 =	simm.s32 $_size_execute0_lowered;
	s3 =	sadd.s32 s3, s5;
	[dreg:$0x0] =	wrdreg $0x0  }
0xa8: {  	s5 =	sshll.u32 s28, $0x1;
	[dreg:$0x2] =	wrdreg s3  }
0xa9: {  	[dreg:$0x3] =	wrdreg s5  }
0xaa: {  	[dreg:$0x4] =	wrdreg $0xC0  }
0xab: {  	_ =	task [dreg:s7], $0x5FFFF  }
0xac: {  	[dreg:$0x1] =	wrdreg $0xFFFFFFFF  }
0xad: {  	[dreg:$0x0] =	wrdreg $0x60  }
0xae: {  	[dreg:$0x2] =	wrdreg s2  }
0xaf: {  	[dreg:$0x3] =	wrdreg s24  }
0xb0: {  	[dreg:$0x4] =	wrdreg $0x0  }
0xb1: {  	[dreg:$0x5] =	wrdreg $0x9  }
0xb2: {  	_ =	task.clear_ibuf [dreg:s7], $0x6FFFF;
	_ =	strace $0x90000046  }
0xb3: {  	s29 =	simm.s32 $0x9;
	_ =	strace $0x80000048  }
0xb4: {  	_ =	swait.ge [sflag:s29], $0x1  }
0xb5: {  	[sflag:s29] =	ssyncadd.s32 $0xFFFFFFFF  }
0xb6: {  	_ =	strace $0x90000048  }
0xb7: {  	_ =	sfence  }
0xb8: {  	s30 =	sld [smem:$0x0];
	_ =	sdelay $0x2  }
0xb9: {  	s31 =	sshll.u32 s1, $0xD;
	s1 =	sshrl.u32 s1, $0x2  }
0xba: {  	s3 =	sand.u32 $0x4000, s31;
	s1 =	sadd.s32 s1, s30  }
0xbb: {  	s0 =	sor.u32 s3, s0;
	s1 =	sshll.u32 s1, $0x11  }
0xbc: {  	s0 =	sor.u32 s1, s0  }
0xbd: {  	s0 =	sadd.s32 $0x8F2B, s0  }
0xbe: {  	[sflag:s0] =	ssyncadd.remote.s32 $0x1  }
0xbf: {  	_ =	sfence.sel $0xFFFF  }
0xc0: {  	[dreg:$0x0] =	wrdreg $0xFFFFFFFF;
	(pc) =	sbr.abs _section_cstart, $3  }
0xc1: {  	[dreg:$0x1] =	wrdreg $0xFFFFFFFF  }
0xc2: {  	_ =	task.clear_ibuf [dreg:s7], $0x2FFFF;
	_ =	strace $0x9FFFFFFF  }
0xc3: {  	(tm) =	ssettm $0x7FFFFFFF  }
tec
execute0_lowered:
.L_overlay_start_1:
0x0: {  	(tag) =	ssettag $0x1  }
0x1: {  	s5 =	rddreg [dreg:$0x0]  }
0x2: {  	s4 =	rddreg [dreg:$0x1]  }
0x3: {  	s1 =	rddreg [dreg:$0x2]  }
0x4: {  	s2 =	srdreg.scid;
	s0 =	rddreg [dreg:$0x3];
	s3 =	simm.s32 $0x0  }
0x5: {  	s12 =	simm.s32 $0x14000;
	s13 =	simm.s32 $0x1;
	s14 =	simm.s32 $0x18000  }
0x6: {  	s15 =	simm.s32 $0x80;
	s6 =	sand.u32 $0x1, s2;
	s2 =	stileid.u32  }
0x7: {  	s16 =	simm.s32 $0x1A800;
	[smem:$0x7FF] =	sst s3;
	s7 =	smul.u32 $0x140000, s6  }
0x8: {  	s8 =	smul.u32 $0x14000, s2;
	_ =	strace $0x80000047;
	s31 =	sshll.u32 s6, $0x4  }
0x9: {  	s9 =	smul.u32 $0x50000, s2;
	s6 =	ssub.s32 $0x2, s6;
	s17 =	sshll.u32 s2, $0x6  }
0xa: {  	s10 =	sshrl.u32 s6, $0x1;
	s7 =	sadd.s32 s8, s7;
	s8 =	sor.u32 s2, s31  }
0xb: {  	s17 =	sor.u32 $0x1C01, s17;
	s7 =	sshrl.u32 s7, $0x3;
	s8 =	smul.u32 $0x500, s8  }
0xc: {  	s9 =	sshrl.u32 s9, $0x2;
	s10 =	ssub.s32 s6, s10;
	s7 =	sadd.s32 s7, s4  }
0xd: {  	s4 =	sadd.s32 s9, s1;
	s5 =	sadd.s32 s5, s8;
	s6 =	sadd.s32 $0x7C00, s7  }
0xe: {  	s7 =	smax.u32 s10, $0x1;
	s8 =	sadd.s32 $0x4000, s4;
	s9 =	sadd.s32 $0x8000, s4  }
0xf: {  	v0 =	vimm.f32 $0.0e+00;
	v1 =	vimm.f32 $1.000000000e+00;
	s10 =	sadd.s32 $0xC000, s4;
	s11 =	sadd.s32 $0x10000, s4;
	s18 =	sshrl.u32 s4, $0x3  }
.LBB2_1:
0x10: {  	s19 =	simm.s32 $0x0;
	s20 =	simm.s32 $0x200  }
.LBB2_2:
0x11: {  	p0 =	sne.s32 s20, $0xFE00;
	[tilespmem:s19+$0x14070] =	vst v0  }
0x12: {  	[tilespmem:s19+$0x14000] =	vst v0  }
0x13: {  	[tilespmem:s19+$0x14010] =	vst v0  }
.Ltmp0:
0x14: {  	[tilespmem:s19+$0x14020] =	vst v0;
	(pc) =	sbr.rel @p0 .LBB2_2-.Ltmp0, $4  }
0x15: {  	[tilespmem:s19+$0x14030] =	vst v0  }
0x16: {  	[tilespmem:s19+$0x14040] =	vst v0  }
0x17: {  	[tilespmem:s19+$0x14050] =	vst v0  }
0x18: {  	[tilespmem:s19+$0x14060] =	vst v0;
	s19 =	sshra.s32 s20, $0x2;
	s20 =	sadd.s32 $0x200, s20  }
0x19: {  	[tilespmem:s19+$0x14070] =	vst v0  }
0x1a: {  	[tilespmem:s19+$0x14000] =	vst v0  }
0x1b: {  	[tilespmem:s19+$0x14010] =	vst v0  }
0x1c: {  	[tilespmem:s19+$0x14020] =	vst v0  }
0x1d: {  	[tilespmem:s19+$0x14030] =	vst v0  }
0x1e: {  	[tilespmem:s19+$0x14040] =	vst v0  }
0x1f: {  	[tilespmem:s19+$0x14050] =	vst v0  }
0x20: {  	[tilespmem:s19+$0x14060] =	vst v0  }
0x21: {  	[spmem:s4] =	stream.linear.scatter [tilespmem:s12], [sflag:$0x1], $0x4000, $0x38;
	[tilespmem:$0x1A880] =	vst v63  }
0x22: {  	_ =	swait.ge [sflag:s13], $0x4000  }
0x23: {  	[sflag:s13] =	ssyncset.done $0x0  }
0x24: {  	[sflag:s13] =	ssyncadd.s32 $0xFFFFC000  }
0x25: {  	[spmem:s8] =	stream.linear.scatter [tilespmem:s12], [sflag:$0x1], $0x4000, $0x38;
	[tilespmem:$0x1A880] =	vst v63  }
0x26: {  	_ =	swait.ge [sflag:s13], $0x4000  }
0x27: {  	[sflag:s13] =	ssyncset.done $0x0  }
0x28: {  	[sflag:s13] =	ssyncadd.s32 $0xFFFFC000  }
0x29: {  	[spmem:s9] =	stream.linear.scatter [tilespmem:s12], [sflag:$0x1], $0x4000, $0x38;
	[tilespmem:$0x1A880] =	vst v63  }
0x2a: {  	_ =	swait.ge [sflag:s13], $0x4000  }
0x2b: {  	[sflag:s13] =	ssyncset.done $0x0  }
0x2c: {  	[sflag:s13] =	ssyncadd.s32 $0xFFFFC000  }
0x2d: {  	[spmem:s10] =	stream.linear.scatter [tilespmem:s12], [sflag:$0x1], $0x4000, $0x38;
	[tilespmem:$0x1A880] =	vst v63  }
0x2e: {  	_ =	swait.ge [sflag:s13], $0x4000  }
0x2f: {  	[sflag:s13] =	ssyncset.done $0x0  }
0x30: {  	[sflag:s13] =	ssyncadd.s32 $0xFFFFC000  }
0x31: {  	[spmem:s11] =	stream.linear.scatter [tilespmem:s12], [sflag:$0x1], $0x4000, $0x38;
	[tilespmem:$0x1A880] =	vst v63  }
0x32: {  	_ =	swait.ge [sflag:s13], $0x4000  }
0x33: {  	[sflag:s13] =	ssyncset.done $0x0  }
0x34: {  	s19 =	simm.s32 $0x0;
	s20 =	simm.s32 $0x200;
	[sflag:s13] =	ssyncadd.s32 $0xFFFFC000  }
.LBB2_4:
0x35: {  	p0 =	sne.s32 s20, $0xFE00;
	[tilespmem:s19+$0x14070] =	vst v1  }
0x36: {  	[tilespmem:s19+$0x14000] =	vst v1  }
0x37: {  	[tilespmem:s19+$0x14010] =	vst v1  }
.Ltmp1:
0x38: {  	[tilespmem:s19+$0x14020] =	vst v1;
	(pc) =	sbr.rel @p0 .LBB2_4-.Ltmp1, $4  }
0x39: {  	[tilespmem:s19+$0x14030] =	vst v1  }
0x3a: {  	[tilespmem:s19+$0x14040] =	vst v1  }
0x3b: {  	[tilespmem:s19+$0x14050] =	vst v1  }
0x3c: {  	[tilespmem:s19+$0x14060] =	vst v1;
	s19 =	sshra.s32 s20, $0x2;
	s20 =	sadd.s32 $0x200, s20  }
0x3d: {  	[tilespmem:s19+$0x14070] =	vst v1  }
0x3e: {  	[tilespmem:s19+$0x14000] =	vst v1  }
0x3f: {  	[tilespmem:s19+$0x14010] =	vst v1  }
0x40: {  	[tilespmem:s19+$0x14020] =	vst v1  }
0x41: {  	[tilespmem:s19+$0x14030] =	vst v1  }
0x42: {  	[tilespmem:s19+$0x14040] =	vst v1  }
0x43: {  	[tilespmem:s19+$0x14050] =	vst v1  }
0x44: {  	[tilespmem:s19+$0x14060] =	vst v1;
	s30 =	simm.s32 $0x0  }
0x45: {  	[tilespmem:s14], [sflag:$0x1] =	stream.linear.gather [hbm4b:s5+s30], $0x2800, $0x38;
	[tilespmem:$0x1A880] =	vst v63  }
0x46: {  	_ =	swait.ge [sflag:s13], $0x2800  }
0x47: {  	[sflag:s13] =	ssyncset.done $0x0  }
0x48: {  	[sflag:s13] =	ssyncadd.s32 $0xFFFFD800  }
0x49: {  	s31 =	simm.s32 $0x0;
	[bflag:$0x0] =	sbarrier.arrive $0xFFFF  }
0x4a: {  	v2 =	vld [tilespmem:s31+$0x18000];
	_ =	sdelay $0x4  }
0x4b: {  	[tilespmem:$0x1A800] =	vst v2  }
0x4c: {  	v2 =	vld [tilespmem:s31+$0x18010];
	_ =	sdelay $0x4  }
0x4d: {  	[tilespmem:$0x1A810] =	vst v2  }
0x4e: {  	v2 =	vld [tilespmem:s31+$0x18020];
	_ =	sdelay $0x4  }
0x4f: {  	[tilespmem:$0x1A820] =	vst v2  }
0x50: {  	v2 =	vld [tilespmem:s31+$0x18030];
	_ =	sdelay $0x4  }
0x51: {  	[tilespmem:$0x1A830] =	vst v2  }
0x52: {  	v2 =	vld [tilespmem:s31+$0x18040];
	_ =	sdelay $0x4  }
0x53: {  	[tilespmem:$0x1A840] =	vst v2  }
0x54: {  	v2 =	vld [tilespmem:s31+$0x18050];
	_ =	sdelay $0x4  }
0x55: {  	[tilespmem:$0x1A850] =	vst v2  }
0x56: {  	v2 =	vld [tilespmem:s31+$0x18060];
	_ =	sdelay $0x4  }
0x57: {  	[tilespmem:$0x1A860] =	vst v2  }
0x58: {  	v2 =	vld [tilespmem:s31+$0x18070];
	_ =	sdelay $0x4  }
0x59: {  	[tilespmem:$0x1A870] =	vst v2  }
0x5a: {  	[spmem:s1] =	stream.indirect.scatter.add.f32 [tilespmem:s12], [sflag:$0x1], $0x80, s16, s15, $0xb8;
	[tilespmem:$0x1A880] =	vst v63  }
0x5b: {  	_ =	swait.ge [sflag:s13], $0x4000  }
0x5c: {  	s19 =	simm.s32 $0x200;
	s21 =	simm.s32 $0x400;
	[sflag:s13] =	ssyncset.done $0x0  }
.LBB2_6:
0x5d: {  	s22 =	sshra.s32 s19, $0x2  }
0x5e: {  	[sflag:s13] =	ssyncadd.s32 $0xFFFFC000;
	s19 =	smov.u32 s21;
	s20 =	sadd.s32 $0x200, s21  }
0x5f: {  	p0 =	sne.s32 s21, $0x9E00;
	v2 =	vld [tilespmem:s22+$0x18000];
	_ =	sdelay $0x4  }
0x60: {  	[tilespmem:$0x1A800] =	vst v2  }
0x61: {  	v2 =	vld [tilespmem:s22+$0x18010];
	_ =	sdelay $0x4  }
0x62: {  	[tilespmem:$0x1A810] =	vst v2  }
0x63: {  	v2 =	vld [tilespmem:s22+$0x18020];
	_ =	sdelay $0x4  }
0x64: {  	[tilespmem:$0x1A820] =	vst v2  }
0x65: {  	v2 =	vld [tilespmem:s22+$0x18030];
	_ =	sdelay $0x4  }
0x66: {  	[tilespmem:$0x1A830] =	vst v2  }
0x67: {  	v2 =	vld [tilespmem:s22+$0x18040];
	_ =	sdelay $0x4  }
0x68: {  	[tilespmem:$0x1A840] =	vst v2  }
0x69: {  	v2 =	vld [tilespmem:s22+$0x18050];
	_ =	sdelay $0x4  }
0x6a: {  	[tilespmem:$0x1A850] =	vst v2  }
0x6b: {  	v2 =	vld [tilespmem:s22+$0x18060];
	_ =	sdelay $0x4  }
0x6c: {  	[tilespmem:$0x1A860] =	vst v2  }
0x6d: {  	v2 =	vld [tilespmem:s22+$0x18070];
	_ =	sdelay $0x3  }
.Ltmp2:
0x6e: {  	(pc) =	sbr.rel @p0 .LBB2_6-.Ltmp2, $4  }
0x6f: {  	[tilespmem:$0x1A870] =	vst v2  }
0x70: {  	[spmem:s1] =	stream.indirect.scatter.add.f32 [tilespmem:s12], [sflag:$0x1], $0x80, s16, s15, $0xb8;
	[tilespmem:$0x1A880] =	vst v63  }
0x71: {  	_ =	swait.ge [sflag:s13], $0x4000  }
0x72: {  	s21 =	smov.u32 s20;
	[sflag:s13] =	ssyncset.done $0x0  }
0x73: {  	s19 =	sshra.s32 s19, $0x2;
	[sflag:s13] =	ssyncadd.s32 $0xFFFFC000  }
0x74: {  	v2 =	vld [tilespmem:s19+$0x18000];
	_ =	sdelay $0x4  }
0x75: {  	[tilespmem:$0x1A800] =	vst v2  }
0x76: {  	v2 =	vld [tilespmem:s19+$0x18010];
	_ =	sdelay $0x4  }
0x77: {  	[tilespmem:$0x1A810] =	vst v2  }
0x78: {  	v2 =	vld [tilespmem:s19+$0x18020];
	_ =	sdelay $0x4  }
0x79: {  	[tilespmem:$0x1A820] =	vst v2  }
0x7a: {  	v2 =	vld [tilespmem:s19+$0x18030];
	_ =	sdelay $0x4  }
0x7b: {  	[tilespmem:$0x1A830] =	vst v2  }
0x7c: {  	v2 =	vld [tilespmem:s19+$0x18040];
	_ =	sdelay $0x4  }
0x7d: {  	[tilespmem:$0x1A840] =	vst v2  }
0x7e: {  	v2 =	vld [tilespmem:s19+$0x18050];
	_ =	sdelay $0x4  }
0x7f: {  	[tilespmem:$0x1A850] =	vst v2  }
0x80: {  	v2 =	vld [tilespmem:s19+$0x18060];
	_ =	sdelay $0x4  }
0x81: {  	[tilespmem:$0x1A860] =	vst v2  }
0x82: {  	v2 =	vld [tilespmem:s19+$0x18070];
	_ =	sdelay $0x4  }
0x83: {  	[tilespmem:$0x1A870] =	vst v2  }
0x84: {  	[spmem:s1] =	stream.indirect.scatter.add.f32 [tilespmem:s12], [sflag:$0x1], $0x80, s16, s15, $0xb8;
	[tilespmem:$0x1A880] =	vst v63  }
0x85: {  	_ =	swait.ge [sflag:s13], $0x4000  }
0x86: {  	s3 =	sadd.s32 $0x1, s3;
	[sflag:s13] =	ssyncset.done $0x0  }
0x87: {  	p0 =	sne.s32 s3, s7;
	[sflag:s13] =	ssyncadd.s32 $0xFFFFC000  }
.Ltmp3:
0x88: {  	[bflag:$0x0] =	sbarrier.arrive $0xFFFF;
	(pc) =	sbr.rel @p0 .LBB2_1-.Ltmp3, $4  }
0x89: {  	[hbm:s6], [sflag:s17] =	dma.local [spmem:s18], $0x2800  }
0x8a: {  	_ =	swait.ge [sflag:s13], $0x2800  }
0x8b: {  	[sflag:s13] =	ssyncset.done $0x0  }
0x8c: {  	[sflag:s13] =	ssyncadd.s32 $0xFFFFD800  }
0x8d: {  	_ =	sfence.sel $0x180000  }
0x8e: {  	[bflag:$0x0] =	sbarrier.arrive $0xFFFF  }
0x8f: {  	p0 =	sne.s32 s2, $0x0;
	_ =	strace $0x90000047  }
0x90: {  	s0 =	sadd.s32 @!p0 $0x100000, s0;
	[bflag:$0x2] =	sbarrier.arrive $0xFFFF  }
0x91: {  	[sflag:s0] =	ssyncadd.tile.s32 @!p0 $0x1;
	_ =	shalt  }
.Lfunc_end2:
_tile_overlayer_lowered:
.L_overlay_start_2:
0x92: {  	(tag) =	ssettag $0x2  }
0x93: {  	s0 =	rddreg [dreg:$0x0];
	s2 =	stileid.u32  }
0x94: {  	s1 =	rddreg [dreg:$0x1];
	p0 =	sne.s32 s2, $0x0  }
0x95: {  	s3 =	rddreg [dreg:$0x2];
	[bflag:$0x3] =	sbarrier.arrive $0xFFFF;
	s2 =	simm.s32 @!p0 $0x1C01  }
0x96: {  	[timem:s3], [sflag:s2] =	dma.local @!p0 [hbm:s0], s1  }
0x97: {  	s0 =	simm.s32 @!p0 $0x1  }
0x98: {  	_ =	swait.ge @!p0 [sflag:s0], s1  }
0x99: {  	s1 =	ssub.s32 @!p0 $0x0, s1;
	[sflag:s0] =	ssyncset.done @!p0 $0x0  }
0x9a: {  	[sflag:s0] =	ssyncadd.s32 @!p0 s1  }
0x9b: {  	[bflag:$0x3] =	sbarrier.arrive $0xFFFF  }
0x9c: {  	_ =	shalt  }

// kernel: kernel.19.cloned.1.call-start
scs
__scs_entry_jumppad:
0x0: {  	(pc) =	sbr.rel $0x88, $3  }
0x1: {  	(tag) =	ssettag $0x0;
	lr =	simm.s32 $0x1  }
0x2: {  	[smem:$0x3F8D] =	sst lr;
	_ =	strace $0xD0000000  }
0x3: {  	_ = 	snop  }
0x4: {  	_ = 	snop  }
0x5: {  	_ = 	snop  }
0x6: {  	_ = 	snop  }
0x7: {  	_ = 	snop  }
__scs_overlays_trampoline_lowered:
0x8: {  	[smem:$0x3F9C] =	sst s0  }
0x9: {  	[smem:$0x3F9D] =	sst s1  }
0xa: {  	[smem:$0x3F9E] =	sst s2  }
0xb: {  	[smem:$0x3F9F] =	sst s3  }
0xc: {  	[smem:$0x3FA0] =	sst s4  }
0xd: {  	[smem:$0x3FA1] =	sst s5  }
0xe: {  	[smem:$0x3FA2] =	sst s6  }
0xf: {  	[smem:$0x3FA3] =	sst s7  }
0x10: {  	[smem:$0x3FA4] =	sst s8  }
0x11: {  	[smem:$0x3FA5] =	sst s9;
	s0 =	simm.s32 @!p0 $0x0  }
0x12: {  	s1 =	sld [smem:$0x3F8B];
	s0 =	simm.s32 @p0 $0x1  }
0x13: {  	[smem:$0x3FA6] =	sst s0;
	s0 =	simm.s32 @!p1 $0x0  }
0x14: {  	s2 =	sld [smem:$0x3F8A];
	s0 =	simm.s32 @p1 $0x1  }
0x15: {  	[smem:$0x3FA7] =	sst s0;
	s0 =	simm.s32 @!p2 $0x0  }
0x16: {  	s3 =	sld [smem:$0x3FDB];
	s0 =	simm.s32 @p2 $0x1  }
0x17: {  	s4 =	simm.s32 $0x1BF5;
	[smem:$0x3FA9] =	sst s0  }
0x18: {  	s0 =	sld [smem:$0x3F8C];
	_ =	swait.ge [sflag:s4], $0x0  }
0x19: {  	s7 =	sld [smem:$0x3F8D]  }
0x1a: {  	s8 =	sadd.s32 $0xFFFFE003, lr  }
0x1b: {  	s9 =	sadd.s32 $0xFFFFFEF7, lr;
	s5 =	simm.s32 $0xFFFFFFFF;
	p2 =	slt.u32 s8, $0xFFFFF086  }
0x1c: {  	p1 =	slt.u32 s9, $0xF7A;
	s5 =	simm.s32 @!p2 $0x0  }
0x1d: {  	s5 =	simm.s32 @p1 $0x1;
	p0 =	seq.s32 s7, s2  }
0x1e: {  	s7 =	smul.u32 @!p0 $0xF7A, s2;
	p2 =	seq.s32 @!p0 s5, $0x0  }
0x1f: {  	s9 =	smul.u32 $0xF7A, s1;
	s8 =	simm.s32 @!p0 $0x1BF5;
	p2 =	por !p2, p0  }
0x20: {  	[sflag:s8] =	ssyncset.s32 @!p0 $0xFFFFF086;
	s6 =	sadd.s32 @!p0 s3, s7;
	s7 =	simm.s32 @!p0 $0x108  }
0x21: {  	s3 =	sadd.s32 s3, s9;
	s6 =	sadd.s32 @!p0 $0x88, s6;
	s7 =	simm.s32 @p2 $0x1082  }
0x22: {  	[simem:s7], [sflag:s8] =	dma.local @!p0 [hbm:s6], $0xF7A  }
0x23: {  	s9 =	sor.u32 $0xD0000000, s2;
	s6 =	simm.s32 $0x108;
	_ =	swait.ge @!p0 [sflag:s8], $0x0  }
0x24: {  	s3 =	sadd.s32 $0x88, s3;
	s6 =	simm.s32 @!p1 $0x1082;
	[sflag:s4] =	ssyncset.s32 $0xFFFFF086  }
0x25: {  	[simem:s6], [sflag:s4] =	dma.local [hbm:s3], $0xF7A  }
0x26: {  	[smem:$0x3F8D] =	sst s1;
	(tag) =	ssettag s2;
	_ =	strace s9  }
0x27: {  	s1 =	sld [smem:$0x3F9D]  }
0x28: {  	s2 =	sld [smem:$0x3F9E]  }
0x29: {  	s4 =	sld [smem:$0x3FA0]  }
0x2a: {  	p0 =	seq.s32 s5, $0x0;
	s5 =	sld [smem:$0x3FA1]  }
0x2b: {  	s6 =	sld [smem:$0x3FA2]  }
0x2c: {  	s7 =	sld [smem:$0x3FA3]  }
0x2d: {  	s3 =	simm.s32 $0x108;
	s8 =	sld [smem:$0x3FA4]  }
0x2e: {  	s3 =	simm.s32 @!p0 $0x1082;
	s9 =	sld [smem:$0x3FA5]  }
0x2f: {  	lr =	sadd.s32 s0, s3;
	s0 =	sld [smem:$0x3F9C]  }
0x30: {  	s3 =	sld [smem:$0x3F9F]  }
0x31: {  	[smem:$0x3FA8] =	sst s10  }
0x32: {  	s10 =	sld [smem:$0x3FA6];
	_ =	sdelay $0x3  }
0x33: {  	p0 =	seq.s32 s10, $0x1;
	s10 =	sld [smem:$0x3FA8];
	_ =	sdelay $0x3  }
0x34: {  	[smem:$0x3FA8] =	sst s10  }
0x35: {  	s10 =	sld [smem:$0x3FA7];
	_ =	sdelay $0x3  }
0x36: {  	p1 =	seq.s32 s10, $0x1;
	s10 =	sld [smem:$0x3FA8];
	_ =	sdelay $0x3  }
0x37: {  	[smem:$0x3FA8] =	sst s10  }
0x38: {  	s10 =	sld [smem:$0x3FA9]  }
0x39: {  	_ = 	snop;
	(pc) =	sbr.ind lr, $3  }
0x3a: {  	_ = 	snop  }
0x3b: {  	_ = 	snop  }
0x3c: {  	p2 =	seq.s32 s10, $0x1;
	s10 =	sld [smem:$0x3FA8]  }
0x3d: {  	_ =	shalt  }
0x3e: {  	_ =	shalt  }
0x3f: {  	_ =	shalt  }
0x40: {  	_ =	shalt  }
0x41: {  	_ =	shalt  }
0x42: {  	_ =	shalt  }
0x43: {  	_ =	shalt  }
0x44: {  	_ =	shalt  }
0x45: {  	_ =	shalt  }
0x46: {  	_ =	shalt  }
0x47: {  	_ =	shalt  }
0x48: {  	_ =	shalt  }
0x49: {  	_ =	shalt  }
0x4a: {  	_ =	shalt  }
0x4b: {  	_ =	shalt  }
0x4c: {  	_ =	shalt  }
0x4d: {  	_ =	shalt  }
0x4e: {  	_ =	shalt  }
0x4f: {  	_ =	shalt  }
0x50: {  	_ =	shalt  }
0x51: {  	_ =	shalt  }
0x52: {  	_ =	shalt  }
0x53: {  	_ =	shalt  }
0x54: {  	_ =	shalt  }
0x55: {  	_ =	shalt  }
0x56: {  	_ =	shalt  }
0x57: {  	_ =	shalt  }
0x58: {  	_ =	shalt  }
0x59: {  	_ =	shalt  }
0x5a: {  	_ =	shalt  }
0x5b: {  	_ =	shalt  }
0x5c: {  	_ =	shalt  }
0x5d: {  	_ =	shalt  }
0x5e: {  	_ =	shalt  }
0x5f: {  	_ =	shalt  }
0x60: {  	_ =	shalt  }
0x61: {  	_ =	shalt  }
0x62: {  	_ =	shalt  }
0x63: {  	_ =	shalt  }
0x64: {  	_ =	shalt  }
0x65: {  	_ =	shalt  }
0x66: {  	_ =	shalt  }
0x67: {  	_ =	shalt  }
0x68: {  	_ =	shalt  }
0x69: {  	_ =	shalt  }
0x6a: {  	_ =	shalt  }
0x6b: {  	_ =	shalt  }
0x6c: {  	_ =	shalt  }
0x6d: {  	_ =	shalt  }
0x6e: {  	_ =	shalt  }
0x6f: {  	_ =	shalt  }
0x70: {  	_ =	shalt  }
0x71: {  	_ =	shalt  }
0x72: {  	_ =	shalt  }
0x73: {  	_ =	shalt  }
0x74: {  	_ =	shalt  }
0x75: {  	_ =	shalt  }
0x76: {  	_ =	shalt  }
0x77: {  	_ =	shalt  }
0x78: {  	_ =	shalt  }
0x79: {  	_ =	shalt  }
0x7a: {  	_ =	shalt  }
0x7b: {  	_ =	shalt  }
0x7c: {  	_ =	shalt  }
0x7d: {  	_ =	shalt  }
0x7e: {  	_ =	shalt  }
0x7f: {  	_ =	shalt  }
0x80: {  	_ =	shalt  }
0x81: {  	_ =	shalt  }
0x82: {  	_ =	shalt  }
0x83: {  	_ =	shalt  }
0x84: {  	_ =	shalt  }
0x85: {  	_ =	shalt  }
0x86: {  	_ =	shalt  }
0x87: {  	_ =	shalt  }
.Lfunc_end0:
.L_simem_size_0:
called_computation.1_lowered:
.L_overlay_start_0:
0x88: {  	s2 =	sld [smem:$0x3FD9]  }
0x89: {  	s3 =	sld [smem:$0x3FFE];
	_ =	sdelay $0x1  }
0x8a: {  	s1 =	srdreg.scid  }
0x8b: {  	s0 =	sand.u32 $0x1, s1  }
0x8c: {  	s17 =	sshll.u32 s0, $0xA;
	s2 =	sadd.s32 s3, s2  }
0x8d: {  	s2 =	sadd.s32 s2, s17  }
0x8e: {  	[smem:$0x3FB4] =	sst s2  }
0x8f: {  	_ = 	snop  }
0x90: {  	s2 =	sld [smem:$0x3FD0];
	(tm) =	ssettm $0x1  }
0x91: {  	s18 =	sld [smem:$0x3FFB];
	_ =	sdelay $0x3  }
0x92: {  	_ =	strace s18  }
0x93: {  	s3 =	sld [smem:$0x3FFC];
	_ =	sdelay $0x3  }
0x94: {  	_ =	strace s3  }
0x95: {  	s3 =	sld [smem:$0x3FFD];
	_ =	sdelay $0x3  }
0x96: {  	_ =	strace s3  }
0x97: {  	_ =	strace $0x8FFFFFFF  }
0x98: {  	s19 =	sld [smem:$0x3FDB];
	_ =	sdelay $0x1  }
0x99: {  	s4 =	simm.s32 $_scs_section_size  }
0x9a: {  	s5 =	simm.s32 $_size__tile_overlayer_lowered;
	s6 =	simm.s32 $_tile_overlayer_lowered  }
0x9b: {  	s22 =	simm.s32 $0x1BFF;
	s21 =	sshll.u32 s6, $0x1;
	s3 =	sadd.s32 s4, s19  }
0x9c: {  	s7 =	simm.s32 $0x0;
	s20 =	sshll.u32 s5, $0x1;
	s5 =	sadd.s32 s21, s3  }
0x9d: {  	[timem:s7], [sflag:s22] =	dma.local [hbm:s5], s20  }
0x9e: {  	_ =	swait.ge [sflag:s22], s20  }
0x9f: {  	s4 =	ssub.s32 $0x0, s20;
	[sflag:s22] =	ssyncset.done $0x0  }
0xa0: {  	[sflag:s22] =	ssyncadd.s32 s4;
	_ =	sdelay $0x1  }
0xa1: {  	s23 =	simm.s32 $0x1B8B  }
0xa2: {  	_ =	swait.ge [sflag:s23], $0x1  }
0xa3: {  	[sflag:s23] =	ssyncset.done $0x0  }
0xa4: {  	s25 =	simm.s32 $0x1B8E;
	s24 =	sld [smem:$0x3FFE];
	[sflag:s23] =	ssyncadd.s32 $0xFFFFFFFF  }
0xa5: {  	s26 =	simm.s32 $execute0_lowered;
	[smem:$0x3FD2] =	sst s25  }
0xa6: {  	s5 =	sshll.u32 s26, $0x1;
	_ =	strace $0x80000049;
	[dreg:$0x1] =	wrdreg $0xFFFFFFFF  }
0xa7: {  	s28 =	simm.s32 $_size_execute0_lowered;
	s3 =	sadd.s32 s3, s5;
	[dreg:$0x0] =	wrdreg $0x0  }
0xa8: {  	s5 =	sshll.u32 s28, $0x1;
	[dreg:$0x2] =	wrdreg s3  }
0xa9: {  	[dreg:$0x3] =	wrdreg s5  }
0xaa: {  	[dreg:$0x4] =	wrdreg $0xC0  }
0xab: {  	_ =	task [dreg:s7], $0x5FFFF  }
0xac: {  	[dreg:$0x1] =	wrdreg $0xFFFFFFFF  }
0xad: {  	[dreg:$0x0] =	wrdreg $0x60  }
0xae: {  	[dreg:$0x2] =	wrdreg s24  }
0xaf: {  	[dreg:$0x3] =	wrdreg s2  }
0xb0: {  	[dreg:$0x4] =	wrdreg $0x0  }
0xb1: {  	[dreg:$0x5] =	wrdreg $0x9  }
0xb2: {  	_ =	task.clear_ibuf [dreg:s7], $0x6FFFF;
	_ =	strace $0x90000049  }
0xb3: {  	s29 =	simm.s32 $0x9;
	_ =	strace $0x8000004B  }
0xb4: {  	_ =	swait.ge [sflag:s29], $0x1  }
0xb5: {  	[sflag:s29] =	ssyncadd.s32 $0xFFFFFFFF  }
0xb6: {  	_ =	strace $0x9000004B  }
0xb7: {  	_ =	sfence  }
0xb8: {  	s30 =	sld [smem:$0x0];
	_ =	sdelay $0x2  }
0xb9: {  	s31 =	sshll.u32 s1, $0xD;
	s1 =	sshrl.u32 s1, $0x2  }
0xba: {  	s3 =	sand.u32 $0x4000, s31;
	s1 =	sadd.s32 s1, s30  }
0xbb: {  	s0 =	sor.u32 s3, s0;
	s1 =	sshll.u32 s1, $0x11  }
0xbc: {  	s0 =	sor.u32 s1, s0  }
0xbd: {  	s0 =	sadd.s32 $0x8F2B, s0  }
0xbe: {  	[sflag:s0] =	ssyncadd.remote.s32 $0x1  }
0xbf: {  	_ =	sfence.sel $0xFFFF  }
0xc0: {  	[dreg:$0x0] =	wrdreg $0xFFFFFFFF;
	(pc) =	sbr.abs _section_cstart, $3  }
0xc1: {  	[dreg:$0x1] =	wrdreg $0xFFFFFFFF  }
0xc2: {  	_ =	task.clear_ibuf [dreg:s7], $0x2FFFF;
	_ =	strace $0x9FFFFFFF  }
0xc3: {  	(tm) =	ssettm $0x7FFFFFFF  }
tec
execute0_lowered:
.L_overlay_start_1:
0x0: {  	(tag) =	ssettag $0x1  }
0x1: {  	s0 =	rddreg [dreg:$0x0]  }
0x2: {  	s2 =	rddreg [dreg:$0x1];
	s1 =	srdreg.scid  }
0x3: {  	s3 =	rddreg [dreg:$0x2];
	s29 =	stileid.u32;
	s4 =	simm.s32 $0x0  }
0x4: {  	s15 =	simm.s32 $0x15000;
	s16 =	simm.s32 $0x3;
	s17 =	simm.s32 $0x14000  }
0x5: {  	s18 =	simm.s32 $0x14800;
	s19 =	simm.s32 $0x80;
	s20 =	simm.s32 $0x19000  }
0x6: {  	s21 =	simm.s32 $0x1;
	s22 =	simm.s32 $0x1D000;
	s23 =	simm.s32 $0x2  }
0x7: {  	s24 =	simm.s32 $0x1D080;
	s25 =	simm.s32 $0x14780;
	s6 =	smul.u32 $0x14000, s29  }
0x8: {  	s7 =	sand.u32 $0x1, s1;
	[smem:$0x7FF] =	sst s4;
	s9 =	smul.u32 $0x50000, s29  }
0x9: {  	s5 =	smul.u32 $0x140000, s7;
	_ =	strace $0x8000004A;
	s30 =	ssub.s32 $0x2, s7  }
0xa: {  	s7 =	sshll.u32 s7, $0x4;
	s10 =	sshrl.u32 s30, $0x1;
	s9 =	sshrl.u32 s9, $0x2  }
0xb: {  	s31 =	sor.u32 s29, s7;
	s6 =	sadd.s32 s6, s5;
	s5 =	sadd.s32 $0x7C00, s0  }
0xc: {  	s10 =	ssub.s32 s30, s10;
	s7 =	sadd.s32 s9, s3;
	s8 =	sshrl.u32 s6, $0x3  }
0xd: {  	s6 =	sadd.s32 $0x57C00, s0;
	s10 =	smax.u32 s10, $0x1;
	s11 =	sadd.s32 $0x4000, s7  }
0xe: {  	s12 =	sadd.s32 $0x8000, s7;
	s13 =	sadd.s32 $0xC000, s7;
	s0 =	sadd.s32 s8, s0  }
0xf: {  	v0 =	vimm.f32 $0.0e+00;
	s14 =	sadd.s32 $0x10000, s7;
	s8 =	smul.u32 $0x2800, s31;
	s9 =	sadd.s32 $0x88E00, s0  }
.LBB2_1:
0x10: {  	s26 =	simm.s32 $0x0;
	s28 =	simm.s32 $0x200  }
.LBB2_2:
0x11: {  	p0 =	sne.s32 s28, $0xFE00;
	[tilespmem:s26+$0x15070] =	vst v0  }
0x12: {  	[tilespmem:s26+$0x15000] =	vst v0  }
0x13: {  	[tilespmem:s26+$0x15010] =	vst v0  }
.Ltmp0:
0x14: {  	[tilespmem:s26+$0x15020] =	vst v0;
	(pc) =	sbr.rel @p0 .LBB2_2-.Ltmp0, $4  }
0x15: {  	[tilespmem:s26+$0x15030] =	vst v0  }
0x16: {  	[tilespmem:s26+$0x15040] =	vst v0  }
0x17: {  	[tilespmem:s26+$0x15050] =	vst v0  }
0x18: {  	[tilespmem:s26+$0x15060] =	vst v0;
	s26 =	sshra.s32 s28, $0x2;
	s28 =	sadd.s32 $0x200, s28  }
0x19: {  	[tilespmem:s26+$0x15070] =	vst v0  }
0x1a: {  	[tilespmem:s26+$0x15000] =	vst v0  }
0x1b: {  	[tilespmem:s26+$0x15010] =	vst v0  }
0x1c: {  	[tilespmem:s26+$0x15020] =	vst v0  }
0x1d: {  	[tilespmem:s26+$0x15030] =	vst v0  }
0x1e: {  	[tilespmem:s26+$0x15040] =	vst v0  }
0x1f: {  	[tilespmem:s26+$0x15050] =	vst v0  }
0x20: {  	[tilespmem:s26+$0x15060] =	vst v0  }
0x21: {  	[spmem:s7] =	stream.linear.scatter [tilespmem:s15], [sflag:$0x3], $0x4000, $0x38;
	[tilespmem:$0x1D100] =	vst v63  }
0x22: {  	_ =	swait.ge [sflag:s16], $0x4000  }
0x23: {  	[sflag:s16] =	ssyncset.done $0x0  }
0x24: {  	[sflag:s16] =	ssyncadd.s32 $0xFFFFC000  }
0x25: {  	[spmem:s11] =	stream.linear.scatter [tilespmem:s15], [sflag:$0x3], $0x4000, $0x38;
	[tilespmem:$0x1D100] =	vst v63  }
0x26: {  	_ =	swait.ge [sflag:s16], $0x4000  }
0x27: {  	[sflag:s16] =	ssyncset.done $0x0  }
0x28: {  	[sflag:s16] =	ssyncadd.s32 $0xFFFFC000  }
0x29: {  	[spmem:s12] =	stream.linear.scatter [tilespmem:s15], [sflag:$0x3], $0x4000, $0x38;
	[tilespmem:$0x1D100] =	vst v63  }
0x2a: {  	_ =	swait.ge [sflag:s16], $0x4000  }
0x2b: {  	[sflag:s16] =	ssyncset.done $0x0  }
0x2c: {  	[sflag:s16] =	ssyncadd.s32 $0xFFFFC000  }
0x2d: {  	[spmem:s13] =	stream.linear.scatter [tilespmem:s15], [sflag:$0x3], $0x4000, $0x38;
	[tilespmem:$0x1D100] =	vst v63  }
0x2e: {  	_ =	swait.ge [sflag:s16], $0x4000  }
0x2f: {  	[sflag:s16] =	ssyncset.done $0x0  }
0x30: {  	[sflag:s16] =	ssyncadd.s32 $0xFFFFC000  }
0x31: {  	[spmem:s14] =	stream.linear.scatter [tilespmem:s15], [sflag:$0x3], $0x4000, $0x38;
	[tilespmem:$0x1D100] =	vst v63  }
0x32: {  	_ =	swait.ge [sflag:s16], $0x4000  }
0x33: {  	[sflag:s16] =	ssyncset.done $0x0  }
0x34: {  	[sflag:s16] =	ssyncadd.s32 $0xFFFFC000  }
0x35: {  	s26 =	simm.s32 $0x0;
	s28 =	simm.s32 $0x0;
	[bflag:$0x0] =	sbarrier.arrive $0xFFFF  }
.LBB2_4:
0x36: {  	s0 =	sshll.u32 s28, $0xB  }
0x37: {  	s0 =	sadd.s32 s8, s0  }
0x38: {  	s0 =	sshrl.u32 s0, $0x3  }
0x39: {  	s29 =	sadd.s32 s6, s0  }
0x3a: {  	[tilespmem:s17], [sflag:$0x3] =	stream.linear.gather [hbm4b:s29+s26], $0x800, $0x38;
	[tilespmem:$0x1D100] =	vst v63  }
0x3b: {  	_ =	swait.ge [sflag:s16], $0x800  }
0x3c: {  	[sflag:s16] =	ssyncset.done $0x0  }
0x3d: {  	s0 =	sadd.s32 s2, s0;
	[sflag:s16] =	ssyncadd.s32 $0xFFFFF800  }
0x3e: {  	[tilespmem:s18], [sflag:$0x3] =	stream.linear.gather [hbm4b:s0+s26], $0x800, $0x38;
	[tilespmem:$0x1D100] =	vst v63  }
0x3f: {  	_ =	swait.ge [sflag:s16], $0x800  }
0x40: {  	[sflag:s16] =	ssyncset.done $0x0  }
0x41: {  	[sflag:s16] =	ssyncadd.s32 $0xFFFFF800  }
0x42: {  	[tilespmem:s15], [sflag:$0x1] =	stream.indirect.gather [hbm4b:s5+s19], $0x80, s17, s19, $0xb8;
	[tilespmem:$0x1D100] =	vst v63  }
0x43: {  	v1 =	vld [tilespmem:$0x14800]  }
0x44: {  	v2 =	vld [tilespmem:$0x14810]  }
0x45: {  	v3 =	vld [tilespmem:$0x14820]  }
0x46: {  	v4 =	vld [tilespmem:$0x14830]  }
0x47: {  	v5 =	vld [tilespmem:$0x14840]  }
0x48: {  	[tilespmem:$0x1D000] =	vst v1;
	v1 =	vld [tilespmem:$0x14850]  }
0x49: {  	[tilespmem:$0x1D010] =	vst v2;
	v2 =	vld [tilespmem:$0x14860]  }
0x4a: {  	[tilespmem:$0x1D020] =	vst v3;
	v3 =	vld [tilespmem:$0x14870]  }
0x4b: {  	[tilespmem:$0x1D030] =	vst v4  }
0x4c: {  	[tilespmem:$0x1D040] =	vst v5  }
0x4d: {  	[tilespmem:$0x1D050] =	vst v1  }
0x4e: {  	[tilespmem:$0x1D060] =	vst v2  }
0x4f: {  	s31 =	simm.s32 $0x0;
	s29 =	simm.s32 $0x14080;
	[tilespmem:$0x1D070] =	vst v3  }
0x50: {  	[tilespmem:s20], [sflag:$0x2] =	stream.indirect.gather [hbm4b:s5+s19], $0x80, s29, s19, $0xb8;
	[tilespmem:$0x1D100] =	vst v63  }
0x51: {  	v1 =	vld [tilespmem:s31+$0x14880];
	_ =	sdelay $0x4  }
0x52: {  	[tilespmem:$0x1D080] =	vst v1  }
0x53: {  	v1 =	vld [tilespmem:s31+$0x14890];
	_ =	sdelay $0x4  }
0x54: {  	[tilespmem:$0x1D090] =	vst v1  }
0x55: {  	v1 =	vld [tilespmem:s31+$0x148A0];
	_ =	sdelay $0x4  }
0x56: {  	[tilespmem:$0x1D0A0] =	vst v1  }
0x57: {  	v1 =	vld [tilespmem:s31+$0x148B0];
	_ =	sdelay $0x4  }
0x58: {  	[tilespmem:$0x1D0B0] =	vst v1  }
0x59: {  	v1 =	vld [tilespmem:s31+$0x148C0];
	_ =	sdelay $0x4  }
0x5a: {  	[tilespmem:$0x1D0C0] =	vst v1  }
0x5b: {  	v1 =	vld [tilespmem:s31+$0x148D0];
	_ =	sdelay $0x4  }
0x5c: {  	[tilespmem:$0x1D0D0] =	vst v1  }
0x5d: {  	v1 =	vld [tilespmem:s31+$0x148E0];
	_ =	sdelay $0x4  }
0x5e: {  	[tilespmem:$0x1D0E0] =	vst v1  }
0x5f: {  	v1 =	vld [tilespmem:s31+$0x148F0];
	_ =	sdelay $0x4  }
0x60: {  	[tilespmem:$0x1D0F0] =	vst v1  }
0x61: {  	_ =	swait.ge [sflag:s21], $0x4000  }
0x62: {  	[sflag:s21] =	ssyncset.done $0x0  }
0x63: {  	[sflag:s21] =	ssyncadd.s32 $0xFFFFC000  }
0x64: {  	[spmem:s3] =	stream.indirect.scatter.add.f32 [tilespmem:s15], [sflag:$0x3], $0x80, s22, s19, $0xb8;
	[tilespmem:$0x1D100] =	vst v63  }
0x65: {  	_ =	swait.ge [sflag:s16], $0x4000  }
0x66: {  	[sflag:s16] =	ssyncset.done $0x0  }
0x67: {  	s29 =	simm.s32 $0x14100;
	[sflag:s16] =	ssyncadd.s32 $0xFFFFC000  }
0x68: {  	[tilespmem:s15], [sflag:$0x1] =	stream.indirect.gather [hbm4b:s5+s19], $0x80, s29, s19, $0xb8;
	[tilespmem:$0x1D100] =	vst v63  }
0x69: {  	v1 =	vld [tilespmem:s31+$0x14900];
	_ =	sdelay $0x4  }
0x6a: {  	[tilespmem:$0x1D000] =	vst v1  }
0x6b: {  	v1 =	vld [tilespmem:s31+$0x14910];
	_ =	sdelay $0x4  }
0x6c: {  	[tilespmem:$0x1D010] =	vst v1  }
0x6d: {  	v1 =	vld [tilespmem:s31+$0x14920];
	_ =	sdelay $0x4  }
0x6e: {  	[tilespmem:$0x1D020] =	vst v1  }
0x6f: {  	v1 =	vld [tilespmem:s31+$0x14930];
	_ =	sdelay $0x4  }
0x70: {  	[tilespmem:$0x1D030] =	vst v1  }
0x71: {  	v1 =	vld [tilespmem:s31+$0x14940];
	_ =	sdelay $0x4  }
0x72: {  	[tilespmem:$0x1D040] =	vst v1  }
0x73: {  	v1 =	vld [tilespmem:s31+$0x14950];
	_ =	sdelay $0x4  }
0x74: {  	[tilespmem:$0x1D050] =	vst v1  }
0x75: {  	v1 =	vld [tilespmem:s31+$0x14960];
	_ =	sdelay $0x4  }
0x76: {  	[tilespmem:$0x1D060] =	vst v1  }
0x77: {  	v1 =	vld [tilespmem:s31+$0x14970];
	_ =	sdelay $0x4  }
0x78: {  	[tilespmem:$0x1D070] =	vst v1  }
0x79: {  	_ =	swait.ge [sflag:s23], $0x4000  }
0x7a: {  	[sflag:s23] =	ssyncset.done $0x0  }
0x7b: {  	[sflag:s23] =	ssyncadd.s32 $0xFFFFC000  }
0x7c: {  	[spmem:s3] =	stream.indirect.scatter.add.f32 [tilespmem:s20], [sflag:$0x3], $0x80, s24, s19, $0xb8;
	[tilespmem:$0x1D100] =	vst v63  }
0x7d: {  	_ =	swait.ge [sflag:s16], $0x4000  }
0x7e: {  	s30 =	simm.s32 $0x800;
	s29 =	simm.s32 $0x100;
	[sflag:s16] =	ssyncset.done $0x0  }
.LBB2_5:
0x7f: {  	s1 =	sadd.s32 $0x14080, s29  }
0x80: {  	[sflag:s16] =	ssyncadd.s32 $0xFFFFC000;
	s31 =	smov.u32 s30;
	s0 =	sadd.s32 $0x400, s30  }
0x81: {  	[tilespmem:s20], [sflag:$0x2] =	stream.indirect.gather [hbm4b:s5+s19], $0x80, s1, s19, $0xb8;
	[tilespmem:$0x1D100] =	vst v63  }
0x82: {  	p0 =	sne.s32 s30, $0x1800;
	v1 =	vld [tilespmem:s29+$0x14880];
	_ =	sdelay $0x4  }
0x83: {  	[tilespmem:$0x1D080] =	vst v1  }
0x84: {  	v1 =	vld [tilespmem:s29+$0x14890];
	_ =	sdelay $0x4  }
0x85: {  	[tilespmem:$0x1D090] =	vst v1  }
0x86: {  	v1 =	vld [tilespmem:s29+$0x148A0];
	_ =	sdelay $0x4  }
0x87: {  	[tilespmem:$0x1D0A0] =	vst v1  }
0x88: {  	v1 =	vld [tilespmem:s29+$0x148B0];
	_ =	sdelay $0x4  }
0x89: {  	[tilespmem:$0x1D0B0] =	vst v1  }
0x8a: {  	v1 =	vld [tilespmem:s29+$0x148C0];
	_ =	sdelay $0x4  }
0x8b: {  	[tilespmem:$0x1D0C0] =	vst v1  }
0x8c: {  	v1 =	vld [tilespmem:s29+$0x148D0];
	_ =	sdelay $0x4  }
0x8d: {  	[tilespmem:$0x1D0D0] =	vst v1  }
0x8e: {  	v1 =	vld [tilespmem:s29+$0x148E0];
	_ =	sdelay $0x4  }
0x8f: {  	[tilespmem:$0x1D0E0] =	vst v1  }
0x90: {  	v1 =	vld [tilespmem:s29+$0x148F0];
	_ =	sdelay $0x4  }
0x91: {  	[tilespmem:$0x1D0F0] =	vst v1  }
0x92: {  	_ =	swait.ge [sflag:s21], $0x4000  }
0x93: {  	[sflag:s21] =	ssyncset.done $0x0  }
0x94: {  	[sflag:s21] =	ssyncadd.s32 $0xFFFFC000  }
0x95: {  	[spmem:s3] =	stream.indirect.scatter.add.f32 [tilespmem:s15], [sflag:$0x3], $0x80, s22, s19, $0xb8;
	[tilespmem:$0x1D100] =	vst v63  }
0x96: {  	_ =	swait.ge [sflag:s16], $0x4000  }
0x97: {  	[sflag:s16] =	ssyncset.done $0x0  }
0x98: {  	s1 =	sadd.s32 $0x14100, s29;
	[sflag:s16] =	ssyncadd.s32 $0xFFFFC000  }
0x99: {  	[tilespmem:s15], [sflag:$0x1] =	stream.indirect.gather [hbm4b:s5+s19], $0x80, s1, s19, $0xb8;
	[tilespmem:$0x1D100] =	vst v63  }
0x9a: {  	v1 =	vld [tilespmem:s29+$0x14900];
	_ =	sdelay $0x4  }
0x9b: {  	[tilespmem:$0x1D000] =	vst v1  }
0x9c: {  	v1 =	vld [tilespmem:s29+$0x14910];
	_ =	sdelay $0x4  }
0x9d: {  	[tilespmem:$0x1D010] =	vst v1  }
0x9e: {  	v1 =	vld [tilespmem:s29+$0x14920];
	_ =	sdelay $0x4  }
0x9f: {  	[tilespmem:$0x1D020] =	vst v1  }
0xa0: {  	v1 =	vld [tilespmem:s29+$0x14930];
	_ =	sdelay $0x4  }
0xa1: {  	[tilespmem:$0x1D030] =	vst v1  }
0xa2: {  	v1 =	vld [tilespmem:s29+$0x14940];
	_ =	sdelay $0x4  }
0xa3: {  	[tilespmem:$0x1D040] =	vst v1  }
0xa4: {  	v1 =	vld [tilespmem:s29+$0x14950];
	_ =	sdelay $0x4  }
0xa5: {  	[tilespmem:$0x1D050] =	vst v1  }
0xa6: {  	v1 =	vld [tilespmem:s29+$0x14960];
	_ =	sdelay $0x4  }
0xa7: {  	[tilespmem:$0x1D060] =	vst v1  }
0xa8: {  	v1 =	vld [tilespmem:s29+$0x14970];
	_ =	sdelay $0x4  }
0xa9: {  	[tilespmem:$0x1D070] =	vst v1  }
0xaa: {  	_ =	swait.ge [sflag:s23], $0x4000  }
.Ltmp1:
0xab: {  	[sflag:s23] =	ssyncset.done $0x0;
	(pc) =	sbr.rel @p0 .LBB2_5-.Ltmp1, $4  }
0xac: {  	[sflag:s23] =	ssyncadd.s32 $0xFFFFC000  }
0xad: {  	[spmem:s3] =	stream.indirect.scatter.add.f32 [tilespmem:s20], [sflag:$0x3], $0x80, s24, s19, $0xb8;
	[tilespmem:$0x1D100] =	vst v63  }
0xae: {  	_ =	swait.ge [sflag:s16], $0x4000  }
0xaf: {  	s30 =	smov.u32 s0;
	s29 =	sshra.s32 s31, $0x2;
	[sflag:s16] =	ssyncset.done $0x0  }
0xb0: {  	s0 =	sadd.s32 $0x14080, s29;
	[sflag:s16] =	ssyncadd.s32 $0xFFFFC000  }
0xb1: {  	[tilespmem:s20], [sflag:$0x2] =	stream.indirect.gather [hbm4b:s5+s19], $0x80, s0, s19, $0xb8;
	[tilespmem:$0x1D100] =	vst v63  }
0xb2: {  	v1 =	vld [tilespmem:s29+$0x14880];
	_ =	sdelay $0x4  }
0xb3: {  	[tilespmem:$0x1D080] =	vst v1  }
0xb4: {  	v1 =	vld [tilespmem:s29+$0x14890];
	_ =	sdelay $0x4  }
0xb5: {  	[tilespmem:$0x1D090] =	vst v1  }
0xb6: {  	v1 =	vld [tilespmem:s29+$0x148A0];
	_ =	sdelay $0x4  }
0xb7: {  	[tilespmem:$0x1D0A0] =	vst v1  }
0xb8: {  	v1 =	vld [tilespmem:s29+$0x148B0];
	_ =	sdelay $0x4  }
0xb9: {  	[tilespmem:$0x1D0B0] =	vst v1  }
0xba: {  	v1 =	vld [tilespmem:s29+$0x148C0];
	_ =	sdelay $0x4  }
0xbb: {  	[tilespmem:$0x1D0C0] =	vst v1  }
0xbc: {  	v1 =	vld [tilespmem:s29+$0x148D0];
	_ =	sdelay $0x4  }
0xbd: {  	[tilespmem:$0x1D0D0] =	vst v1  }
0xbe: {  	v1 =	vld [tilespmem:s29+$0x148E0];
	_ =	sdelay $0x4  }
0xbf: {  	[tilespmem:$0x1D0E0] =	vst v1  }
0xc0: {  	v1 =	vld [tilespmem:s29+$0x148F0];
	_ =	sdelay $0x4  }
0xc1: {  	[tilespmem:$0x1D0F0] =	vst v1  }
0xc2: {  	_ =	swait.ge [sflag:s21], $0x4000  }
0xc3: {  	[sflag:s21] =	ssyncset.done $0x0  }
0xc4: {  	[sflag:s21] =	ssyncadd.s32 $0xFFFFC000  }
0xc5: {  	[spmem:s3] =	stream.indirect.scatter.add.f32 [tilespmem:s15], [sflag:$0x3], $0x80, s22, s19, $0xb8;
	[tilespmem:$0x1D100] =	vst v63  }
0xc6: {  	_ =	swait.ge [sflag:s16], $0x4000  }
0xc7: {  	[sflag:s16] =	ssyncset.done $0x0  }
0xc8: {  	s31 =	sadd.s32 $0x14100, s29;
	[sflag:s16] =	ssyncadd.s32 $0xFFFFC000  }
0xc9: {  	[tilespmem:s15], [sflag:$0x1] =	stream.indirect.gather [hbm4b:s5+s19], $0x80, s31, s19, $0xb8;
	[tilespmem:$0x1D100] =	vst v63  }
0xca: {  	v1 =	vld [tilespmem:s29+$0x14900];
	_ =	sdelay $0x4  }
0xcb: {  	[tilespmem:$0x1D000] =	vst v1  }
0xcc: {  	v1 =	vld [tilespmem:s29+$0x14910];
	_ =	sdelay $0x4  }
0xcd: {  	[tilespmem:$0x1D010] =	vst v1  }
0xce: {  	v1 =	vld [tilespmem:s29+$0x14920];
	_ =	sdelay $0x4  }
0xcf: {  	[tilespmem:$0x1D020] =	vst v1  }
0xd0: {  	v1 =	vld [tilespmem:s29+$0x14930];
	_ =	sdelay $0x4  }
0xd1: {  	[tilespmem:$0x1D030] =	vst v1  }
0xd2: {  	v1 =	vld [tilespmem:s29+$0x14940];
	_ =	sdelay $0x4  }
0xd3: {  	[tilespmem:$0x1D040] =	vst v1  }
0xd4: {  	v1 =	vld [tilespmem:s29+$0x14950];
	_ =	sdelay $0x4  }
0xd5: {  	[tilespmem:$0x1D050] =	vst v1  }
0xd6: {  	v1 =	vld [tilespmem:s29+$0x14960];
	_ =	sdelay $0x4  }
0xd7: {  	[tilespmem:$0x1D060] =	vst v1  }
0xd8: {  	v1 =	vld [tilespmem:s29+$0x14970];
	_ =	sdelay $0x4  }
0xd9: {  	[tilespmem:$0x1D070] =	vst v1  }
0xda: {  	_ =	swait.ge [sflag:s23], $0x4000  }
0xdb: {  	[sflag:s23] =	ssyncset.done $0x0  }
0xdc: {  	[sflag:s23] =	ssyncadd.s32 $0xFFFFC000  }
0xdd: {  	[spmem:s3] =	stream.indirect.scatter.add.f32 [tilespmem:s20], [sflag:$0x3], $0x80, s24, s19, $0xb8;
	[tilespmem:$0x1D100] =	vst v63  }
0xde: {  	_ =	swait.ge [sflag:s16], $0x4000  }
0xdf: {  	[sflag:s16] =	ssyncset.done $0x0  }
0xe0: {  	[sflag:s16] =	ssyncadd.s32 $0xFFFFC000  }
0xe1: {  	[tilespmem:s20], [sflag:$0x2] =	stream.indirect.gather [hbm4b:s5+s19], $0x80, s25, s19, $0xb8;
	[tilespmem:$0x1D100] =	vst v63  }
0xe2: {  	v1 =	vld [tilespmem:$0x14F80]  }
0xe3: {  	v2 =	vld [tilespmem:$0x14F90]  }
0xe4: {  	v3 =	vld [tilespmem:$0x14FA0]  }
0xe5: {  	v4 =	vld [tilespmem:$0x14FB0]  }
0xe6: {  	v5 =	vld [tilespmem:$0x14FC0]  }
0xe7: {  	[tilespmem:$0x1D080] =	vst v1;
	v1 =	vld [tilespmem:$0x14FD0]  }
0xe8: {  	[tilespmem:$0x1D090] =	vst v2;
	v2 =	vld [tilespmem:$0x14FE0]  }
0xe9: {  	[tilespmem:$0x1D0A0] =	vst v3;
	v3 =	vld [tilespmem:$0x14FF0]  }
0xea: {  	[tilespmem:$0x1D0B0] =	vst v4  }
0xeb: {  	[tilespmem:$0x1D0C0] =	vst v5  }
0xec: {  	[tilespmem:$0x1D0D0] =	vst v1  }
0xed: {  	[tilespmem:$0x1D0E0] =	vst v2  }
0xee: {  	[tilespmem:$0x1D0F0] =	vst v3  }
0xef: {  	_ =	swait.ge [sflag:s21], $0x4000  }
0xf0: {  	[sflag:s21] =	ssyncset.done $0x0  }
0xf1: {  	[sflag:s21] =	ssyncadd.s32 $0xFFFFC000  }
0xf2: {  	[spmem:s3] =	stream.indirect.scatter.add.f32 [tilespmem:s15], [sflag:$0x3], $0x80, s22, s19, $0xb8;
	[tilespmem:$0x1D100] =	vst v63  }
0xf3: {  	_ =	swait.ge [sflag:s16], $0x4000  }
0xf4: {  	[sflag:s16] =	ssyncset.done $0x0  }
0xf5: {  	[sflag:s16] =	ssyncadd.s32 $0xFFFFC000  }
0xf6: {  	s28 =	sadd.s32 $0x1, s28;
	_ =	swait.ge [sflag:s23], $0x4000  }
0xf7: {  	p0 =	sne.s32 s28, $0x5;
	[sflag:s23] =	ssyncset.done $0x0  }
.Ltmp2:
0xf8: {  	[sflag:s23] =	ssyncadd.s32 $0xFFFFC000;
	(pc) =	sbr.rel @p0 .LBB2_4-.Ltmp2, $4  }
0xf9: {  	[spmem:s3] =	stream.indirect.scatter.add.f32 [tilespmem:s20], [sflag:$0x3], $0x80, s24, s19, $0xb8;
	[tilespmem:$0x1D100] =	vst v63  }
0xfa: {  	_ =	swait.ge [sflag:s16], $0x4000  }
0xfb: {  	[sflag:s16] =	ssyncset.done $0x0  }
0xfc: {  	[sflag:s16] =	ssyncadd.s32 $0xFFFFC000  }
0xfd: {  	s0 =	stileid.u32;
	s4 =	sadd.s32 $0x1, s4  }
0xfe: {  	[bflag:$0x0] =	sbarrier.arrive $0xFFFF;
	s0 =	sshll.u32 s0, $0x6;
	p0 =	sne.s32 s4, s10  }
.Ltmp3:
0xff: {  	s1 =	sshrl.u32 s7, $0x3;
	s0 =	sor.u32 $0x1C03, s0;
	(pc) =	sbr.rel @p0 .LBB2_1-.Ltmp3, $4  }
0x100: {  	[hbm:s9], [sflag:s0] =	dma.local [spmem:s1], $0x2800  }
0x101: {  	_ =	swait.ge [sflag:s16], $0x2800  }
0x102: {  	[sflag:s16] =	ssyncset.done $0x0  }
0x103: {  	[sflag:s16] =	ssyncadd.s32 $0xFFFFD800  }
0x104: {  	_ =	sfence.sel $0x180000  }
0x105: {  	[bflag:$0x0] =	sbarrier.arrive $0xFFFF  }
0x106: {  	_ =	strace $0x9000004A  }
0x107: {  	s0 =	stileid.u32;
	[bflag:$0x2] =	sbarrier.arrive $0xFFFF  }
0x108: {  	p0 =	sne.s32 s0, $0x0;
	s0 =	rddreg [dreg:$0x3]  }
0x109: {  	s0 =	sadd.s32 @!p0 $0x100000, s0  }
0x10a: {  	[sflag:s0] =	ssyncadd.tile.s32 @!p0 $0x1;
	_ =	shalt  }
.Lfunc_end2:
_tile_overlayer_lowered:
.L_overlay_start_2:
0x10b: {  	(tag) =	ssettag $0x2  }
0x10c: {  	s0 =	rddreg [dreg:$0x0];
	s2 =	stileid.u32  }
0x10d: {  	s1 =	rddreg [dreg:$0x1];
	p0 =	sne.s32 s2, $0x0  }
0x10e: {  	s3 =	rddreg [dreg:$0x2];
	[bflag:$0x3] =	sbarrier.arrive $0xFFFF;
	s2 =	simm.s32 @!p0 $0x1C03  }
0x10f: {  	[timem:s3], [sflag:s2] =	dma.local @!p0 [hbm:s0], s1  }
0x110: {  	s0 =	simm.s32 @!p0 $0x3  }
0x111: {  	_ =	swait.ge @!p0 [sflag:s0], s1  }
0x112: {  	s1 =	ssub.s32 @!p0 $0x0, s1;
	[sflag:s0] =	ssyncset.done @!p0 $0x0  }
0x113: {  	[sflag:s0] =	ssyncadd.s32 @!p0 s1  }
0x114: {  	[bflag:$0x3] =	sbarrier.arrive $0xFFFF  }
0x115: {  	_ =	shalt  }

// kernel: kernel.22.cloned.1.call-start
scs
__scs_entry_jumppad:
0x0: {  	(pc) =	sbr.rel $0x88, $3  }
0x1: {  	(tag) =	ssettag $0x0;
	lr =	simm.s32 $0x1  }
0x2: {  	[smem:$0x3F8D] =	sst lr;
	_ =	strace $0xD0000000  }
0x3: {  	_ = 	snop  }
0x4: {  	_ = 	snop  }
0x5: {  	_ = 	snop  }
0x6: {  	_ = 	snop  }
0x7: {  	_ = 	snop  }
__scs_overlays_trampoline_lowered:
0x8: {  	[smem:$0x3F9C] =	sst s0  }
0x9: {  	[smem:$0x3F9D] =	sst s1  }
0xa: {  	[smem:$0x3F9E] =	sst s2  }
0xb: {  	[smem:$0x3F9F] =	sst s3  }
0xc: {  	[smem:$0x3FA0] =	sst s4  }
0xd: {  	[smem:$0x3FA1] =	sst s5  }
0xe: {  	[smem:$0x3FA2] =	sst s6  }
0xf: {  	[smem:$0x3FA3] =	sst s7  }
0x10: {  	[smem:$0x3FA4] =	sst s8  }
0x11: {  	[smem:$0x3FA5] =	sst s9;
	s0 =	simm.s32 @!p0 $0x0  }
0x12: {  	s1 =	sld [smem:$0x3F8B];
	s0 =	simm.s32 @p0 $0x1  }
0x13: {  	[smem:$0x3FA6] =	sst s0;
	s0 =	simm.s32 @!p1 $0x0  }
0x14: {  	s2 =	sld [smem:$0x3F8A];
	s0 =	simm.s32 @p1 $0x1  }
0x15: {  	[smem:$0x3FA7] =	sst s0;
	s0 =	simm.s32 @!p2 $0x0  }
0x16: {  	s3 =	sld [smem:$0x3FDB];
	s0 =	simm.s32 @p2 $0x1  }
0x17: {  	s4 =	simm.s32 $0x1BF5;
	[smem:$0x3FA9] =	sst s0  }
0x18: {  	s0 =	sld [smem:$0x3F8C];
	_ =	swait.ge [sflag:s4], $0x0  }
0x19: {  	s7 =	sld [smem:$0x3F8D]  }
0x1a: {  	s8 =	sadd.s32 $0xFFFFE003, lr  }
0x1b: {  	s9 =	sadd.s32 $0xFFFFFEF7, lr;
	s5 =	simm.s32 $0xFFFFFFFF;
	p2 =	slt.u32 s8, $0xFFFFF086  }
0x1c: {  	p1 =	slt.u32 s9, $0xF7A;
	s5 =	simm.s32 @!p2 $0x0  }
0x1d: {  	s5 =	simm.s32 @p1 $0x1;
	p0 =	seq.s32 s7, s2  }
0x1e: {  	s7 =	smul.u32 @!p0 $0xF7A, s2;
	p2 =	seq.s32 @!p0 s5, $0x0  }
0x1f: {  	s9 =	smul.u32 $0xF7A, s1;
	s8 =	simm.s32 @!p0 $0x1BF5;
	p2 =	por !p2, p0  }
0x20: {  	[sflag:s8] =	ssyncset.s32 @!p0 $0xFFFFF086;
	s6 =	sadd.s32 @!p0 s3, s7;
	s7 =	simm.s32 @!p0 $0x108  }
0x21: {  	s3 =	sadd.s32 s3, s9;
	s6 =	sadd.s32 @!p0 $0x88, s6;
	s7 =	simm.s32 @p2 $0x1082  }
0x22: {  	[simem:s7], [sflag:s8] =	dma.local @!p0 [hbm:s6], $0xF7A  }
0x23: {  	s9 =	sor.u32 $0xD0000000, s2;
	s6 =	simm.s32 $0x108;
	_ =	swait.ge @!p0 [sflag:s8], $0x0  }
0x24: {  	s3 =	sadd.s32 $0x88, s3;
	s6 =	simm.s32 @!p1 $0x1082;
	[sflag:s4] =	ssyncset.s32 $0xFFFFF086  }
0x25: {  	[simem:s6], [sflag:s4] =	dma.local [hbm:s3], $0xF7A  }
0x26: {  	[smem:$0x3F8D] =	sst s1;
	(tag) =	ssettag s2;
	_ =	strace s9  }
0x27: {  	s1 =	sld [smem:$0x3F9D]  }
0x28: {  	s2 =	sld [smem:$0x3F9E]  }
0x29: {  	s4 =	sld [smem:$0x3FA0]  }
0x2a: {  	p0 =	seq.s32 s5, $0x0;
	s5 =	sld [smem:$0x3FA1]  }
0x2b: {  	s6 =	sld [smem:$0x3FA2]  }
0x2c: {  	s7 =	sld [smem:$0x3FA3]  }
0x2d: {  	s3 =	simm.s32 $0x108;
	s8 =	sld [smem:$0x3FA4]  }
0x2e: {  	s3 =	simm.s32 @!p0 $0x1082;
	s9 =	sld [smem:$0x3FA5]  }
0x2f: {  	lr =	sadd.s32 s0, s3;
	s0 =	sld [smem:$0x3F9C]  }
0x30: {  	s3 =	sld [smem:$0x3F9F]  }
0x31: {  	[smem:$0x3FA8] =	sst s10  }
0x32: {  	s10 =	sld [smem:$0x3FA6];
	_ =	sdelay $0x3  }
0x33: {  	p0 =	seq.s32 s10, $0x1;
	s10 =	sld [smem:$0x3FA8];
	_ =	sdelay $0x3  }
0x34: {  	[smem:$0x3FA8] =	sst s10  }
0x35: {  	s10 =	sld [smem:$0x3FA7];
	_ =	sdelay $0x3  }
0x36: {  	p1 =	seq.s32 s10, $0x1;
	s10 =	sld [smem:$0x3FA8];
	_ =	sdelay $0x3  }
0x37: {  	[smem:$0x3FA8] =	sst s10  }
0x38: {  	s10 =	sld [smem:$0x3FA9]  }
0x39: {  	_ = 	snop;
	(pc) =	sbr.ind lr, $3  }
0x3a: {  	_ = 	snop  }
0x3b: {  	_ = 	snop  }
0x3c: {  	p2 =	seq.s32 s10, $0x1;
	s10 =	sld [smem:$0x3FA8]  }
0x3d: {  	_ =	shalt  }
0x3e: {  	_ =	shalt  }
0x3f: {  	_ =	shalt  }
0x40: {  	_ =	shalt  }
0x41: {  	_ =	shalt  }
0x42: {  	_ =	shalt  }
0x43: {  	_ =	shalt  }
0x44: {  	_ =	shalt  }
0x45: {  	_ =	shalt  }
0x46: {  	_ =	shalt  }
0x47: {  	_ =	shalt  }
0x48: {  	_ =	shalt  }
0x49: {  	_ =	shalt  }
0x4a: {  	_ =	shalt  }
0x4b: {  	_ =	shalt  }
0x4c: {  	_ =	shalt  }
0x4d: {  	_ =	shalt  }
0x4e: {  	_ =	shalt  }
0x4f: {  	_ =	shalt  }
0x50: {  	_ =	shalt  }
0x51: {  	_ =	shalt  }
0x52: {  	_ =	shalt  }
0x53: {  	_ =	shalt  }
0x54: {  	_ =	shalt  }
0x55: {  	_ =	shalt  }
0x56: {  	_ =	shalt  }
0x57: {  	_ =	shalt  }
0x58: {  	_ =	shalt  }
0x59: {  	_ =	shalt  }
0x5a: {  	_ =	shalt  }
0x5b: {  	_ =	shalt  }
0x5c: {  	_ =	shalt  }
0x5d: {  	_ =	shalt  }
0x5e: {  	_ =	shalt  }
0x5f: {  	_ =	shalt  }
0x60: {  	_ =	shalt  }
0x61: {  	_ =	shalt  }
0x62: {  	_ =	shalt  }
0x63: {  	_ =	shalt  }
0x64: {  	_ =	shalt  }
0x65: {  	_ =	shalt  }
0x66: {  	_ =	shalt  }
0x67: {  	_ =	shalt  }
0x68: {  	_ =	shalt  }
0x69: {  	_ =	shalt  }
0x6a: {  	_ =	shalt  }
0x6b: {  	_ =	shalt  }
0x6c: {  	_ =	shalt  }
0x6d: {  	_ =	shalt  }
0x6e: {  	_ =	shalt  }
0x6f: {  	_ =	shalt  }
0x70: {  	_ =	shalt  }
0x71: {  	_ =	shalt  }
0x72: {  	_ =	shalt  }
0x73: {  	_ =	shalt  }
0x74: {  	_ =	shalt  }
0x75: {  	_ =	shalt  }
0x76: {  	_ =	shalt  }
0x77: {  	_ =	shalt  }
0x78: {  	_ =	shalt  }
0x79: {  	_ =	shalt  }
0x7a: {  	_ =	shalt  }
0x7b: {  	_ =	shalt  }
0x7c: {  	_ =	shalt  }
0x7d: {  	_ =	shalt  }
0x7e: {  	_ =	shalt  }
0x7f: {  	_ =	shalt  }
0x80: {  	_ =	shalt  }
0x81: {  	_ =	shalt  }
0x82: {  	_ =	shalt  }
0x83: {  	_ =	shalt  }
0x84: {  	_ =	shalt  }
0x85: {  	_ =	shalt  }
0x86: {  	_ =	shalt  }
0x87: {  	_ =	shalt  }
.Lfunc_end0:
.L_simem_size_0:
called_computation.2_lowered:
.L_overlay_start_0:
0x88: {  	s2 =	sld [smem:$0x3FD9]  }
0x89: {  	s3 =	sld [smem:$0x3FFE];
	_ =	sdelay $0x1  }
0x8a: {  	s1 =	srdreg.scid  }
0x8b: {  	s0 =	sand.u32 $0x1, s1  }
0x8c: {  	s17 =	sshll.u32 s0, $0xA;
	s2 =	sadd.s32 s3, s2  }
0x8d: {  	s2 =	sadd.s32 s2, s17  }
0x8e: {  	[smem:$0x3FB4] =	sst s2  }
0x8f: {  	_ = 	snop  }
0x90: {  	s2 =	sld [smem:$0x3FD0];
	(tm) =	ssettm $0x1  }
0x91: {  	s18 =	sld [smem:$0x3FFB];
	_ =	sdelay $0x3  }
0x92: {  	_ =	strace s18  }
0x93: {  	s3 =	sld [smem:$0x3FFC];
	_ =	sdelay $0x3  }
0x94: {  	_ =	strace s3  }
0x95: {  	s3 =	sld [smem:$0x3FFD];
	_ =	sdelay $0x3  }
0x96: {  	_ =	strace s3  }
0x97: {  	_ =	strace $0x8FFFFFFF  }
0x98: {  	s19 =	sld [smem:$0x3FDB];
	_ =	sdelay $0x1  }
0x99: {  	s4 =	simm.s32 $_scs_section_size  }
0x9a: {  	s5 =	simm.s32 $_size__tile_overlayer_lowered;
	s6 =	simm.s32 $_tile_overlayer_lowered  }
0x9b: {  	s22 =	simm.s32 $0x1BFF;
	s21 =	sshll.u32 s6, $0x1;
	s3 =	sadd.s32 s4, s19  }
0x9c: {  	s7 =	simm.s32 $0x0;
	s20 =	sshll.u32 s5, $0x1;
	s5 =	sadd.s32 s21, s3  }
0x9d: {  	[timem:s7], [sflag:s22] =	dma.local [hbm:s5], s20  }
0x9e: {  	_ =	swait.ge [sflag:s22], s20  }
0x9f: {  	s4 =	ssub.s32 $0x0, s20;
	[sflag:s22] =	ssyncset.done $0x0  }
0xa0: {  	[sflag:s22] =	ssyncadd.s32 s4;
	_ =	sdelay $0x1  }
0xa1: {  	s23 =	simm.s32 $0x1B8B  }
0xa2: {  	_ =	swait.ge [sflag:s23], $0x1  }
0xa3: {  	[sflag:s23] =	ssyncset.done $0x0  }
0xa4: {  	s25 =	simm.s32 $0x1B8E;
	s24 =	sld [smem:$0x3FFE];
	[sflag:s23] =	ssyncadd.s32 $0xFFFFFFFF  }
0xa5: {  	s26 =	simm.s32 $execute0_lowered;
	[smem:$0x3FD2] =	sst s25  }
0xa6: {  	s5 =	sshll.u32 s26, $0x1;
	_ =	strace $0x8000004C;
	[dreg:$0x1] =	wrdreg $0xFFFFFFFF  }
0xa7: {  	s28 =	simm.s32 $_size_execute0_lowered;
	s3 =	sadd.s32 s3, s5;
	[dreg:$0x0] =	wrdreg $0x0  }
0xa8: {  	s5 =	sshll.u32 s28, $0x1;
	[dreg:$0x2] =	wrdreg s3  }
0xa9: {  	[dreg:$0x3] =	wrdreg s5  }
0xaa: {  	[dreg:$0x4] =	wrdreg $0xC0  }
0xab: {  	_ =	task [dreg:s7], $0x5FFFF  }
0xac: {  	[dreg:$0x1] =	wrdreg $0xFFFFFFFF  }
0xad: {  	[dreg:$0x0] =	wrdreg $0x60  }
0xae: {  	[dreg:$0x2] =	wrdreg s24  }
0xaf: {  	[dreg:$0x3] =	wrdreg s2  }
0xb0: {  	[dreg:$0x4] =	wrdreg $0x0  }
0xb1: {  	[dreg:$0x5] =	wrdreg $0x9  }
0xb2: {  	_ =	task.clear_ibuf [dreg:s7], $0x6FFFF;
	_ =	strace $0x9000004C  }
0xb3: {  	s29 =	simm.s32 $0x9;
	_ =	strace $0x8000004E  }
0xb4: {  	_ =	swait.ge [sflag:s29], $0x1  }
0xb5: {  	[sflag:s29] =	ssyncadd.s32 $0xFFFFFFFF  }
0xb6: {  	_ =	strace $0x9000004E  }
0xb7: {  	_ =	sfence  }
0xb8: {  	s30 =	sld [smem:$0x0];
	_ =	sdelay $0x2  }
0xb9: {  	s31 =	sshll.u32 s1, $0xD;
	s1 =	sshrl.u32 s1, $0x2  }
0xba: {  	s3 =	sand.u32 $0x4000, s31;
	s1 =	sadd.s32 s1, s30  }
0xbb: {  	s0 =	sor.u32 s3, s0;
	s1 =	sshll.u32 s1, $0x11  }
0xbc: {  	s0 =	sor.u32 s1, s0  }
0xbd: {  	s0 =	sadd.s32 $0x8F2B, s0  }
0xbe: {  	[sflag:s0] =	ssyncadd.remote.s32 $0x1  }
0xbf: {  	_ =	sfence.sel $0xFFFF  }
0xc0: {  	[dreg:$0x0] =	wrdreg $0xFFFFFFFF;
	(pc) =	sbr.abs _section_cstart, $3  }
0xc1: {  	[dreg:$0x1] =	wrdreg $0xFFFFFFFF  }
0xc2: {  	_ =	task.clear_ibuf [dreg:s7], $0x2FFFF;
	_ =	strace $0x9FFFFFFF  }
0xc3: {  	(tm) =	ssettm $0x7FFFFFFF  }
tec
execute0_lowered:
.L_overlay_start_1:
0x0: {  	(tag) =	ssettag $0x1  }
0x1: {  	s0 =	rddreg [dreg:$0x0]  }
0x2: {  	s2 =	rddreg [dreg:$0x1];
	s1 =	srdreg.scid  }
0x3: {  	s3 =	rddreg [dreg:$0x2];
	s29 =	stileid.u32;
	s4 =	simm.s32 $0x0  }
0x4: {  	s15 =	simm.s32 $0x15000;
	s16 =	simm.s32 $0x3;
	s17 =	simm.s32 $0x14000  }
0x5: {  	s18 =	simm.s32 $0x14800;
	s19 =	simm.s32 $0x80;
	s20 =	simm.s32 $0x19000  }
0x6: {  	s21 =	simm.s32 $0x1;
	s22 =	simm.s32 $0x1D000;
	s23 =	simm.s32 $0x2  }
0x7: {  	s24 =	simm.s32 $0x1D080;
	s25 =	simm.s32 $0x14780;
	s6 =	smul.u32 $0x14000, s29  }
0x8: {  	s7 =	sand.u32 $0x1, s1;
	[smem:$0x7FF] =	sst s4;
	s9 =	smul.u32 $0x50000, s29  }
0x9: {  	s5 =	smul.u32 $0x140000, s7;
	_ =	strace $0x8000004D;
	s30 =	ssub.s32 $0x2, s7  }
0xa: {  	s7 =	sshll.u32 s7, $0x4;
	s10 =	sshrl.u32 s30, $0x1;
	s9 =	sshrl.u32 s9, $0x2  }
0xb: {  	s31 =	sor.u32 s29, s7;
	s6 =	sadd.s32 s6, s5;
	s5 =	sadd.s32 $0x7C00, s0  }
0xc: {  	s10 =	ssub.s32 s30, s10;
	s7 =	sadd.s32 s9, s3;
	s8 =	sshrl.u32 s6, $0x3  }
0xd: {  	s6 =	sadd.s32 $0x57C00, s0;
	s10 =	smax.u32 s10, $0x1;
	s11 =	sadd.s32 $0x4000, s7  }
0xe: {  	s12 =	sadd.s32 $0x8000, s7;
	s13 =	sadd.s32 $0xC000, s7;
	s0 =	sadd.s32 s8, s0  }
0xf: {  	v0 =	vimm.f32 $0.0e+00;
	s14 =	sadd.s32 $0x10000, s7;
	s8 =	smul.u32 $0x2800, s31;
	s9 =	sadd.s32 $0xB0000, s0  }
.LBB2_1:
0x10: {  	s26 =	simm.s32 $0x0;
	s28 =	simm.s32 $0x200  }
.LBB2_2:
0x11: {  	p0 =	sne.s32 s28, $0xFE00;
	[tilespmem:s26+$0x15070] =	vst v0  }
0x12: {  	[tilespmem:s26+$0x15000] =	vst v0  }
0x13: {  	[tilespmem:s26+$0x15010] =	vst v0  }
.Ltmp0:
0x14: {  	[tilespmem:s26+$0x15020] =	vst v0;
	(pc) =	sbr.rel @p0 .LBB2_2-.Ltmp0, $4  }
0x15: {  	[tilespmem:s26+$0x15030] =	vst v0  }
0x16: {  	[tilespmem:s26+$0x15040] =	vst v0  }
0x17: {  	[tilespmem:s26+$0x15050] =	vst v0  }
0x18: {  	[tilespmem:s26+$0x15060] =	vst v0;
	s26 =	sshra.s32 s28, $0x2;
	s28 =	sadd.s32 $0x200, s28  }
0x19: {  	[tilespmem:s26+$0x15070] =	vst v0  }
0x1a: {  	[tilespmem:s26+$0x15000] =	vst v0  }
0x1b: {  	[tilespmem:s26+$0x15010] =	vst v0  }
0x1c: {  	[tilespmem:s26+$0x15020] =	vst v0  }
0x1d: {  	[tilespmem:s26+$0x15030] =	vst v0  }
0x1e: {  	[tilespmem:s26+$0x15040] =	vst v0  }
0x1f: {  	[tilespmem:s26+$0x15050] =	vst v0  }
0x20: {  	[tilespmem:s26+$0x15060] =	vst v0  }
0x21: {  	[spmem:s7] =	stream.linear.scatter [tilespmem:s15], [sflag:$0x3], $0x4000, $0x38;
	[tilespmem:$0x1D100] =	vst v63  }
0x22: {  	_ =	swait.ge [sflag:s16], $0x4000  }
0x23: {  	[sflag:s16] =	ssyncset.done $0x0  }
0x24: {  	[sflag:s16] =	ssyncadd.s32 $0xFFFFC000  }
0x25: {  	[spmem:s11] =	stream.linear.scatter [tilespmem:s15], [sflag:$0x3], $0x4000, $0x38;
	[tilespmem:$0x1D100] =	vst v63  }
0x26: {  	_ =	swait.ge [sflag:s16], $0x4000  }
0x27: {  	[sflag:s16] =	ssyncset.done $0x0  }
0x28: {  	[sflag:s16] =	ssyncadd.s32 $0xFFFFC000  }
0x29: {  	[spmem:s12] =	stream.linear.scatter [tilespmem:s15], [sflag:$0x3], $0x4000, $0x38;
	[tilespmem:$0x1D100] =	vst v63  }
0x2a: {  	_ =	swait.ge [sflag:s16], $0x4000  }
0x2b: {  	[sflag:s16] =	ssyncset.done $0x0  }
0x2c: {  	[sflag:s16] =	ssyncadd.s32 $0xFFFFC000  }
0x2d: {  	[spmem:s13] =	stream.linear.scatter [tilespmem:s15], [sflag:$0x3], $0x4000, $0x38;
	[tilespmem:$0x1D100] =	vst v63  }
0x2e: {  	_ =	swait.ge [sflag:s16], $0x4000  }
0x2f: {  	[sflag:s16] =	ssyncset.done $0x0  }
0x30: {  	[sflag:s16] =	ssyncadd.s32 $0xFFFFC000  }
0x31: {  	[spmem:s14] =	stream.linear.scatter [tilespmem:s15], [sflag:$0x3], $0x4000, $0x38;
	[tilespmem:$0x1D100] =	vst v63  }
0x32: {  	_ =	swait.ge [sflag:s16], $0x4000  }
0x33: {  	[sflag:s16] =	ssyncset.done $0x0  }
0x34: {  	[sflag:s16] =	ssyncadd.s32 $0xFFFFC000  }
0x35: {  	s26 =	simm.s32 $0x0;
	s28 =	simm.s32 $0x0;
	[bflag:$0x0] =	sbarrier.arrive $0xFFFF  }
.LBB2_4:
0x36: {  	s0 =	sshll.u32 s28, $0xB  }
0x37: {  	s0 =	sadd.s32 s8, s0  }
0x38: {  	s0 =	sshrl.u32 s0, $0x3  }
0x39: {  	s29 =	sadd.s32 s6, s0  }
0x3a: {  	[tilespmem:s17], [sflag:$0x3] =	stream.linear.gather [hbm4b:s29+s26], $0x800, $0x38;
	[tilespmem:$0x1D100] =	vst v63  }
0x3b: {  	_ =	swait.ge [sflag:s16], $0x800  }
0x3c: {  	[sflag:s16] =	ssyncset.done $0x0  }
0x3d: {  	s0 =	sadd.s32 s2, s0;
	[sflag:s16] =	ssyncadd.s32 $0xFFFFF800  }
0x3e: {  	[tilespmem:s18], [sflag:$0x3] =	stream.linear.gather [hbm4b:s0+s26], $0x800, $0x38;
	[tilespmem:$0x1D100] =	vst v63  }
0x3f: {  	_ =	swait.ge [sflag:s16], $0x800  }
0x40: {  	[sflag:s16] =	ssyncset.done $0x0  }
0x41: {  	[sflag:s16] =	ssyncadd.s32 $0xFFFFF800  }
0x42: {  	[tilespmem:s15], [sflag:$0x1] =	stream.indirect.gather [hbm4b:s5+s19], $0x80, s17, s19, $0xb8;
	[tilespmem:$0x1D100] =	vst v63  }
0x43: {  	v1 =	vld [tilespmem:$0x14800]  }
0x44: {  	v2 =	vld [tilespmem:$0x14810]  }
0x45: {  	v3 =	vld [tilespmem:$0x14820]  }
0x46: {  	v4 =	vld [tilespmem:$0x14830]  }
0x47: {  	v5 =	vld [tilespmem:$0x14840]  }
0x48: {  	[tilespmem:$0x1D000] =	vst v1;
	v1 =	vld [tilespmem:$0x14850]  }
0x49: {  	[tilespmem:$0x1D010] =	vst v2;
	v2 =	vld [tilespmem:$0x14860]  }
0x4a: {  	[tilespmem:$0x1D020] =	vst v3;
	v3 =	vld [tilespmem:$0x14870]  }
0x4b: {  	[tilespmem:$0x1D030] =	vst v4  }
0x4c: {  	[tilespmem:$0x1D040] =	vst v5  }
0x4d: {  	[tilespmem:$0x1D050] =	vst v1  }
0x4e: {  	[tilespmem:$0x1D060] =	vst v2  }
0x4f: {  	s31 =	simm.s32 $0x0;
	s29 =	simm.s32 $0x14080;
	[tilespmem:$0x1D070] =	vst v3  }
0x50: {  	[tilespmem:s20], [sflag:$0x2] =	stream.indirect.gather [hbm4b:s5+s19], $0x80, s29, s19, $0xb8;
	[tilespmem:$0x1D100] =	vst v63  }
0x51: {  	v1 =	vld [tilespmem:s31+$0x14880];
	_ =	sdelay $0x4  }
0x52: {  	[tilespmem:$0x1D080] =	vst v1  }
0x53: {  	v1 =	vld [tilespmem:s31+$0x14890];
	_ =	sdelay $0x4  }
0x54: {  	[tilespmem:$0x1D090] =	vst v1  }
0x55: {  	v1 =	vld [tilespmem:s31+$0x148A0];
	_ =	sdelay $0x4  }
0x56: {  	[tilespmem:$0x1D0A0] =	vst v1  }
0x57: {  	v1 =	vld [tilespmem:s31+$0x148B0];
	_ =	sdelay $0x4  }
0x58: {  	[tilespmem:$0x1D0B0] =	vst v1  }
0x59: {  	v1 =	vld [tilespmem:s31+$0x148C0];
	_ =	sdelay $0x4  }
0x5a: {  	[tilespmem:$0x1D0C0] =	vst v1  }
0x5b: {  	v1 =	vld [tilespmem:s31+$0x148D0];
	_ =	sdelay $0x4  }
0x5c: {  	[tilespmem:$0x1D0D0] =	vst v1  }
0x5d: {  	v1 =	vld [tilespmem:s31+$0x148E0];
	_ =	sdelay $0x4  }
0x5e: {  	[tilespmem:$0x1D0E0] =	vst v1  }
0x5f: {  	v1 =	vld [tilespmem:s31+$0x148F0];
	_ =	sdelay $0x4  }
0x60: {  	[tilespmem:$0x1D0F0] =	vst v1  }
0x61: {  	_ =	swait.ge [sflag:s21], $0x4000  }
0x62: {  	[sflag:s21] =	ssyncset.done $0x0  }
0x63: {  	[sflag:s21] =	ssyncadd.s32 $0xFFFFC000  }
0x64: {  	[spmem:s3] =	stream.indirect.scatter.add.f32 [tilespmem:s15], [sflag:$0x3], $0x80, s22, s19, $0xb8;
	[tilespmem:$0x1D100] =	vst v63  }
0x65: {  	_ =	swait.ge [sflag:s16], $0x4000  }
0x66: {  	[sflag:s16] =	ssyncset.done $0x0  }
0x67: {  	s29 =	simm.s32 $0x14100;
	[sflag:s16] =	ssyncadd.s32 $0xFFFFC000  }
0x68: {  	[tilespmem:s15], [sflag:$0x1] =	stream.indirect.gather [hbm4b:s5+s19], $0x80, s29, s19, $0xb8;
	[tilespmem:$0x1D100] =	vst v63  }
0x69: {  	v1 =	vld [tilespmem:s31+$0x14900];
	_ =	sdelay $0x4  }
0x6a: {  	[tilespmem:$0x1D000] =	vst v1  }
0x6b: {  	v1 =	vld [tilespmem:s31+$0x14910];
	_ =	sdelay $0x4  }
0x6c: {  	[tilespmem:$0x1D010] =	vst v1  }
0x6d: {  	v1 =	vld [tilespmem:s31+$0x14920];
	_ =	sdelay $0x4  }
0x6e: {  	[tilespmem:$0x1D020] =	vst v1  }
0x6f: {  	v1 =	vld [tilespmem:s31+$0x14930];
	_ =	sdelay $0x4  }
0x70: {  	[tilespmem:$0x1D030] =	vst v1  }
0x71: {  	v1 =	vld [tilespmem:s31+$0x14940];
	_ =	sdelay $0x4  }
0x72: {  	[tilespmem:$0x1D040] =	vst v1  }
0x73: {  	v1 =	vld [tilespmem:s31+$0x14950];
	_ =	sdelay $0x4  }
0x74: {  	[tilespmem:$0x1D050] =	vst v1  }
0x75: {  	v1 =	vld [tilespmem:s31+$0x14960];
	_ =	sdelay $0x4  }
0x76: {  	[tilespmem:$0x1D060] =	vst v1  }
0x77: {  	v1 =	vld [tilespmem:s31+$0x14970];
	_ =	sdelay $0x4  }
0x78: {  	[tilespmem:$0x1D070] =	vst v1  }
0x79: {  	_ =	swait.ge [sflag:s23], $0x4000  }
0x7a: {  	[sflag:s23] =	ssyncset.done $0x0  }
0x7b: {  	[sflag:s23] =	ssyncadd.s32 $0xFFFFC000  }
0x7c: {  	[spmem:s3] =	stream.indirect.scatter.add.f32 [tilespmem:s20], [sflag:$0x3], $0x80, s24, s19, $0xb8;
	[tilespmem:$0x1D100] =	vst v63  }
0x7d: {  	_ =	swait.ge [sflag:s16], $0x4000  }
0x7e: {  	s30 =	simm.s32 $0x800;
	s29 =	simm.s32 $0x100;
	[sflag:s16] =	ssyncset.done $0x0  }
.LBB2_5:
0x7f: {  	s1 =	sadd.s32 $0x14080, s29  }
0x80: {  	[sflag:s16] =	ssyncadd.s32 $0xFFFFC000;
	s31 =	smov.u32 s30;
	s0 =	sadd.s32 $0x400, s30  }
0x81: {  	[tilespmem:s20], [sflag:$0x2] =	stream.indirect.gather [hbm4b:s5+s19], $0x80, s1, s19, $0xb8;
	[tilespmem:$0x1D100] =	vst v63  }
0x82: {  	p0 =	sne.s32 s30, $0x1800;
	v1 =	vld [tilespmem:s29+$0x14880];
	_ =	sdelay $0x4  }
0x83: {  	[tilespmem:$0x1D080] =	vst v1  }
0x84: {  	v1 =	vld [tilespmem:s29+$0x14890];
	_ =	sdelay $0x4  }
0x85: {  	[tilespmem:$0x1D090] =	vst v1  }
0x86: {  	v1 =	vld [tilespmem:s29+$0x148A0];
	_ =	sdelay $0x4  }
0x87: {  	[tilespmem:$0x1D0A0] =	vst v1  }
0x88: {  	v1 =	vld [tilespmem:s29+$0x148B0];
	_ =	sdelay $0x4  }
0x89: {  	[tilespmem:$0x1D0B0] =	vst v1  }
0x8a: {  	v1 =	vld [tilespmem:s29+$0x148C0];
	_ =	sdelay $0x4  }
0x8b: {  	[tilespmem:$0x1D0C0] =	vst v1  }
0x8c: {  	v1 =	vld [tilespmem:s29+$0x148D0];
	_ =	sdelay $0x4  }
0x8d: {  	[tilespmem:$0x1D0D0] =	vst v1  }
0x8e: {  	v1 =	vld [tilespmem:s29+$0x148E0];
	_ =	sdelay $0x4  }
0x8f: {  	[tilespmem:$0x1D0E0] =	vst v1  }
0x90: {  	v1 =	vld [tilespmem:s29+$0x148F0];
	_ =	sdelay $0x4  }
0x91: {  	[tilespmem:$0x1D0F0] =	vst v1  }
0x92: {  	_ =	swait.ge [sflag:s21], $0x4000  }
0x93: {  	[sflag:s21] =	ssyncset.done $0x0  }
0x94: {  	[sflag:s21] =	ssyncadd.s32 $0xFFFFC000  }
0x95: {  	[spmem:s3] =	stream.indirect.scatter.add.f32 [tilespmem:s15], [sflag:$0x3], $0x80, s22, s19, $0xb8;
	[tilespmem:$0x1D100] =	vst v63  }
0x96: {  	_ =	swait.ge [sflag:s16], $0x4000  }
0x97: {  	[sflag:s16] =	ssyncset.done $0x0  }
0x98: {  	s1 =	sadd.s32 $0x14100, s29;
	[sflag:s16] =	ssyncadd.s32 $0xFFFFC000  }
0x99: {  	[tilespmem:s15], [sflag:$0x1] =	stream.indirect.gather [hbm4b:s5+s19], $0x80, s1, s19, $0xb8;
	[tilespmem:$0x1D100] =	vst v63  }
0x9a: {  	v1 =	vld [tilespmem:s29+$0x14900];
	_ =	sdelay $0x4  }
0x9b: {  	[tilespmem:$0x1D000] =	vst v1  }
0x9c: {  	v1 =	vld [tilespmem:s29+$0x14910];
	_ =	sdelay $0x4  }
0x9d: {  	[tilespmem:$0x1D010] =	vst v1  }
0x9e: {  	v1 =	vld [tilespmem:s29+$0x14920];
	_ =	sdelay $0x4  }
0x9f: {  	[tilespmem:$0x1D020] =	vst v1  }
0xa0: {  	v1 =	vld [tilespmem:s29+$0x14930];
	_ =	sdelay $0x4  }
0xa1: {  	[tilespmem:$0x1D030] =	vst v1  }
0xa2: {  	v1 =	vld [tilespmem:s29+$0x14940];
	_ =	sdelay $0x4  }
0xa3: {  	[tilespmem:$0x1D040] =	vst v1  }
0xa4: {  	v1 =	vld [tilespmem:s29+$0x14950];
	_ =	sdelay $0x4  }
0xa5: {  	[tilespmem:$0x1D050] =	vst v1  }
0xa6: {  	v1 =	vld [tilespmem:s29+$0x14960];
	_ =	sdelay $0x4  }
0xa7: {  	[tilespmem:$0x1D060] =	vst v1  }
0xa8: {  	v1 =	vld [tilespmem:s29+$0x14970];
	_ =	sdelay $0x4  }
0xa9: {  	[tilespmem:$0x1D070] =	vst v1  }
0xaa: {  	_ =	swait.ge [sflag:s23], $0x4000  }
.Ltmp1:
0xab: {  	[sflag:s23] =	ssyncset.done $0x0;
	(pc) =	sbr.rel @p0 .LBB2_5-.Ltmp1, $4  }
0xac: {  	[sflag:s23] =	ssyncadd.s32 $0xFFFFC000  }
0xad: {  	[spmem:s3] =	stream.indirect.scatter.add.f32 [tilespmem:s20], [sflag:$0x3], $0x80, s24, s19, $0xb8;
	[tilespmem:$0x1D100] =	vst v63  }
0xae: {  	_ =	swait.ge [sflag:s16], $0x4000  }
0xaf: {  	s30 =	smov.u32 s0;
	s29 =	sshra.s32 s31, $0x2;
	[sflag:s16] =	ssyncset.done $0x0  }
0xb0: {  	s0 =	sadd.s32 $0x14080, s29;
	[sflag:s16] =	ssyncadd.s32 $0xFFFFC000  }
0xb1: {  	[tilespmem:s20], [sflag:$0x2] =	stream.indirect.gather [hbm4b:s5+s19], $0x80, s0, s19, $0xb8;
	[tilespmem:$0x1D100] =	vst v63  }
0xb2: {  	v1 =	vld [tilespmem:s29+$0x14880];
	_ =	sdelay $0x4  }
0xb3: {  	[tilespmem:$0x1D080] =	vst v1  }
0xb4: {  	v1 =	vld [tilespmem:s29+$0x14890];
	_ =	sdelay $0x4  }
0xb5: {  	[tilespmem:$0x1D090] =	vst v1  }
0xb6: {  	v1 =	vld [tilespmem:s29+$0x148A0];
	_ =	sdelay $0x4  }
0xb7: {  	[tilespmem:$0x1D0A0] =	vst v1  }
0xb8: {  	v1 =	vld [tilespmem:s29+$0x148B0];
	_ =	sdelay $0x4  }
0xb9: {  	[tilespmem:$0x1D0B0] =	vst v1  }
0xba: {  	v1 =	vld [tilespmem:s29+$0x148C0];
	_ =	sdelay $0x4  }
0xbb: {  	[tilespmem:$0x1D0C0] =	vst v1  }
0xbc: {  	v1 =	vld [tilespmem:s29+$0x148D0];
	_ =	sdelay $0x4  }
0xbd: {  	[tilespmem:$0x1D0D0] =	vst v1  }
0xbe: {  	v1 =	vld [tilespmem:s29+$0x148E0];
	_ =	sdelay $0x4  }
0xbf: {  	[tilespmem:$0x1D0E0] =	vst v1  }
0xc0: {  	v1 =	vld [tilespmem:s29+$0x148F0];
	_ =	sdelay $0x4  }
0xc1: {  	[tilespmem:$0x1D0F0] =	vst v1  }
0xc2: {  	_ =	swait.ge [sflag:s21], $0x4000  }
0xc3: {  	[sflag:s21] =	ssyncset.done $0x0  }
0xc4: {  	[sflag:s21] =	ssyncadd.s32 $0xFFFFC000  }
0xc5: {  	[spmem:s3] =	stream.indirect.scatter.add.f32 [tilespmem:s15], [sflag:$0x3], $0x80, s22, s19, $0xb8;
	[tilespmem:$0x1D100] =	vst v63  }
0xc6: {  	_ =	swait.ge [sflag:s16], $0x4000  }
0xc7: {  	[sflag:s16] =	ssyncset.done $0x0  }
0xc8: {  	s31 =	sadd.s32 $0x14100, s29;
	[sflag:s16] =	ssyncadd.s32 $0xFFFFC000  }
0xc9: {  	[tilespmem:s15], [sflag:$0x1] =	stream.indirect.gather [hbm4b:s5+s19], $0x80, s31, s19, $0xb8;
	[tilespmem:$0x1D100] =	vst v63  }
0xca: {  	v1 =	vld [tilespmem:s29+$0x14900];
	_ =	sdelay $0x4  }
0xcb: {  	[tilespmem:$0x1D000] =	vst v1  }
0xcc: {  	v1 =	vld [tilespmem:s29+$0x14910];
	_ =	sdelay $0x4  }
0xcd: {  	[tilespmem:$0x1D010] =	vst v1  }
0xce: {  	v1 =	vld [tilespmem:s29+$0x14920];
	_ =	sdelay $0x4  }
0xcf: {  	[tilespmem:$0x1D020] =	vst v1  }
0xd0: {  	v1 =	vld [tilespmem:s29+$0x14930];
	_ =	sdelay $0x4  }
0xd1: {  	[tilespmem:$0x1D030] =	vst v1  }
0xd2: {  	v1 =	vld [tilespmem:s29+$0x14940];
	_ =	sdelay $0x4  }
0xd3: {  	[tilespmem:$0x1D040] =	vst v1  }
0xd4: {  	v1 =	vld [tilespmem:s29+$0x14950];
	_ =	sdelay $0x4  }
0xd5: {  	[tilespmem:$0x1D050] =	vst v1  }
0xd6: {  	v1 =	vld [tilespmem:s29+$0x14960];
	_ =	sdelay $0x4  }
0xd7: {  	[tilespmem:$0x1D060] =	vst v1  }
0xd8: {  	v1 =	vld [tilespmem:s29+$0x14970];
	_ =	sdelay $0x4  }
0xd9: {  	[tilespmem:$0x1D070] =	vst v1  }
0xda: {  	_ =	swait.ge [sflag:s23], $0x4000  }
0xdb: {  	[sflag:s23] =	ssyncset.done $0x0  }
0xdc: {  	[sflag:s23] =	ssyncadd.s32 $0xFFFFC000  }
0xdd: {  	[spmem:s3] =	stream.indirect.scatter.add.f32 [tilespmem:s20], [sflag:$0x3], $0x80, s24, s19, $0xb8;
	[tilespmem:$0x1D100] =	vst v63  }
0xde: {  	_ =	swait.ge [sflag:s16], $0x4000  }
0xdf: {  	[sflag:s16] =	ssyncset.done $0x0  }
0xe0: {  	[sflag:s16] =	ssyncadd.s32 $0xFFFFC000  }
0xe1: {  	[tilespmem:s20], [sflag:$0x2] =	stream.indirect.gather [hbm4b:s5+s19], $0x80, s25, s19, $0xb8;
	[tilespmem:$0x1D100] =	vst v63  }
0xe2: {  	v1 =	vld [tilespmem:$0x14F80]  }
0xe3: {  	v2 =	vld [tilespmem:$0x14F90]  }
0xe4: {  	v3 =	vld [tilespmem:$0x14FA0]  }
0xe5: {  	v4 =	vld [tilespmem:$0x14FB0]  }
0xe6: {  	v5 =	vld [tilespmem:$0x14FC0]  }
0xe7: {  	[tilespmem:$0x1D080] =	vst v1;
	v1 =	vld [tilespmem:$0x14FD0]  }
0xe8: {  	[tilespmem:$0x1D090] =	vst v2;
	v2 =	vld [tilespmem:$0x14FE0]  }
0xe9: {  	[tilespmem:$0x1D0A0] =	vst v3;
	v3 =	vld [tilespmem:$0x14FF0]  }
0xea: {  	[tilespmem:$0x1D0B0] =	vst v4  }
0xeb: {  	[tilespmem:$0x1D0C0] =	vst v5  }
0xec: {  	[tilespmem:$0x1D0D0] =	vst v1  }
0xed: {  	[tilespmem:$0x1D0E0] =	vst v2  }
0xee: {  	[tilespmem:$0x1D0F0] =	vst v3  }
0xef: {  	_ =	swait.ge [sflag:s21], $0x4000  }
0xf0: {  	[sflag:s21] =	ssyncset.done $0x0  }
0xf1: {  	[sflag:s21] =	ssyncadd.s32 $0xFFFFC000  }
0xf2: {  	[spmem:s3] =	stream.indirect.scatter.add.f32 [tilespmem:s15], [sflag:$0x3], $0x80, s22, s19, $0xb8;
	[tilespmem:$0x1D100] =	vst v63  }
0xf3: {  	_ =	swait.ge [sflag:s16], $0x4000  }
0xf4: {  	[sflag:s16] =	ssyncset.done $0x0  }
0xf5: {  	[sflag:s16] =	ssyncadd.s32 $0xFFFFC000  }
0xf6: {  	s28 =	sadd.s32 $0x1, s28;
	_ =	swait.ge [sflag:s23], $0x4000  }
0xf7: {  	p0 =	sne.s32 s28, $0x5;
	[sflag:s23] =	ssyncset.done $0x0  }
.Ltmp2:
0xf8: {  	[sflag:s23] =	ssyncadd.s32 $0xFFFFC000;
	(pc) =	sbr.rel @p0 .LBB2_4-.Ltmp2, $4  }
0xf9: {  	[spmem:s3] =	stream.indirect.scatter.add.f32 [tilespmem:s20], [sflag:$0x3], $0x80, s24, s19, $0xb8;
	[tilespmem:$0x1D100] =	vst v63  }
0xfa: {  	_ =	swait.ge [sflag:s16], $0x4000  }
0xfb: {  	[sflag:s16] =	ssyncset.done $0x0  }
0xfc: {  	[sflag:s16] =	ssyncadd.s32 $0xFFFFC000  }
0xfd: {  	s0 =	stileid.u32;
	s4 =	sadd.s32 $0x1, s4  }
0xfe: {  	[bflag:$0x0] =	sbarrier.arrive $0xFFFF;
	s0 =	sshll.u32 s0, $0x6;
	p0 =	sne.s32 s4, s10  }
.Ltmp3:
0xff: {  	s1 =	sshrl.u32 s7, $0x3;
	s0 =	sor.u32 $0x1C03, s0;
	(pc) =	sbr.rel @p0 .LBB2_1-.Ltmp3, $4  }
0x100: {  	[hbm:s9], [sflag:s0] =	dma.local [spmem:s1], $0x2800  }
0x101: {  	_ =	swait.ge [sflag:s16], $0x2800  }
0x102: {  	[sflag:s16] =	ssyncset.done $0x0  }
0x103: {  	[sflag:s16] =	ssyncadd.s32 $0xFFFFD800  }
0x104: {  	_ =	sfence.sel $0x180000  }
0x105: {  	[bflag:$0x0] =	sbarrier.arrive $0xFFFF  }
0x106: {  	_ =	strace $0x9000004D  }
0x107: {  	s0 =	stileid.u32;
	[bflag:$0x2] =	sbarrier.arrive $0xFFFF  }
0x108: {  	p0 =	sne.s32 s0, $0x0;
	s0 =	rddreg [dreg:$0x3]  }
0x109: {  	s0 =	sadd.s32 @!p0 $0x100000, s0  }
0x10a: {  	[sflag:s0] =	ssyncadd.tile.s32 @!p0 $0x1;
	_ =	shalt  }
.Lfunc_end2:
_tile_overlayer_lowered:
.L_overlay_start_2:
0x10b: {  	(tag) =	ssettag $0x2  }
0x10c: {  	s0 =	rddreg [dreg:$0x0];
	s2 =	stileid.u32  }
0x10d: {  	s1 =	rddreg [dreg:$0x1];
	p0 =	sne.s32 s2, $0x0  }
0x10e: {  	s3 =	rddreg [dreg:$0x2];
	[bflag:$0x3] =	sbarrier.arrive $0xFFFF;
	s2 =	simm.s32 @!p0 $0x1C03  }
0x10f: {  	[timem:s3], [sflag:s2] =	dma.local @!p0 [hbm:s0], s1  }
0x110: {  	s0 =	simm.s32 @!p0 $0x3  }
0x111: {  	_ =	swait.ge @!p0 [sflag:s0], s1  }
0x112: {  	s1 =	ssub.s32 @!p0 $0x0, s1;
	[sflag:s0] =	ssyncset.done @!p0 $0x0  }
0x113: {  	[sflag:s0] =	ssyncadd.s32 @!p0 s1  }
0x114: {  	[bflag:$0x3] =	sbarrier.arrive $0xFFFF  }
0x115: {  	_ =	shalt  }

// kernel: kernel.25.cloned.1.call-start
scs
__scs_entry_jumppad:
0x0: {  	(pc) =	sbr.rel $0x88, $3  }
0x1: {  	(tag) =	ssettag $0x0;
	lr =	simm.s32 $0x1  }
0x2: {  	[smem:$0x3F8D] =	sst lr;
	_ =	strace $0xD0000000  }
0x3: {  	_ = 	snop  }
0x4: {  	_ = 	snop  }
0x5: {  	_ = 	snop  }
0x6: {  	_ = 	snop  }
0x7: {  	_ = 	snop  }
__scs_overlays_trampoline_lowered:
0x8: {  	[smem:$0x3F9C] =	sst s0  }
0x9: {  	[smem:$0x3F9D] =	sst s1  }
0xa: {  	[smem:$0x3F9E] =	sst s2  }
0xb: {  	[smem:$0x3F9F] =	sst s3  }
0xc: {  	[smem:$0x3FA0] =	sst s4  }
0xd: {  	[smem:$0x3FA1] =	sst s5  }
0xe: {  	[smem:$0x3FA2] =	sst s6  }
0xf: {  	[smem:$0x3FA3] =	sst s7  }
0x10: {  	[smem:$0x3FA4] =	sst s8  }
0x11: {  	[smem:$0x3FA5] =	sst s9;
	s0 =	simm.s32 @!p0 $0x0  }
0x12: {  	s1 =	sld [smem:$0x3F8B];
	s0 =	simm.s32 @p0 $0x1  }
0x13: {  	[smem:$0x3FA6] =	sst s0;
	s0 =	simm.s32 @!p1 $0x0  }
0x14: {  	s2 =	sld [smem:$0x3F8A];
	s0 =	simm.s32 @p1 $0x1  }
0x15: {  	[smem:$0x3FA7] =	sst s0;
	s0 =	simm.s32 @!p2 $0x0  }
0x16: {  	s3 =	sld [smem:$0x3FDB];
	s0 =	simm.s32 @p2 $0x1  }
0x17: {  	s4 =	simm.s32 $0x1BF5;
	[smem:$0x3FA9] =	sst s0  }
0x18: {  	s0 =	sld [smem:$0x3F8C];
	_ =	swait.ge [sflag:s4], $0x0  }
0x19: {  	s7 =	sld [smem:$0x3F8D]  }
0x1a: {  	s8 =	sadd.s32 $0xFFFFE003, lr  }
0x1b: {  	s9 =	sadd.s32 $0xFFFFFEF7, lr;
	s5 =	simm.s32 $0xFFFFFFFF;
	p2 =	slt.u32 s8, $0xFFFFF086  }
0x1c: {  	p1 =	slt.u32 s9, $0xF7A;
	s5 =	simm.s32 @!p2 $0x0  }
0x1d: {  	s5 =	simm.s32 @p1 $0x1;
	p0 =	seq.s32 s7, s2  }
0x1e: {  	s7 =	smul.u32 @!p0 $0xF7A, s2;
	p2 =	seq.s32 @!p0 s5, $0x0  }
0x1f: {  	s9 =	smul.u32 $0xF7A, s1;
	s8 =	simm.s32 @!p0 $0x1BF5;
	p2 =	por !p2, p0  }
0x20: {  	[sflag:s8] =	ssyncset.s32 @!p0 $0xFFFFF086;
	s6 =	sadd.s32 @!p0 s3, s7;
	s7 =	simm.s32 @!p0 $0x108  }
0x21: {  	s3 =	sadd.s32 s3, s9;
	s6 =	sadd.s32 @!p0 $0x88, s6;
	s7 =	simm.s32 @p2 $0x1082  }
0x22: {  	[simem:s7], [sflag:s8] =	dma.local @!p0 [hbm:s6], $0xF7A  }
0x23: {  	s9 =	sor.u32 $0xD0000000, s2;
	s6 =	simm.s32 $0x108;
	_ =	swait.ge @!p0 [sflag:s8], $0x0  }
0x24: {  	s3 =	sadd.s32 $0x88, s3;
	s6 =	simm.s32 @!p1 $0x1082;
	[sflag:s4] =	ssyncset.s32 $0xFFFFF086  }
0x25: {  	[simem:s6], [sflag:s4] =	dma.local [hbm:s3], $0xF7A  }
0x26: {  	[smem:$0x3F8D] =	sst s1;
	(tag) =	ssettag s2;
	_ =	strace s9  }
0x27: {  	s1 =	sld [smem:$0x3F9D]  }
0x28: {  	s2 =	sld [smem:$0x3F9E]  }
0x29: {  	s4 =	sld [smem:$0x3FA0]  }
0x2a: {  	p0 =	seq.s32 s5, $0x0;
	s5 =	sld [smem:$0x3FA1]  }
0x2b: {  	s6 =	sld [smem:$0x3FA2]  }
0x2c: {  	s7 =	sld [smem:$0x3FA3]  }
0x2d: {  	s3 =	simm.s32 $0x108;
	s8 =	sld [smem:$0x3FA4]  }
0x2e: {  	s3 =	simm.s32 @!p0 $0x1082;
	s9 =	sld [smem:$0x3FA5]  }
0x2f: {  	lr =	sadd.s32 s0, s3;
	s0 =	sld [smem:$0x3F9C]  }
0x30: {  	s3 =	sld [smem:$0x3F9F]  }
0x31: {  	[smem:$0x3FA8] =	sst s10  }
0x32: {  	s10 =	sld [smem:$0x3FA6];
	_ =	sdelay $0x3  }
0x33: {  	p0 =	seq.s32 s10, $0x1;
	s10 =	sld [smem:$0x3FA8];
	_ =	sdelay $0x3  }
0x34: {  	[smem:$0x3FA8] =	sst s10  }
0x35: {  	s10 =	sld [smem:$0x3FA7];
	_ =	sdelay $0x3  }
0x36: {  	p1 =	seq.s32 s10, $0x1;
	s10 =	sld [smem:$0x3FA8];
	_ =	sdelay $0x3  }
0x37: {  	[smem:$0x3FA8] =	sst s10  }
0x38: {  	s10 =	sld [smem:$0x3FA9]  }
0x39: {  	_ = 	snop;
	(pc) =	sbr.ind lr, $3  }
0x3a: {  	_ = 	snop  }
0x3b: {  	_ = 	snop  }
0x3c: {  	p2 =	seq.s32 s10, $0x1;
	s10 =	sld [smem:$0x3FA8]  }
0x3d: {  	_ =	shalt  }
0x3e: {  	_ =	shalt  }
0x3f: {  	_ =	shalt  }
0x40: {  	_ =	shalt  }
0x41: {  	_ =	shalt  }
0x42: {  	_ =	shalt  }
0x43: {  	_ =	shalt  }
0x44: {  	_ =	shalt  }
0x45: {  	_ =	shalt  }
0x46: {  	_ =	shalt  }
0x47: {  	_ =	shalt  }
0x48: {  	_ =	shalt  }
0x49: {  	_ =	shalt  }
0x4a: {  	_ =	shalt  }
0x4b: {  	_ =	shalt  }
0x4c: {  	_ =	shalt  }
0x4d: {  	_ =	shalt  }
0x4e: {  	_ =	shalt  }
0x4f: {  	_ =	shalt  }
0x50: {  	_ =	shalt  }
0x51: {  	_ =	shalt  }
0x52: {  	_ =	shalt  }
0x53: {  	_ =	shalt  }
0x54: {  	_ =	shalt  }
0x55: {  	_ =	shalt  }
0x56: {  	_ =	shalt  }
0x57: {  	_ =	shalt  }
0x58: {  	_ =	shalt  }
0x59: {  	_ =	shalt  }
0x5a: {  	_ =	shalt  }
0x5b: {  	_ =	shalt  }
0x5c: {  	_ =	shalt  }
0x5d: {  	_ =	shalt  }
0x5e: {  	_ =	shalt  }
0x5f: {  	_ =	shalt  }
0x60: {  	_ =	shalt  }
0x61: {  	_ =	shalt  }
0x62: {  	_ =	shalt  }
0x63: {  	_ =	shalt  }
0x64: {  	_ =	shalt  }
0x65: {  	_ =	shalt  }
0x66: {  	_ =	shalt  }
0x67: {  	_ =	shalt  }
0x68: {  	_ =	shalt  }
0x69: {  	_ =	shalt  }
0x6a: {  	_ =	shalt  }
0x6b: {  	_ =	shalt  }
0x6c: {  	_ =	shalt  }
0x6d: {  	_ =	shalt  }
0x6e: {  	_ =	shalt  }
0x6f: {  	_ =	shalt  }
0x70: {  	_ =	shalt  }
0x71: {  	_ =	shalt  }
0x72: {  	_ =	shalt  }
0x73: {  	_ =	shalt  }
0x74: {  	_ =	shalt  }
0x75: {  	_ =	shalt  }
0x76: {  	_ =	shalt  }
0x77: {  	_ =	shalt  }
0x78: {  	_ =	shalt  }
0x79: {  	_ =	shalt  }
0x7a: {  	_ =	shalt  }
0x7b: {  	_ =	shalt  }
0x7c: {  	_ =	shalt  }
0x7d: {  	_ =	shalt  }
0x7e: {  	_ =	shalt  }
0x7f: {  	_ =	shalt  }
0x80: {  	_ =	shalt  }
0x81: {  	_ =	shalt  }
0x82: {  	_ =	shalt  }
0x83: {  	_ =	shalt  }
0x84: {  	_ =	shalt  }
0x85: {  	_ =	shalt  }
0x86: {  	_ =	shalt  }
0x87: {  	_ =	shalt  }
.Lfunc_end0:
.L_simem_size_0:
called_computation.3_lowered:
.L_overlay_start_0:
0x88: {  	s2 =	sld [smem:$0x3FD9]  }
0x89: {  	s3 =	sld [smem:$0x3FFE];
	_ =	sdelay $0x1  }
0x8a: {  	s1 =	srdreg.scid  }
0x8b: {  	s0 =	sand.u32 $0x1, s1  }
0x8c: {  	s17 =	sshll.u32 s0, $0xA;
	s2 =	sadd.s32 s3, s2  }
0x8d: {  	s2 =	sadd.s32 s2, s17  }
0x8e: {  	[smem:$0x3FB4] =	sst s2  }
0x8f: {  	_ = 	snop  }
0x90: {  	s2 =	sld [smem:$0x3FD0];
	(tm) =	ssettm $0x1  }
0x91: {  	s18 =	sld [smem:$0x3FFB];
	_ =	sdelay $0x3  }
0x92: {  	_ =	strace s18  }
0x93: {  	s3 =	sld [smem:$0x3FFC];
	_ =	sdelay $0x3  }
0x94: {  	_ =	strace s3  }
0x95: {  	s3 =	sld [smem:$0x3FFD];
	_ =	sdelay $0x3  }
0x96: {  	_ =	strace s3  }
0x97: {  	_ =	strace $0x8FFFFFFF  }
0x98: {  	s19 =	sld [smem:$0x3FDB];
	_ =	sdelay $0x1  }
0x99: {  	s4 =	simm.s32 $_scs_section_size  }
0x9a: {  	s5 =	simm.s32 $_size__tile_overlayer_lowered;
	s6 =	simm.s32 $_tile_overlayer_lowered  }
0x9b: {  	s22 =	simm.s32 $0x1BFF;
	s21 =	sshll.u32 s6, $0x1;
	s3 =	sadd.s32 s4, s19  }
0x9c: {  	s7 =	simm.s32 $0x0;
	s20 =	sshll.u32 s5, $0x1;
	s5 =	sadd.s32 s21, s3  }
0x9d: {  	[timem:s7], [sflag:s22] =	dma.local [hbm:s5], s20  }
0x9e: {  	_ =	swait.ge [sflag:s22], s20  }
0x9f: {  	s4 =	ssub.s32 $0x0, s20;
	[sflag:s22] =	ssyncset.done $0x0  }
0xa0: {  	[sflag:s22] =	ssyncadd.s32 s4;
	_ =	sdelay $0x1  }
0xa1: {  	s23 =	simm.s32 $0x1B8B  }
0xa2: {  	_ =	swait.ge [sflag:s23], $0x1  }
0xa3: {  	[sflag:s23] =	ssyncset.done $0x0  }
0xa4: {  	s25 =	simm.s32 $0x1B8E;
	s24 =	sld [smem:$0x3FFE];
	[sflag:s23] =	ssyncadd.s32 $0xFFFFFFFF  }
0xa5: {  	s26 =	simm.s32 $execute0_lowered;
	[smem:$0x3FD2] =	sst s25  }
0xa6: {  	s5 =	sshll.u32 s26, $0x1;
	_ =	strace $0x8000004F;
	[dreg:$0x1] =	wrdreg $0xFFFFFFFF  }
0xa7: {  	s28 =	simm.s32 $_size_execute0_lowered;
	s3 =	sadd.s32 s3, s5;
	[dreg:$0x0] =	wrdreg $0x0  }
0xa8: {  	s5 =	sshll.u32 s28, $0x1;
	[dreg:$0x2] =	wrdreg s3  }
0xa9: {  	[dreg:$0x3] =	wrdreg s5  }
0xaa: {  	[dreg:$0x4] =	wrdreg $0xC0  }
0xab: {  	_ =	task [dreg:s7], $0x5FFFF  }
0xac: {  	[dreg:$0x1] =	wrdreg $0xFFFFFFFF  }
0xad: {  	[dreg:$0x0] =	wrdreg $0x60  }
0xae: {  	[dreg:$0x2] =	wrdreg s24  }
0xaf: {  	[dreg:$0x3] =	wrdreg s2  }
0xb0: {  	[dreg:$0x4] =	wrdreg $0x0  }
0xb1: {  	[dreg:$0x5] =	wrdreg $0x9  }
0xb2: {  	_ =	task.clear_ibuf [dreg:s7], $0x6FFFF;
	_ =	strace $0x9000004F  }
0xb3: {  	s29 =	simm.s32 $0x9;
	_ =	strace $0x80000051  }
0xb4: {  	_ =	swait.ge [sflag:s29], $0x1  }
0xb5: {  	[sflag:s29] =	ssyncadd.s32 $0xFFFFFFFF  }
0xb6: {  	_ =	strace $0x90000051  }
0xb7: {  	_ =	sfence  }
0xb8: {  	s30 =	sld [smem:$0x0];
	_ =	sdelay $0x2  }
0xb9: {  	s31 =	sshll.u32 s1, $0xD;
	s1 =	sshrl.u32 s1, $0x2  }
0xba: {  	s3 =	sand.u32 $0x4000, s31;
	s1 =	sadd.s32 s1, s30  }
0xbb: {  	s0 =	sor.u32 s3, s0;
	s1 =	sshll.u32 s1, $0x11  }
0xbc: {  	s0 =	sor.u32 s1, s0  }
0xbd: {  	s0 =	sadd.s32 $0x8F2B, s0  }
0xbe: {  	[sflag:s0] =	ssyncadd.remote.s32 $0x1  }
0xbf: {  	_ =	sfence.sel $0xFFFF  }
0xc0: {  	[dreg:$0x0] =	wrdreg $0xFFFFFFFF;
	(pc) =	sbr.abs _section_cstart, $3  }
0xc1: {  	[dreg:$0x1] =	wrdreg $0xFFFFFFFF  }
0xc2: {  	_ =	task.clear_ibuf [dreg:s7], $0x2FFFF;
	_ =	strace $0x9FFFFFFF  }
0xc3: {  	(tm) =	ssettm $0x7FFFFFFF  }
tec
execute0_lowered:
.L_overlay_start_1:
0x0: {  	(tag) =	ssettag $0x1  }
0x1: {  	s0 =	rddreg [dreg:$0x0]  }
0x2: {  	s1 =	rddreg [dreg:$0x1]  }
0x3: {  	s2 =	rddreg [dreg:$0x2]  }
0x4: {  	s3 =	srdreg.scid;
	s4 =	simm.s32 $0x0;
	s10 =	stileid.u32  }
0x5: {  	s16 =	simm.s32 $0x15000;
	s17 =	simm.s32 $0x3;
	s18 =	simm.s32 $0x14000  }
0x6: {  	s19 =	simm.s32 $0x14800;
	s20 =	simm.s32 $0x80;
	s21 =	simm.s32 $0x19000  }
0x7: {  	s22 =	simm.s32 $0x1;
	s23 =	simm.s32 $0x1D000;
	s24 =	simm.s32 $0x2  }
0x8: {  	s25 =	simm.s32 $0x1D080;
	s26 =	simm.s32 $0x14780;
	s7 =	smul.u32 $0x14000, s10  }
0x9: {  	s3 =	sand.u32 $0x1, s3;
	[smem:$0x7FF] =	sst s4;
	s8 =	smul.u32 $0x50000, s10  }
0xa: {  	s5 =	sadd.s32 $0x88E00, s0;
	s6 =	smul.u32 $0x140000, s3;
	s9 =	ssub.s32 $0x2, s3  }
0xb: {  	_ =	strace $0x80000050;
	s31 =	sshrl.u32 s9, $0x1;
	s8 =	sshrl.u32 s8, $0x2  }
0xc: {  	s7 =	sadd.s32 s7, s6;
	s6 =	sadd.s32 $0x100000, s0;
	s11 =	ssub.s32 s9, s31  }
0xd: {  	s9 =	smul.u32 $0x50000, s3;
	s7 =	sshrl.u32 s7, $0x3;
	s11 =	smax.u32 s11, $0x1  }
0xe: {  	s0 =	sadd.s32 s7, s0;
	s7 =	sadd.s32 s8, s2;
	s8 =	smul.u32 $0x5000, s10  }
0xf: {  	s0 =	sadd.s32 $0x114000, s0;
	s12 =	sadd.s32 $0x4000, s7;
	s13 =	sadd.s32 $0x8000, s7  }
0x10: {  	v0 =	vimm.f32 $0.0e+00;
	s14 =	sadd.s32 $0xC000, s7;
	s15 =	sadd.s32 $0x10000, s7;
	[dreg:$0x4] =	wrdreg s0  }
.LBB2_1:
0x11: {  	s0 =	simm.s32 $0x0;
	s28 =	simm.s32 $0x200  }
.LBB2_2:
0x12: {  	p0 =	sne.s32 s28, $0xFE00;
	[tilespmem:s0+$0x15070] =	vst v0  }
0x13: {  	[tilespmem:s0+$0x15000] =	vst v0  }
0x14: {  	[tilespmem:s0+$0x15010] =	vst v0  }
.Ltmp0:
0x15: {  	[tilespmem:s0+$0x15020] =	vst v0;
	(pc) =	sbr.rel @p0 .LBB2_2-.Ltmp0, $4  }
0x16: {  	[tilespmem:s0+$0x15030] =	vst v0  }
0x17: {  	[tilespmem:s0+$0x15040] =	vst v0  }
0x18: {  	[tilespmem:s0+$0x15050] =	vst v0  }
0x19: {  	[tilespmem:s0+$0x15060] =	vst v0;
	s0 =	sshra.s32 s28, $0x2;
	s28 =	sadd.s32 $0x200, s28  }
0x1a: {  	[tilespmem:s0+$0x15070] =	vst v0  }
0x1b: {  	[tilespmem:s0+$0x15000] =	vst v0  }
0x1c: {  	[tilespmem:s0+$0x15010] =	vst v0  }
0x1d: {  	[tilespmem:s0+$0x15020] =	vst v0  }
0x1e: {  	[tilespmem:s0+$0x15030] =	vst v0  }
0x1f: {  	[tilespmem:s0+$0x15040] =	vst v0  }
0x20: {  	[tilespmem:s0+$0x15050] =	vst v0  }
0x21: {  	[tilespmem:s0+$0x15060] =	vst v0  }
0x22: {  	[spmem:s7] =	stream.linear.scatter [tilespmem:s16], [sflag:$0x3], $0x4000, $0x38;
	[tilespmem:$0x1D100] =	vst v63  }
0x23: {  	_ =	swait.ge [sflag:s17], $0x4000  }
0x24: {  	[sflag:s17] =	ssyncset.done $0x0  }
0x25: {  	[sflag:s17] =	ssyncadd.s32 $0xFFFFC000  }
0x26: {  	[spmem:s12] =	stream.linear.scatter [tilespmem:s16], [sflag:$0x3], $0x4000, $0x38;
	[tilespmem:$0x1D100] =	vst v63  }
0x27: {  	_ =	swait.ge [sflag:s17], $0x4000  }
0x28: {  	[sflag:s17] =	ssyncset.done $0x0  }
0x29: {  	[sflag:s17] =	ssyncadd.s32 $0xFFFFC000  }
0x2a: {  	[spmem:s13] =	stream.linear.scatter [tilespmem:s16], [sflag:$0x3], $0x4000, $0x38;
	[tilespmem:$0x1D100] =	vst v63  }
0x2b: {  	_ =	swait.ge [sflag:s17], $0x4000  }
0x2c: {  	[sflag:s17] =	ssyncset.done $0x0  }
0x2d: {  	[sflag:s17] =	ssyncadd.s32 $0xFFFFC000  }
0x2e: {  	[spmem:s14] =	stream.linear.scatter [tilespmem:s16], [sflag:$0x3], $0x4000, $0x38;
	[tilespmem:$0x1D100] =	vst v63  }
0x2f: {  	_ =	swait.ge [sflag:s17], $0x4000  }
0x30: {  	[sflag:s17] =	ssyncset.done $0x0  }
0x31: {  	[sflag:s17] =	ssyncadd.s32 $0xFFFFC000  }
0x32: {  	[spmem:s15] =	stream.linear.scatter [tilespmem:s16], [sflag:$0x3], $0x4000, $0x38;
	[tilespmem:$0x1D100] =	vst v63  }
0x33: {  	_ =	swait.ge [sflag:s17], $0x4000  }
0x34: {  	[sflag:s17] =	ssyncset.done $0x0  }
0x35: {  	[sflag:s17] =	ssyncadd.s32 $0xFFFFC000  }
0x36: {  	s28 =	simm.s32 $0x0;
	s29 =	simm.s32 $0x0;
	[bflag:$0x0] =	sbarrier.arrive $0xFFFF  }
.LBB2_4:
0x37: {  	s0 =	sshll.u32 s29, $0xB  }
0x38: {  	s0 =	sadd.s32 s8, s0  }
0x39: {  	s3 =	sadd.s32 s9, s0  }
0x3a: {  	s3 =	sshrl.u32 s3, $0x3  }
0x3b: {  	s3 =	sadd.s32 s6, s3  }
0x3c: {  	[tilespmem:s18], [sflag:$0x3] =	stream.linear.gather [hbm4b:s3+s28], $0x800, $0x38;
	[tilespmem:$0x1D100] =	vst v63  }
0x3d: {  	_ =	swait.ge [sflag:s17], $0x800  }
0x3e: {  	s0 =	sshrl.u32 s0, $0x3;
	[sflag:s17] =	ssyncset.done $0x0  }
0x3f: {  	s0 =	sadd.s32 s1, s0;
	[sflag:s17] =	ssyncadd.s32 $0xFFFFF800  }
0x40: {  	[tilespmem:s19], [sflag:$0x3] =	stream.linear.gather [hbm4b:s0+s28], $0x800, $0x38;
	[tilespmem:$0x1D100] =	vst v63  }
0x41: {  	_ =	swait.ge [sflag:s17], $0x800  }
0x42: {  	[sflag:s17] =	ssyncset.done $0x0  }
0x43: {  	[sflag:s17] =	ssyncadd.s32 $0xFFFFF800  }
0x44: {  	[tilespmem:s16], [sflag:$0x1] =	stream.indirect.gather [hbm4b:s5+s20], $0x80, s18, s20, $0xb8;
	[tilespmem:$0x1D100] =	vst v63  }
0x45: {  	v1 =	vld [tilespmem:$0x14800]  }
0x46: {  	v2 =	vld [tilespmem:$0x14810]  }
0x47: {  	v3 =	vld [tilespmem:$0x14820]  }
0x48: {  	v4 =	vld [tilespmem:$0x14830]  }
0x49: {  	v5 =	vld [tilespmem:$0x14840]  }
0x4a: {  	[tilespmem:$0x1D000] =	vst v1;
	v1 =	vld [tilespmem:$0x14850]  }
0x4b: {  	[tilespmem:$0x1D010] =	vst v2;
	v2 =	vld [tilespmem:$0x14860]  }
0x4c: {  	[tilespmem:$0x1D020] =	vst v3;
	v3 =	vld [tilespmem:$0x14870]  }
0x4d: {  	[tilespmem:$0x1D030] =	vst v4  }
0x4e: {  	[tilespmem:$0x1D040] =	vst v5  }
0x4f: {  	[tilespmem:$0x1D050] =	vst v1  }
0x50: {  	[tilespmem:$0x1D060] =	vst v2  }
0x51: {  	s10 =	simm.s32 $0x14080;
	s0 =	simm.s32 $0x0;
	[tilespmem:$0x1D070] =	vst v3  }
0x52: {  	[tilespmem:s21], [sflag:$0x2] =	stream.indirect.gather [hbm4b:s5+s20], $0x80, s10, s20, $0xb8;
	[tilespmem:$0x1D100] =	vst v63  }
0x53: {  	v1 =	vld [tilespmem:s0+$0x14880];
	_ =	sdelay $0x4  }
0x54: {  	[tilespmem:$0x1D080] =	vst v1  }
0x55: {  	v1 =	vld [tilespmem:s0+$0x14890];
	_ =	sdelay $0x4  }
0x56: {  	[tilespmem:$0x1D090] =	vst v1  }
0x57: {  	v1 =	vld [tilespmem:s0+$0x148A0];
	_ =	sdelay $0x4  }
0x58: {  	[tilespmem:$0x1D0A0] =	vst v1  }
0x59: {  	v1 =	vld [tilespmem:s0+$0x148B0];
	_ =	sdelay $0x4  }
0x5a: {  	[tilespmem:$0x1D0B0] =	vst v1  }
0x5b: {  	v1 =	vld [tilespmem:s0+$0x148C0];
	_ =	sdelay $0x4  }
0x5c: {  	[tilespmem:$0x1D0C0] =	vst v1  }
0x5d: {  	v1 =	vld [tilespmem:s0+$0x148D0];
	_ =	sdelay $0x4  }
0x5e: {  	[tilespmem:$0x1D0D0] =	vst v1  }
0x5f: {  	v1 =	vld [tilespmem:s0+$0x148E0];
	_ =	sdelay $0x4  }
0x60: {  	[tilespmem:$0x1D0E0] =	vst v1  }
0x61: {  	v1 =	vld [tilespmem:s0+$0x148F0];
	_ =	sdelay $0x4  }
0x62: {  	[tilespmem:$0x1D0F0] =	vst v1  }
0x63: {  	_ =	swait.ge [sflag:s22], $0x4000  }
0x64: {  	[sflag:s22] =	ssyncset.done $0x0  }
0x65: {  	[sflag:s22] =	ssyncadd.s32 $0xFFFFC000  }
0x66: {  	[spmem:s2] =	stream.indirect.scatter.add.f32 [tilespmem:s16], [sflag:$0x3], $0x80, s23, s20, $0xb8;
	[tilespmem:$0x1D100] =	vst v63  }
0x67: {  	_ =	swait.ge [sflag:s17], $0x4000  }
0x68: {  	[sflag:s17] =	ssyncset.done $0x0  }
0x69: {  	s10 =	simm.s32 $0x14100;
	[sflag:s17] =	ssyncadd.s32 $0xFFFFC000  }
0x6a: {  	[tilespmem:s16], [sflag:$0x1] =	stream.indirect.gather [hbm4b:s5+s20], $0x80, s10, s20, $0xb8;
	[tilespmem:$0x1D100] =	vst v63  }
0x6b: {  	v1 =	vld [tilespmem:s0+$0x14900];
	_ =	sdelay $0x4  }
0x6c: {  	[tilespmem:$0x1D000] =	vst v1  }
0x6d: {  	v1 =	vld [tilespmem:s0+$0x14910];
	_ =	sdelay $0x4  }
0x6e: {  	[tilespmem:$0x1D010] =	vst v1  }
0x6f: {  	v1 =	vld [tilespmem:s0+$0x14920];
	_ =	sdelay $0x4  }
0x70: {  	[tilespmem:$0x1D020] =	vst v1  }
0x71: {  	v1 =	vld [tilespmem:s0+$0x14930];
	_ =	sdelay $0x4  }
0x72: {  	[tilespmem:$0x1D030] =	vst v1  }
0x73: {  	v1 =	vld [tilespmem:s0+$0x14940];
	_ =	sdelay $0x4  }
0x74: {  	[tilespmem:$0x1D040] =	vst v1  }
0x75: {  	v1 =	vld [tilespmem:s0+$0x14950];
	_ =	sdelay $0x4  }
0x76: {  	[tilespmem:$0x1D050] =	vst v1  }
0x77: {  	v1 =	vld [tilespmem:s0+$0x14960];
	_ =	sdelay $0x4  }
0x78: {  	[tilespmem:$0x1D060] =	vst v1  }
0x79: {  	v1 =	vld [tilespmem:s0+$0x14970];
	_ =	sdelay $0x4  }
0x7a: {  	[tilespmem:$0x1D070] =	vst v1  }
0x7b: {  	_ =	swait.ge [sflag:s24], $0x4000  }
0x7c: {  	[sflag:s24] =	ssyncset.done $0x0  }
0x7d: {  	[sflag:s24] =	ssyncadd.s32 $0xFFFFC000  }
0x7e: {  	[spmem:s2] =	stream.indirect.scatter.add.f32 [tilespmem:s21], [sflag:$0x3], $0x80, s25, s20, $0xb8;
	[tilespmem:$0x1D100] =	vst v63  }
0x7f: {  	_ =	swait.ge [sflag:s17], $0x4000  }
0x80: {  	s31 =	simm.s32 $0x800;
	s30 =	simm.s32 $0x100;
	[sflag:s17] =	ssyncset.done $0x0  }
.LBB2_5:
0x81: {  	s10 =	sadd.s32 $0x14080, s30  }
0x82: {  	[sflag:s17] =	ssyncadd.s32 $0xFFFFC000;
	s0 =	smov.u32 s31;
	s3 =	sadd.s32 $0x400, s31  }
0x83: {  	[tilespmem:s21], [sflag:$0x2] =	stream.indirect.gather [hbm4b:s5+s20], $0x80, s10, s20, $0xb8;
	[tilespmem:$0x1D100] =	vst v63  }
0x84: {  	p0 =	sne.s32 s31, $0x1800;
	v1 =	vld [tilespmem:s30+$0x14880];
	_ =	sdelay $0x4  }
0x85: {  	[tilespmem:$0x1D080] =	vst v1  }
0x86: {  	v1 =	vld [tilespmem:s30+$0x14890];
	_ =	sdelay $0x4  }
0x87: {  	[tilespmem:$0x1D090] =	vst v1  }
0x88: {  	v1 =	vld [tilespmem:s30+$0x148A0];
	_ =	sdelay $0x4  }
0x89: {  	[tilespmem:$0x1D0A0] =	vst v1  }
0x8a: {  	v1 =	vld [tilespmem:s30+$0x148B0];
	_ =	sdelay $0x4  }
0x8b: {  	[tilespmem:$0x1D0B0] =	vst v1  }
0x8c: {  	v1 =	vld [tilespmem:s30+$0x148C0];
	_ =	sdelay $0x4  }
0x8d: {  	[tilespmem:$0x1D0C0] =	vst v1  }
0x8e: {  	v1 =	vld [tilespmem:s30+$0x148D0];
	_ =	sdelay $0x4  }
0x8f: {  	[tilespmem:$0x1D0D0] =	vst v1  }
0x90: {  	v1 =	vld [tilespmem:s30+$0x148E0];
	_ =	sdelay $0x4  }
0x91: {  	[tilespmem:$0x1D0E0] =	vst v1  }
0x92: {  	v1 =	vld [tilespmem:s30+$0x148F0];
	_ =	sdelay $0x4  }
0x93: {  	[tilespmem:$0x1D0F0] =	vst v1  }
0x94: {  	_ =	swait.ge [sflag:s22], $0x4000  }
0x95: {  	[sflag:s22] =	ssyncset.done $0x0  }
0x96: {  	[sflag:s22] =	ssyncadd.s32 $0xFFFFC000  }
0x97: {  	[spmem:s2] =	stream.indirect.scatter.add.f32 [tilespmem:s16], [sflag:$0x3], $0x80, s23, s20, $0xb8;
	[tilespmem:$0x1D100] =	vst v63  }
0x98: {  	_ =	swait.ge [sflag:s17], $0x4000  }
0x99: {  	[sflag:s17] =	ssyncset.done $0x0  }
0x9a: {  	s10 =	sadd.s32 $0x14100, s30;
	[sflag:s17] =	ssyncadd.s32 $0xFFFFC000  }
0x9b: {  	[tilespmem:s16], [sflag:$0x1] =	stream.indirect.gather [hbm4b:s5+s20], $0x80, s10, s20, $0xb8;
	[tilespmem:$0x1D100] =	vst v63  }
0x9c: {  	v1 =	vld [tilespmem:s30+$0x14900];
	_ =	sdelay $0x4  }
0x9d: {  	[tilespmem:$0x1D000] =	vst v1  }
0x9e: {  	v1 =	vld [tilespmem:s30+$0x14910];
	_ =	sdelay $0x4  }
0x9f: {  	[tilespmem:$0x1D010] =	vst v1  }
0xa0: {  	v1 =	vld [tilespmem:s30+$0x14920];
	_ =	sdelay $0x4  }
0xa1: {  	[tilespmem:$0x1D020] =	vst v1  }
0xa2: {  	v1 =	vld [tilespmem:s30+$0x14930];
	_ =	sdelay $0x4  }
0xa3: {  	[tilespmem:$0x1D030] =	vst v1  }
0xa4: {  	v1 =	vld [tilespmem:s30+$0x14940];
	_ =	sdelay $0x4  }
0xa5: {  	[tilespmem:$0x1D040] =	vst v1  }
0xa6: {  	v1 =	vld [tilespmem:s30+$0x14950];
	_ =	sdelay $0x4  }
0xa7: {  	[tilespmem:$0x1D050] =	vst v1  }
0xa8: {  	v1 =	vld [tilespmem:s30+$0x14960];
	_ =	sdelay $0x4  }
0xa9: {  	[tilespmem:$0x1D060] =	vst v1  }
0xaa: {  	v1 =	vld [tilespmem:s30+$0x14970];
	_ =	sdelay $0x4  }
0xab: {  	[tilespmem:$0x1D070] =	vst v1  }
0xac: {  	_ =	swait.ge [sflag:s24], $0x4000  }
.Ltmp1:
0xad: {  	[sflag:s24] =	ssyncset.done $0x0;
	(pc) =	sbr.rel @p0 .LBB2_5-.Ltmp1, $4  }
0xae: {  	[sflag:s24] =	ssyncadd.s32 $0xFFFFC000  }
0xaf: {  	[spmem:s2] =	stream.indirect.scatter.add.f32 [tilespmem:s21], [sflag:$0x3], $0x80, s25, s20, $0xb8;
	[tilespmem:$0x1D100] =	vst v63  }
0xb0: {  	_ =	swait.ge [sflag:s17], $0x4000  }
0xb1: {  	s31 =	smov.u32 s3;
	s30 =	sshra.s32 s0, $0x2;
	[sflag:s17] =	ssyncset.done $0x0  }
0xb2: {  	s0 =	sadd.s32 $0x14080, s30;
	[sflag:s17] =	ssyncadd.s32 $0xFFFFC000  }
0xb3: {  	[tilespmem:s21], [sflag:$0x2] =	stream.indirect.gather [hbm4b:s5+s20], $0x80, s0, s20, $0xb8;
	[tilespmem:$0x1D100] =	vst v63  }
0xb4: {  	v1 =	vld [tilespmem:s30+$0x14880];
	_ =	sdelay $0x4  }
0xb5: {  	[tilespmem:$0x1D080] =	vst v1  }
0xb6: {  	v1 =	vld [tilespmem:s30+$0x14890];
	_ =	sdelay $0x4  }
0xb7: {  	[tilespmem:$0x1D090] =	vst v1  }
0xb8: {  	v1 =	vld [tilespmem:s30+$0x148A0];
	_ =	sdelay $0x4  }
0xb9: {  	[tilespmem:$0x1D0A0] =	vst v1  }
0xba: {  	v1 =	vld [tilespmem:s30+$0x148B0];
	_ =	sdelay $0x4  }
0xbb: {  	[tilespmem:$0x1D0B0] =	vst v1  }
0xbc: {  	v1 =	vld [tilespmem:s30+$0x148C0];
	_ =	sdelay $0x4  }
0xbd: {  	[tilespmem:$0x1D0C0] =	vst v1  }
0xbe: {  	v1 =	vld [tilespmem:s30+$0x148D0];
	_ =	sdelay $0x4  }
0xbf: {  	[tilespmem:$0x1D0D0] =	vst v1  }
0xc0: {  	v1 =	vld [tilespmem:s30+$0x148E0];
	_ =	sdelay $0x4  }
0xc1: {  	[tilespmem:$0x1D0E0] =	vst v1  }
0xc2: {  	v1 =	vld [tilespmem:s30+$0x148F0];
	_ =	sdelay $0x4  }
0xc3: {  	[tilespmem:$0x1D0F0] =	vst v1  }
0xc4: {  	_ =	swait.ge [sflag:s22], $0x4000  }
0xc5: {  	[sflag:s22] =	ssyncset.done $0x0  }
0xc6: {  	[sflag:s22] =	ssyncadd.s32 $0xFFFFC000  }
0xc7: {  	[spmem:s2] =	stream.indirect.scatter.add.f32 [tilespmem:s16], [sflag:$0x3], $0x80, s23, s20, $0xb8;
	[tilespmem:$0x1D100] =	vst v63  }
0xc8: {  	_ =	swait.ge [sflag:s17], $0x4000  }
0xc9: {  	[sflag:s17] =	ssyncset.done $0x0  }
0xca: {  	s31 =	sadd.s32 $0x14100, s30;
	[sflag:s17] =	ssyncadd.s32 $0xFFFFC000  }
0xcb: {  	[tilespmem:s16], [sflag:$0x1] =	stream.indirect.gather [hbm4b:s5+s20], $0x80, s31, s20, $0xb8;
	[tilespmem:$0x1D100] =	vst v63  }
0xcc: {  	v1 =	vld [tilespmem:s30+$0x14900];
	_ =	sdelay $0x4  }
0xcd: {  	[tilespmem:$0x1D000] =	vst v1  }
0xce: {  	v1 =	vld [tilespmem:s30+$0x14910];
	_ =	sdelay $0x4  }
0xcf: {  	[tilespmem:$0x1D010] =	vst v1  }
0xd0: {  	v1 =	vld [tilespmem:s30+$0x14920];
	_ =	sdelay $0x4  }
0xd1: {  	[tilespmem:$0x1D020] =	vst v1  }
0xd2: {  	v1 =	vld [tilespmem:s30+$0x14930];
	_ =	sdelay $0x4  }
0xd3: {  	[tilespmem:$0x1D030] =	vst v1  }
0xd4: {  	v1 =	vld [tilespmem:s30+$0x14940];
	_ =	sdelay $0x4  }
0xd5: {  	[tilespmem:$0x1D040] =	vst v1  }
0xd6: {  	v1 =	vld [tilespmem:s30+$0x14950];
	_ =	sdelay $0x4  }
0xd7: {  	[tilespmem:$0x1D050] =	vst v1  }
0xd8: {  	v1 =	vld [tilespmem:s30+$0x14960];
	_ =	sdelay $0x4  }
0xd9: {  	[tilespmem:$0x1D060] =	vst v1  }
0xda: {  	v1 =	vld [tilespmem:s30+$0x14970];
	_ =	sdelay $0x4  }
0xdb: {  	[tilespmem:$0x1D070] =	vst v1  }
0xdc: {  	_ =	swait.ge [sflag:s24], $0x4000  }
0xdd: {  	[sflag:s24] =	ssyncset.done $0x0  }
0xde: {  	[sflag:s24] =	ssyncadd.s32 $0xFFFFC000  }
0xdf: {  	[spmem:s2] =	stream.indirect.scatter.add.f32 [tilespmem:s21], [sflag:$0x3], $0x80, s25, s20, $0xb8;
	[tilespmem:$0x1D100] =	vst v63  }
0xe0: {  	_ =	swait.ge [sflag:s17], $0x4000  }
0xe1: {  	[sflag:s17] =	ssyncset.done $0x0  }
0xe2: {  	[sflag:s17] =	ssyncadd.s32 $0xFFFFC000  }
0xe3: {  	[tilespmem:s21], [sflag:$0x2] =	stream.indirect.gather [hbm4b:s5+s20], $0x80, s26, s20, $0xb8;
	[tilespmem:$0x1D100] =	vst v63  }
0xe4: {  	v1 =	vld [tilespmem:$0x14F80]  }
0xe5: {  	v2 =	vld [tilespmem:$0x14F90]  }
0xe6: {  	v3 =	vld [tilespmem:$0x14FA0]  }
0xe7: {  	v4 =	vld [tilespmem:$0x14FB0]  }
0xe8: {  	v5 =	vld [tilespmem:$0x14FC0]  }
0xe9: {  	[tilespmem:$0x1D080] =	vst v1;
	v1 =	vld [tilespmem:$0x14FD0]  }
0xea: {  	[tilespmem:$0x1D090] =	vst v2;
	v2 =	vld [tilespmem:$0x14FE0]  }
0xeb: {  	[tilespmem:$0x1D0A0] =	vst v3;
	v3 =	vld [tilespmem:$0x14FF0]  }
0xec: {  	[tilespmem:$0x1D0B0] =	vst v4  }
0xed: {  	[tilespmem:$0x1D0C0] =	vst v5  }
0xee: {  	[tilespmem:$0x1D0D0] =	vst v1  }
0xef: {  	[tilespmem:$0x1D0E0] =	vst v2  }
0xf0: {  	[tilespmem:$0x1D0F0] =	vst v3  }
0xf1: {  	_ =	swait.ge [sflag:s22], $0x4000  }
0xf2: {  	[sflag:s22] =	ssyncset.done $0x0  }
0xf3: {  	[sflag:s22] =	ssyncadd.s32 $0xFFFFC000  }
0xf4: {  	[spmem:s2] =	stream.indirect.scatter.add.f32 [tilespmem:s16], [sflag:$0x3], $0x80, s23, s20, $0xb8;
	[tilespmem:$0x1D100] =	vst v63  }
0xf5: {  	_ =	swait.ge [sflag:s17], $0x4000  }
0xf6: {  	[sflag:s17] =	ssyncset.done $0x0  }
0xf7: {  	[sflag:s17] =	ssyncadd.s32 $0xFFFFC000  }
0xf8: {  	s29 =	sadd.s32 $0x1, s29;
	_ =	swait.ge [sflag:s24], $0x4000  }
0xf9: {  	p0 =	sne.s32 s29, $0xA;
	[sflag:s24] =	ssyncset.done $0x0  }
.Ltmp2:
0xfa: {  	[sflag:s24] =	ssyncadd.s32 $0xFFFFC000;
	(pc) =	sbr.rel @p0 .LBB2_4-.Ltmp2, $4  }
0xfb: {  	[spmem:s2] =	stream.indirect.scatter.add.f32 [tilespmem:s21], [sflag:$0x3], $0x80, s25, s20, $0xb8;
	[tilespmem:$0x1D100] =	vst v63  }
0xfc: {  	_ =	swait.ge [sflag:s17], $0x4000  }
0xfd: {  	[sflag:s17] =	ssyncset.done $0x0  }
0xfe: {  	[sflag:s17] =	ssyncadd.s32 $0xFFFFC000  }
0xff: {  	s0 =	stileid.u32;
	[bflag:$0x0] =	sbarrier.arrive $0xFFFF;
	s4 =	sadd.s32 $0x1, s4  }
0x100: {  	s3 =	sshrl.u32 s7, $0x3;
	s0 =	sshll.u32 s0, $0x6;
	p0 =	sne.s32 s4, s11  }
.Ltmp3:
0x101: {  	s10 =	rddreg [dreg:$0x4];
	s0 =	sor.u32 $0x1C03, s0;
	(pc) =	sbr.rel @p0 .LBB2_1-.Ltmp3, $4  }
0x102: {  	[hbm:s10], [sflag:s0] =	dma.local [spmem:s3], $0x2800  }
0x103: {  	_ =	swait.ge [sflag:s17], $0x2800  }
0x104: {  	[sflag:s17] =	ssyncset.done $0x0  }
0x105: {  	[sflag:s17] =	ssyncadd.s32 $0xFFFFD800  }
0x106: {  	_ =	sfence.sel $0x180000  }
0x107: {  	[bflag:$0x0] =	sbarrier.arrive $0xFFFF  }
0x108: {  	_ =	strace $0x90000050  }
0x109: {  	s0 =	stileid.u32;
	[bflag:$0x2] =	sbarrier.arrive $0xFFFF  }
0x10a: {  	p0 =	sne.s32 s0, $0x0;
	s0 =	rddreg [dreg:$0x3]  }
0x10b: {  	s0 =	sadd.s32 @!p0 $0x100000, s0  }
0x10c: {  	[sflag:s0] =	ssyncadd.tile.s32 @!p0 $0x1;
	_ =	shalt  }
.Lfunc_end2:
_tile_overlayer_lowered:
.L_overlay_start_2:
0x10d: {  	(tag) =	ssettag $0x2  }
0x10e: {  	s0 =	rddreg [dreg:$0x0];
	s2 =	stileid.u32  }
0x10f: {  	s1 =	rddreg [dreg:$0x1];
	p0 =	sne.s32 s2, $0x0  }
0x110: {  	s3 =	rddreg [dreg:$0x2];
	[bflag:$0x3] =	sbarrier.arrive $0xFFFF;
	s2 =	simm.s32 @!p0 $0x1C03  }
0x111: {  	[timem:s3], [sflag:s2] =	dma.local @!p0 [hbm:s0], s1  }
0x112: {  	s0 =	simm.s32 @!p0 $0x3  }
0x113: {  	_ =	swait.ge @!p0 [sflag:s0], s1  }
0x114: {  	s1 =	ssub.s32 @!p0 $0x0, s1;
	[sflag:s0] =	ssyncset.done @!p0 $0x0  }
0x115: {  	[sflag:s0] =	ssyncadd.s32 @!p0 s1  }
0x116: {  	[bflag:$0x3] =	sbarrier.arrive $0xFFFF  }
0x117: {  	_ =	shalt  }

// kernel: kernel.28.cloned.1.call-start
scs
__scs_entry_jumppad:
0x0: {  	(pc) =	sbr.rel $0x88, $3  }
0x1: {  	(tag) =	ssettag $0x0;
	lr =	simm.s32 $0x1  }
0x2: {  	[smem:$0x3F8D] =	sst lr;
	_ =	strace $0xD0000000  }
0x3: {  	_ = 	snop  }
0x4: {  	_ = 	snop  }
0x5: {  	_ = 	snop  }
0x6: {  	_ = 	snop  }
0x7: {  	_ = 	snop  }
__scs_overlays_trampoline_lowered:
0x8: {  	[smem:$0x3F9C] =	sst s0  }
0x9: {  	[smem:$0x3F9D] =	sst s1  }
0xa: {  	[smem:$0x3F9E] =	sst s2  }
0xb: {  	[smem:$0x3F9F] =	sst s3  }
0xc: {  	[smem:$0x3FA0] =	sst s4  }
0xd: {  	[smem:$0x3FA1] =	sst s5  }
0xe: {  	[smem:$0x3FA2] =	sst s6  }
0xf: {  	[smem:$0x3FA3] =	sst s7  }
0x10: {  	[smem:$0x3FA4] =	sst s8  }
0x11: {  	[smem:$0x3FA5] =	sst s9;
	s0 =	simm.s32 @!p0 $0x0  }
0x12: {  	s1 =	sld [smem:$0x3F8B];
	s0 =	simm.s32 @p0 $0x1  }
0x13: {  	[smem:$0x3FA6] =	sst s0;
	s0 =	simm.s32 @!p1 $0x0  }
0x14: {  	s2 =	sld [smem:$0x3F8A];
	s0 =	simm.s32 @p1 $0x1  }
0x15: {  	[smem:$0x3FA7] =	sst s0;
	s0 =	simm.s32 @!p2 $0x0  }
0x16: {  	s3 =	sld [smem:$0x3FDB];
	s0 =	simm.s32 @p2 $0x1  }
0x17: {  	s4 =	simm.s32 $0x1BF5;
	[smem:$0x3FA9] =	sst s0  }
0x18: {  	s0 =	sld [smem:$0x3F8C];
	_ =	swait.ge [sflag:s4], $0x0  }
0x19: {  	s7 =	sld [smem:$0x3F8D]  }
0x1a: {  	s8 =	sadd.s32 $0xFFFFE003, lr  }
0x1b: {  	s9 =	sadd.s32 $0xFFFFFEF7, lr;
	s5 =	simm.s32 $0xFFFFFFFF;
	p2 =	slt.u32 s8, $0xFFFFF086  }
0x1c: {  	p1 =	slt.u32 s9, $0xF7A;
	s5 =	simm.s32 @!p2 $0x0  }
0x1d: {  	s5 =	simm.s32 @p1 $0x1;
	p0 =	seq.s32 s7, s2  }
0x1e: {  	s7 =	smul.u32 @!p0 $0xF7A, s2;
	p2 =	seq.s32 @!p0 s5, $0x0  }
0x1f: {  	s9 =	smul.u32 $0xF7A, s1;
	s8 =	simm.s32 @!p0 $0x1BF5;
	p2 =	por !p2, p0  }
0x20: {  	[sflag:s8] =	ssyncset.s32 @!p0 $0xFFFFF086;
	s6 =	sadd.s32 @!p0 s3, s7;
	s7 =	simm.s32 @!p0 $0x108  }
0x21: {  	s3 =	sadd.s32 s3, s9;
	s6 =	sadd.s32 @!p0 $0x88, s6;
	s7 =	simm.s32 @p2 $0x1082  }
0x22: {  	[simem:s7], [sflag:s8] =	dma.local @!p0 [hbm:s6], $0xF7A  }
0x23: {  	s9 =	sor.u32 $0xD0000000, s2;
	s6 =	simm.s32 $0x108;
	_ =	swait.ge @!p0 [sflag:s8], $0x0  }
0x24: {  	s3 =	sadd.s32 $0x88, s3;
	s6 =	simm.s32 @!p1 $0x1082;
	[sflag:s4] =	ssyncset.s32 $0xFFFFF086  }
0x25: {  	[simem:s6], [sflag:s4] =	dma.local [hbm:s3], $0xF7A  }
0x26: {  	[smem:$0x3F8D] =	sst s1;
	(tag) =	ssettag s2;
	_ =	strace s9  }
0x27: {  	s1 =	sld [smem:$0x3F9D]  }
0x28: {  	s2 =	sld [smem:$0x3F9E]  }
0x29: {  	s4 =	sld [smem:$0x3FA0]  }
0x2a: {  	p0 =	seq.s32 s5, $0x0;
	s5 =	sld [smem:$0x3FA1]  }
0x2b: {  	s6 =	sld [smem:$0x3FA2]  }
0x2c: {  	s7 =	sld [smem:$0x3FA3]  }
0x2d: {  	s3 =	simm.s32 $0x108;
	s8 =	sld [smem:$0x3FA4]  }
0x2e: {  	s3 =	simm.s32 @!p0 $0x1082;
	s9 =	sld [smem:$0x3FA5]  }
0x2f: {  	lr =	sadd.s32 s0, s3;
	s0 =	sld [smem:$0x3F9C]  }
0x30: {  	s3 =	sld [smem:$0x3F9F]  }
0x31: {  	[smem:$0x3FA8] =	sst s10  }
0x32: {  	s10 =	sld [smem:$0x3FA6];
	_ =	sdelay $0x3  }
0x33: {  	p0 =	seq.s32 s10, $0x1;
	s10 =	sld [smem:$0x3FA8];
	_ =	sdelay $0x3  }
0x34: {  	[smem:$0x3FA8] =	sst s10  }
0x35: {  	s10 =	sld [smem:$0x3FA7];
	_ =	sdelay $0x3  }
0x36: {  	p1 =	seq.s32 s10, $0x1;
	s10 =	sld [smem:$0x3FA8];
	_ =	sdelay $0x3  }
0x37: {  	[smem:$0x3FA8] =	sst s10  }
0x38: {  	s10 =	sld [smem:$0x3FA9]  }
0x39: {  	_ = 	snop;
	(pc) =	sbr.ind lr, $3  }
0x3a: {  	_ = 	snop  }
0x3b: {  	_ = 	snop  }
0x3c: {  	p2 =	seq.s32 s10, $0x1;
	s10 =	sld [smem:$0x3FA8]  }
0x3d: {  	_ =	shalt  }
0x3e: {  	_ =	shalt  }
0x3f: {  	_ =	shalt  }
0x40: {  	_ =	shalt  }
0x41: {  	_ =	shalt  }
0x42: {  	_ =	shalt  }
0x43: {  	_ =	shalt  }
0x44: {  	_ =	shalt  }
0x45: {  	_ =	shalt  }
0x46: {  	_ =	shalt  }
0x47: {  	_ =	shalt  }
0x48: {  	_ =	shalt  }
0x49: {  	_ =	shalt  }
0x4a: {  	_ =	shalt  }
0x4b: {  	_ =	shalt  }
0x4c: {  	_ =	shalt  }
0x4d: {  	_ =	shalt  }
0x4e: {  	_ =	shalt  }
0x4f: {  	_ =	shalt  }
0x50: {  	_ =	shalt  }
0x51: {  	_ =	shalt  }
0x52: {  	_ =	shalt  }
0x53: {  	_ =	shalt  }
0x54: {  	_ =	shalt  }
0x55: {  	_ =	shalt  }
0x56: {  	_ =	shalt  }
0x57: {  	_ =	shalt  }
0x58: {  	_ =	shalt  }
0x59: {  	_ =	shalt  }
0x5a: {  	_ =	shalt  }
0x5b: {  	_ =	shalt  }
0x5c: {  	_ =	shalt  }
0x5d: {  	_ =	shalt  }
0x5e: {  	_ =	shalt  }
0x5f: {  	_ =	shalt  }
0x60: {  	_ =	shalt  }
0x61: {  	_ =	shalt  }
0x62: {  	_ =	shalt  }
0x63: {  	_ =	shalt  }
0x64: {  	_ =	shalt  }
0x65: {  	_ =	shalt  }
0x66: {  	_ =	shalt  }
0x67: {  	_ =	shalt  }
0x68: {  	_ =	shalt  }
0x69: {  	_ =	shalt  }
0x6a: {  	_ =	shalt  }
0x6b: {  	_ =	shalt  }
0x6c: {  	_ =	shalt  }
0x6d: {  	_ =	shalt  }
0x6e: {  	_ =	shalt  }
0x6f: {  	_ =	shalt  }
0x70: {  	_ =	shalt  }
0x71: {  	_ =	shalt  }
0x72: {  	_ =	shalt  }
0x73: {  	_ =	shalt  }
0x74: {  	_ =	shalt  }
0x75: {  	_ =	shalt  }
0x76: {  	_ =	shalt  }
0x77: {  	_ =	shalt  }
0x78: {  	_ =	shalt  }
0x79: {  	_ =	shalt  }
0x7a: {  	_ =	shalt  }
0x7b: {  	_ =	shalt  }
0x7c: {  	_ =	shalt  }
0x7d: {  	_ =	shalt  }
0x7e: {  	_ =	shalt  }
0x7f: {  	_ =	shalt  }
0x80: {  	_ =	shalt  }
0x81: {  	_ =	shalt  }
0x82: {  	_ =	shalt  }
0x83: {  	_ =	shalt  }
0x84: {  	_ =	shalt  }
0x85: {  	_ =	shalt  }
0x86: {  	_ =	shalt  }
0x87: {  	_ =	shalt  }
.Lfunc_end0:
.L_simem_size_0:
called_computation.4_lowered:
.L_overlay_start_0:
0x88: {  	s2 =	sld [smem:$0x3FD9]  }
0x89: {  	s3 =	sld [smem:$0x3FFE];
	_ =	sdelay $0x1  }
0x8a: {  	s1 =	srdreg.scid  }
0x8b: {  	s0 =	sand.u32 $0x1, s1  }
0x8c: {  	s17 =	sshll.u32 s0, $0xA;
	s2 =	sadd.s32 s3, s2  }
0x8d: {  	s2 =	sadd.s32 s2, s17  }
0x8e: {  	[smem:$0x3FB4] =	sst s2  }
0x8f: {  	_ = 	snop  }
0x90: {  	s2 =	sld [smem:$0x3FD0];
	(tm) =	ssettm $0x1  }
0x91: {  	s18 =	sld [smem:$0x3FFB];
	_ =	sdelay $0x3  }
0x92: {  	_ =	strace s18  }
0x93: {  	s3 =	sld [smem:$0x3FFC];
	_ =	sdelay $0x3  }
0x94: {  	_ =	strace s3  }
0x95: {  	s3 =	sld [smem:$0x3FFD];
	_ =	sdelay $0x3  }
0x96: {  	_ =	strace s3  }
0x97: {  	_ =	strace $0x8FFFFFFF  }
0x98: {  	s19 =	sld [smem:$0x3FDB];
	_ =	sdelay $0x1  }
0x99: {  	s4 =	simm.s32 $_scs_section_size  }
0x9a: {  	s5 =	simm.s32 $_size__tile_overlayer_lowered;
	s6 =	simm.s32 $_tile_overlayer_lowered  }
0x9b: {  	s22 =	simm.s32 $0x1BFF;
	s21 =	sshll.u32 s6, $0x1;
	s3 =	sadd.s32 s4, s19  }
0x9c: {  	s7 =	simm.s32 $0x0;
	s20 =	sshll.u32 s5, $0x1;
	s5 =	sadd.s32 s21, s3  }
0x9d: {  	[timem:s7], [sflag:s22] =	dma.local [hbm:s5], s20  }
0x9e: {  	_ =	swait.ge [sflag:s22], s20  }
0x9f: {  	s4 =	ssub.s32 $0x0, s20;
	[sflag:s22] =	ssyncset.done $0x0  }
0xa0: {  	[sflag:s22] =	ssyncadd.s32 s4;
	_ =	sdelay $0x1  }
0xa1: {  	s23 =	simm.s32 $0x1B8B  }
0xa2: {  	_ =	swait.ge [sflag:s23], $0x1  }
0xa3: {  	[sflag:s23] =	ssyncset.done $0x0  }
0xa4: {  	s25 =	simm.s32 $0x1B8E;
	s24 =	sld [smem:$0x3FFE];
	[sflag:s23] =	ssyncadd.s32 $0xFFFFFFFF  }
0xa5: {  	s26 =	simm.s32 $execute0_lowered;
	[smem:$0x3FD2] =	sst s25  }
0xa6: {  	s5 =	sshll.u32 s26, $0x1;
	_ =	strace $0x80000052;
	[dreg:$0x1] =	wrdreg $0xFFFFFFFF  }
0xa7: {  	s28 =	simm.s32 $_size_execute0_lowered;
	s3 =	sadd.s32 s3, s5;
	[dreg:$0x0] =	wrdreg $0x0  }
0xa8: {  	s5 =	sshll.u32 s28, $0x1;
	[dreg:$0x2] =	wrdreg s3  }
0xa9: {  	[dreg:$0x3] =	wrdreg s5  }
0xaa: {  	[dreg:$0x4] =	wrdreg $0xC0  }
0xab: {  	_ =	task [dreg:s7], $0x5FFFF  }
0xac: {  	[dreg:$0x1] =	wrdreg $0xFFFFFFFF  }
0xad: {  	[dreg:$0x0] =	wrdreg $0x60  }
0xae: {  	[dreg:$0x2] =	wrdreg s24  }
0xaf: {  	[dreg:$0x3] =	wrdreg s2  }
0xb0: {  	[dreg:$0x4] =	wrdreg $0x0  }
0xb1: {  	[dreg:$0x5] =	wrdreg $0x9  }
0xb2: {  	_ =	task.clear_ibuf [dreg:s7], $0x6FFFF;
	_ =	strace $0x90000052  }
0xb3: {  	s29 =	simm.s32 $0x9;
	_ =	strace $0x80000054  }
0xb4: {  	_ =	swait.ge [sflag:s29], $0x1  }
0xb5: {  	[sflag:s29] =	ssyncadd.s32 $0xFFFFFFFF  }
0xb6: {  	_ =	strace $0x90000054  }
0xb7: {  	_ =	sfence  }
0xb8: {  	s30 =	sld [smem:$0x0];
	_ =	sdelay $0x2  }
0xb9: {  	s31 =	sshll.u32 s1, $0xD;
	s1 =	sshrl.u32 s1, $0x2  }
0xba: {  	s3 =	sand.u32 $0x4000, s31;
	s1 =	sadd.s32 s1, s30  }
0xbb: {  	s0 =	sor.u32 s3, s0;
	s1 =	sshll.u32 s1, $0x11  }
0xbc: {  	s0 =	sor.u32 s1, s0  }
0xbd: {  	s0 =	sadd.s32 $0x8F2B, s0  }
0xbe: {  	[sflag:s0] =	ssyncadd.remote.s32 $0x1  }
0xbf: {  	_ =	sfence.sel $0xFFFF  }
0xc0: {  	[dreg:$0x0] =	wrdreg $0xFFFFFFFF;
	(pc) =	sbr.abs _section_cstart, $3  }
0xc1: {  	[dreg:$0x1] =	wrdreg $0xFFFFFFFF  }
0xc2: {  	_ =	task.clear_ibuf [dreg:s7], $0x2FFFF;
	_ =	strace $0x9FFFFFFF  }
0xc3: {  	(tm) =	ssettm $0x7FFFFFFF  }
tec
execute0_lowered:
.L_overlay_start_1:
0x0: {  	(tag) =	ssettag $0x1  }
0x1: {  	s0 =	rddreg [dreg:$0x0]  }
0x2: {  	s2 =	rddreg [dreg:$0x1];
	s1 =	srdreg.scid  }
0x3: {  	s3 =	rddreg [dreg:$0x2];
	s29 =	stileid.u32;
	s4 =	simm.s32 $0x0  }
0x4: {  	s15 =	simm.s32 $0x15000;
	s16 =	simm.s32 $0x3;
	s17 =	simm.s32 $0x14000  }
0x5: {  	s18 =	simm.s32 $0x14800;
	s19 =	simm.s32 $0x80;
	s20 =	simm.s32 $0x19000  }
0x6: {  	s21 =	simm.s32 $0x1;
	s22 =	simm.s32 $0x1D000;
	s23 =	simm.s32 $0x2  }
0x7: {  	s24 =	simm.s32 $0x1D080;
	s25 =	simm.s32 $0x14780;
	s6 =	smul.u32 $0x14000, s29  }
0x8: {  	s7 =	sand.u32 $0x1, s1;
	[smem:$0x7FF] =	sst s4;
	s9 =	smul.u32 $0x50000, s29  }
0x9: {  	s5 =	smul.u32 $0x140000, s7;
	_ =	strace $0x80000053;
	s30 =	ssub.s32 $0x2, s7  }
0xa: {  	s7 =	sshll.u32 s7, $0x4;
	s10 =	sshrl.u32 s30, $0x1;
	s9 =	sshrl.u32 s9, $0x2  }
0xb: {  	s31 =	sor.u32 s29, s7;
	s6 =	sadd.s32 s6, s5;
	s5 =	sadd.s32 $0x88E00, s0  }
0xc: {  	s10 =	ssub.s32 s30, s10;
	s7 =	sadd.s32 s9, s3;
	s8 =	sshrl.u32 s6, $0x3  }
0xd: {  	s6 =	sadd.s32 $0x57C00, s0;
	s10 =	smax.u32 s10, $0x1;
	s11 =	sadd.s32 $0x4000, s7  }
0xe: {  	s12 =	sadd.s32 $0x8000, s7;
	s13 =	sadd.s32 $0xC000, s7;
	s0 =	sadd.s32 s8, s0  }
0xf: {  	v0 =	vimm.f32 $0.0e+00;
	s14 =	sadd.s32 $0x10000, s7;
	s8 =	smul.u32 $0x2800, s31;
	s9 =	sadd.s32 $0xB0000, s0  }
.LBB2_1:
0x10: {  	s26 =	simm.s32 $0x0;
	s28 =	simm.s32 $0x200  }
.LBB2_2:
0x11: {  	p0 =	sne.s32 s28, $0xFE00;
	[tilespmem:s26+$0x15070] =	vst v0  }
0x12: {  	[tilespmem:s26+$0x15000] =	vst v0  }
0x13: {  	[tilespmem:s26+$0x15010] =	vst v0  }
.Ltmp0:
0x14: {  	[tilespmem:s26+$0x15020] =	vst v0;
	(pc) =	sbr.rel @p0 .LBB2_2-.Ltmp0, $4  }
0x15: {  	[tilespmem:s26+$0x15030] =	vst v0  }
0x16: {  	[tilespmem:s26+$0x15040] =	vst v0  }
0x17: {  	[tilespmem:s26+$0x15050] =	vst v0  }
0x18: {  	[tilespmem:s26+$0x15060] =	vst v0;
	s26 =	sshra.s32 s28, $0x2;
	s28 =	sadd.s32 $0x200, s28  }
0x19: {  	[tilespmem:s26+$0x15070] =	vst v0  }
0x1a: {  	[tilespmem:s26+$0x15000] =	vst v0  }
0x1b: {  	[tilespmem:s26+$0x15010] =	vst v0  }
0x1c: {  	[tilespmem:s26+$0x15020] =	vst v0  }
0x1d: {  	[tilespmem:s26+$0x15030] =	vst v0  }
0x1e: {  	[tilespmem:s26+$0x15040] =	vst v0  }
0x1f: {  	[tilespmem:s26+$0x15050] =	vst v0  }
0x20: {  	[tilespmem:s26+$0x15060] =	vst v0  }
0x21: {  	[spmem:s7] =	stream.linear.scatter [tilespmem:s15], [sflag:$0x3], $0x4000, $0x38;
	[tilespmem:$0x1D100] =	vst v63  }
0x22: {  	_ =	swait.ge [sflag:s16], $0x4000  }
0x23: {  	[sflag:s16] =	ssyncset.done $0x0  }
0x24: {  	[sflag:s16] =	ssyncadd.s32 $0xFFFFC000  }
0x25: {  	[spmem:s11] =	stream.linear.scatter [tilespmem:s15], [sflag:$0x3], $0x4000, $0x38;
	[tilespmem:$0x1D100] =	vst v63  }
0x26: {  	_ =	swait.ge [sflag:s16], $0x4000  }
0x27: {  	[sflag:s16] =	ssyncset.done $0x0  }
0x28: {  	[sflag:s16] =	ssyncadd.s32 $0xFFFFC000  }
0x29: {  	[spmem:s12] =	stream.linear.scatter [tilespmem:s15], [sflag:$0x3], $0x4000, $0x38;
	[tilespmem:$0x1D100] =	vst v63  }
0x2a: {  	_ =	swait.ge [sflag:s16], $0x4000  }
0x2b: {  	[sflag:s16] =	ssyncset.done $0x0  }
0x2c: {  	[sflag:s16] =	ssyncadd.s32 $0xFFFFC000  }
0x2d: {  	[spmem:s13] =	stream.linear.scatter [tilespmem:s15], [sflag:$0x3], $0x4000, $0x38;
	[tilespmem:$0x1D100] =	vst v63  }
0x2e: {  	_ =	swait.ge [sflag:s16], $0x4000  }
0x2f: {  	[sflag:s16] =	ssyncset.done $0x0  }
0x30: {  	[sflag:s16] =	ssyncadd.s32 $0xFFFFC000  }
0x31: {  	[spmem:s14] =	stream.linear.scatter [tilespmem:s15], [sflag:$0x3], $0x4000, $0x38;
	[tilespmem:$0x1D100] =	vst v63  }
0x32: {  	_ =	swait.ge [sflag:s16], $0x4000  }
0x33: {  	[sflag:s16] =	ssyncset.done $0x0  }
0x34: {  	[sflag:s16] =	ssyncadd.s32 $0xFFFFC000  }
0x35: {  	s26 =	simm.s32 $0x0;
	s28 =	simm.s32 $0x0;
	[bflag:$0x0] =	sbarrier.arrive $0xFFFF  }
.LBB2_4:
0x36: {  	s0 =	sshll.u32 s28, $0xB  }
0x37: {  	s0 =	sadd.s32 s8, s0  }
0x38: {  	s0 =	sshrl.u32 s0, $0x3  }
0x39: {  	s29 =	sadd.s32 s6, s0  }
0x3a: {  	[tilespmem:s17], [sflag:$0x3] =	stream.linear.gather [hbm4b:s29+s26], $0x800, $0x38;
	[tilespmem:$0x1D100] =	vst v63  }
0x3b: {  	_ =	swait.ge [sflag:s16], $0x800  }
0x3c: {  	[sflag:s16] =	ssyncset.done $0x0  }
0x3d: {  	s0 =	sadd.s32 s2, s0;
	[sflag:s16] =	ssyncadd.s32 $0xFFFFF800  }
0x3e: {  	[tilespmem:s18], [sflag:$0x3] =	stream.linear.gather [hbm4b:s0+s26], $0x800, $0x38;
	[tilespmem:$0x1D100] =	vst v63  }
0x3f: {  	_ =	swait.ge [sflag:s16], $0x800  }
0x40: {  	[sflag:s16] =	ssyncset.done $0x0  }
0x41: {  	[sflag:s16] =	ssyncadd.s32 $0xFFFFF800  }
0x42: {  	[tilespmem:s15], [sflag:$0x1] =	stream.indirect.gather [hbm4b:s5+s19], $0x80, s17, s19, $0xb8;
	[tilespmem:$0x1D100] =	vst v63  }
0x43: {  	v1 =	vld [tilespmem:$0x14800]  }
0x44: {  	v2 =	vld [tilespmem:$0x14810]  }
0x45: {  	v3 =	vld [tilespmem:$0x14820]  }
0x46: {  	v4 =	vld [tilespmem:$0x14830]  }
0x47: {  	v5 =	vld [tilespmem:$0x14840]  }
0x48: {  	[tilespmem:$0x1D000] =	vst v1;
	v1 =	vld [tilespmem:$0x14850]  }
0x49: {  	[tilespmem:$0x1D010] =	vst v2;
	v2 =	vld [tilespmem:$0x14860]  }
0x4a: {  	[tilespmem:$0x1D020] =	vst v3;
	v3 =	vld [tilespmem:$0x14870]  }
0x4b: {  	[tilespmem:$0x1D030] =	vst v4  }
0x4c: {  	[tilespmem:$0x1D040] =	vst v5  }
0x4d: {  	[tilespmem:$0x1D050] =	vst v1  }
0x4e: {  	[tilespmem:$0x1D060] =	vst v2  }
0x4f: {  	s31 =	simm.s32 $0x0;
	s29 =	simm.s32 $0x14080;
	[tilespmem:$0x1D070] =	vst v3  }
0x50: {  	[tilespmem:s20], [sflag:$0x2] =	stream.indirect.gather [hbm4b:s5+s19], $0x80, s29, s19, $0xb8;
	[tilespmem:$0x1D100] =	vst v63  }
0x51: {  	v1 =	vld [tilespmem:s31+$0x14880];
	_ =	sdelay $0x4  }
0x52: {  	[tilespmem:$0x1D080] =	vst v1  }
0x53: {  	v1 =	vld [tilespmem:s31+$0x14890];
	_ =	sdelay $0x4  }
0x54: {  	[tilespmem:$0x1D090] =	vst v1  }
0x55: {  	v1 =	vld [tilespmem:s31+$0x148A0];
	_ =	sdelay $0x4  }
0x56: {  	[tilespmem:$0x1D0A0] =	vst v1  }
0x57: {  	v1 =	vld [tilespmem:s31+$0x148B0];
	_ =	sdelay $0x4  }
0x58: {  	[tilespmem:$0x1D0B0] =	vst v1  }
0x59: {  	v1 =	vld [tilespmem:s31+$0x148C0];
	_ =	sdelay $0x4  }
0x5a: {  	[tilespmem:$0x1D0C0] =	vst v1  }
0x5b: {  	v1 =	vld [tilespmem:s31+$0x148D0];
	_ =	sdelay $0x4  }
0x5c: {  	[tilespmem:$0x1D0D0] =	vst v1  }
0x5d: {  	v1 =	vld [tilespmem:s31+$0x148E0];
	_ =	sdelay $0x4  }
0x5e: {  	[tilespmem:$0x1D0E0] =	vst v1  }
0x5f: {  	v1 =	vld [tilespmem:s31+$0x148F0];
	_ =	sdelay $0x4  }
0x60: {  	[tilespmem:$0x1D0F0] =	vst v1  }
0x61: {  	_ =	swait.ge [sflag:s21], $0x4000  }
0x62: {  	[sflag:s21] =	ssyncset.done $0x0  }
0x63: {  	[sflag:s21] =	ssyncadd.s32 $0xFFFFC000  }
0x64: {  	[spmem:s3] =	stream.indirect.scatter.add.f32 [tilespmem:s15], [sflag:$0x3], $0x80, s22, s19, $0xb8;
	[tilespmem:$0x1D100] =	vst v63  }
0x65: {  	_ =	swait.ge [sflag:s16], $0x4000  }
0x66: {  	[sflag:s16] =	ssyncset.done $0x0  }
0x67: {  	s29 =	simm.s32 $0x14100;
	[sflag:s16] =	ssyncadd.s32 $0xFFFFC000  }
0x68: {  	[tilespmem:s15], [sflag:$0x1] =	stream.indirect.gather [hbm4b:s5+s19], $0x80, s29, s19, $0xb8;
	[tilespmem:$0x1D100] =	vst v63  }
0x69: {  	v1 =	vld [tilespmem:s31+$0x14900];
	_ =	sdelay $0x4  }
0x6a: {  	[tilespmem:$0x1D000] =	vst v1  }
0x6b: {  	v1 =	vld [tilespmem:s31+$0x14910];
	_ =	sdelay $0x4  }
0x6c: {  	[tilespmem:$0x1D010] =	vst v1  }
0x6d: {  	v1 =	vld [tilespmem:s31+$0x14920];
	_ =	sdelay $0x4  }
0x6e: {  	[tilespmem:$0x1D020] =	vst v1  }
0x6f: {  	v1 =	vld [tilespmem:s31+$0x14930];
	_ =	sdelay $0x4  }
0x70: {  	[tilespmem:$0x1D030] =	vst v1  }
0x71: {  	v1 =	vld [tilespmem:s31+$0x14940];
	_ =	sdelay $0x4  }
0x72: {  	[tilespmem:$0x1D040] =	vst v1  }
0x73: {  	v1 =	vld [tilespmem:s31+$0x14950];
	_ =	sdelay $0x4  }
0x74: {  	[tilespmem:$0x1D050] =	vst v1  }
0x75: {  	v1 =	vld [tilespmem:s31+$0x14960];
	_ =	sdelay $0x4  }
0x76: {  	[tilespmem:$0x1D060] =	vst v1  }
0x77: {  	v1 =	vld [tilespmem:s31+$0x14970];
	_ =	sdelay $0x4  }
0x78: {  	[tilespmem:$0x1D070] =	vst v1  }
0x79: {  	_ =	swait.ge [sflag:s23], $0x4000  }
0x7a: {  	[sflag:s23] =	ssyncset.done $0x0  }
0x7b: {  	[sflag:s23] =	ssyncadd.s32 $0xFFFFC000  }
0x7c: {  	[spmem:s3] =	stream.indirect.scatter.add.f32 [tilespmem:s20], [sflag:$0x3], $0x80, s24, s19, $0xb8;
	[tilespmem:$0x1D100] =	vst v63  }
0x7d: {  	_ =	swait.ge [sflag:s16], $0x4000  }
0x7e: {  	s30 =	simm.s32 $0x800;
	s29 =	simm.s32 $0x100;
	[sflag:s16] =	ssyncset.done $0x0  }
.LBB2_5:
0x7f: {  	s1 =	sadd.s32 $0x14080, s29  }
0x80: {  	[sflag:s16] =	ssyncadd.s32 $0xFFFFC000;
	s31 =	smov.u32 s30;
	s0 =	sadd.s32 $0x400, s30  }
0x81: {  	[tilespmem:s20], [sflag:$0x2] =	stream.indirect.gather [hbm4b:s5+s19], $0x80, s1, s19, $0xb8;
	[tilespmem:$0x1D100] =	vst v63  }
0x82: {  	p0 =	sne.s32 s30, $0x1800;
	v1 =	vld [tilespmem:s29+$0x14880];
	_ =	sdelay $0x4  }
0x83: {  	[tilespmem:$0x1D080] =	vst v1  }
0x84: {  	v1 =	vld [tilespmem:s29+$0x14890];
	_ =	sdelay $0x4  }
0x85: {  	[tilespmem:$0x1D090] =	vst v1  }
0x86: {  	v1 =	vld [tilespmem:s29+$0x148A0];
	_ =	sdelay $0x4  }
0x87: {  	[tilespmem:$0x1D0A0] =	vst v1  }
0x88: {  	v1 =	vld [tilespmem:s29+$0x148B0];
	_ =	sdelay $0x4  }
0x89: {  	[tilespmem:$0x1D0B0] =	vst v1  }
0x8a: {  	v1 =	vld [tilespmem:s29+$0x148C0];
	_ =	sdelay $0x4  }
0x8b: {  	[tilespmem:$0x1D0C0] =	vst v1  }
0x8c: {  	v1 =	vld [tilespmem:s29+$0x148D0];
	_ =	sdelay $0x4  }
0x8d: {  	[tilespmem:$0x1D0D0] =	vst v1  }
0x8e: {  	v1 =	vld [tilespmem:s29+$0x148E0];
	_ =	sdelay $0x4  }
0x8f: {  	[tilespmem:$0x1D0E0] =	vst v1  }
0x90: {  	v1 =	vld [tilespmem:s29+$0x148F0];
	_ =	sdelay $0x4  }
0x91: {  	[tilespmem:$0x1D0F0] =	vst v1  }
0x92: {  	_ =	swait.ge [sflag:s21], $0x4000  }
0x93: {  	[sflag:s21] =	ssyncset.done $0x0  }
0x94: {  	[sflag:s21] =	ssyncadd.s32 $0xFFFFC000  }
0x95: {  	[spmem:s3] =	stream.indirect.scatter.add.f32 [tilespmem:s15], [sflag:$0x3], $0x80, s22, s19, $0xb8;
	[tilespmem:$0x1D100] =	vst v63  }
0x96: {  	_ =	swait.ge [sflag:s16], $0x4000  }
0x97: {  	[sflag:s16] =	ssyncset.done $0x0  }
0x98: {  	s1 =	sadd.s32 $0x14100, s29;
	[sflag:s16] =	ssyncadd.s32 $0xFFFFC000  }
0x99: {  	[tilespmem:s15], [sflag:$0x1] =	stream.indirect.gather [hbm4b:s5+s19], $0x80, s1, s19, $0xb8;
	[tilespmem:$0x1D100] =	vst v63  }
0x9a: {  	v1 =	vld [tilespmem:s29+$0x14900];
	_ =	sdelay $0x4  }
0x9b: {  	[tilespmem:$0x1D000] =	vst v1  }
0x9c: {  	v1 =	vld [tilespmem:s29+$0x14910];
	_ =	sdelay $0x4  }
0x9d: {  	[tilespmem:$0x1D010] =	vst v1  }
0x9e: {  	v1 =	vld [tilespmem:s29+$0x14920];
	_ =	sdelay $0x4  }
0x9f: {  	[tilespmem:$0x1D020] =	vst v1  }
0xa0: {  	v1 =	vld [tilespmem:s29+$0x14930];
	_ =	sdelay $0x4  }
0xa1: {  	[tilespmem:$0x1D030] =	vst v1  }
0xa2: {  	v1 =	vld [tilespmem:s29+$0x14940];
	_ =	sdelay $0x4  }
0xa3: {  	[tilespmem:$0x1D040] =	vst v1  }
0xa4: {  	v1 =	vld [tilespmem:s29+$0x14950];
	_ =	sdelay $0x4  }
0xa5: {  	[tilespmem:$0x1D050] =	vst v1  }
0xa6: {  	v1 =	vld [tilespmem:s29+$0x14960];
	_ =	sdelay $0x4  }
0xa7: {  	[tilespmem:$0x1D060] =	vst v1  }
0xa8: {  	v1 =	vld [tilespmem:s29+$0x14970];
	_ =	sdelay $0x4  }
0xa9: {  	[tilespmem:$0x1D070] =	vst v1  }
0xaa: {  	_ =	swait.ge [sflag:s23], $0x4000  }
.Ltmp1:
0xab: {  	[sflag:s23] =	ssyncset.done $0x0;
	(pc) =	sbr.rel @p0 .LBB2_5-.Ltmp1, $4  }
0xac: {  	[sflag:s23] =	ssyncadd.s32 $0xFFFFC000  }
0xad: {  	[spmem:s3] =	stream.indirect.scatter.add.f32 [tilespmem:s20], [sflag:$0x3], $0x80, s24, s19, $0xb8;
	[tilespmem:$0x1D100] =	vst v63  }
0xae: {  	_ =	swait.ge [sflag:s16], $0x4000  }
0xaf: {  	s30 =	smov.u32 s0;
	s29 =	sshra.s32 s31, $0x2;
	[sflag:s16] =	ssyncset.done $0x0  }
0xb0: {  	s0 =	sadd.s32 $0x14080, s29;
	[sflag:s16] =	ssyncadd.s32 $0xFFFFC000  }
0xb1: {  	[tilespmem:s20], [sflag:$0x2] =	stream.indirect.gather [hbm4b:s5+s19], $0x80, s0, s19, $0xb8;
	[tilespmem:$0x1D100] =	vst v63  }
0xb2: {  	v1 =	vld [tilespmem:s29+$0x14880];
	_ =	sdelay $0x4  }
0xb3: {  	[tilespmem:$0x1D080] =	vst v1  }
0xb4: {  	v1 =	vld [tilespmem:s29+$0x14890];
	_ =	sdelay $0x4  }
0xb5: {  	[tilespmem:$0x1D090] =	vst v1  }
0xb6: {  	v1 =	vld [tilespmem:s29+$0x148A0];
	_ =	sdelay $0x4  }
0xb7: {  	[tilespmem:$0x1D0A0] =	vst v1  }
0xb8: {  	v1 =	vld [tilespmem:s29+$0x148B0];
	_ =	sdelay $0x4  }
0xb9: {  	[tilespmem:$0x1D0B0] =	vst v1  }
0xba: {  	v1 =	vld [tilespmem:s29+$0x148C0];
	_ =	sdelay $0x4  }
0xbb: {  	[tilespmem:$0x1D0C0] =	vst v1  }
0xbc: {  	v1 =	vld [tilespmem:s29+$0x148D0];
	_ =	sdelay $0x4  }
0xbd: {  	[tilespmem:$0x1D0D0] =	vst v1  }
0xbe: {  	v1 =	vld [tilespmem:s29+$0x148E0];
	_ =	sdelay $0x4  }
0xbf: {  	[tilespmem:$0x1D0E0] =	vst v1  }
0xc0: {  	v1 =	vld [tilespmem:s29+$0x148F0];
	_ =	sdelay $0x4  }
0xc1: {  	[tilespmem:$0x1D0F0] =	vst v1  }
0xc2: {  	_ =	swait.ge [sflag:s21], $0x4000  }
0xc3: {  	[sflag:s21] =	ssyncset.done $0x0  }
0xc4: {  	[sflag:s21] =	ssyncadd.s32 $0xFFFFC000  }
0xc5: {  	[spmem:s3] =	stream.indirect.scatter.add.f32 [tilespmem:s15], [sflag:$0x3], $0x80, s22, s19, $0xb8;
	[tilespmem:$0x1D100] =	vst v63  }
0xc6: {  	_ =	swait.ge [sflag:s16], $0x4000  }
0xc7: {  	[sflag:s16] =	ssyncset.done $0x0  }
0xc8: {  	s31 =	sadd.s32 $0x14100, s29;
	[sflag:s16] =	ssyncadd.s32 $0xFFFFC000  }
0xc9: {  	[tilespmem:s15], [sflag:$0x1] =	stream.indirect.gather [hbm4b:s5+s19], $0x80, s31, s19, $0xb8;
	[tilespmem:$0x1D100] =	vst v63  }
0xca: {  	v1 =	vld [tilespmem:s29+$0x14900];
	_ =	sdelay $0x4  }
0xcb: {  	[tilespmem:$0x1D000] =	vst v1  }
0xcc: {  	v1 =	vld [tilespmem:s29+$0x14910];
	_ =	sdelay $0x4  }
0xcd: {  	[tilespmem:$0x1D010] =	vst v1  }
0xce: {  	v1 =	vld [tilespmem:s29+$0x14920];
	_ =	sdelay $0x4  }
0xcf: {  	[tilespmem:$0x1D020] =	vst v1  }
0xd0: {  	v1 =	vld [tilespmem:s29+$0x14930];
	_ =	sdelay $0x4  }
0xd1: {  	[tilespmem:$0x1D030] =	vst v1  }
0xd2: {  	v1 =	vld [tilespmem:s29+$0x14940];
	_ =	sdelay $0x4  }
0xd3: {  	[tilespmem:$0x1D040] =	vst v1  }
0xd4: {  	v1 =	vld [tilespmem:s29+$0x14950];
	_ =	sdelay $0x4  }
0xd5: {  	[tilespmem:$0x1D050] =	vst v1  }
0xd6: {  	v1 =	vld [tilespmem:s29+$0x14960];
	_ =	sdelay $0x4  }
0xd7: {  	[tilespmem:$0x1D060] =	vst v1  }
0xd8: {  	v1 =	vld [tilespmem:s29+$0x14970];
	_ =	sdelay $0x4  }
0xd9: {  	[tilespmem:$0x1D070] =	vst v1  }
0xda: {  	_ =	swait.ge [sflag:s23], $0x4000  }
0xdb: {  	[sflag:s23] =	ssyncset.done $0x0  }
0xdc: {  	[sflag:s23] =	ssyncadd.s32 $0xFFFFC000  }
0xdd: {  	[spmem:s3] =	stream.indirect.scatter.add.f32 [tilespmem:s20], [sflag:$0x3], $0x80, s24, s19, $0xb8;
	[tilespmem:$0x1D100] =	vst v63  }
0xde: {  	_ =	swait.ge [sflag:s16], $0x4000  }
0xdf: {  	[sflag:s16] =	ssyncset.done $0x0  }
0xe0: {  	[sflag:s16] =	ssyncadd.s32 $0xFFFFC000  }
0xe1: {  	[tilespmem:s20], [sflag:$0x2] =	stream.indirect.gather [hbm4b:s5+s19], $0x80, s25, s19, $0xb8;
	[tilespmem:$0x1D100] =	vst v63  }
0xe2: {  	v1 =	vld [tilespmem:$0x14F80]  }
0xe3: {  	v2 =	vld [tilespmem:$0x14F90]  }
0xe4: {  	v3 =	vld [tilespmem:$0x14FA0]  }
0xe5: {  	v4 =	vld [tilespmem:$0x14FB0]  }
0xe6: {  	v5 =	vld [tilespmem:$0x14FC0]  }
0xe7: {  	[tilespmem:$0x1D080] =	vst v1;
	v1 =	vld [tilespmem:$0x14FD0]  }
0xe8: {  	[tilespmem:$0x1D090] =	vst v2;
	v2 =	vld [tilespmem:$0x14FE0]  }
0xe9: {  	[tilespmem:$0x1D0A0] =	vst v3;
	v3 =	vld [tilespmem:$0x14FF0]  }
0xea: {  	[tilespmem:$0x1D0B0] =	vst v4  }
0xeb: {  	[tilespmem:$0x1D0C0] =	vst v5  }
0xec: {  	[tilespmem:$0x1D0D0] =	vst v1  }
0xed: {  	[tilespmem:$0x1D0E0] =	vst v2  }
0xee: {  	[tilespmem:$0x1D0F0] =	vst v3  }
0xef: {  	_ =	swait.ge [sflag:s21], $0x4000  }
0xf0: {  	[sflag:s21] =	ssyncset.done $0x0  }
0xf1: {  	[sflag:s21] =	ssyncadd.s32 $0xFFFFC000  }
0xf2: {  	[spmem:s3] =	stream.indirect.scatter.add.f32 [tilespmem:s15], [sflag:$0x3], $0x80, s22, s19, $0xb8;
	[tilespmem:$0x1D100] =	vst v63  }
0xf3: {  	_ =	swait.ge [sflag:s16], $0x4000  }
0xf4: {  	[sflag:s16] =	ssyncset.done $0x0  }
0xf5: {  	[sflag:s16] =	ssyncadd.s32 $0xFFFFC000  }
0xf6: {  	s28 =	sadd.s32 $0x1, s28;
	_ =	swait.ge [sflag:s23], $0x4000  }
0xf7: {  	p0 =	sne.s32 s28, $0x5;
	[sflag:s23] =	ssyncset.done $0x0  }
.Ltmp2:
0xf8: {  	[sflag:s23] =	ssyncadd.s32 $0xFFFFC000;
	(pc) =	sbr.rel @p0 .LBB2_4-.Ltmp2, $4  }
0xf9: {  	[spmem:s3] =	stream.indirect.scatter.add.f32 [tilespmem:s20], [sflag:$0x3], $0x80, s24, s19, $0xb8;
	[tilespmem:$0x1D100] =	vst v63  }
0xfa: {  	_ =	swait.ge [sflag:s16], $0x4000  }
0xfb: {  	[sflag:s16] =	ssyncset.done $0x0  }
0xfc: {  	[sflag:s16] =	ssyncadd.s32 $0xFFFFC000  }
0xfd: {  	s0 =	stileid.u32;
	s4 =	sadd.s32 $0x1, s4  }
0xfe: {  	[bflag:$0x0] =	sbarrier.arrive $0xFFFF;
	s0 =	sshll.u32 s0, $0x6;
	p0 =	sne.s32 s4, s10  }
.Ltmp3:
0xff: {  	s1 =	sshrl.u32 s7, $0x3;
	s0 =	sor.u32 $0x1C03, s0;
	(pc) =	sbr.rel @p0 .LBB2_1-.Ltmp3, $4  }
0x100: {  	[hbm:s9], [sflag:s0] =	dma.local [spmem:s1], $0x2800  }
0x101: {  	_ =	swait.ge [sflag:s16], $0x2800  }
0x102: {  	[sflag:s16] =	ssyncset.done $0x0  }
0x103: {  	[sflag:s16] =	ssyncadd.s32 $0xFFFFD800  }
0x104: {  	_ =	sfence.sel $0x180000  }
0x105: {  	[bflag:$0x0] =	sbarrier.arrive $0xFFFF  }
0x106: {  	_ =	strace $0x90000053  }
0x107: {  	s0 =	stileid.u32;
	[bflag:$0x2] =	sbarrier.arrive $0xFFFF  }
0x108: {  	p0 =	sne.s32 s0, $0x0;
	s0 =	rddreg [dreg:$0x3]  }
0x109: {  	s0 =	sadd.s32 @!p0 $0x100000, s0  }
0x10a: {  	[sflag:s0] =	ssyncadd.tile.s32 @!p0 $0x1;
	_ =	shalt  }
.Lfunc_end2:
_tile_overlayer_lowered:
.L_overlay_start_2:
0x10b: {  	(tag) =	ssettag $0x2  }
0x10c: {  	s0 =	rddreg [dreg:$0x0];
	s2 =	stileid.u32  }
0x10d: {  	s1 =	rddreg [dreg:$0x1];
	p0 =	sne.s32 s2, $0x0  }
0x10e: {  	s3 =	rddreg [dreg:$0x2];
	[bflag:$0x3] =	sbarrier.arrive $0xFFFF;
	s2 =	simm.s32 @!p0 $0x1C03  }
0x10f: {  	[timem:s3], [sflag:s2] =	dma.local @!p0 [hbm:s0], s1  }
0x110: {  	s0 =	simm.s32 @!p0 $0x3  }
0x111: {  	_ =	swait.ge @!p0 [sflag:s0], s1  }
0x112: {  	s1 =	ssub.s32 @!p0 $0x0, s1;
	[sflag:s0] =	ssyncset.done @!p0 $0x0  }
0x113: {  	[sflag:s0] =	ssyncadd.s32 @!p0 s1  }
0x114: {  	[bflag:$0x3] =	sbarrier.arrive $0xFFFF  }
0x115: {  	_ =	shalt  }

// kernel: kernel.31.cloned.1.call-start
scs
__scs_entry_jumppad:
0x0: {  	(pc) =	sbr.rel $0x88, $3  }
0x1: {  	(tag) =	ssettag $0x0;
	lr =	simm.s32 $0x1  }
0x2: {  	[smem:$0x3F8D] =	sst lr;
	_ =	strace $0xD0000000  }
0x3: {  	_ = 	snop  }
0x4: {  	_ = 	snop  }
0x5: {  	_ = 	snop  }
0x6: {  	_ = 	snop  }
0x7: {  	_ = 	snop  }
__scs_overlays_trampoline_lowered:
0x8: {  	[smem:$0x3F9C] =	sst s0  }
0x9: {  	[smem:$0x3F9D] =	sst s1  }
0xa: {  	[smem:$0x3F9E] =	sst s2  }
0xb: {  	[smem:$0x3F9F] =	sst s3  }
0xc: {  	[smem:$0x3FA0] =	sst s4  }
0xd: {  	[smem:$0x3FA1] =	sst s5  }
0xe: {  	[smem:$0x3FA2] =	sst s6  }
0xf: {  	[smem:$0x3FA3] =	sst s7  }
0x10: {  	[smem:$0x3FA4] =	sst s8  }
0x11: {  	[smem:$0x3FA5] =	sst s9;
	s0 =	simm.s32 @!p0 $0x0  }
0x12: {  	s1 =	sld [smem:$0x3F8B];
	s0 =	simm.s32 @p0 $0x1  }
0x13: {  	[smem:$0x3FA6] =	sst s0;
	s0 =	simm.s32 @!p1 $0x0  }
0x14: {  	s2 =	sld [smem:$0x3F8A];
	s0 =	simm.s32 @p1 $0x1  }
0x15: {  	[smem:$0x3FA7] =	sst s0;
	s0 =	simm.s32 @!p2 $0x0  }
0x16: {  	s3 =	sld [smem:$0x3FDB];
	s0 =	simm.s32 @p2 $0x1  }
0x17: {  	s4 =	simm.s32 $0x1BF5;
	[smem:$0x3FA9] =	sst s0  }
0x18: {  	s0 =	sld [smem:$0x3F8C];
	_ =	swait.ge [sflag:s4], $0x0  }
0x19: {  	s7 =	sld [smem:$0x3F8D]  }
0x1a: {  	s8 =	sadd.s32 $0xFFFFE003, lr  }
0x1b: {  	s9 =	sadd.s32 $0xFFFFFEF7, lr;
	s5 =	simm.s32 $0xFFFFFFFF;
	p2 =	slt.u32 s8, $0xFFFFF086  }
0x1c: {  	p1 =	slt.u32 s9, $0xF7A;
	s5 =	simm.s32 @!p2 $0x0  }
0x1d: {  	s5 =	simm.s32 @p1 $0x1;
	p0 =	seq.s32 s7, s2  }
0x1e: {  	s7 =	smul.u32 @!p0 $0xF7A, s2;
	p2 =	seq.s32 @!p0 s5, $0x0  }
0x1f: {  	s9 =	smul.u32 $0xF7A, s1;
	s8 =	simm.s32 @!p0 $0x1BF5;
	p2 =	por !p2, p0  }
0x20: {  	[sflag:s8] =	ssyncset.s32 @!p0 $0xFFFFF086;
	s6 =	sadd.s32 @!p0 s3, s7;
	s7 =	simm.s32 @!p0 $0x108  }
0x21: {  	s3 =	sadd.s32 s3, s9;
	s6 =	sadd.s32 @!p0 $0x88, s6;
	s7 =	simm.s32 @p2 $0x1082  }
0x22: {  	[simem:s7], [sflag:s8] =	dma.local @!p0 [hbm:s6], $0xF7A  }
0x23: {  	s9 =	sor.u32 $0xD0000000, s2;
	s6 =	simm.s32 $0x108;
	_ =	swait.ge @!p0 [sflag:s8], $0x0  }
0x24: {  	s3 =	sadd.s32 $0x88, s3;
	s6 =	simm.s32 @!p1 $0x1082;
	[sflag:s4] =	ssyncset.s32 $0xFFFFF086  }
0x25: {  	[simem:s6], [sflag:s4] =	dma.local [hbm:s3], $0xF7A  }
0x26: {  	[smem:$0x3F8D] =	sst s1;
	(tag) =	ssettag s2;
	_ =	strace s9  }
0x27: {  	s1 =	sld [smem:$0x3F9D]  }
0x28: {  	s2 =	sld [smem:$0x3F9E]  }
0x29: {  	s4 =	sld [smem:$0x3FA0]  }
0x2a: {  	p0 =	seq.s32 s5, $0x0;
	s5 =	sld [smem:$0x3FA1]  }
0x2b: {  	s6 =	sld [smem:$0x3FA2]  }
0x2c: {  	s7 =	sld [smem:$0x3FA3]  }
0x2d: {  	s3 =	simm.s32 $0x108;
	s8 =	sld [smem:$0x3FA4]  }
0x2e: {  	s3 =	simm.s32 @!p0 $0x1082;
	s9 =	sld [smem:$0x3FA5]  }
0x2f: {  	lr =	sadd.s32 s0, s3;
	s0 =	sld [smem:$0x3F9C]  }
0x30: {  	s3 =	sld [smem:$0x3F9F]  }
0x31: {  	[smem:$0x3FA8] =	sst s10  }
0x32: {  	s10 =	sld [smem:$0x3FA6];
	_ =	sdelay $0x3  }
0x33: {  	p0 =	seq.s32 s10, $0x1;
	s10 =	sld [smem:$0x3FA8];
	_ =	sdelay $0x3  }
0x34: {  	[smem:$0x3FA8] =	sst s10  }
0x35: {  	s10 =	sld [smem:$0x3FA7];
	_ =	sdelay $0x3  }
0x36: {  	p1 =	seq.s32 s10, $0x1;
	s10 =	sld [smem:$0x3FA8];
	_ =	sdelay $0x3  }
0x37: {  	[smem:$0x3FA8] =	sst s10  }
0x38: {  	s10 =	sld [smem:$0x3FA9]  }
0x39: {  	_ = 	snop;
	(pc) =	sbr.ind lr, $3  }
0x3a: {  	_ = 	snop  }
0x3b: {  	_ = 	snop  }
0x3c: {  	p2 =	seq.s32 s10, $0x1;
	s10 =	sld [smem:$0x3FA8]  }
0x3d: {  	_ =	shalt  }
0x3e: {  	_ =	shalt  }
0x3f: {  	_ =	shalt  }
0x40: {  	_ =	shalt  }
0x41: {  	_ =	shalt  }
0x42: {  	_ =	shalt  }
0x43: {  	_ =	shalt  }
0x44: {  	_ =	shalt  }
0x45: {  	_ =	shalt  }
0x46: {  	_ =	shalt  }
0x47: {  	_ =	shalt  }
0x48: {  	_ =	shalt  }
0x49: {  	_ =	shalt  }
0x4a: {  	_ =	shalt  }
0x4b: {  	_ =	shalt  }
0x4c: {  	_ =	shalt  }
0x4d: {  	_ =	shalt  }
0x4e: {  	_ =	shalt  }
0x4f: {  	_ =	shalt  }
0x50: {  	_ =	shalt  }
0x51: {  	_ =	shalt  }
0x52: {  	_ =	shalt  }
0x53: {  	_ =	shalt  }
0x54: {  	_ =	shalt  }
0x55: {  	_ =	shalt  }
0x56: {  	_ =	shalt  }
0x57: {  	_ =	shalt  }
0x58: {  	_ =	shalt  }
0x59: {  	_ =	shalt  }
0x5a: {  	_ =	shalt  }
0x5b: {  	_ =	shalt  }
0x5c: {  	_ =	shalt  }
0x5d: {  	_ =	shalt  }
0x5e: {  	_ =	shalt  }
0x5f: {  	_ =	shalt  }
0x60: {  	_ =	shalt  }
0x61: {  	_ =	shalt  }
0x62: {  	_ =	shalt  }
0x63: {  	_ =	shalt  }
0x64: {  	_ =	shalt  }
0x65: {  	_ =	shalt  }
0x66: {  	_ =	shalt  }
0x67: {  	_ =	shalt  }
0x68: {  	_ =	shalt  }
0x69: {  	_ =	shalt  }
0x6a: {  	_ =	shalt  }
0x6b: {  	_ =	shalt  }
0x6c: {  	_ =	shalt  }
0x6d: {  	_ =	shalt  }
0x6e: {  	_ =	shalt  }
0x6f: {  	_ =	shalt  }
0x70: {  	_ =	shalt  }
0x71: {  	_ =	shalt  }
0x72: {  	_ =	shalt  }
0x73: {  	_ =	shalt  }
0x74: {  	_ =	shalt  }
0x75: {  	_ =	shalt  }
0x76: {  	_ =	shalt  }
0x77: {  	_ =	shalt  }
0x78: {  	_ =	shalt  }
0x79: {  	_ =	shalt  }
0x7a: {  	_ =	shalt  }
0x7b: {  	_ =	shalt  }
0x7c: {  	_ =	shalt  }
0x7d: {  	_ =	shalt  }
0x7e: {  	_ =	shalt  }
0x7f: {  	_ =	shalt  }
0x80: {  	_ =	shalt  }
0x81: {  	_ =	shalt  }
0x82: {  	_ =	shalt  }
0x83: {  	_ =	shalt  }
0x84: {  	_ =	shalt  }
0x85: {  	_ =	shalt  }
0x86: {  	_ =	shalt  }
0x87: {  	_ =	shalt  }
.Lfunc_end0:
.L_simem_size_0:
called_computation.5_lowered:
.L_overlay_start_0:
0x88: {  	s2 =	sld [smem:$0x3FD9]  }
0x89: {  	s3 =	sld [smem:$0x3FFE];
	_ =	sdelay $0x1  }
0x8a: {  	s1 =	srdreg.scid  }
0x8b: {  	s0 =	sand.u32 $0x1, s1  }
0x8c: {  	s17 =	sshll.u32 s0, $0xA;
	s2 =	sadd.s32 s3, s2  }
0x8d: {  	s2 =	sadd.s32 s2, s17  }
0x8e: {  	[smem:$0x3FB4] =	sst s2  }
0x8f: {  	_ = 	snop  }
0x90: {  	s2 =	sld [smem:$0x3FD0];
	(tm) =	ssettm $0x1  }
0x91: {  	s18 =	sld [smem:$0x3FFB];
	_ =	sdelay $0x3  }
0x92: {  	_ =	strace s18  }
0x93: {  	s3 =	sld [smem:$0x3FFC];
	_ =	sdelay $0x3  }
0x94: {  	_ =	strace s3  }
0x95: {  	s3 =	sld [smem:$0x3FFD];
	_ =	sdelay $0x3  }
0x96: {  	_ =	strace s3  }
0x97: {  	_ =	strace $0x8FFFFFFF  }
0x98: {  	s19 =	sld [smem:$0x3FDB];
	_ =	sdelay $0x1  }
0x99: {  	s4 =	simm.s32 $_scs_section_size  }
0x9a: {  	s5 =	simm.s32 $_size__tile_overlayer_lowered;
	s6 =	simm.s32 $_tile_overlayer_lowered  }
0x9b: {  	s22 =	simm.s32 $0x1BFF;
	s21 =	sshll.u32 s6, $0x1;
	s3 =	sadd.s32 s4, s19  }
0x9c: {  	s7 =	simm.s32 $0x0;
	s20 =	sshll.u32 s5, $0x1;
	s5 =	sadd.s32 s21, s3  }
0x9d: {  	[timem:s7], [sflag:s22] =	dma.local [hbm:s5], s20  }
0x9e: {  	_ =	swait.ge [sflag:s22], s20  }
0x9f: {  	s4 =	ssub.s32 $0x0, s20;
	[sflag:s22] =	ssyncset.done $0x0  }
0xa0: {  	[sflag:s22] =	ssyncadd.s32 s4;
	_ =	sdelay $0x1  }
0xa1: {  	s23 =	simm.s32 $0x1B8B  }
0xa2: {  	_ =	swait.ge [sflag:s23], $0x1  }
0xa3: {  	[sflag:s23] =	ssyncset.done $0x0  }
0xa4: {  	s25 =	simm.s32 $0x1B8E;
	s24 =	sld [smem:$0x3FFE];
	[sflag:s23] =	ssyncadd.s32 $0xFFFFFFFF  }
0xa5: {  	s26 =	simm.s32 $execute0_lowered;
	[smem:$0x3FD2] =	sst s25  }
0xa6: {  	s5 =	sshll.u32 s26, $0x1;
	_ =	strace $0x80000055;
	[dreg:$0x1] =	wrdreg $0xFFFFFFFF  }
0xa7: {  	s28 =	simm.s32 $_size_execute0_lowered;
	s3 =	sadd.s32 s3, s5;
	[dreg:$0x0] =	wrdreg $0x0  }
0xa8: {  	s5 =	sshll.u32 s28, $0x1;
	[dreg:$0x2] =	wrdreg s3  }
0xa9: {  	[dreg:$0x3] =	wrdreg s5  }
0xaa: {  	[dreg:$0x4] =	wrdreg $0xC0  }
0xab: {  	_ =	task [dreg:s7], $0x5FFFF  }
0xac: {  	[dreg:$0x1] =	wrdreg $0xFFFFFFFF  }
0xad: {  	[dreg:$0x0] =	wrdreg $0x60  }
0xae: {  	[dreg:$0x2] =	wrdreg s24  }
0xaf: {  	[dreg:$0x3] =	wrdreg s2  }
0xb0: {  	[dreg:$0x4] =	wrdreg $0x0  }
0xb1: {  	[dreg:$0x5] =	wrdreg $0x9  }
0xb2: {  	_ =	task.clear_ibuf [dreg:s7], $0x6FFFF;
	_ =	strace $0x90000055  }
0xb3: {  	s29 =	simm.s32 $0x9;
	_ =	strace $0x80000057  }
0xb4: {  	_ =	swait.ge [sflag:s29], $0x1  }
0xb5: {  	[sflag:s29] =	ssyncadd.s32 $0xFFFFFFFF  }
0xb6: {  	_ =	strace $0x90000057  }
0xb7: {  	_ =	sfence  }
0xb8: {  	s30 =	sld [smem:$0x0];
	_ =	sdelay $0x2  }
0xb9: {  	s31 =	sshll.u32 s1, $0xD;
	s1 =	sshrl.u32 s1, $0x2  }
0xba: {  	s3 =	sand.u32 $0x4000, s31;
	s1 =	sadd.s32 s1, s30  }
0xbb: {  	s0 =	sor.u32 s3, s0;
	s1 =	sshll.u32 s1, $0x11  }
0xbc: {  	s0 =	sor.u32 s1, s0  }
0xbd: {  	s0 =	sadd.s32 $0x8F2B, s0  }
0xbe: {  	[sflag:s0] =	ssyncadd.remote.s32 $0x1  }
0xbf: {  	_ =	sfence.sel $0xFFFF  }
0xc0: {  	[dreg:$0x0] =	wrdreg $0xFFFFFFFF;
	(pc) =	sbr.abs _section_cstart, $3  }
0xc1: {  	[dreg:$0x1] =	wrdreg $0xFFFFFFFF  }
0xc2: {  	_ =	task.clear_ibuf [dreg:s7], $0x2FFFF;
	_ =	strace $0x9FFFFFFF  }
0xc3: {  	(tm) =	ssettm $0x7FFFFFFF  }
tec
execute0_lowered:
.L_overlay_start_1:
0x0: {  	(tag) =	ssettag $0x1  }
0x1: {  	s0 =	rddreg [dreg:$0x0]  }
0x2: {  	s2 =	rddreg [dreg:$0x1];
	s1 =	srdreg.scid  }
0x3: {  	s3 =	rddreg [dreg:$0x2];
	s29 =	stileid.u32;
	s4 =	simm.s32 $0x0  }
0x4: {  	s15 =	simm.s32 $0x15000;
	s16 =	simm.s32 $0x3;
	s17 =	simm.s32 $0x14000  }
0x5: {  	s18 =	simm.s32 $0x14800;
	s19 =	simm.s32 $0x80;
	s20 =	simm.s32 $0x19000  }
0x6: {  	s21 =	simm.s32 $0x1;
	s22 =	simm.s32 $0x1D000;
	s23 =	simm.s32 $0x2  }
0x7: {  	s24 =	simm.s32 $0x1D080;
	s25 =	simm.s32 $0x14780;
	s6 =	smul.u32 $0x14000, s29  }
0x8: {  	s7 =	sand.u32 $0x1, s1;
	[smem:$0x7FF] =	sst s4;
	s9 =	smul.u32 $0x50000, s29  }
0x9: {  	s5 =	smul.u32 $0x140000, s7;
	_ =	strace $0x80000056;
	s30 =	ssub.s32 $0x2, s7  }
0xa: {  	s7 =	sshll.u32 s7, $0x4;
	s10 =	sshrl.u32 s30, $0x1;
	s9 =	sshrl.u32 s9, $0x2  }
0xb: {  	s31 =	sor.u32 s29, s7;
	s6 =	sadd.s32 s6, s5;
	s5 =	sadd.s32 $0x7C00, s0  }
0xc: {  	s10 =	ssub.s32 s30, s10;
	s7 =	sadd.s32 s9, s3;
	s8 =	sshrl.u32 s6, $0x3  }
0xd: {  	s6 =	sadd.s32 $0x57C00, s0;
	s10 =	smax.u32 s10, $0x1;
	s11 =	sadd.s32 $0x4000, s7  }
0xe: {  	s12 =	sadd.s32 $0x8000, s7;
	s13 =	sadd.s32 $0xC000, s7;
	s0 =	sadd.s32 s8, s0  }
0xf: {  	v0 =	vimm.f32 $0.0e+00;
	s14 =	sadd.s32 $0x10000, s7;
	s8 =	smul.u32 $0x2800, s31;
	s9 =	sadd.s32 $0x88E00, s0  }
.LBB2_1:
0x10: {  	s26 =	simm.s32 $0x0;
	s28 =	simm.s32 $0x200  }
.LBB2_2:
0x11: {  	p0 =	sne.s32 s28, $0xFE00;
	[tilespmem:s26+$0x15070] =	vst v0  }
0x12: {  	[tilespmem:s26+$0x15000] =	vst v0  }
0x13: {  	[tilespmem:s26+$0x15010] =	vst v0  }
.Ltmp0:
0x14: {  	[tilespmem:s26+$0x15020] =	vst v0;
	(pc) =	sbr.rel @p0 .LBB2_2-.Ltmp0, $4  }
0x15: {  	[tilespmem:s26+$0x15030] =	vst v0  }
0x16: {  	[tilespmem:s26+$0x15040] =	vst v0  }
0x17: {  	[tilespmem:s26+$0x15050] =	vst v0  }
0x18: {  	[tilespmem:s26+$0x15060] =	vst v0;
	s26 =	sshra.s32 s28, $0x2;
	s28 =	sadd.s32 $0x200, s28  }
0x19: {  	[tilespmem:s26+$0x15070] =	vst v0  }
0x1a: {  	[tilespmem:s26+$0x15000] =	vst v0  }
0x1b: {  	[tilespmem:s26+$0x15010] =	vst v0  }
0x1c: {  	[tilespmem:s26+$0x15020] =	vst v0  }
0x1d: {  	[tilespmem:s26+$0x15030] =	vst v0  }
0x1e: {  	[tilespmem:s26+$0x15040] =	vst v0  }
0x1f: {  	[tilespmem:s26+$0x15050] =	vst v0  }
0x20: {  	[tilespmem:s26+$0x15060] =	vst v0  }
0x21: {  	[spmem:s7] =	stream.linear.scatter [tilespmem:s15], [sflag:$0x3], $0x4000, $0x38;
	[tilespmem:$0x1D100] =	vst v63  }
0x22: {  	_ =	swait.ge [sflag:s16], $0x4000  }
0x23: {  	[sflag:s16] =	ssyncset.done $0x0  }
0x24: {  	[sflag:s16] =	ssyncadd.s32 $0xFFFFC000  }
0x25: {  	[spmem:s11] =	stream.linear.scatter [tilespmem:s15], [sflag:$0x3], $0x4000, $0x38;
	[tilespmem:$0x1D100] =	vst v63  }
0x26: {  	_ =	swait.ge [sflag:s16], $0x4000  }
0x27: {  	[sflag:s16] =	ssyncset.done $0x0  }
0x28: {  	[sflag:s16] =	ssyncadd.s32 $0xFFFFC000  }
0x29: {  	[spmem:s12] =	stream.linear.scatter [tilespmem:s15], [sflag:$0x3], $0x4000, $0x38;
	[tilespmem:$0x1D100] =	vst v63  }
0x2a: {  	_ =	swait.ge [sflag:s16], $0x4000  }
0x2b: {  	[sflag:s16] =	ssyncset.done $0x0  }
0x2c: {  	[sflag:s16] =	ssyncadd.s32 $0xFFFFC000  }
0x2d: {  	[spmem:s13] =	stream.linear.scatter [tilespmem:s15], [sflag:$0x3], $0x4000, $0x38;
	[tilespmem:$0x1D100] =	vst v63  }
0x2e: {  	_ =	swait.ge [sflag:s16], $0x4000  }
0x2f: {  	[sflag:s16] =	ssyncset.done $0x0  }
0x30: {  	[sflag:s16] =	ssyncadd.s32 $0xFFFFC000  }
0x31: {  	[spmem:s14] =	stream.linear.scatter [tilespmem:s15], [sflag:$0x3], $0x4000, $0x38;
	[tilespmem:$0x1D100] =	vst v63  }
0x32: {  	_ =	swait.ge [sflag:s16], $0x4000  }
0x33: {  	[sflag:s16] =	ssyncset.done $0x0  }
0x34: {  	[sflag:s16] =	ssyncadd.s32 $0xFFFFC000  }
0x35: {  	s26 =	simm.s32 $0x0;
	s28 =	simm.s32 $0x0;
	[bflag:$0x0] =	sbarrier.arrive $0xFFFF  }
.LBB2_4:
0x36: {  	s0 =	sshll.u32 s28, $0xB  }
0x37: {  	s0 =	sadd.s32 s8, s0  }
0x38: {  	s0 =	sshrl.u32 s0, $0x3  }
0x39: {  	s29 =	sadd.s32 s6, s0  }
0x3a: {  	[tilespmem:s17], [sflag:$0x3] =	stream.linear.gather [hbm4b:s29+s26], $0x800, $0x38;
	[tilespmem:$0x1D100] =	vst v63  }
0x3b: {  	_ =	swait.ge [sflag:s16], $0x800  }
0x3c: {  	[sflag:s16] =	ssyncset.done $0x0  }
0x3d: {  	s0 =	sadd.s32 s2, s0;
	[sflag:s16] =	ssyncadd.s32 $0xFFFFF800  }
0x3e: {  	[tilespmem:s18], [sflag:$0x3] =	stream.linear.gather [hbm4b:s0+s26], $0x800, $0x38;
	[tilespmem:$0x1D100] =	vst v63  }
0x3f: {  	_ =	swait.ge [sflag:s16], $0x800  }
0x40: {  	[sflag:s16] =	ssyncset.done $0x0  }
0x41: {  	[sflag:s16] =	ssyncadd.s32 $0xFFFFF800  }
0x42: {  	[tilespmem:s15], [sflag:$0x1] =	stream.indirect.gather [hbm4b:s5+s19], $0x80, s17, s19, $0xb8;
	[tilespmem:$0x1D100] =	vst v63  }
0x43: {  	v1 =	vld [tilespmem:$0x14800]  }
0x44: {  	v2 =	vld [tilespmem:$0x14810]  }
0x45: {  	v3 =	vld [tilespmem:$0x14820]  }
0x46: {  	v4 =	vld [tilespmem:$0x14830]  }
0x47: {  	v5 =	vld [tilespmem:$0x14840]  }
0x48: {  	[tilespmem:$0x1D000] =	vst v1;
	v1 =	vld [tilespmem:$0x14850]  }
0x49: {  	[tilespmem:$0x1D010] =	vst v2;
	v2 =	vld [tilespmem:$0x14860]  }
0x4a: {  	[tilespmem:$0x1D020] =	vst v3;
	v3 =	vld [tilespmem:$0x14870]  }
0x4b: {  	[tilespmem:$0x1D030] =	vst v4  }
0x4c: {  	[tilespmem:$0x1D040] =	vst v5  }
0x4d: {  	[tilespmem:$0x1D050] =	vst v1  }
0x4e: {  	[tilespmem:$0x1D060] =	vst v2  }
0x4f: {  	s31 =	simm.s32 $0x0;
	s29 =	simm.s32 $0x14080;
	[tilespmem:$0x1D070] =	vst v3  }
0x50: {  	[tilespmem:s20], [sflag:$0x2] =	stream.indirect.gather [hbm4b:s5+s19], $0x80, s29, s19, $0xb8;
	[tilespmem:$0x1D100] =	vst v63  }
0x51: {  	v1 =	vld [tilespmem:s31+$0x14880];
	_ =	sdelay $0x4  }
0x52: {  	[tilespmem:$0x1D080] =	vst v1  }
0x53: {  	v1 =	vld [tilespmem:s31+$0x14890];
	_ =	sdelay $0x4  }
0x54: {  	[tilespmem:$0x1D090] =	vst v1  }
0x55: {  	v1 =	vld [tilespmem:s31+$0x148A0];
	_ =	sdelay $0x4  }
0x56: {  	[tilespmem:$0x1D0A0] =	vst v1  }
0x57: {  	v1 =	vld [tilespmem:s31+$0x148B0];
	_ =	sdelay $0x4  }
0x58: {  	[tilespmem:$0x1D0B0] =	vst v1  }
0x59: {  	v1 =	vld [tilespmem:s31+$0x148C0];
	_ =	sdelay $0x4  }
0x5a: {  	[tilespmem:$0x1D0C0] =	vst v1  }
0x5b: {  	v1 =	vld [tilespmem:s31+$0x148D0];
	_ =	sdelay $0x4  }
0x5c: {  	[tilespmem:$0x1D0D0] =	vst v1  }
0x5d: {  	v1 =	vld [tilespmem:s31+$0x148E0];
	_ =	sdelay $0x4  }
0x5e: {  	[tilespmem:$0x1D0E0] =	vst v1  }
0x5f: {  	v1 =	vld [tilespmem:s31+$0x148F0];
	_ =	sdelay $0x4  }
0x60: {  	[tilespmem:$0x1D0F0] =	vst v1  }
0x61: {  	_ =	swait.ge [sflag:s21], $0x4000  }
0x62: {  	[sflag:s21] =	ssyncset.done $0x0  }
0x63: {  	[sflag:s21] =	ssyncadd.s32 $0xFFFFC000  }
0x64: {  	[spmem:s3] =	stream.indirect.scatter.add.f32 [tilespmem:s15], [sflag:$0x3], $0x80, s22, s19, $0xb8;
	[tilespmem:$0x1D100] =	vst v63  }
0x65: {  	_ =	swait.ge [sflag:s16], $0x4000  }
0x66: {  	[sflag:s16] =	ssyncset.done $0x0  }
0x67: {  	s29 =	simm.s32 $0x14100;
	[sflag:s16] =	ssyncadd.s32 $0xFFFFC000  }
0x68: {  	[tilespmem:s15], [sflag:$0x1] =	stream.indirect.gather [hbm4b:s5+s19], $0x80, s29, s19, $0xb8;
	[tilespmem:$0x1D100] =	vst v63  }
0x69: {  	v1 =	vld [tilespmem:s31+$0x14900];
	_ =	sdelay $0x4  }
0x6a: {  	[tilespmem:$0x1D000] =	vst v1  }
0x6b: {  	v1 =	vld [tilespmem:s31+$0x14910];
	_ =	sdelay $0x4  }
0x6c: {  	[tilespmem:$0x1D010] =	vst v1  }
0x6d: {  	v1 =	vld [tilespmem:s31+$0x14920];
	_ =	sdelay $0x4  }
0x6e: {  	[tilespmem:$0x1D020] =	vst v1  }
0x6f: {  	v1 =	vld [tilespmem:s31+$0x14930];
	_ =	sdelay $0x4  }
0x70: {  	[tilespmem:$0x1D030] =	vst v1  }
0x71: {  	v1 =	vld [tilespmem:s31+$0x14940];
	_ =	sdelay $0x4  }
0x72: {  	[tilespmem:$0x1D040] =	vst v1  }
0x73: {  	v1 =	vld [tilespmem:s31+$0x14950];
	_ =	sdelay $0x4  }
0x74: {  	[tilespmem:$0x1D050] =	vst v1  }
0x75: {  	v1 =	vld [tilespmem:s31+$0x14960];
	_ =	sdelay $0x4  }
0x76: {  	[tilespmem:$0x1D060] =	vst v1  }
0x77: {  	v1 =	vld [tilespmem:s31+$0x14970];
	_ =	sdelay $0x4  }
0x78: {  	[tilespmem:$0x1D070] =	vst v1  }
0x79: {  	_ =	swait.ge [sflag:s23], $0x4000  }
0x7a: {  	[sflag:s23] =	ssyncset.done $0x0  }
0x7b: {  	[sflag:s23] =	ssyncadd.s32 $0xFFFFC000  }
0x7c: {  	[spmem:s3] =	stream.indirect.scatter.add.f32 [tilespmem:s20], [sflag:$0x3], $0x80, s24, s19, $0xb8;
	[tilespmem:$0x1D100] =	vst v63  }
0x7d: {  	_ =	swait.ge [sflag:s16], $0x4000  }
0x7e: {  	s30 =	simm.s32 $0x800;
	s29 =	simm.s32 $0x100;
	[sflag:s16] =	ssyncset.done $0x0  }
.LBB2_5:
0x7f: {  	s1 =	sadd.s32 $0x14080, s29  }
0x80: {  	[sflag:s16] =	ssyncadd.s32 $0xFFFFC000;
	s31 =	smov.u32 s30;
	s0 =	sadd.s32 $0x400, s30  }
0x81: {  	[tilespmem:s20], [sflag:$0x2] =	stream.indirect.gather [hbm4b:s5+s19], $0x80, s1, s19, $0xb8;
	[tilespmem:$0x1D100] =	vst v63  }
0x82: {  	p0 =	sne.s32 s30, $0x1800;
	v1 =	vld [tilespmem:s29+$0x14880];
	_ =	sdelay $0x4  }
0x83: {  	[tilespmem:$0x1D080] =	vst v1  }
0x84: {  	v1 =	vld [tilespmem:s29+$0x14890];
	_ =	sdelay $0x4  }
0x85: {  	[tilespmem:$0x1D090] =	vst v1  }
0x86: {  	v1 =	vld [tilespmem:s29+$0x148A0];
	_ =	sdelay $0x4  }
0x87: {  	[tilespmem:$0x1D0A0] =	vst v1  }
0x88: {  	v1 =	vld [tilespmem:s29+$0x148B0];
	_ =	sdelay $0x4  }
0x89: {  	[tilespmem:$0x1D0B0] =	vst v1  }
0x8a: {  	v1 =	vld [tilespmem:s29+$0x148C0];
	_ =	sdelay $0x4  }
0x8b: {  	[tilespmem:$0x1D0C0] =	vst v1  }
0x8c: {  	v1 =	vld [tilespmem:s29+$0x148D0];
	_ =	sdelay $0x4  }
0x8d: {  	[tilespmem:$0x1D0D0] =	vst v1  }
0x8e: {  	v1 =	vld [tilespmem:s29+$0x148E0];
	_ =	sdelay $0x4  }
0x8f: {  	[tilespmem:$0x1D0E0] =	vst v1  }
0x90: {  	v1 =	vld [tilespmem:s29+$0x148F0];
	_ =	sdelay $0x4  }
0x91: {  	[tilespmem:$0x1D0F0] =	vst v1  }
0x92: {  	_ =	swait.ge [sflag:s21], $0x4000  }
0x93: {  	[sflag:s21] =	ssyncset.done $0x0  }
0x94: {  	[sflag:s21] =	ssyncadd.s32 $0xFFFFC000  }
0x95: {  	[spmem:s3] =	stream.indirect.scatter.add.f32 [tilespmem:s15], [sflag:$0x3], $0x80, s22, s19, $0xb8;
	[tilespmem:$0x1D100] =	vst v63  }
0x96: {  	_ =	swait.ge [sflag:s16], $0x4000  }
0x97: {  	[sflag:s16] =	ssyncset.done $0x0  }
0x98: {  	s1 =	sadd.s32 $0x14100, s29;
	[sflag:s16] =	ssyncadd.s32 $0xFFFFC000  }
0x99: {  	[tilespmem:s15], [sflag:$0x1] =	stream.indirect.gather [hbm4b:s5+s19], $0x80, s1, s19, $0xb8;
	[tilespmem:$0x1D100] =	vst v63  }
0x9a: {  	v1 =	vld [tilespmem:s29+$0x14900];
	_ =	sdelay $0x4  }
0x9b: {  	[tilespmem:$0x1D000] =	vst v1  }
0x9c: {  	v1 =	vld [tilespmem:s29+$0x14910];
	_ =	sdelay $0x4  }
0x9d: {  	[tilespmem:$0x1D010] =	vst v1  }
0x9e: {  	v1 =	vld [tilespmem:s29+$0x14920];
	_ =	sdelay $0x4  }
0x9f: {  	[tilespmem:$0x1D020] =	vst v1  }
0xa0: {  	v1 =	vld [tilespmem:s29+$0x14930];
	_ =	sdelay $0x4  }
0xa1: {  	[tilespmem:$0x1D030] =	vst v1  }
0xa2: {  	v1 =	vld [tilespmem:s29+$0x14940];
	_ =	sdelay $0x4  }
0xa3: {  	[tilespmem:$0x1D040] =	vst v1  }
0xa4: {  	v1 =	vld [tilespmem:s29+$0x14950];
	_ =	sdelay $0x4  }
0xa5: {  	[tilespmem:$0x1D050] =	vst v1  }
0xa6: {  	v1 =	vld [tilespmem:s29+$0x14960];
	_ =	sdelay $0x4  }
0xa7: {  	[tilespmem:$0x1D060] =	vst v1  }
0xa8: {  	v1 =	vld [tilespmem:s29+$0x14970];
	_ =	sdelay $0x4  }
0xa9: {  	[tilespmem:$0x1D070] =	vst v1  }
0xaa: {  	_ =	swait.ge [sflag:s23], $0x4000  }
.Ltmp1:
0xab: {  	[sflag:s23] =	ssyncset.done $0x0;
	(pc) =	sbr.rel @p0 .LBB2_5-.Ltmp1, $4  }
0xac: {  	[sflag:s23] =	ssyncadd.s32 $0xFFFFC000  }
0xad: {  	[spmem:s3] =	stream.indirect.scatter.add.f32 [tilespmem:s20], [sflag:$0x3], $0x80, s24, s19, $0xb8;
	[tilespmem:$0x1D100] =	vst v63  }
0xae: {  	_ =	swait.ge [sflag:s16], $0x4000  }
0xaf: {  	s30 =	smov.u32 s0;
	s29 =	sshra.s32 s31, $0x2;
	[sflag:s16] =	ssyncset.done $0x0  }
0xb0: {  	s0 =	sadd.s32 $0x14080, s29;
	[sflag:s16] =	ssyncadd.s32 $0xFFFFC000  }
0xb1: {  	[tilespmem:s20], [sflag:$0x2] =	stream.indirect.gather [hbm4b:s5+s19], $0x80, s0, s19, $0xb8;
	[tilespmem:$0x1D100] =	vst v63  }
0xb2: {  	v1 =	vld [tilespmem:s29+$0x14880];
	_ =	sdelay $0x4  }
0xb3: {  	[tilespmem:$0x1D080] =	vst v1  }
0xb4: {  	v1 =	vld [tilespmem:s29+$0x14890];
	_ =	sdelay $0x4  }
0xb5: {  	[tilespmem:$0x1D090] =	vst v1  }
0xb6: {  	v1 =	vld [tilespmem:s29+$0x148A0];
	_ =	sdelay $0x4  }
0xb7: {  	[tilespmem:$0x1D0A0] =	vst v1  }
0xb8: {  	v1 =	vld [tilespmem:s29+$0x148B0];
	_ =	sdelay $0x4  }
0xb9: {  	[tilespmem:$0x1D0B0] =	vst v1  }
0xba: {  	v1 =	vld [tilespmem:s29+$0x148C0];
	_ =	sdelay $0x4  }
0xbb: {  	[tilespmem:$0x1D0C0] =	vst v1  }
0xbc: {  	v1 =	vld [tilespmem:s29+$0x148D0];
	_ =	sdelay $0x4  }
0xbd: {  	[tilespmem:$0x1D0D0] =	vst v1  }
0xbe: {  	v1 =	vld [tilespmem:s29+$0x148E0];
	_ =	sdelay $0x4  }
0xbf: {  	[tilespmem:$0x1D0E0] =	vst v1  }
0xc0: {  	v1 =	vld [tilespmem:s29+$0x148F0];
	_ =	sdelay $0x4  }
0xc1: {  	[tilespmem:$0x1D0F0] =	vst v1  }
0xc2: {  	_ =	swait.ge [sflag:s21], $0x4000  }
0xc3: {  	[sflag:s21] =	ssyncset.done $0x0  }
0xc4: {  	[sflag:s21] =	ssyncadd.s32 $0xFFFFC000  }
0xc5: {  	[spmem:s3] =	stream.indirect.scatter.add.f32 [tilespmem:s15], [sflag:$0x3], $0x80, s22, s19, $0xb8;
	[tilespmem:$0x1D100] =	vst v63  }
0xc6: {  	_ =	swait.ge [sflag:s16], $0x4000  }
0xc7: {  	[sflag:s16] =	ssyncset.done $0x0  }
0xc8: {  	s31 =	sadd.s32 $0x14100, s29;
	[sflag:s16] =	ssyncadd.s32 $0xFFFFC000  }
0xc9: {  	[tilespmem:s15], [sflag:$0x1] =	stream.indirect.gather [hbm4b:s5+s19], $0x80, s31, s19, $0xb8;
	[tilespmem:$0x1D100] =	vst v63  }
0xca: {  	v1 =	vld [tilespmem:s29+$0x14900];
	_ =	sdelay $0x4  }
0xcb: {  	[tilespmem:$0x1D000] =	vst v1  }
0xcc: {  	v1 =	vld [tilespmem:s29+$0x14910];
	_ =	sdelay $0x4  }
0xcd: {  	[tilespmem:$0x1D010] =	vst v1  }
0xce: {  	v1 =	vld [tilespmem:s29+$0x14920];
	_ =	sdelay $0x4  }
0xcf: {  	[tilespmem:$0x1D020] =	vst v1  }
0xd0: {  	v1 =	vld [tilespmem:s29+$0x14930];
	_ =	sdelay $0x4  }
0xd1: {  	[tilespmem:$0x1D030] =	vst v1  }
0xd2: {  	v1 =	vld [tilespmem:s29+$0x14940];
	_ =	sdelay $0x4  }
0xd3: {  	[tilespmem:$0x1D040] =	vst v1  }
0xd4: {  	v1 =	vld [tilespmem:s29+$0x14950];
	_ =	sdelay $0x4  }
0xd5: {  	[tilespmem:$0x1D050] =	vst v1  }
0xd6: {  	v1 =	vld [tilespmem:s29+$0x14960];
	_ =	sdelay $0x4  }
0xd7: {  	[tilespmem:$0x1D060] =	vst v1  }
0xd8: {  	v1 =	vld [tilespmem:s29+$0x14970];
	_ =	sdelay $0x4  }
0xd9: {  	[tilespmem:$0x1D070] =	vst v1  }
0xda: {  	_ =	swait.ge [sflag:s23], $0x4000  }
0xdb: {  	[sflag:s23] =	ssyncset.done $0x0  }
0xdc: {  	[sflag:s23] =	ssyncadd.s32 $0xFFFFC000  }
0xdd: {  	[spmem:s3] =	stream.indirect.scatter.add.f32 [tilespmem:s20], [sflag:$0x3], $0x80, s24, s19, $0xb8;
	[tilespmem:$0x1D100] =	vst v63  }
0xde: {  	_ =	swait.ge [sflag:s16], $0x4000  }
0xdf: {  	[sflag:s16] =	ssyncset.done $0x0  }
0xe0: {  	[sflag:s16] =	ssyncadd.s32 $0xFFFFC000  }
0xe1: {  	[tilespmem:s20], [sflag:$0x2] =	stream.indirect.gather [hbm4b:s5+s19], $0x80, s25, s19, $0xb8;
	[tilespmem:$0x1D100] =	vst v63  }
0xe2: {  	v1 =	vld [tilespmem:$0x14F80]  }
0xe3: {  	v2 =	vld [tilespmem:$0x14F90]  }
0xe4: {  	v3 =	vld [tilespmem:$0x14FA0]  }
0xe5: {  	v4 =	vld [tilespmem:$0x14FB0]  }
0xe6: {  	v5 =	vld [tilespmem:$0x14FC0]  }
0xe7: {  	[tilespmem:$0x1D080] =	vst v1;
	v1 =	vld [tilespmem:$0x14FD0]  }
0xe8: {  	[tilespmem:$0x1D090] =	vst v2;
	v2 =	vld [tilespmem:$0x14FE0]  }
0xe9: {  	[tilespmem:$0x1D0A0] =	vst v3;
	v3 =	vld [tilespmem:$0x14FF0]  }
0xea: {  	[tilespmem:$0x1D0B0] =	vst v4  }
0xeb: {  	[tilespmem:$0x1D0C0] =	vst v5  }
0xec: {  	[tilespmem:$0x1D0D0] =	vst v1  }
0xed: {  	[tilespmem:$0x1D0E0] =	vst v2  }
0xee: {  	[tilespmem:$0x1D0F0] =	vst v3  }
0xef: {  	_ =	swait.ge [sflag:s21], $0x4000  }
0xf0: {  	[sflag:s21] =	ssyncset.done $0x0  }
0xf1: {  	[sflag:s21] =	ssyncadd.s32 $0xFFFFC000  }
0xf2: {  	[spmem:s3] =	stream.indirect.scatter.add.f32 [tilespmem:s15], [sflag:$0x3], $0x80, s22, s19, $0xb8;
	[tilespmem:$0x1D100] =	vst v63  }
0xf3: {  	_ =	swait.ge [sflag:s16], $0x4000  }
0xf4: {  	[sflag:s16] =	ssyncset.done $0x0  }
0xf5: {  	[sflag:s16] =	ssyncadd.s32 $0xFFFFC000  }
0xf6: {  	s28 =	sadd.s32 $0x1, s28;
	_ =	swait.ge [sflag:s23], $0x4000  }
0xf7: {  	p0 =	sne.s32 s28, $0x5;
	[sflag:s23] =	ssyncset.done $0x0  }
.Ltmp2:
0xf8: {  	[sflag:s23] =	ssyncadd.s32 $0xFFFFC000;
	(pc) =	sbr.rel @p0 .LBB2_4-.Ltmp2, $4  }
0xf9: {  	[spmem:s3] =	stream.indirect.scatter.add.f32 [tilespmem:s20], [sflag:$0x3], $0x80, s24, s19, $0xb8;
	[tilespmem:$0x1D100] =	vst v63  }
0xfa: {  	_ =	swait.ge [sflag:s16], $0x4000  }
0xfb: {  	[sflag:s16] =	ssyncset.done $0x0  }
0xfc: {  	[sflag:s16] =	ssyncadd.s32 $0xFFFFC000  }
0xfd: {  	s0 =	stileid.u32;
	s4 =	sadd.s32 $0x1, s4  }
0xfe: {  	[bflag:$0x0] =	sbarrier.arrive $0xFFFF;
	s0 =	sshll.u32 s0, $0x6;
	p0 =	sne.s32 s4, s10  }
.Ltmp3:
0xff: {  	s1 =	sshrl.u32 s7, $0x3;
	s0 =	sor.u32 $0x1C03, s0;
	(pc) =	sbr.rel @p0 .LBB2_1-.Ltmp3, $4  }
0x100: {  	[hbm:s9], [sflag:s0] =	dma.local [spmem:s1], $0x2800  }
0x101: {  	_ =	swait.ge [sflag:s16], $0x2800  }
0x102: {  	[sflag:s16] =	ssyncset.done $0x0  }
0x103: {  	[sflag:s16] =	ssyncadd.s32 $0xFFFFD800  }
0x104: {  	_ =	sfence.sel $0x180000  }
0x105: {  	[bflag:$0x0] =	sbarrier.arrive $0xFFFF  }
0x106: {  	_ =	strace $0x90000056  }
0x107: {  	s0 =	stileid.u32;
	[bflag:$0x2] =	sbarrier.arrive $0xFFFF  }
0x108: {  	p0 =	sne.s32 s0, $0x0;
	s0 =	rddreg [dreg:$0x3]  }
0x109: {  	s0 =	sadd.s32 @!p0 $0x100000, s0  }
0x10a: {  	[sflag:s0] =	ssyncadd.tile.s32 @!p0 $0x1;
	_ =	shalt  }
.Lfunc_end2:
_tile_overlayer_lowered:
.L_overlay_start_2:
0x10b: {  	(tag) =	ssettag $0x2  }
0x10c: {  	s0 =	rddreg [dreg:$0x0];
	s2 =	stileid.u32  }
0x10d: {  	s1 =	rddreg [dreg:$0x1];
	p0 =	sne.s32 s2, $0x0  }
0x10e: {  	s3 =	rddreg [dreg:$0x2];
	[bflag:$0x3] =	sbarrier.arrive $0xFFFF;
	s2 =	simm.s32 @!p0 $0x1C03  }
0x10f: {  	[timem:s3], [sflag:s2] =	dma.local @!p0 [hbm:s0], s1  }
0x110: {  	s0 =	simm.s32 @!p0 $0x3  }
0x111: {  	_ =	swait.ge @!p0 [sflag:s0], s1  }
0x112: {  	s1 =	ssub.s32 @!p0 $0x0, s1;
	[sflag:s0] =	ssyncset.done @!p0 $0x0  }
0x113: {  	[sflag:s0] =	ssyncadd.s32 @!p0 s1  }
0x114: {  	[bflag:$0x3] =	sbarrier.arrive $0xFFFF  }
0x115: {  	_ =	shalt  }

// kernel: kernel.34.cloned.1.call-start
scs
__scs_entry_jumppad:
0x0: {  	(pc) =	sbr.rel $0x88, $3  }
0x1: {  	(tag) =	ssettag $0x0;
	lr =	simm.s32 $0x1  }
0x2: {  	[smem:$0x3F8D] =	sst lr;
	_ =	strace $0xD0000000  }
0x3: {  	_ = 	snop  }
0x4: {  	_ = 	snop  }
0x5: {  	_ = 	snop  }
0x6: {  	_ = 	snop  }
0x7: {  	_ = 	snop  }
__scs_overlays_trampoline_lowered:
0x8: {  	[smem:$0x3F9C] =	sst s0  }
0x9: {  	[smem:$0x3F9D] =	sst s1  }
0xa: {  	[smem:$0x3F9E] =	sst s2  }
0xb: {  	[smem:$0x3F9F] =	sst s3  }
0xc: {  	[smem:$0x3FA0] =	sst s4  }
0xd: {  	[smem:$0x3FA1] =	sst s5  }
0xe: {  	[smem:$0x3FA2] =	sst s6  }
0xf: {  	[smem:$0x3FA3] =	sst s7  }
0x10: {  	[smem:$0x3FA4] =	sst s8  }
0x11: {  	[smem:$0x3FA5] =	sst s9;
	s0 =	simm.s32 @!p0 $0x0  }
0x12: {  	s1 =	sld [smem:$0x3F8B];
	s0 =	simm.s32 @p0 $0x1  }
0x13: {  	[smem:$0x3FA6] =	sst s0;
	s0 =	simm.s32 @!p1 $0x0  }
0x14: {  	s2 =	sld [smem:$0x3F8A];
	s0 =	simm.s32 @p1 $0x1  }
0x15: {  	[smem:$0x3FA7] =	sst s0;
	s0 =	simm.s32 @!p2 $0x0  }
0x16: {  	s3 =	sld [smem:$0x3FDB];
	s0 =	simm.s32 @p2 $0x1  }
0x17: {  	s4 =	simm.s32 $0x1BF5;
	[smem:$0x3FA9] =	sst s0  }
0x18: {  	s0 =	sld [smem:$0x3F8C];
	_ =	swait.ge [sflag:s4], $0x0  }
0x19: {  	s7 =	sld [smem:$0x3F8D]  }
0x1a: {  	s8 =	sadd.s32 $0xFFFFE003, lr  }
0x1b: {  	s9 =	sadd.s32 $0xFFFFFEF7, lr;
	s5 =	simm.s32 $0xFFFFFFFF;
	p2 =	slt.u32 s8, $0xFFFFF086  }
0x1c: {  	p1 =	slt.u32 s9, $0xF7A;
	s5 =	simm.s32 @!p2 $0x0  }
0x1d: {  	s5 =	simm.s32 @p1 $0x1;
	p0 =	seq.s32 s7, s2  }
0x1e: {  	s7 =	smul.u32 @!p0 $0xF7A, s2;
	p2 =	seq.s32 @!p0 s5, $0x0  }
0x1f: {  	s9 =	smul.u32 $0xF7A, s1;
	s8 =	simm.s32 @!p0 $0x1BF5;
	p2 =	por !p2, p0  }
0x20: {  	[sflag:s8] =	ssyncset.s32 @!p0 $0xFFFFF086;
	s6 =	sadd.s32 @!p0 s3, s7;
	s7 =	simm.s32 @!p0 $0x108  }
0x21: {  	s3 =	sadd.s32 s3, s9;
	s6 =	sadd.s32 @!p0 $0x88, s6;
	s7 =	simm.s32 @p2 $0x1082  }
0x22: {  	[simem:s7], [sflag:s8] =	dma.local @!p0 [hbm:s6], $0xF7A  }
0x23: {  	s9 =	sor.u32 $0xD0000000, s2;
	s6 =	simm.s32 $0x108;
	_ =	swait.ge @!p0 [sflag:s8], $0x0  }
0x24: {  	s3 =	sadd.s32 $0x88, s3;
	s6 =	simm.s32 @!p1 $0x1082;
	[sflag:s4] =	ssyncset.s32 $0xFFFFF086  }
0x25: {  	[simem:s6], [sflag:s4] =	dma.local [hbm:s3], $0xF7A  }
0x26: {  	[smem:$0x3F8D] =	sst s1;
	(tag) =	ssettag s2;
	_ =	strace s9  }
0x27: {  	s1 =	sld [smem:$0x3F9D]  }
0x28: {  	s2 =	sld [smem:$0x3F9E]  }
0x29: {  	s4 =	sld [smem:$0x3FA0]  }
0x2a: {  	p0 =	seq.s32 s5, $0x0;
	s5 =	sld [smem:$0x3FA1]  }
0x2b: {  	s6 =	sld [smem:$0x3FA2]  }
0x2c: {  	s7 =	sld [smem:$0x3FA3]  }
0x2d: {  	s3 =	simm.s32 $0x108;
	s8 =	sld [smem:$0x3FA4]  }
0x2e: {  	s3 =	simm.s32 @!p0 $0x1082;
	s9 =	sld [smem:$0x3FA5]  }
0x2f: {  	lr =	sadd.s32 s0, s3;
	s0 =	sld [smem:$0x3F9C]  }
0x30: {  	s3 =	sld [smem:$0x3F9F]  }
0x31: {  	[smem:$0x3FA8] =	sst s10  }
0x32: {  	s10 =	sld [smem:$0x3FA6];
	_ =	sdelay $0x3  }
0x33: {  	p0 =	seq.s32 s10, $0x1;
	s10 =	sld [smem:$0x3FA8];
	_ =	sdelay $0x3  }
0x34: {  	[smem:$0x3FA8] =	sst s10  }
0x35: {  	s10 =	sld [smem:$0x3FA7];
	_ =	sdelay $0x3  }
0x36: {  	p1 =	seq.s32 s10, $0x1;
	s10 =	sld [smem:$0x3FA8];
	_ =	sdelay $0x3  }
0x37: {  	[smem:$0x3FA8] =	sst s10  }
0x38: {  	s10 =	sld [smem:$0x3FA9]  }
0x39: {  	_ = 	snop;
	(pc) =	sbr.ind lr, $3  }
0x3a: {  	_ = 	snop  }
0x3b: {  	_ = 	snop  }
0x3c: {  	p2 =	seq.s32 s10, $0x1;
	s10 =	sld [smem:$0x3FA8]  }
0x3d: {  	_ =	shalt  }
0x3e: {  	_ =	shalt  }
0x3f: {  	_ =	shalt  }
0x40: {  	_ =	shalt  }
0x41: {  	_ =	shalt  }
0x42: {  	_ =	shalt  }
0x43: {  	_ =	shalt  }
0x44: {  	_ =	shalt  }
0x45: {  	_ =	shalt  }
0x46: {  	_ =	shalt  }
0x47: {  	_ =	shalt  }
0x48: {  	_ =	shalt  }
0x49: {  	_ =	shalt  }
0x4a: {  	_ =	shalt  }
0x4b: {  	_ =	shalt  }
0x4c: {  	_ =	shalt  }
0x4d: {  	_ =	shalt  }
0x4e: {  	_ =	shalt  }
0x4f: {  	_ =	shalt  }
0x50: {  	_ =	shalt  }
0x51: {  	_ =	shalt  }
0x52: {  	_ =	shalt  }
0x53: {  	_ =	shalt  }
0x54: {  	_ =	shalt  }
0x55: {  	_ =	shalt  }
0x56: {  	_ =	shalt  }
0x57: {  	_ =	shalt  }
0x58: {  	_ =	shalt  }
0x59: {  	_ =	shalt  }
0x5a: {  	_ =	shalt  }
0x5b: {  	_ =	shalt  }
0x5c: {  	_ =	shalt  }
0x5d: {  	_ =	shalt  }
0x5e: {  	_ =	shalt  }
0x5f: {  	_ =	shalt  }
0x60: {  	_ =	shalt  }
0x61: {  	_ =	shalt  }
0x62: {  	_ =	shalt  }
0x63: {  	_ =	shalt  }
0x64: {  	_ =	shalt  }
0x65: {  	_ =	shalt  }
0x66: {  	_ =	shalt  }
0x67: {  	_ =	shalt  }
0x68: {  	_ =	shalt  }
0x69: {  	_ =	shalt  }
0x6a: {  	_ =	shalt  }
0x6b: {  	_ =	shalt  }
0x6c: {  	_ =	shalt  }
0x6d: {  	_ =	shalt  }
0x6e: {  	_ =	shalt  }
0x6f: {  	_ =	shalt  }
0x70: {  	_ =	shalt  }
0x71: {  	_ =	shalt  }
0x72: {  	_ =	shalt  }
0x73: {  	_ =	shalt  }
0x74: {  	_ =	shalt  }
0x75: {  	_ =	shalt  }
0x76: {  	_ =	shalt  }
0x77: {  	_ =	shalt  }
0x78: {  	_ =	shalt  }
0x79: {  	_ =	shalt  }
0x7a: {  	_ =	shalt  }
0x7b: {  	_ =	shalt  }
0x7c: {  	_ =	shalt  }
0x7d: {  	_ =	shalt  }
0x7e: {  	_ =	shalt  }
0x7f: {  	_ =	shalt  }
0x80: {  	_ =	shalt  }
0x81: {  	_ =	shalt  }
0x82: {  	_ =	shalt  }
0x83: {  	_ =	shalt  }
0x84: {  	_ =	shalt  }
0x85: {  	_ =	shalt  }
0x86: {  	_ =	shalt  }
0x87: {  	_ =	shalt  }
.Lfunc_end0:
.L_simem_size_0:
called_computation.6_lowered:
.L_overlay_start_0:
0x88: {  	s2 =	sld [smem:$0x3FD9]  }
0x89: {  	s3 =	sld [smem:$0x3FFE];
	_ =	sdelay $0x1  }
0x8a: {  	s1 =	srdreg.scid  }
0x8b: {  	s0 =	sand.u32 $0x1, s1  }
0x8c: {  	s17 =	sshll.u32 s0, $0xA;
	s2 =	sadd.s32 s3, s2  }
0x8d: {  	s2 =	sadd.s32 s2, s17  }
0x8e: {  	[smem:$0x3FB4] =	sst s2  }
0x8f: {  	_ = 	snop  }
0x90: {  	s2 =	sld [smem:$0x3FD0];
	(tm) =	ssettm $0x1  }
0x91: {  	s18 =	sld [smem:$0x3FFB];
	_ =	sdelay $0x3  }
0x92: {  	_ =	strace s18  }
0x93: {  	s3 =	sld [smem:$0x3FFC];
	_ =	sdelay $0x3  }
0x94: {  	_ =	strace s3  }
0x95: {  	s3 =	sld [smem:$0x3FFD];
	_ =	sdelay $0x3  }
0x96: {  	_ =	strace s3  }
0x97: {  	_ =	strace $0x8FFFFFFF  }
0x98: {  	s19 =	sld [smem:$0x3FDB];
	_ =	sdelay $0x1  }
0x99: {  	s4 =	simm.s32 $_scs_section_size  }
0x9a: {  	s5 =	simm.s32 $_size__tile_overlayer_lowered;
	s6 =	simm.s32 $_tile_overlayer_lowered  }
0x9b: {  	s22 =	simm.s32 $0x1BFF;
	s21 =	sshll.u32 s6, $0x1;
	s3 =	sadd.s32 s4, s19  }
0x9c: {  	s7 =	simm.s32 $0x0;
	s20 =	sshll.u32 s5, $0x1;
	s5 =	sadd.s32 s21, s3  }
0x9d: {  	[timem:s7], [sflag:s22] =	dma.local [hbm:s5], s20  }
0x9e: {  	_ =	swait.ge [sflag:s22], s20  }
0x9f: {  	s4 =	ssub.s32 $0x0, s20;
	[sflag:s22] =	ssyncset.done $0x0  }
0xa0: {  	[sflag:s22] =	ssyncadd.s32 s4;
	_ =	sdelay $0x1  }
0xa1: {  	s23 =	simm.s32 $0x1B8B  }
0xa2: {  	_ =	swait.ge [sflag:s23], $0x1  }
0xa3: {  	[sflag:s23] =	ssyncset.done $0x0  }
0xa4: {  	s25 =	simm.s32 $0x1B8E;
	s24 =	sld [smem:$0x3FFE];
	[sflag:s23] =	ssyncadd.s32 $0xFFFFFFFF  }
0xa5: {  	s26 =	simm.s32 $execute0_lowered;
	[smem:$0x3FD2] =	sst s25  }
0xa6: {  	s5 =	sshll.u32 s26, $0x1;
	_ =	strace $0x80000058;
	[dreg:$0x1] =	wrdreg $0xFFFFFFFF  }
0xa7: {  	s28 =	simm.s32 $_size_execute0_lowered;
	s3 =	sadd.s32 s3, s5;
	[dreg:$0x0] =	wrdreg $0x0  }
0xa8: {  	s5 =	sshll.u32 s28, $0x1;
	[dreg:$0x2] =	wrdreg s3  }
0xa9: {  	[dreg:$0x3] =	wrdreg s5  }
0xaa: {  	[dreg:$0x4] =	wrdreg $0xC0  }
0xab: {  	_ =	task [dreg:s7], $0x5FFFF  }
0xac: {  	[dreg:$0x1] =	wrdreg $0xFFFFFFFF  }
0xad: {  	[dreg:$0x0] =	wrdreg $0x60  }
0xae: {  	[dreg:$0x2] =	wrdreg s24  }
0xaf: {  	[dreg:$0x3] =	wrdreg s2  }
0xb0: {  	[dreg:$0x4] =	wrdreg $0x0  }
0xb1: {  	[dreg:$0x5] =	wrdreg $0x9  }
0xb2: {  	_ =	task.clear_ibuf [dreg:s7], $0x6FFFF;
	_ =	strace $0x90000058  }
0xb3: {  	s29 =	simm.s32 $0x9;
	_ =	strace $0x8000005A  }
0xb4: {  	_ =	swait.ge [sflag:s29], $0x1  }
0xb5: {  	[sflag:s29] =	ssyncadd.s32 $0xFFFFFFFF  }
0xb6: {  	_ =	strace $0x9000005A  }
0xb7: {  	_ =	sfence  }
0xb8: {  	s30 =	sld [smem:$0x0];
	_ =	sdelay $0x2  }
0xb9: {  	s31 =	sshll.u32 s1, $0xD;
	s1 =	sshrl.u32 s1, $0x2  }
0xba: {  	s3 =	sand.u32 $0x4000, s31;
	s1 =	sadd.s32 s1, s30  }
0xbb: {  	s0 =	sor.u32 s3, s0;
	s1 =	sshll.u32 s1, $0x11  }
0xbc: {  	s0 =	sor.u32 s1, s0  }
0xbd: {  	s0 =	sadd.s32 $0x8F2B, s0  }
0xbe: {  	[sflag:s0] =	ssyncadd.remote.s32 $0x1  }
0xbf: {  	_ =	sfence.sel $0xFFFF  }
0xc0: {  	[dreg:$0x0] =	wrdreg $0xFFFFFFFF;
	(pc) =	sbr.abs _section_cstart, $3  }
0xc1: {  	[dreg:$0x1] =	wrdreg $0xFFFFFFFF  }
0xc2: {  	_ =	task.clear_ibuf [dreg:s7], $0x2FFFF;
	_ =	strace $0x9FFFFFFF  }
0xc3: {  	(tm) =	ssettm $0x7FFFFFFF  }
tec
execute0_lowered:
.L_overlay_start_1:
0x0: {  	(tag) =	ssettag $0x1  }
0x1: {  	s0 =	rddreg [dreg:$0x0]  }
0x2: {  	s2 =	rddreg [dreg:$0x1];
	s1 =	srdreg.scid  }
0x3: {  	s3 =	rddreg [dreg:$0x2];
	s29 =	stileid.u32;
	s4 =	simm.s32 $0x0  }
0x4: {  	s15 =	simm.s32 $0x15000;
	s16 =	simm.s32 $0x3;
	s17 =	simm.s32 $0x14000  }
0x5: {  	s18 =	simm.s32 $0x14800;
	s19 =	simm.s32 $0x80;
	s20 =	simm.s32 $0x19000  }
0x6: {  	s21 =	simm.s32 $0x1;
	s22 =	simm.s32 $0x1D000;
	s23 =	simm.s32 $0x2  }
0x7: {  	s24 =	simm.s32 $0x1D080;
	s25 =	simm.s32 $0x14780;
	s6 =	smul.u32 $0x14000, s29  }
0x8: {  	s7 =	sand.u32 $0x1, s1;
	[smem:$0x7FF] =	sst s4;
	s9 =	smul.u32 $0x50000, s29  }
0x9: {  	s5 =	smul.u32 $0x140000, s7;
	_ =	strace $0x80000059;
	s30 =	ssub.s32 $0x2, s7  }
0xa: {  	s7 =	sshll.u32 s7, $0x4;
	s10 =	sshrl.u32 s30, $0x1;
	s9 =	sshrl.u32 s9, $0x2  }
0xb: {  	s31 =	sor.u32 s29, s7;
	s6 =	sadd.s32 s6, s5;
	s5 =	sadd.s32 $0x7C00, s0  }
0xc: {  	s10 =	ssub.s32 s30, s10;
	s7 =	sadd.s32 s9, s3;
	s8 =	sshrl.u32 s6, $0x3  }
0xd: {  	s6 =	sadd.s32 $0x57C00, s0;
	s10 =	smax.u32 s10, $0x1;
	s11 =	sadd.s32 $0x4000, s7  }
0xe: {  	s12 =	sadd.s32 $0x8000, s7;
	s13 =	sadd.s32 $0xC000, s7;
	s0 =	sadd.s32 s8, s0  }
0xf: {  	v0 =	vimm.f32 $0.0e+00;
	s14 =	sadd.s32 $0x10000, s7;
	s8 =	smul.u32 $0x2800, s31;
	s9 =	sadd.s32 $0x61C00, s0  }
.LBB2_1:
0x10: {  	s26 =	simm.s32 $0x0;
	s28 =	simm.s32 $0x200  }
.LBB2_2:
0x11: {  	p0 =	sne.s32 s28, $0xFE00;
	[tilespmem:s26+$0x15070] =	vst v0  }
0x12: {  	[tilespmem:s26+$0x15000] =	vst v0  }
0x13: {  	[tilespmem:s26+$0x15010] =	vst v0  }
.Ltmp0:
0x14: {  	[tilespmem:s26+$0x15020] =	vst v0;
	(pc) =	sbr.rel @p0 .LBB2_2-.Ltmp0, $4  }
0x15: {  	[tilespmem:s26+$0x15030] =	vst v0  }
0x16: {  	[tilespmem:s26+$0x15040] =	vst v0  }
0x17: {  	[tilespmem:s26+$0x15050] =	vst v0  }
0x18: {  	[tilespmem:s26+$0x15060] =	vst v0;
	s26 =	sshra.s32 s28, $0x2;
	s28 =	sadd.s32 $0x200, s28  }
0x19: {  	[tilespmem:s26+$0x15070] =	vst v0  }
0x1a: {  	[tilespmem:s26+$0x15000] =	vst v0  }
0x1b: {  	[tilespmem:s26+$0x15010] =	vst v0  }
0x1c: {  	[tilespmem:s26+$0x15020] =	vst v0  }
0x1d: {  	[tilespmem:s26+$0x15030] =	vst v0  }
0x1e: {  	[tilespmem:s26+$0x15040] =	vst v0  }
0x1f: {  	[tilespmem:s26+$0x15050] =	vst v0  }
0x20: {  	[tilespmem:s26+$0x15060] =	vst v0  }
0x21: {  	[spmem:s7] =	stream.linear.scatter [tilespmem:s15], [sflag:$0x3], $0x4000, $0x38;
	[tilespmem:$0x1D100] =	vst v63  }
0x22: {  	_ =	swait.ge [sflag:s16], $0x4000  }
0x23: {  	[sflag:s16] =	ssyncset.done $0x0  }
0x24: {  	[sflag:s16] =	ssyncadd.s32 $0xFFFFC000  }
0x25: {  	[spmem:s11] =	stream.linear.scatter [tilespmem:s15], [sflag:$0x3], $0x4000, $0x38;
	[tilespmem:$0x1D100] =	vst v63  }
0x26: {  	_ =	swait.ge [sflag:s16], $0x4000  }
0x27: {  	[sflag:s16] =	ssyncset.done $0x0  }
0x28: {  	[sflag:s16] =	ssyncadd.s32 $0xFFFFC000  }
0x29: {  	[spmem:s12] =	stream.linear.scatter [tilespmem:s15], [sflag:$0x3], $0x4000, $0x38;
	[tilespmem:$0x1D100] =	vst v63  }
0x2a: {  	_ =	swait.ge [sflag:s16], $0x4000  }
0x2b: {  	[sflag:s16] =	ssyncset.done $0x0  }
0x2c: {  	[sflag:s16] =	ssyncadd.s32 $0xFFFFC000  }
0x2d: {  	[spmem:s13] =	stream.linear.scatter [tilespmem:s15], [sflag:$0x3], $0x4000, $0x38;
	[tilespmem:$0x1D100] =	vst v63  }
0x2e: {  	_ =	swait.ge [sflag:s16], $0x4000  }
0x2f: {  	[sflag:s16] =	ssyncset.done $0x0  }
0x30: {  	[sflag:s16] =	ssyncadd.s32 $0xFFFFC000  }
0x31: {  	[spmem:s14] =	stream.linear.scatter [tilespmem:s15], [sflag:$0x3], $0x4000, $0x38;
	[tilespmem:$0x1D100] =	vst v63  }
0x32: {  	_ =	swait.ge [sflag:s16], $0x4000  }
0x33: {  	[sflag:s16] =	ssyncset.done $0x0  }
0x34: {  	[sflag:s16] =	ssyncadd.s32 $0xFFFFC000  }
0x35: {  	s26 =	simm.s32 $0x0;
	s28 =	simm.s32 $0x0;
	[bflag:$0x0] =	sbarrier.arrive $0xFFFF  }
.LBB2_4:
0x36: {  	s0 =	sshll.u32 s28, $0xB  }
0x37: {  	s0 =	sadd.s32 s8, s0  }
0x38: {  	s0 =	sshrl.u32 s0, $0x3  }
0x39: {  	s29 =	sadd.s32 s6, s0  }
0x3a: {  	[tilespmem:s17], [sflag:$0x3] =	stream.linear.gather [hbm4b:s29+s26], $0x800, $0x38;
	[tilespmem:$0x1D100] =	vst v63  }
0x3b: {  	_ =	swait.ge [sflag:s16], $0x800  }
0x3c: {  	[sflag:s16] =	ssyncset.done $0x0  }
0x3d: {  	s0 =	sadd.s32 s2, s0;
	[sflag:s16] =	ssyncadd.s32 $0xFFFFF800  }
0x3e: {  	[tilespmem:s18], [sflag:$0x3] =	stream.linear.gather [hbm4b:s0+s26], $0x800, $0x38;
	[tilespmem:$0x1D100] =	vst v63  }
0x3f: {  	_ =	swait.ge [sflag:s16], $0x800  }
0x40: {  	[sflag:s16] =	ssyncset.done $0x0  }
0x41: {  	[sflag:s16] =	ssyncadd.s32 $0xFFFFF800  }
0x42: {  	[tilespmem:s15], [sflag:$0x1] =	stream.indirect.gather [hbm4b:s5+s19], $0x80, s17, s19, $0xb8;
	[tilespmem:$0x1D100] =	vst v63  }
0x43: {  	v1 =	vld [tilespmem:$0x14800]  }
0x44: {  	v2 =	vld [tilespmem:$0x14810]  }
0x45: {  	v3 =	vld [tilespmem:$0x14820]  }
0x46: {  	v4 =	vld [tilespmem:$0x14830]  }
0x47: {  	v5 =	vld [tilespmem:$0x14840]  }
0x48: {  	[tilespmem:$0x1D000] =	vst v1;
	v1 =	vld [tilespmem:$0x14850]  }
0x49: {  	[tilespmem:$0x1D010] =	vst v2;
	v2 =	vld [tilespmem:$0x14860]  }
0x4a: {  	[tilespmem:$0x1D020] =	vst v3;
	v3 =	vld [tilespmem:$0x14870]  }
0x4b: {  	[tilespmem:$0x1D030] =	vst v4  }
0x4c: {  	[tilespmem:$0x1D040] =	vst v5  }
0x4d: {  	[tilespmem:$0x1D050] =	vst v1  }
0x4e: {  	[tilespmem:$0x1D060] =	vst v2  }
0x4f: {  	s31 =	simm.s32 $0x0;
	s29 =	simm.s32 $0x14080;
	[tilespmem:$0x1D070] =	vst v3  }
0x50: {  	[tilespmem:s20], [sflag:$0x2] =	stream.indirect.gather [hbm4b:s5+s19], $0x80, s29, s19, $0xb8;
	[tilespmem:$0x1D100] =	vst v63  }
0x51: {  	v1 =	vld [tilespmem:s31+$0x14880];
	_ =	sdelay $0x4  }
0x52: {  	[tilespmem:$0x1D080] =	vst v1  }
0x53: {  	v1 =	vld [tilespmem:s31+$0x14890];
	_ =	sdelay $0x4  }
0x54: {  	[tilespmem:$0x1D090] =	vst v1  }
0x55: {  	v1 =	vld [tilespmem:s31+$0x148A0];
	_ =	sdelay $0x4  }
0x56: {  	[tilespmem:$0x1D0A0] =	vst v1  }
0x57: {  	v1 =	vld [tilespmem:s31+$0x148B0];
	_ =	sdelay $0x4  }
0x58: {  	[tilespmem:$0x1D0B0] =	vst v1  }
0x59: {  	v1 =	vld [tilespmem:s31+$0x148C0];
	_ =	sdelay $0x4  }
0x5a: {  	[tilespmem:$0x1D0C0] =	vst v1  }
0x5b: {  	v1 =	vld [tilespmem:s31+$0x148D0];
	_ =	sdelay $0x4  }
0x5c: {  	[tilespmem:$0x1D0D0] =	vst v1  }
0x5d: {  	v1 =	vld [tilespmem:s31+$0x148E0];
	_ =	sdelay $0x4  }
0x5e: {  	[tilespmem:$0x1D0E0] =	vst v1  }
0x5f: {  	v1 =	vld [tilespmem:s31+$0x148F0];
	_ =	sdelay $0x4  }
0x60: {  	[tilespmem:$0x1D0F0] =	vst v1  }
0x61: {  	_ =	swait.ge [sflag:s21], $0x4000  }
0x62: {  	[sflag:s21] =	ssyncset.done $0x0  }
0x63: {  	[sflag:s21] =	ssyncadd.s32 $0xFFFFC000  }
0x64: {  	[spmem:s3] =	stream.indirect.scatter.add.f32 [tilespmem:s15], [sflag:$0x3], $0x80, s22, s19, $0xb8;
	[tilespmem:$0x1D100] =	vst v63  }
0x65: {  	_ =	swait.ge [sflag:s16], $0x4000  }
0x66: {  	[sflag:s16] =	ssyncset.done $0x0  }
0x67: {  	s29 =	simm.s32 $0x14100;
	[sflag:s16] =	ssyncadd.s32 $0xFFFFC000  }
0x68: {  	[tilespmem:s15], [sflag:$0x1] =	stream.indirect.gather [hbm4b:s5+s19], $0x80, s29, s19, $0xb8;
	[tilespmem:$0x1D100] =	vst v63  }
0x69: {  	v1 =	vld [tilespmem:s31+$0x14900];
	_ =	sdelay $0x4  }
0x6a: {  	[tilespmem:$0x1D000] =	vst v1  }
0x6b: {  	v1 =	vld [tilespmem:s31+$0x14910];
	_ =	sdelay $0x4  }
0x6c: {  	[tilespmem:$0x1D010] =	vst v1  }
0x6d: {  	v1 =	vld [tilespmem:s31+$0x14920];
	_ =	sdelay $0x4  }
0x6e: {  	[tilespmem:$0x1D020] =	vst v1  }
0x6f: {  	v1 =	vld [tilespmem:s31+$0x14930];
	_ =	sdelay $0x4  }
0x70: {  	[tilespmem:$0x1D030] =	vst v1  }
0x71: {  	v1 =	vld [tilespmem:s31+$0x14940];
	_ =	sdelay $0x4  }
0x72: {  	[tilespmem:$0x1D040] =	vst v1  }
0x73: {  	v1 =	vld [tilespmem:s31+$0x14950];
	_ =	sdelay $0x4  }
0x74: {  	[tilespmem:$0x1D050] =	vst v1  }
0x75: {  	v1 =	vld [tilespmem:s31+$0x14960];
	_ =	sdelay $0x4  }
0x76: {  	[tilespmem:$0x1D060] =	vst v1  }
0x77: {  	v1 =	vld [tilespmem:s31+$0x14970];
	_ =	sdelay $0x4  }
0x78: {  	[tilespmem:$0x1D070] =	vst v1  }
0x79: {  	_ =	swait.ge [sflag:s23], $0x4000  }
0x7a: {  	[sflag:s23] =	ssyncset.done $0x0  }
0x7b: {  	[sflag:s23] =	ssyncadd.s32 $0xFFFFC000  }
0x7c: {  	[spmem:s3] =	stream.indirect.scatter.add.f32 [tilespmem:s20], [sflag:$0x3], $0x80, s24, s19, $0xb8;
	[tilespmem:$0x1D100] =	vst v63  }
0x7d: {  	_ =	swait.ge [sflag:s16], $0x4000  }
0x7e: {  	s30 =	simm.s32 $0x800;
	s29 =	simm.s32 $0x100;
	[sflag:s16] =	ssyncset.done $0x0  }
.LBB2_5:
0x7f: {  	s1 =	sadd.s32 $0x14080, s29  }
0x80: {  	[sflag:s16] =	ssyncadd.s32 $0xFFFFC000;
	s31 =	smov.u32 s30;
	s0 =	sadd.s32 $0x400, s30  }
0x81: {  	[tilespmem:s20], [sflag:$0x2] =	stream.indirect.gather [hbm4b:s5+s19], $0x80, s1, s19, $0xb8;
	[tilespmem:$0x1D100] =	vst v63  }
0x82: {  	p0 =	sne.s32 s30, $0x1800;
	v1 =	vld [tilespmem:s29+$0x14880];
	_ =	sdelay $0x4  }
0x83: {  	[tilespmem:$0x1D080] =	vst v1  }
0x84: {  	v1 =	vld [tilespmem:s29+$0x14890];
	_ =	sdelay $0x4  }
0x85: {  	[tilespmem:$0x1D090] =	vst v1  }
0x86: {  	v1 =	vld [tilespmem:s29+$0x148A0];
	_ =	sdelay $0x4  }
0x87: {  	[tilespmem:$0x1D0A0] =	vst v1  }
0x88: {  	v1 =	vld [tilespmem:s29+$0x148B0];
	_ =	sdelay $0x4  }
0x89: {  	[tilespmem:$0x1D0B0] =	vst v1  }
0x8a: {  	v1 =	vld [tilespmem:s29+$0x148C0];
	_ =	sdelay $0x4  }
0x8b: {  	[tilespmem:$0x1D0C0] =	vst v1  }
0x8c: {  	v1 =	vld [tilespmem:s29+$0x148D0];
	_ =	sdelay $0x4  }
0x8d: {  	[tilespmem:$0x1D0D0] =	vst v1  }
0x8e: {  	v1 =	vld [tilespmem:s29+$0x148E0];
	_ =	sdelay $0x4  }
0x8f: {  	[tilespmem:$0x1D0E0] =	vst v1  }
0x90: {  	v1 =	vld [tilespmem:s29+$0x148F0];
	_ =	sdelay $0x4  }
0x91: {  	[tilespmem:$0x1D0F0] =	vst v1  }
0x92: {  	_ =	swait.ge [sflag:s21], $0x4000  }
0x93: {  	[sflag:s21] =	ssyncset.done $0x0  }
0x94: {  	[sflag:s21] =	ssyncadd.s32 $0xFFFFC000  }
0x95: {  	[spmem:s3] =	stream.indirect.scatter.add.f32 [tilespmem:s15], [sflag:$0x3], $0x80, s22, s19, $0xb8;
	[tilespmem:$0x1D100] =	vst v63  }
0x96: {  	_ =	swait.ge [sflag:s16], $0x4000  }
0x97: {  	[sflag:s16] =	ssyncset.done $0x0  }
0x98: {  	s1 =	sadd.s32 $0x14100, s29;
	[sflag:s16] =	ssyncadd.s32 $0xFFFFC000  }
0x99: {  	[tilespmem:s15], [sflag:$0x1] =	stream.indirect.gather [hbm4b:s5+s19], $0x80, s1, s19, $0xb8;
	[tilespmem:$0x1D100] =	vst v63  }
0x9a: {  	v1 =	vld [tilespmem:s29+$0x14900];
	_ =	sdelay $0x4  }
0x9b: {  	[tilespmem:$0x1D000] =	vst v1  }
0x9c: {  	v1 =	vld [tilespmem:s29+$0x14910];
	_ =	sdelay $0x4  }
0x9d: {  	[tilespmem:$0x1D010] =	vst v1  }
0x9e: {  	v1 =	vld [tilespmem:s29+$0x14920];
	_ =	sdelay $0x4  }
0x9f: {  	[tilespmem:$0x1D020] =	vst v1  }
0xa0: {  	v1 =	vld [tilespmem:s29+$0x14930];
	_ =	sdelay $0x4  }
0xa1: {  	[tilespmem:$0x1D030] =	vst v1  }
0xa2: {  	v1 =	vld [tilespmem:s29+$0x14940];
	_ =	sdelay $0x4  }
0xa3: {  	[tilespmem:$0x1D040] =	vst v1  }
0xa4: {  	v1 =	vld [tilespmem:s29+$0x14950];
	_ =	sdelay $0x4  }
0xa5: {  	[tilespmem:$0x1D050] =	vst v1  }
0xa6: {  	v1 =	vld [tilespmem:s29+$0x14960];
	_ =	sdelay $0x4  }
0xa7: {  	[tilespmem:$0x1D060] =	vst v1  }
0xa8: {  	v1 =	vld [tilespmem:s29+$0x14970];
	_ =	sdelay $0x4  }
0xa9: {  	[tilespmem:$0x1D070] =	vst v1  }
0xaa: {  	_ =	swait.ge [sflag:s23], $0x4000  }
.Ltmp1:
0xab: {  	[sflag:s23] =	ssyncset.done $0x0;
	(pc) =	sbr.rel @p0 .LBB2_5-.Ltmp1, $4  }
0xac: {  	[sflag:s23] =	ssyncadd.s32 $0xFFFFC000  }
0xad: {  	[spmem:s3] =	stream.indirect.scatter.add.f32 [tilespmem:s20], [sflag:$0x3], $0x80, s24, s19, $0xb8;
	[tilespmem:$0x1D100] =	vst v63  }
0xae: {  	_ =	swait.ge [sflag:s16], $0x4000  }
0xaf: {  	s30 =	smov.u32 s0;
	s29 =	sshra.s32 s31, $0x2;
	[sflag:s16] =	ssyncset.done $0x0  }
0xb0: {  	s0 =	sadd.s32 $0x14080, s29;
	[sflag:s16] =	ssyncadd.s32 $0xFFFFC000  }
0xb1: {  	[tilespmem:s20], [sflag:$0x2] =	stream.indirect.gather [hbm4b:s5+s19], $0x80, s0, s19, $0xb8;
	[tilespmem:$0x1D100] =	vst v63  }
0xb2: {  	v1 =	vld [tilespmem:s29+$0x14880];
	_ =	sdelay $0x4  }
0xb3: {  	[tilespmem:$0x1D080] =	vst v1  }
0xb4: {  	v1 =	vld [tilespmem:s29+$0x14890];
	_ =	sdelay $0x4  }
0xb5: {  	[tilespmem:$0x1D090] =	vst v1  }
0xb6: {  	v1 =	vld [tilespmem:s29+$0x148A0];
	_ =	sdelay $0x4  }
0xb7: {  	[tilespmem:$0x1D0A0] =	vst v1  }
0xb8: {  	v1 =	vld [tilespmem:s29+$0x148B0];
	_ =	sdelay $0x4  }
0xb9: {  	[tilespmem:$0x1D0B0] =	vst v1  }
0xba: {  	v1 =	vld [tilespmem:s29+$0x148C0];
	_ =	sdelay $0x4  }
0xbb: {  	[tilespmem:$0x1D0C0] =	vst v1  }
0xbc: {  	v1 =	vld [tilespmem:s29+$0x148D0];
	_ =	sdelay $0x4  }
0xbd: {  	[tilespmem:$0x1D0D0] =	vst v1  }
0xbe: {  	v1 =	vld [tilespmem:s29+$0x148E0];
	_ =	sdelay $0x4  }
0xbf: {  	[tilespmem:$0x1D0E0] =	vst v1  }
0xc0: {  	v1 =	vld [tilespmem:s29+$0x148F0];
	_ =	sdelay $0x4  }
0xc1: {  	[tilespmem:$0x1D0F0] =	vst v1  }
0xc2: {  	_ =	swait.ge [sflag:s21], $0x4000  }
0xc3: {  	[sflag:s21] =	ssyncset.done $0x0  }
0xc4: {  	[sflag:s21] =	ssyncadd.s32 $0xFFFFC000  }
0xc5: {  	[spmem:s3] =	stream.indirect.scatter.add.f32 [tilespmem:s15], [sflag:$0x3], $0x80, s22, s19, $0xb8;
	[tilespmem:$0x1D100] =	vst v63  }
0xc6: {  	_ =	swait.ge [sflag:s16], $0x4000  }
0xc7: {  	[sflag:s16] =	ssyncset.done $0x0  }
0xc8: {  	s31 =	sadd.s32 $0x14100, s29;
	[sflag:s16] =	ssyncadd.s32 $0xFFFFC000  }
0xc9: {  	[tilespmem:s15], [sflag:$0x1] =	stream.indirect.gather [hbm4b:s5+s19], $0x80, s31, s19, $0xb8;
	[tilespmem:$0x1D100] =	vst v63  }
0xca: {  	v1 =	vld [tilespmem:s29+$0x14900];
	_ =	sdelay $0x4  }
0xcb: {  	[tilespmem:$0x1D000] =	vst v1  }
0xcc: {  	v1 =	vld [tilespmem:s29+$0x14910];
	_ =	sdelay $0x4  }
0xcd: {  	[tilespmem:$0x1D010] =	vst v1  }
0xce: {  	v1 =	vld [tilespmem:s29+$0x14920];
	_ =	sdelay $0x4  }
0xcf: {  	[tilespmem:$0x1D020] =	vst v1  }
0xd0: {  	v1 =	vld [tilespmem:s29+$0x14930];
	_ =	sdelay $0x4  }
0xd1: {  	[tilespmem:$0x1D030] =	vst v1  }
0xd2: {  	v1 =	vld [tilespmem:s29+$0x14940];
	_ =	sdelay $0x4  }
0xd3: {  	[tilespmem:$0x1D040] =	vst v1  }
0xd4: {  	v1 =	vld [tilespmem:s29+$0x14950];
	_ =	sdelay $0x4  }
0xd5: {  	[tilespmem:$0x1D050] =	vst v1  }
0xd6: {  	v1 =	vld [tilespmem:s29+$0x14960];
	_ =	sdelay $0x4  }
0xd7: {  	[tilespmem:$0x1D060] =	vst v1  }
0xd8: {  	v1 =	vld [tilespmem:s29+$0x14970];
	_ =	sdelay $0x4  }
0xd9: {  	[tilespmem:$0x1D070] =	vst v1  }
0xda: {  	_ =	swait.ge [sflag:s23], $0x4000  }
0xdb: {  	[sflag:s23] =	ssyncset.done $0x0  }
0xdc: {  	[sflag:s23] =	ssyncadd.s32 $0xFFFFC000  }
0xdd: {  	[spmem:s3] =	stream.indirect.scatter.add.f32 [tilespmem:s20], [sflag:$0x3], $0x80, s24, s19, $0xb8;
	[tilespmem:$0x1D100] =	vst v63  }
0xde: {  	_ =	swait.ge [sflag:s16], $0x4000  }
0xdf: {  	[sflag:s16] =	ssyncset.done $0x0  }
0xe0: {  	[sflag:s16] =	ssyncadd.s32 $0xFFFFC000  }
0xe1: {  	[tilespmem:s20], [sflag:$0x2] =	stream.indirect.gather [hbm4b:s5+s19], $0x80, s25, s19, $0xb8;
	[tilespmem:$0x1D100] =	vst v63  }
0xe2: {  	v1 =	vld [tilespmem:$0x14F80]  }
0xe3: {  	v2 =	vld [tilespmem:$0x14F90]  }
0xe4: {  	v3 =	vld [tilespmem:$0x14FA0]  }
0xe5: {  	v4 =	vld [tilespmem:$0x14FB0]  }
0xe6: {  	v5 =	vld [tilespmem:$0x14FC0]  }
0xe7: {  	[tilespmem:$0x1D080] =	vst v1;
	v1 =	vld [tilespmem:$0x14FD0]  }
0xe8: {  	[tilespmem:$0x1D090] =	vst v2;
	v2 =	vld [tilespmem:$0x14FE0]  }
0xe9: {  	[tilespmem:$0x1D0A0] =	vst v3;
	v3 =	vld [tilespmem:$0x14FF0]  }
0xea: {  	[tilespmem:$0x1D0B0] =	vst v4  }
0xeb: {  	[tilespmem:$0x1D0C0] =	vst v5  }
0xec: {  	[tilespmem:$0x1D0D0] =	vst v1  }
0xed: {  	[tilespmem:$0x1D0E0] =	vst v2  }
0xee: {  	[tilespmem:$0x1D0F0] =	vst v3  }
0xef: {  	_ =	swait.ge [sflag:s21], $0x4000  }
0xf0: {  	[sflag:s21] =	ssyncset.done $0x0  }
0xf1: {  	[sflag:s21] =	ssyncadd.s32 $0xFFFFC000  }
0xf2: {  	[spmem:s3] =	stream.indirect.scatter.add.f32 [tilespmem:s15], [sflag:$0x3], $0x80, s22, s19, $0xb8;
	[tilespmem:$0x1D100] =	vst v63  }
0xf3: {  	_ =	swait.ge [sflag:s16], $0x4000  }
0xf4: {  	[sflag:s16] =	ssyncset.done $0x0  }
0xf5: {  	[sflag:s16] =	ssyncadd.s32 $0xFFFFC000  }
0xf6: {  	s28 =	sadd.s32 $0x1, s28;
	_ =	swait.ge [sflag:s23], $0x4000  }
0xf7: {  	p0 =	sne.s32 s28, $0x5;
	[sflag:s23] =	ssyncset.done $0x0  }
.Ltmp2:
0xf8: {  	[sflag:s23] =	ssyncadd.s32 $0xFFFFC000;
	(pc) =	sbr.rel @p0 .LBB2_4-.Ltmp2, $4  }
0xf9: {  	[spmem:s3] =	stream.indirect.scatter.add.f32 [tilespmem:s20], [sflag:$0x3], $0x80, s24, s19, $0xb8;
	[tilespmem:$0x1D100] =	vst v63  }
0xfa: {  	_ =	swait.ge [sflag:s16], $0x4000  }
0xfb: {  	[sflag:s16] =	ssyncset.done $0x0  }
0xfc: {  	[sflag:s16] =	ssyncadd.s32 $0xFFFFC000  }
0xfd: {  	s0 =	stileid.u32;
	s4 =	sadd.s32 $0x1, s4  }
0xfe: {  	[bflag:$0x0] =	sbarrier.arrive $0xFFFF;
	s0 =	sshll.u32 s0, $0x6;
	p0 =	sne.s32 s4, s10  }
.Ltmp3:
0xff: {  	s1 =	sshrl.u32 s7, $0x3;
	s0 =	sor.u32 $0x1C03, s0;
	(pc) =	sbr.rel @p0 .LBB2_1-.Ltmp3, $4  }
0x100: {  	[hbm:s9], [sflag:s0] =	dma.local [spmem:s1], $0x2800  }
0x101: {  	_ =	swait.ge [sflag:s16], $0x2800  }
0x102: {  	[sflag:s16] =	ssyncset.done $0x0  }
0x103: {  	[sflag:s16] =	ssyncadd.s32 $0xFFFFD800  }
0x104: {  	_ =	sfence.sel $0x180000  }
0x105: {  	[bflag:$0x0] =	sbarrier.arrive $0xFFFF  }
0x106: {  	_ =	strace $0x90000059  }
0x107: {  	s0 =	stileid.u32;
	[bflag:$0x2] =	sbarrier.arrive $0xFFFF  }
0x108: {  	p0 =	sne.s32 s0, $0x0;
	s0 =	rddreg [dreg:$0x3]  }
0x109: {  	s0 =	sadd.s32 @!p0 $0x100000, s0  }
0x10a: {  	[sflag:s0] =	ssyncadd.tile.s32 @!p0 $0x1;
	_ =	shalt  }
.Lfunc_end2:
_tile_overlayer_lowered:
.L_overlay_start_2:
0x10b: {  	(tag) =	ssettag $0x2  }
0x10c: {  	s0 =	rddreg [dreg:$0x0];
	s2 =	stileid.u32  }
0x10d: {  	s1 =	rddreg [dreg:$0x1];
	p0 =	sne.s32 s2, $0x0  }
0x10e: {  	s3 =	rddreg [dreg:$0x2];
	[bflag:$0x3] =	sbarrier.arrive $0xFFFF;
	s2 =	simm.s32 @!p0 $0x1C03  }
0x10f: {  	[timem:s3], [sflag:s2] =	dma.local @!p0 [hbm:s0], s1  }
0x110: {  	s0 =	simm.s32 @!p0 $0x3  }
0x111: {  	_ =	swait.ge @!p0 [sflag:s0], s1  }
0x112: {  	s1 =	ssub.s32 @!p0 $0x0, s1;
	[sflag:s0] =	ssyncset.done @!p0 $0x0  }
0x113: {  	[sflag:s0] =	ssyncadd.s32 @!p0 s1  }
0x114: {  	[bflag:$0x3] =	sbarrier.arrive $0xFFFF  }
0x115: {  	_ =	shalt  }

</sc_bundles>
